<compile_context>
chip_gen: v7x
topology: tpu7x:2x2x1
jax: 0.10.2.dev20260603
libtpu: 0.0.44.dev20260713+nightly
codegen_flags: <defaults>
</compile_context>

<pallas_src>
import dataclasses
import functools

import jax
import jax.numpy as jnp
from jax import lax
from jax.experimental import pallas as pl
from jax.experimental.pallas import tpu as pltpu
from jax.experimental.pallas import tpu_sc as plsc

N = 10000
D = 128
NPAD = 10240
TRASH = 10016
NSC = 2
NSUB = 16
NTILES = NSC * NSUB
EDGE_BLK = 128
BLKS_PER_TILE = 80
IDX_CHUNK = 16
NCHUNK = BLKS_PER_TILE // IDX_CHUNK
EPAD = NTILES * BLKS_PER_TILE * EDGE_BLK
STRIPE = NPAD // NSUB
DEGW = 16

_mesh = plsc.VectorSubcoreMesh(core_axis_name="c", subcore_axis_name="s")

_sc_params = pltpu.CompilerParams()
if "needs_layout_passes" in pltpu.CompilerParams.__dataclass_fields__:
    _sc_params = dataclasses.replace(_sc_params, needs_layout_passes=False)



@functools.partial(
    pl.kernel,
    out_type=jax.ShapeDtypeStruct((NTILES, NPAD), jnp.float32),
    mesh=_mesh,
    scratch_types=[
        pltpu.VMEM((BLKS_PER_TILE, EDGE_BLK), jnp.int32),
        pltpu.VMEM((NPAD,), jnp.float32),
    ],
    compiler_params=_sc_params,
)
def _sc_deg(src_hbm, zd_hbm, deg_out, src_i, deg_v):
    cid = lax.axis_index("c")
    sid = lax.axis_index("s")
    tile = cid * NSUB + sid
    pltpu.sync_copy(zd_hbm, deg_v)
    base = tile * BLKS_PER_TILE
    pltpu.sync_copy(src_hbm.at[pl.ds(base, BLKS_PER_TILE)], src_i)
    ones = jnp.full((16,), 1.0, jnp.float32)

    @pl.loop(0, BLKS_PER_TILE)
    def _(j):
        @pl.loop(0, EDGE_BLK // 16)
        def _(l):
            idx = src_i[j, pl.ds(l * 16, 16)]
            plsc.addupdate_scatter(deg_v, [idx], ones)

    pltpu.sync_copy(deg_v, deg_out.at[tile])


@functools.partial(
    pl.kernel,
    out_type=jax.ShapeDtypeStruct((NSC, NPAD, D), jnp.float32),
    mesh=_mesh,
    scratch_types=[
        pltpu.VMEM((IDX_CHUNK, EDGE_BLK), jnp.int32),
        pltpu.VMEM((IDX_CHUNK, EDGE_BLK), jnp.int32),
        pltpu.VMEM((IDX_CHUNK, EDGE_BLK), jnp.int32),
        pltpu.VMEM((IDX_CHUNK, EDGE_BLK), jnp.int32),
        pltpu.VMEM((EDGE_BLK, D), jnp.float32),
        pltpu.VMEM((EDGE_BLK, D), jnp.float32),
        pltpu.VMEM_SHARED((NPAD, D), jnp.float32),
        pltpu.SemaphoreType.DMA,
        pltpu.SemaphoreType.DMA,
        pltpu.SemaphoreType.DMA,
        pltpu.SemaphoreType.DMA,
        pltpu.SemaphoreType.DMA,
        pltpu.SemaphoreType.DMA,
    ],
)
def _sc_agg(h_hbm, src_hbm, dst_hbm, z_hbm,
            agg_out, dst_c0, dst_c1, src_c0, src_c1, rows_a, rows_b,
            agg_sh, sem_a, sem_b, sem_sa, sem_sb, sem_di, sem_si):
    cid = lax.axis_index("c")
    sid = lax.axis_index("s")
    tile = cid * NSUB + sid
    stripe = sid * STRIPE
    pltpu.sync_copy(z_hbm, agg_sh.at[pl.ds(stripe, STRIPE)])
    base = tile * BLKS_PER_TILE
    pltpu.sync_copy(dst_hbm.at[pl.ds(base, IDX_CHUNK)], dst_c0)
    pltpu.sync_copy(src_hbm.at[pl.ds(base, IDX_CHUNK)], src_c0)
    plsc.subcore_barrier()

    def do_chunk(c, dst_c, src_c, dst_n, src_n):
        if c + 1 < NCHUNK:
            off = base + (c + 1) * IDX_CHUNK
            pltpu.make_async_copy(dst_hbm.at[pl.ds(off, IDX_CHUNK)], dst_n,
                                  sem_di).start()
            pltpu.make_async_copy(src_hbm.at[pl.ds(off, IDX_CHUNK)], src_n,
                                  sem_si).start()


        @pl.loop(0, IDX_CHUNK, step=2)
        def _(j):
            pltpu.make_async_copy(h_hbm.at[dst_c.at[j]], rows_a, sem_a).wait()
            pltpu.async_copy(rows_a, agg_sh.at[src_c.at[j]],
                             sem_sa, add=True)

            @pl.when(j >= 1)
            def _():
                pltpu.make_async_copy(rows_b, agg_sh.at[src_c.at[j - 1]],
                                      sem_sb).wait()

            pltpu.make_async_copy(h_hbm.at[dst_c.at[j + 1]], rows_b,
                                  sem_b).start()
            pltpu.make_async_copy(h_hbm.at[dst_c.at[j + 1]], rows_b,
                                  sem_b).wait()
            pltpu.async_copy(rows_b, agg_sh.at[src_c.at[j + 1]],
                             sem_sb, add=True)
            pltpu.make_async_copy(rows_a, agg_sh.at[src_c.at[j]],
                                  sem_sa).wait()

            @pl.when(j + 2 < IDX_CHUNK)
            def _():
                pltpu.make_async_copy(h_hbm.at[dst_c.at[j + 2]], rows_a,
                                      sem_a).start()

        pltpu.make_async_copy(rows_b, agg_sh.at[src_c.at[IDX_CHUNK - 1]],
                              sem_sb).wait()

        if c + 1 < NCHUNK:
            pltpu.make_async_copy(dst_hbm.at[pl.ds(base, IDX_CHUNK)], dst_n,
                                  sem_di).wait()
            pltpu.make_async_copy(src_hbm.at[pl.ds(base, IDX_CHUNK)], src_n,
                                  sem_si).wait()
            pltpu.make_async_copy(h_hbm.at[dst_n.at[0]], rows_a,
                                  sem_a).start()

    bufs = [(dst_c0, src_c0, dst_c1, src_c1), (dst_c1, src_c1, dst_c0, src_c0)]
    pltpu.make_async_copy(h_hbm.at[dst_c0.at[0]], rows_a, sem_a).start()
    for c in range(NCHUNK):
        do_chunk(c, *bufs[c % 2])

    plsc.subcore_barrier()
    pltpu.sync_copy(agg_sh.at[pl.ds(stripe, STRIPE)],
                    agg_out.at[cid].at[pl.ds(stripe, STRIPE)])



_ROWBLK = 512


def _proj(x, W):
    def body(x_r, w_r, o_r):
        o_r[...] = jnp.dot(x_r[...], w_r[...],
                           preferred_element_type=jnp.float32)

    return pl.pallas_call(
        body,
        grid=(NPAD // _ROWBLK,),
        in_specs=[
            pl.BlockSpec((_ROWBLK, D), lambda i: (i, 0)),
            pl.BlockSpec((D, D), lambda i: (0, 0)),
        ],
        out_specs=pl.BlockSpec((_ROWBLK, D), lambda i: (i, 0)),
        out_shape=jax.ShapeDtypeStruct((NPAD, D), jnp.float32),
    )(x, W)


def _combine(parts, degs, h, W, W2=None):
    fuse = W2 is not None

    def body(*refs):
        if fuse:
            p_r, d_r, h_r, w_r, w2_r, o_r = refs
        else:
            p_r, d_r, h_r, w_r, o_r = refs
        deg = jnp.sum(d_r[...], axis=1, keepdims=True)
        inv = 1.0 / jnp.maximum(deg, 1.0)
        agg = (p_r[0] + p_r[1]) * inv
        z = jnp.maximum(
            jnp.dot(agg + h_r[...], w_r[...],
                    preferred_element_type=jnp.float32), 0.0)
        if fuse:
            z = jnp.dot(z, w2_r[...], preferred_element_type=jnp.float32)
        o_r[...] = z

    in_specs = [
        pl.BlockSpec((NSC, _ROWBLK, D), lambda i: (0, i, 0)),
        pl.BlockSpec((_ROWBLK, NTILES), lambda i: (i, 0)),
        pl.BlockSpec((_ROWBLK, D), lambda i: (i, 0)),
        pl.BlockSpec((D, D), lambda i: (0, 0)),
    ]
    args = [parts, degs, h, W]
    if fuse:
        rb = 400
        in_specs = [
            pl.BlockSpec((NSC, rb, D), lambda i: (0, i, 0)),
            pl.BlockSpec((rb, NTILES), lambda i: (i, 0)),
            pl.BlockSpec((rb, D), lambda i: (i, 0)),
            pl.BlockSpec((D, D), lambda i: (0, 0)),
            pl.BlockSpec((D, D), lambda i: (0, 0)),
        ]
        args = [parts, degs, h, W, W2]
        grid = (N // rb,)
        out_specs = pl.BlockSpec((rb, D), lambda i: (i, 0))
        out_shape = jax.ShapeDtypeStruct((N, D), jnp.float32)
    else:
        grid = (NPAD // _ROWBLK,)
        out_specs = pl.BlockSpec((_ROWBLK, D), lambda i: (i, 0))
        out_shape = jax.ShapeDtypeStruct((NPAD, D), jnp.float32)
    return pl.pallas_call(
        body,
        grid=grid,
        in_specs=in_specs,
        out_specs=out_specs,
        out_shape=out_shape,
    )(*args)



def kernel(x, edge_index, W_in, W_layers, W_out):
    src = edge_index[0]
    dst = edge_index[1]
    e = src.shape[0]
    pad_e = EPAD - e
    pad_idx = N + (jnp.arange(pad_e, dtype=jnp.int32) % (NPAD - N))
    src_p = jnp.concatenate([src, pad_idx]).reshape(-1, EDGE_BLK)
    dst_p = jnp.concatenate([dst, pad_idx]).reshape(-1, EDGE_BLK)
    x_p = jnp.concatenate(
        [x, jnp.zeros((NPAD - N, D), jnp.float32)], axis=0)
    zeros_agg = jnp.zeros((STRIPE, D), jnp.float32)
    zeros_deg = jnp.zeros((NPAD,), jnp.float32)

    h = _proj(x_p, W_in)
    degs = _sc_deg(src_p, zeros_deg)
    degs_t = degs.T
    parts = _sc_agg(h, src_p, dst_p, zeros_agg)
    h = _combine(parts, degs_t, h, W_layers[0])
    parts2 = _sc_agg(h, src_p, dst_p, zeros_agg)
    return _combine(parts2, degs_t, h, W_layers[1], W_out)

# --- scband reference (transcript-rebuilt; emitter-appended) ---
"""Pipeline reference for scband-graph-neural-network-83511344103477 (READ-ONLY COPY).

The authoritative reference and input builder live on the scoring server;
editing this copy changes nothing except your own understanding.
"""

import jax, jax.numpy as jnp
import numpy as np

N = 10000
E = 320000
D_IN = 128
D_HID = 128
D_OUT = 128
LAYERS = 2


def setup_inputs(seed: int = 0) -> dict:
    key = jax.random.key(seed)
    k1, k2, k3, k4, k5 = jax.random.split(key, 5)
    x = jax.random.normal(k1, (N, D_IN), dtype=jnp.float32)
    edge_index = jax.random.randint(k2, (2, E), 0, N, dtype=jnp.int32)
    W_in = jax.random.normal(k3, (D_IN, D_HID), dtype=jnp.float32) * 0.05
    W_layers = jax.random.normal(k4, (LAYERS, D_HID, D_HID), dtype=jnp.float32) * 0.05
    W_out = jax.random.normal(k5, (D_HID, D_OUT), dtype=jnp.float32) * 0.05
    return {"x": x, "edge_index": edge_index, "W_in": W_in, "W_layers": W_layers, "W_out": W_out}


def reference(x, edge_index, W_in, W_layers, W_out):
    # Concrete GNN semantics matching the abstract class:
    #   initialize: linear projection in_channels -> hidden_channels
    #   message passing: for each edge (u=edge[0], v=edge[1]), node u aggregates x[v]
    #   aggregate: degree-normalized sum (adj_normalizer='row', i.e. divide by dst-node degree)
    #   combine: relu((aggregated + self) @ W_layer)
    #   output: linear projection hidden_channels -> out_channels
    src = edge_index[0]  # edge[0]: node receiving the message
    dst = edge_index[1]  # edge[1]: node whose feature is gathered
    h = x @ W_in
    n = h.shape[0]
    deg = jnp.zeros((n, 1), dtype=jnp.float32).at[src].add(1.0)
    for layer_idx in range(LAYERS):
        msgs = jnp.take(h, dst, axis=0)  # gather neighbor features
        agg = jnp.zeros_like(h).at[src].add(msgs)  # scatter-add
        agg = agg / jnp.maximum(deg, 1.0)  # row normalization by degree
        h = jax.nn.relu((agg + h) @ W_layers[layer_idx])
    out = h @ W_out
    return out

if __name__ == "__main__":
    import jax
    _d = setup_inputs()
    print(jax.jit(kernel)(*tuple(_d.values())))

</pallas_src>

<mosaic_0001>
#map = affine_map<(d0, d1) -> (0, 0)>
#map1 = affine_map<(d0, d1) -> (0)>
module attributes {stable_mosaic.version = 14 : i64} {
  func.func @_sc_deg(%arg0: i32, %arg1: i32, %arg2: memref<2560x128xi32, #tpu.memory_space<hbm>>, %arg3: memref<10240xf32, #tpu.memory_space<hbm>>, %arg4: memref<32x10240xf32, #tpu.memory_space<hbm>>, %arg5: memref<80x128xi32, #tpu.memory_space<vmem>>, %arg6: memref<10240xf32, #tpu.memory_space<vmem>>) attributes {dimension_semantics = [#tpu.dimension_semantics<core_parallel>, #tpu.dimension_semantics<subcore_parallel>], iteration_bounds = array<i64: 2, 16>, scalar_prefetch = 0 : i64, scratch_operands = 2 : i64, tpu.core_type = #tpu.core_type<sc_vector_subcore>, window_params = [{transform_indices = #map}, {transform_indices = #map1}, {transform_indices = #map}]} {
    %mul3A = arith.constant 16 : i32
    %mul3A_0 = arith.muli %arg0, %mul3A : i32
    %add3A = arith.addi %mul3A_0, %arg1 : i32
    "tpu.region"() ({
      %run_scoped3A = tpu.sem_alloc : memref<!tpu.dma_semaphore, #tpu.memory_space<semaphore_mem>>
      tpu.enqueue_dma source(%arg3 : memref<10240xf32, #tpu.memory_space<hbm>>) target(%arg6 : memref<10240xf32, #tpu.memory_space<vmem>>) target_semaphore(%run_scoped3A : memref<!tpu.dma_semaphore, #tpu.memory_space<semaphore_mem>>)
      tpu.wait_dma2 semaphore(%run_scoped3A : memref<!tpu.dma_semaphore, #tpu.memory_space<semaphore_mem>>) src(%arg3 : memref<10240xf32, #tpu.memory_space<hbm>>) dst(%arg6 : memref<10240xf32, #tpu.memory_space<vmem>>)
      tpu.yield
    }) : () -> ()
    %mul3A_1 = arith.constant 80 : i32
    %mul3A_2 = arith.muli %add3A, %mul3A_1 : i32
    "tpu.region"() ({
      %run_scoped3A = tpu.sem_alloc : memref<!tpu.dma_semaphore, #tpu.memory_space<semaphore_mem>>
      %dma_start3A = arith.constant 0 : i32
      %dma_start3A_8 = tpu.memref_slice %arg2[%mul3A_2, %dma_start3A] : memref<2560x128xi32, #tpu.memory_space<hbm>> -> memref<80x128xi32, #tpu.memory_space<hbm>>
      %dma_start3A_9 = arith.constant 0 : i32
      %dma_start3A_10 = tpu.memref_slice %arg2[%mul3A_2, %dma_start3A_9] : memref<2560x128xi32, #tpu.memory_space<hbm>> -> memref<80x128xi32, #tpu.memory_space<hbm>>
      tpu.enqueue_dma source(%dma_start3A_10 : memref<80x128xi32, #tpu.memory_space<hbm>>) target(%arg5 : memref<80x128xi32, #tpu.memory_space<vmem>>) target_semaphore(%run_scoped3A : memref<!tpu.dma_semaphore, #tpu.memory_space<semaphore_mem>>)
      %dma_wait3A = arith.constant 0 : i32
      %dma_wait3A_11 = tpu.memref_slice %arg2[%mul3A_2, %dma_wait3A] : memref<2560x128xi32, #tpu.memory_space<hbm>> -> memref<80x128xi32, #tpu.memory_space<hbm>>
      %dma_wait3A_12 = arith.constant 0 : i32
      %dma_wait3A_13 = tpu.memref_slice %arg2[%mul3A_2, %dma_wait3A_12] : memref<2560x128xi32, #tpu.memory_space<hbm>> -> memref<80x128xi32, #tpu.memory_space<hbm>>
      tpu.wait_dma2 semaphore(%run_scoped3A : memref<!tpu.dma_semaphore, #tpu.memory_space<semaphore_mem>>) src(%dma_wait3A_13 : memref<80x128xi32, #tpu.memory_space<hbm>>) dst(%arg5 : memref<80x128xi32, #tpu.memory_space<vmem>>)
      tpu.yield
    }) : () -> ()
    %broadcast_in_dim3A = arith.constant 1.000000e+00 : f32
    %broadcast_in_dim3A_3 = vector.broadcast %broadcast_in_dim3A : f32 to vector<16xf32>
    %scan3A = arith.constant 0 : i32
    %scan3A_4 = arith.constant 80 : i32
    %scan3A_5 = arith.addi %scan3A, %scan3A_4 : i32
    %scan3A_6 = arith.constant 1 : i32
    scf.for %scan3A_8 = %scan3A to %scan3A_5 step %scan3A_6  : i32 {
      %mul3A_9 = arith.constant 1 : i32
      %mul3A_10 = arith.muli %scan3A_8, %mul3A_9 : i32
      %add3A_11 = arith.constant 0 : i32
      %add3A_12 = arith.addi %add3A_11, %mul3A_10 : i32
      %scan3A_13 = arith.constant 0 : i32
      %scan3A_14 = arith.constant 8 : i32
      %scan3A_15 = arith.addi %scan3A_13, %scan3A_14 : i32
      %scan3A_16 = arith.constant 1 : i32
      scf.for %scan3A_18 = %scan3A_13 to %scan3A_15 step %scan3A_16  : i32 {
        %mul3A_19 = arith.constant 1 : i32
        %mul3A_20 = arith.muli %scan3A_18, %mul3A_19 : i32
        %add3A_21 = arith.constant 0 : i32
        %add3A_22 = arith.addi %add3A_21, %mul3A_20 : i32
        %mul3A_23 = arith.constant 16 : i32
        %mul3A_24 = arith.muli %add3A_22, %mul3A_23 : i32
        %get3A = arith.index_cast %add3A_12 : i32 to index
        %get3A_25 = arith.index_cast %mul3A_24 : i32 to index
        %get3A_26 = tpu.vector_load %arg5[%get3A, %get3A_25] {strides = array<i32>} : memref<80x128xi32, #tpu.memory_space<vmem>>, vector<16xi32>,
        tpu.vector_store_idx %arg6[%get3A_26], %broadcast_in_dim3A_3 {add = true} : memref<10240xf32, #tpu.memory_space<vmem>>[vector<16xi32>], vector<16xf32>,
      }
      %scan3A_17 = arith.constant 8 : i32
    }
    %scan3A_7 = arith.constant 80 : i32
    "tpu.region"() ({
      %run_scoped3A = tpu.sem_alloc : memref<!tpu.dma_semaphore, #tpu.memory_space<semaphore_mem>>
      %dma_start3A = arith.constant 0 : i32
      %dma_start3A_8 = tpu.memref_slice %arg4[%add3A, %dma_start3A] : memref<32x10240xf32, #tpu.memory_space<hbm>> -> memref<1x10240xf32, #tpu.memory_space<hbm>>
      %dma_start3A_9 = tpu.memref_squeeze %dma_start3A_8 : memref<1x10240xf32, #tpu.memory_space<hbm>> -> memref<10240xf32, #tpu.memory_space<hbm>>
      %dma_start3A_10 = arith.constant 0 : i32
      %dma_start3A_11 = tpu.memref_slice %arg4[%add3A, %dma_start3A_10] : memref<32x10240xf32, #tpu.memory_space<hbm>> -> memref<1x10240xf32, #tpu.memory_space<hbm>>
      %dma_start3A_12 = tpu.memref_squeeze %dma_start3A_11 : memref<1x10240xf32, #tpu.memory_space<hbm>> -> memref<10240xf32, #tpu.memory_space<hbm>>
      tpu.enqueue_dma source(%arg6 : memref<10240xf32, #tpu.memory_space<vmem>>) target(%dma_start3A_12 : memref<10240xf32, #tpu.memory_space<hbm>>) target_semaphore(%run_scoped3A : memref<!tpu.dma_semaphore, #tpu.memory_space<semaphore_mem>>)
      %dma_wait3A = arith.constant 0 : i32
      %dma_wait3A_13 = tpu.memref_slice %arg4[%add3A, %dma_wait3A] : memref<32x10240xf32, #tpu.memory_space<hbm>> -> memref<1x10240xf32, #tpu.memory_space<hbm>>
      %dma_wait3A_14 = tpu.memref_squeeze %dma_wait3A_13 : memref<1x10240xf32, #tpu.memory_space<hbm>> -> memref<10240xf32, #tpu.memory_space<hbm>>
      %dma_wait3A_15 = arith.constant 0 : i32
      %dma_wait3A_16 = tpu.memref_slice %arg4[%add3A, %dma_wait3A_15] : memref<32x10240xf32, #tpu.memory_space<hbm>> -> memref<1x10240xf32, #tpu.memory_space<hbm>>
      %dma_wait3A_17 = tpu.memref_squeeze %dma_wait3A_16 : memref<1x10240xf32, #tpu.memory_space<hbm>> -> memref<10240xf32, #tpu.memory_space<hbm>>
      tpu.wait_dma2 semaphore(%run_scoped3A : memref<!tpu.dma_semaphore, #tpu.memory_space<semaphore_mem>>) src(%arg6 : memref<10240xf32, #tpu.memory_space<vmem>>) dst(%dma_wait3A_17 : memref<10240xf32, #tpu.memory_space<hbm>>)
      tpu.yield
    }) : () -> ()
    return
  }
}

#map = affine_map<(d0, d1) -> (0, 0)>
#map1 = affine_map<(d0, d1) -> (0, 0, 0)>
module attributes {stable_mosaic.version = 14 : i64} {
  func.func @_sc_agg(%arg0: i32, %arg1: i32, %arg2: memref<10240x128xf32, #tpu.memory_space<hbm>>, %arg3: memref<2560x128xi32, #tpu.memory_space<hbm>>, %arg4: memref<2560x128xi32, #tpu.memory_space<hbm>>, %arg5: memref<640x128xf32, #tpu.memory_space<hbm>>, %arg6: memref<2x10240x128xf32, #tpu.memory_space<hbm>>, %arg7: memref<16x128xi32, #tpu.memory_space<vmem>>, %arg8: memref<16x128xi32, #tpu.memory_space<vmem>>, %arg9: memref<16x128xi32, #tpu.memory_space<vmem>>, %arg10: memref<16x128xi32, #tpu.memory_space<vmem>>, %arg11: memref<128x128xf32, #tpu.memory_space<vmem>>, %arg12: memref<128x128xf32, #tpu.memory_space<vmem>>, %arg13: memref<10240x128xf32, #tpu.memory_space<vmem_shared>>, %arg14: memref<!tpu.dma_semaphore, #tpu.memory_space<semaphore_mem>>, %arg15: memref<!tpu.dma_semaphore, #tpu.memory_space<semaphore_mem>>, %arg16: memref<!tpu.dma_semaphore, #tpu.memory_space<semaphore_mem>>, %arg17: memref<!tpu.dma_semaphore, #tpu.memory_space<semaphore_mem>>, %arg18: memref<!tpu.dma_semaphore, #tpu.memory_space<semaphore_mem>>, %arg19: memref<!tpu.dma_semaphore, #tpu.memory_space<semaphore_mem>>) attributes {dimension_semantics = [#tpu.dimension_semantics<core_parallel>, #tpu.dimension_semantics<subcore_parallel>], iteration_bounds = array<i64: 2, 16>, scalar_prefetch = 0 : i64, scratch_operands = 13 : i64, tpu.core_type = #tpu.core_type<sc_vector_subcore>, window_params = [{transform_indices = #map}, {transform_indices = #map}, {transform_indices = #map}, {transform_indices = #map}, {transform_indices = #map1}]} {
    %mul3A = arith.constant 16 : i32
    %mul3A_0 = arith.muli %arg0, %mul3A : i32
    %add3A = arith.addi %mul3A_0, %arg1 : i32
    %mul3A_1 = arith.constant 640 : i32
    %mul3A_2 = arith.muli %arg1, %mul3A_1 : i32
    "tpu.region"() ({
      %run_scoped3A = tpu.sem_alloc : memref<!tpu.dma_semaphore, #tpu.memory_space<semaphore_mem>>
      %dma_start3A_170 = arith.constant 0 : i32
      %dma_start3A_171 = tpu.memref_slice %arg13[%mul3A_2, %dma_start3A_170] : memref<10240x128xf32, #tpu.memory_space<vmem_shared>> -> memref<640x128xf32, #tpu.memory_space<vmem_shared>>
      tpu.enqueue_dma source(%arg5 : memref<640x128xf32, #tpu.memory_space<hbm>>) target(%dma_start3A_171 : memref<640x128xf32, #tpu.memory_space<vmem_shared>>) target_semaphore(%run_scoped3A : memref<!tpu.dma_semaphore, #tpu.memory_space<semaphore_mem>>)
      %dma_wait3A_172 = arith.constant 0 : i32
      %dma_wait3A_173 = tpu.memref_slice %arg13[%mul3A_2, %dma_wait3A_172] : memref<10240x128xf32, #tpu.memory_space<vmem_shared>> -> memref<640x128xf32, #tpu.memory_space<vmem_shared>>
      tpu.wait_dma2 semaphore(%run_scoped3A : memref<!tpu.dma_semaphore, #tpu.memory_space<semaphore_mem>>) src(%arg5 : memref<640x128xf32, #tpu.memory_space<hbm>>) dst(%dma_wait3A_173 : memref<640x128xf32, #tpu.memory_space<vmem_shared>>)
      tpu.yield
    }) : () -> ()
    %mul3A_3 = arith.constant 80 : i32
    %mul3A_4 = arith.muli %add3A, %mul3A_3 : i32
    "tpu.region"() ({
      %run_scoped3A = tpu.sem_alloc : memref<!tpu.dma_semaphore, #tpu.memory_space<semaphore_mem>>
      %dma_start3A_170 = arith.constant 0 : i32
      %dma_start3A_171 = tpu.memref_slice %arg4[%mul3A_4, %dma_start3A_170] : memref<2560x128xi32, #tpu.memory_space<hbm>> -> memref<16x128xi32, #tpu.memory_space<hbm>>
      %dma_start3A_172 = arith.constant 0 : i32
      %dma_start3A_173 = tpu.memref_slice %arg4[%mul3A_4, %dma_start3A_172] : memref<2560x128xi32, #tpu.memory_space<hbm>> -> memref<16x128xi32, #tpu.memory_space<hbm>>
      tpu.enqueue_dma source(%dma_start3A_173 : memref<16x128xi32, #tpu.memory_space<hbm>>) target(%arg7 : memref<16x128xi32, #tpu.memory_space<vmem>>) target_semaphore(%run_scoped3A : memref<!tpu.dma_semaphore, #tpu.memory_space<semaphore_mem>>)
      %dma_wait3A_174 = arith.constant 0 : i32
      %dma_wait3A_175 = tpu.memref_slice %arg4[%mul3A_4, %dma_wait3A_174] : memref<2560x128xi32, #tpu.memory_space<hbm>> -> memref<16x128xi32, #tpu.memory_space<hbm>>
      %dma_wait3A_176 = arith.constant 0 : i32
      %dma_wait3A_177 = tpu.memref_slice %arg4[%mul3A_4, %dma_wait3A_176] : memref<2560x128xi32, #tpu.memory_space<hbm>> -> memref<16x128xi32, #tpu.memory_space<hbm>>
      tpu.wait_dma2 semaphore(%run_scoped3A : memref<!tpu.dma_semaphore, #tpu.memory_space<semaphore_mem>>) src(%dma_wait3A_177 : memref<16x128xi32, #tpu.memory_space<hbm>>) dst(%arg7 : memref<16x128xi32, #tpu.memory_space<vmem>>)
      tpu.yield
    }) : () -> ()
    "tpu.region"() ({
      %run_scoped3A = tpu.sem_alloc : memref<!tpu.dma_semaphore, #tpu.memory_space<semaphore_mem>>
      %dma_start3A_170 = arith.constant 0 : i32
      %dma_start3A_171 = tpu.memref_slice %arg3[%mul3A_4, %dma_start3A_170] : memref<2560x128xi32, #tpu.memory_space<hbm>> -> memref<16x128xi32, #tpu.memory_space<hbm>>
      %dma_start3A_172 = arith.constant 0 : i32
      %dma_start3A_173 = tpu.memref_slice %arg3[%mul3A_4, %dma_start3A_172] : memref<2560x128xi32, #tpu.memory_space<hbm>> -> memref<16x128xi32, #tpu.memory_space<hbm>>
      tpu.enqueue_dma source(%dma_start3A_173 : memref<16x128xi32, #tpu.memory_space<hbm>>) target(%arg9 : memref<16x128xi32, #tpu.memory_space<vmem>>) target_semaphore(%run_scoped3A : memref<!tpu.dma_semaphore, #tpu.memory_space<semaphore_mem>>)
      %dma_wait3A_174 = arith.constant 0 : i32
      %dma_wait3A_175 = tpu.memref_slice %arg3[%mul3A_4, %dma_wait3A_174] : memref<2560x128xi32, #tpu.memory_space<hbm>> -> memref<16x128xi32, #tpu.memory_space<hbm>>
      %dma_wait3A_176 = arith.constant 0 : i32
      %dma_wait3A_177 = tpu.memref_slice %arg3[%mul3A_4, %dma_wait3A_176] : memref<2560x128xi32, #tpu.memory_space<hbm>> -> memref<16x128xi32, #tpu.memory_space<hbm>>
      tpu.wait_dma2 semaphore(%run_scoped3A : memref<!tpu.dma_semaphore, #tpu.memory_space<semaphore_mem>>) src(%dma_wait3A_177 : memref<16x128xi32, #tpu.memory_space<hbm>>) dst(%arg9 : memref<16x128xi32, #tpu.memory_space<vmem>>)
      tpu.yield
    }) : () -> ()
    %barrier3A = arith.constant 0 : index
    tpu.barrier barrier_id(%barrier3A)
    %dma_start3A = arith.constant 0 : i32
    %dma_start3A_5 = arith.constant 0 : i32
    %dma_start3A_6 = tpu.memref_slice %arg7[%dma_start3A, %dma_start3A_5] : memref<16x128xi32, #tpu.memory_space<vmem>> -> memref<1x128xi32, #tpu.memory_space<vmem>>
    %dma_start3A_7 = tpu.memref_squeeze %dma_start3A_6 : memref<1x128xi32, #tpu.memory_space<vmem>> -> memref<128xi32, #tpu.memory_space<vmem>>
    %dma_start3A_8 = arith.constant 0 : i32
    %dma_start3A_9 = arith.constant 0 : i32
    %dma_start3A_10 = tpu.memref_slice %arg2[%dma_start3A_8, %dma_start3A_9] : memref<10240x128xf32, #tpu.memory_space<hbm>> -> memref<10240x128xf32, #tpu.memory_space<hbm>>
    tpu.enqueue_indirect_dma source(%dma_start3A_10 : memref<10240x128xf32, #tpu.memory_space<hbm>>) target(%arg11 : memref<128x128xf32, #tpu.memory_space<vmem>>) offsets(%dma_start3A_7 : memref<128xi32, #tpu.memory_space<vmem>>) semaphore(%arg14 : memref<!tpu.dma_semaphore, #tpu.memory_space<semaphore_mem>>)
    %add3A_11 = arith.constant 16 : i32
    %add3A_12 = arith.addi %mul3A_4, %add3A_11 : i32
    %dma_start3A_13 = arith.constant 0 : i32
    %dma_start3A_14 = tpu.memref_slice %arg4[%add3A_12, %dma_start3A_13] : memref<2560x128xi32, #tpu.memory_space<hbm>> -> memref<16x128xi32, #tpu.memory_space<hbm>>
    %dma_start3A_15 = arith.constant 0 : i32
    %dma_start3A_16 = tpu.memref_slice %arg4[%add3A_12, %dma_start3A_15] : memref<2560x128xi32, #tpu.memory_space<hbm>> -> memref<16x128xi32, #tpu.memory_space<hbm>>
    tpu.enqueue_dma source(%dma_start3A_16 : memref<16x128xi32, #tpu.memory_space<hbm>>) target(%arg8 : memref<16x128xi32, #tpu.memory_space<vmem>>) target_semaphore(%arg18 : memref<!tpu.dma_semaphore, #tpu.memory_space<semaphore_mem>>)
    %dma_start3A_17 = arith.constant 0 : i32
    %dma_start3A_18 = tpu.memref_slice %arg3[%add3A_12, %dma_start3A_17] : memref<2560x128xi32, #tpu.memory_space<hbm>> -> memref<16x128xi32, #tpu.memory_space<hbm>>
    %dma_start3A_19 = arith.constant 0 : i32
    %dma_start3A_20 = tpu.memref_slice %arg3[%add3A_12, %dma_start3A_19] : memref<2560x128xi32, #tpu.memory_space<hbm>> -> memref<16x128xi32, #tpu.memory_space<hbm>>
    tpu.enqueue_dma source(%dma_start3A_20 : memref<16x128xi32, #tpu.memory_space<hbm>>) target(%arg10 : memref<16x128xi32, #tpu.memory_space<vmem>>) target_semaphore(%arg19 : memref<!tpu.dma_semaphore, #tpu.memory_space<semaphore_mem>>)
    %scan3A = arith.constant 0 : i32
    %scan3A_21 = arith.constant 8 : i32
    %scan3A_22 = arith.addi %scan3A, %scan3A_21 : i32
    %scan3A_23 = arith.constant 1 : i32
    scf.for %scan3A_170 = %scan3A to %scan3A_22 step %scan3A_23  : i32 {
      %mul3A_171 = arith.constant 2 : i32
      %mul3A_172 = arith.muli %scan3A_170, %mul3A_171 : i32
      %add3A_173 = arith.constant 0 : i32
      %add3A_174 = arith.addi %add3A_173, %mul3A_172 : i32
      %dma_wait3A_175 = arith.constant 0 : i32
      %dma_wait3A_176 = tpu.memref_slice %arg7[%add3A_174, %dma_wait3A_175] : memref<16x128xi32, #tpu.memory_space<vmem>> -> memref<1x128xi32, #tpu.memory_space<vmem>>
      %dma_wait3A_177 = tpu.memref_squeeze %dma_wait3A_176 : memref<1x128xi32, #tpu.memory_space<vmem>> -> memref<128xi32, #tpu.memory_space<vmem>>
      %dma_wait3A_178 = arith.constant 0 : i32
      %dma_wait3A_179 = arith.constant 0 : i32
      %dma_wait3A_180 = tpu.memref_slice %arg2[%dma_wait3A_178, %dma_wait3A_179] : memref<10240x128xf32, #tpu.memory_space<hbm>> -> memref<10240x128xf32, #tpu.memory_space<hbm>>
      tpu.wait_indirect_dma semaphore(%arg14 : memref<!tpu.dma_semaphore, #tpu.memory_space<semaphore_mem>>) src(%dma_wait3A_180 : memref<10240x128xf32, #tpu.memory_space<hbm>>) dst(%arg11 : memref<128x128xf32, #tpu.memory_space<vmem>>)
      %dma_start3A_181 = arith.constant 0 : i32
      %dma_start3A_182 = tpu.memref_slice %arg9[%add3A_174, %dma_start3A_181] : memref<16x128xi32, #tpu.memory_space<vmem>> -> memref<1x128xi32, #tpu.memory_space<vmem>>
      %dma_start3A_183 = tpu.memref_squeeze %dma_start3A_182 : memref<1x128xi32, #tpu.memory_space<vmem>> -> memref<128xi32, #tpu.memory_space<vmem>>
      %dma_start3A_184 = arith.constant 0 : i32
      %dma_start3A_185 = arith.constant 0 : i32
      %dma_start3A_186 = tpu.memref_slice %arg13[%dma_start3A_184, %dma_start3A_185] : memref<10240x128xf32, #tpu.memory_space<vmem_shared>> -> memref<10240x128xf32, #tpu.memory_space<vmem_shared>>
      tpu.enqueue_indirect_dma source(%arg11 : memref<128x128xf32, #tpu.memory_space<vmem>>) target(%dma_start3A_186 : memref<10240x128xf32, #tpu.memory_space<vmem_shared>>) offsets(%dma_start3A_183 : memref<128xi32, #tpu.memory_space<vmem>>) semaphore(%arg16 : memref<!tpu.dma_semaphore, #tpu.memory_space<semaphore_mem>>) {add = true}
      %ge3A = arith.constant 1 : i32
      %ge3A_187 = arith.cmpi sge, %add3A_174, %ge3A : i32
      %convert_element_type3A = arith.extui %ge3A_187 : i1 to i32
      %cond3A = arith.constant 0 : i32
      %cond3A_188 = arith.cmpi ne, %convert_element_type3A, %cond3A : i32
      scf.if %cond3A_188 {
        %sub3A = arith.constant 1 : i32
        %sub3A_225 = arith.subi %add3A_174, %sub3A : i32
        %dma_wait3A_226 = arith.constant 0 : i32
        %dma_wait3A_227 = tpu.memref_slice %arg9[%sub3A_225, %dma_wait3A_226] : memref<16x128xi32, #tpu.memory_space<vmem>> -> memref<1x128xi32, #tpu.memory_space<vmem>>
        %dma_wait3A_228 = tpu.memref_squeeze %dma_wait3A_227 : memref<1x128xi32, #tpu.memory_space<vmem>> -> memref<128xi32, #tpu.memory_space<vmem>>
        %dma_wait3A_229 = arith.constant 0 : i32
        %dma_wait3A_230 = arith.constant 0 : i32
        %dma_wait3A_231 = tpu.memref_slice %arg13[%dma_wait3A_229, %dma_wait3A_230] : memref<10240x128xf32, #tpu.memory_space<vmem_shared>> -> memref<10240x128xf32, #tpu.memory_space<vmem_shared>>
        tpu.wait_indirect_dma semaphore(%arg17 : memref<!tpu.dma_semaphore, #tpu.memory_space<semaphore_mem>>) src(%arg12 : memref<128x128xf32, #tpu.memory_space<vmem>>) dst(%dma_wait3A_231 : memref<10240x128xf32, #tpu.memory_space<vmem_shared>>)
      } else {
      }
      %add3A_189 = arith.constant 1 : i32
      %add3A_190 = arith.addi %add3A_174, %add3A_189 : i32
      %dma_start3A_191 = arith.constant 0 : i32
      %dma_start3A_192 = tpu.memref_slice %arg7[%add3A_190, %dma_start3A_191] : memref<16x128xi32, #tpu.memory_space<vmem>> -> memref<1x128xi32, #tpu.memory_space<vmem>>
      %dma_start3A_193 = tpu.memref_squeeze %dma_start3A_192 : memref<1x128xi32, #tpu.memory_space<vmem>> -> memref<128xi32, #tpu.memory_space<vmem>>
      %dma_start3A_194 = arith.constant 0 : i32
      %dma_start3A_195 = arith.constant 0 : i32
      %dma_start3A_196 = tpu.memref_slice %arg2[%dma_start3A_194, %dma_start3A_195] : memref<10240x128xf32, #tpu.memory_space<hbm>> -> memref<10240x128xf32, #tpu.memory_space<hbm>>
      tpu.enqueue_indirect_dma source(%dma_start3A_196 : memref<10240x128xf32, #tpu.memory_space<hbm>>) target(%arg12 : memref<128x128xf32, #tpu.memory_space<vmem>>) offsets(%dma_start3A_193 : memref<128xi32, #tpu.memory_space<vmem>>) semaphore(%arg15 : memref<!tpu.dma_semaphore, #tpu.memory_space<semaphore_mem>>)
      %add3A_197 = arith.constant 1 : i32
      %add3A_198 = arith.addi %add3A_174, %add3A_197 : i32
      %dma_wait3A_199 = arith.constant 0 : i32
      %dma_wait3A_200 = tpu.memref_slice %arg7[%add3A_198, %dma_wait3A_199] : memref<16x128xi32, #tpu.memory_space<vmem>> -> memref<1x128xi32, #tpu.memory_space<vmem>>
      %dma_wait3A_201 = tpu.memref_squeeze %dma_wait3A_200 : memref<1x128xi32, #tpu.memory_space<vmem>> -> memref<128xi32, #tpu.memory_space<vmem>>
      %dma_wait3A_202 = arith.constant 0 : i32
      %dma_wait3A_203 = arith.constant 0 : i32
      %dma_wait3A_204 = tpu.memref_slice %arg2[%dma_wait3A_202, %dma_wait3A_203] : memref<10240x128xf32, #tpu.memory_space<hbm>> -> memref<10240x128xf32, #tpu.memory_space<hbm>>
      tpu.wait_indirect_dma semaphore(%arg15 : memref<!tpu.dma_semaphore, #tpu.memory_space<semaphore_mem>>) src(%dma_wait3A_204 : memref<10240x128xf32, #tpu.memory_space<hbm>>) dst(%arg12 : memref<128x128xf32, #tpu.memory_space<vmem>>)
      %add3A_205 = arith.constant 1 : i32
      %add3A_206 = arith.addi %add3A_174, %add3A_205 : i32
      %dma_start3A_207 = arith.constant 0 : i32
      %dma_start3A_208 = tpu.memref_slice %arg9[%add3A_206, %dma_start3A_207] : memref<16x128xi32, #tpu.memory_space<vmem>> -> memref<1x128xi32, #tpu.memory_space<vmem>>
      %dma_start3A_209 = tpu.memref_squeeze %dma_start3A_208 : memref<1x128xi32, #tpu.memory_space<vmem>> -> memref<128xi32, #tpu.memory_space<vmem>>
      %dma_start3A_210 = arith.constant 0 : i32
      %dma_start3A_211 = arith.constant 0 : i32
      %dma_start3A_212 = tpu.memref_slice %arg13[%dma_start3A_210, %dma_start3A_211] : memref<10240x128xf32, #tpu.memory_space<vmem_shared>> -> memref<10240x128xf32, #tpu.memory_space<vmem_shared>>
      tpu.enqueue_indirect_dma source(%arg12 : memref<128x128xf32, #tpu.memory_space<vmem>>) target(%dma_start3A_212 : memref<10240x128xf32, #tpu.memory_space<vmem_shared>>) offsets(%dma_start3A_209 : memref<128xi32, #tpu.memory_space<vmem>>) semaphore(%arg17 : memref<!tpu.dma_semaphore, #tpu.memory_space<semaphore_mem>>) {add = true}
      %dma_wait3A_213 = arith.constant 0 : i32
      %dma_wait3A_214 = tpu.memref_slice %arg9[%add3A_174, %dma_wait3A_213] : memref<16x128xi32, #tpu.memory_space<vmem>> -> memref<1x128xi32, #tpu.memory_space<vmem>>
      %dma_wait3A_215 = tpu.memref_squeeze %dma_wait3A_214 : memref<1x128xi32, #tpu.memory_space<vmem>> -> memref<128xi32, #tpu.memory_space<vmem>>
      %dma_wait3A_216 = arith.constant 0 : i32
      %dma_wait3A_217 = arith.constant 0 : i32
      %dma_wait3A_218 = tpu.memref_slice %arg13[%dma_wait3A_216, %dma_wait3A_217] : memref<10240x128xf32, #tpu.memory_space<vmem_shared>> -> memref<10240x128xf32, #tpu.memory_space<vmem_shared>>
      tpu.wait_indirect_dma semaphore(%arg16 : memref<!tpu.dma_semaphore, #tpu.memory_space<semaphore_mem>>) src(%arg11 : memref<128x128xf32, #tpu.memory_space<vmem>>) dst(%dma_wait3A_218 : memref<10240x128xf32, #tpu.memory_space<vmem_shared>>)
      %add3A_219 = arith.constant 2 : i32
      %add3A_220 = arith.addi %add3A_174, %add3A_219 : i32
      %lt3A = arith.constant 16 : i32
      %lt3A_221 = arith.cmpi slt, %add3A_220, %lt3A : i32
      %convert_element_type3A_222 = arith.extui %lt3A_221 : i1 to i32
      %cond3A_223 = arith.constant 0 : i32
      %cond3A_224 = arith.cmpi ne, %convert_element_type3A_222, %cond3A_223 : i32
      scf.if %cond3A_224 {
        %add3A_225 = arith.constant 2 : i32
        %add3A_226 = arith.addi %add3A_174, %add3A_225 : i32
        %dma_start3A_227 = arith.constant 0 : i32
        %dma_start3A_228 = tpu.memref_slice %arg7[%add3A_226, %dma_start3A_227] : memref<16x128xi32, #tpu.memory_space<vmem>> -> memref<1x128xi32, #tpu.memory_space<vmem>>
        %dma_start3A_229 = tpu.memref_squeeze %dma_start3A_228 : memref<1x128xi32, #tpu.memory_space<vmem>> -> memref<128xi32, #tpu.memory_space<vmem>>
        %dma_start3A_230 = arith.constant 0 : i32
        %dma_start3A_231 = arith.constant 0 : i32
        %dma_start3A_232 = tpu.memref_slice %arg2[%dma_start3A_230, %dma_start3A_231] : memref<10240x128xf32, #tpu.memory_space<hbm>> -> memref<10240x128xf32, #tpu.memory_space<hbm>>
        tpu.enqueue_indirect_dma source(%dma_start3A_232 : memref<10240x128xf32, #tpu.memory_space<hbm>>) target(%arg11 : memref<128x128xf32, #tpu.memory_space<vmem>>) offsets(%dma_start3A_229 : memref<128xi32, #tpu.memory_space<vmem>>) semaphore(%arg14 : memref<!tpu.dma_semaphore, #tpu.memory_space<semaphore_mem>>)
      } else {
      }
    }
    %scan3A_24 = arith.constant 8 : i32
    %dma_wait3A = arith.constant 15 : i32
    %dma_wait3A_25 = arith.constant 0 : i32
    %dma_wait3A_26 = tpu.memref_slice %arg9[%dma_wait3A, %dma_wait3A_25] : memref<16x128xi32, #tpu.memory_space<vmem>> -> memref<1x128xi32, #tpu.memory_space<vmem>>
    %dma_wait3A_27 = tpu.memref_squeeze %dma_wait3A_26 : memref<1x128xi32, #tpu.memory_space<vmem>> -> memref<128xi32, #tpu.memory_space<vmem>>
    %dma_wait3A_28 = arith.constant 0 : i32
    %dma_wait3A_29 = arith.constant 0 : i32
    %dma_wait3A_30 = tpu.memref_slice %arg13[%dma_wait3A_28, %dma_wait3A_29] : memref<10240x128xf32, #tpu.memory_space<vmem_shared>> -> memref<10240x128xf32, #tpu.memory_space<vmem_shared>>
    tpu.wait_indirect_dma semaphore(%arg17 : memref<!tpu.dma_semaphore, #tpu.memory_space<semaphore_mem>>) src(%arg12 : memref<128x128xf32, #tpu.memory_space<vmem>>) dst(%dma_wait3A_30 : memref<10240x128xf32, #tpu.memory_space<vmem_shared>>)
    %dma_wait3A_31 = arith.constant 0 : i32
    %dma_wait3A_32 = tpu.memref_slice %arg4[%mul3A_4, %dma_wait3A_31] : memref<2560x128xi32, #tpu.memory_space<hbm>> -> memref<16x128xi32, #tpu.memory_space<hbm>>
    %dma_wait3A_33 = arith.constant 0 : i32
    %dma_wait3A_34 = tpu.memref_slice %arg4[%mul3A_4, %dma_wait3A_33] : memref<2560x128xi32, #tpu.memory_space<hbm>> -> memref<16x128xi32, #tpu.memory_space<hbm>>
    tpu.wait_dma2 semaphore(%arg18 : memref<!tpu.dma_semaphore, #tpu.memory_space<semaphore_mem>>) src(%dma_wait3A_34 : memref<16x128xi32, #tpu.memory_space<hbm>>) dst(%arg8 : memref<16x128xi32, #tpu.memory_space<vmem>>)
    %dma_wait3A_35 = arith.constant 0 : i32
    %dma_wait3A_36 = tpu.memref_slice %arg3[%mul3A_4, %dma_wait3A_35] : memref<2560x128xi32, #tpu.memory_space<hbm>> -> memref<16x128xi32, #tpu.memory_space<hbm>>
    %dma_wait3A_37 = arith.constant 0 : i32
    %dma_wait3A_38 = tpu.memref_slice %arg3[%mul3A_4, %dma_wait3A_37] : memref<2560x128xi32, #tpu.memory_space<hbm>> -> memref<16x128xi32, #tpu.memory_space<hbm>>
    tpu.wait_dma2 semaphore(%arg19 : memref<!tpu.dma_semaphore, #tpu.memory_space<semaphore_mem>>) src(%dma_wait3A_38 : memref<16x128xi32, #tpu.memory_space<hbm>>) dst(%arg10 : memref<16x128xi32, #tpu.memory_space<vmem>>)
    %dma_start3A_39 = arith.constant 0 : i32
    %dma_start3A_40 = arith.constant 0 : i32
    %dma_start3A_41 = tpu.memref_slice %arg8[%dma_start3A_39, %dma_start3A_40] : memref<16x128xi32, #tpu.memory_space<vmem>> -> memref<1x128xi32, #tpu.memory_space<vmem>>
    %dma_start3A_42 = tpu.memref_squeeze %dma_start3A_41 : memref<1x128xi32, #tpu.memory_space<vmem>> -> memref<128xi32, #tpu.memory_space<vmem>>
    %dma_start3A_43 = arith.constant 0 : i32
    %dma_start3A_44 = arith.constant 0 : i32
    %dma_start3A_45 = tpu.memref_slice %arg2[%dma_start3A_43, %dma_start3A_44] : memref<10240x128xf32, #tpu.memory_space<hbm>> -> memref<10240x128xf32, #tpu.memory_space<hbm>>
    tpu.enqueue_indirect_dma source(%dma_start3A_45 : memref<10240x128xf32, #tpu.memory_space<hbm>>) target(%arg11 : memref<128x128xf32, #tpu.memory_space<vmem>>) offsets(%dma_start3A_42 : memref<128xi32, #tpu.memory_space<vmem>>) semaphore(%arg14 : memref<!tpu.dma_semaphore, #tpu.memory_space<semaphore_mem>>)
    %add3A_46 = arith.constant 32 : i32
    %add3A_47 = arith.addi %mul3A_4, %add3A_46 : i32
    %dma_start3A_48 = arith.constant 0 : i32
    %dma_start3A_49 = tpu.memref_slice %arg4[%add3A_47, %dma_start3A_48] : memref<2560x128xi32, #tpu.memory_space<hbm>> -> memref<16x128xi32, #tpu.memory_space<hbm>>
    %dma_start3A_50 = arith.constant 0 : i32
    %dma_start3A_51 = tpu.memref_slice %arg4[%add3A_47, %dma_start3A_50] : memref<2560x128xi32, #tpu.memory_space<hbm>> -> memref<16x128xi32, #tpu.memory_space<hbm>>
    tpu.enqueue_dma source(%dma_start3A_51 : memref<16x128xi32, #tpu.memory_space<hbm>>) target(%arg7 : memref<16x128xi32, #tpu.memory_space<vmem>>) target_semaphore(%arg18 : memref<!tpu.dma_semaphore, #tpu.memory_space<semaphore_mem>>)
    %dma_start3A_52 = arith.constant 0 : i32
    %dma_start3A_53 = tpu.memref_slice %arg3[%add3A_47, %dma_start3A_52] : memref<2560x128xi32, #tpu.memory_space<hbm>> -> memref<16x128xi32, #tpu.memory_space<hbm>>
    %dma_start3A_54 = arith.constant 0 : i32
    %dma_start3A_55 = tpu.memref_slice %arg3[%add3A_47, %dma_start3A_54] : memref<2560x128xi32, #tpu.memory_space<hbm>> -> memref<16x128xi32, #tpu.memory_space<hbm>>
    tpu.enqueue_dma source(%dma_start3A_55 : memref<16x128xi32, #tpu.memory_space<hbm>>) target(%arg9 : memref<16x128xi32, #tpu.memory_space<vmem>>) target_semaphore(%arg19 : memref<!tpu.dma_semaphore, #tpu.memory_space<semaphore_mem>>)
    %scan3A_56 = arith.constant 0 : i32
    %scan3A_57 = arith.constant 8 : i32
    %scan3A_58 = arith.addi %scan3A_56, %scan3A_57 : i32
    %scan3A_59 = arith.constant 1 : i32
    scf.for %scan3A_170 = %scan3A_56 to %scan3A_58 step %scan3A_59  : i32 {
      %mul3A_171 = arith.constant 2 : i32
      %mul3A_172 = arith.muli %scan3A_170, %mul3A_171 : i32
      %add3A_173 = arith.constant 0 : i32
      %add3A_174 = arith.addi %add3A_173, %mul3A_172 : i32
      %dma_wait3A_175 = arith.constant 0 : i32
      %dma_wait3A_176 = tpu.memref_slice %arg8[%add3A_174, %dma_wait3A_175] : memref<16x128xi32, #tpu.memory_space<vmem>> -> memref<1x128xi32, #tpu.memory_space<vmem>>
      %dma_wait3A_177 = tpu.memref_squeeze %dma_wait3A_176 : memref<1x128xi32, #tpu.memory_space<vmem>> -> memref<128xi32, #tpu.memory_space<vmem>>
      %dma_wait3A_178 = arith.constant 0 : i32
      %dma_wait3A_179 = arith.constant 0 : i32
      %dma_wait3A_180 = tpu.memref_slice %arg2[%dma_wait3A_178, %dma_wait3A_179] : memref<10240x128xf32, #tpu.memory_space<hbm>> -> memref<10240x128xf32, #tpu.memory_space<hbm>>
      tpu.wait_indirect_dma semaphore(%arg14 : memref<!tpu.dma_semaphore, #tpu.memory_space<semaphore_mem>>) src(%dma_wait3A_180 : memref<10240x128xf32, #tpu.memory_space<hbm>>) dst(%arg11 : memref<128x128xf32, #tpu.memory_space<vmem>>)
      %dma_start3A_181 = arith.constant 0 : i32
      %dma_start3A_182 = tpu.memref_slice %arg10[%add3A_174, %dma_start3A_181] : memref<16x128xi32, #tpu.memory_space<vmem>> -> memref<1x128xi32, #tpu.memory_space<vmem>>
      %dma_start3A_183 = tpu.memref_squeeze %dma_start3A_182 : memref<1x128xi32, #tpu.memory_space<vmem>> -> memref<128xi32, #tpu.memory_space<vmem>>
      %dma_start3A_184 = arith.constant 0 : i32
      %dma_start3A_185 = arith.constant 0 : i32
      %dma_start3A_186 = tpu.memref_slice %arg13[%dma_start3A_184, %dma_start3A_185] : memref<10240x128xf32, #tpu.memory_space<vmem_shared>> -> memref<10240x128xf32, #tpu.memory_space<vmem_shared>>
      tpu.enqueue_indirect_dma source(%arg11 : memref<128x128xf32, #tpu.memory_space<vmem>>) target(%dma_start3A_186 : memref<10240x128xf32, #tpu.memory_space<vmem_shared>>) offsets(%dma_start3A_183 : memref<128xi32, #tpu.memory_space<vmem>>) semaphore(%arg16 : memref<!tpu.dma_semaphore, #tpu.memory_space<semaphore_mem>>) {add = true}
      %ge3A = arith.constant 1 : i32
      %ge3A_187 = arith.cmpi sge, %add3A_174, %ge3A : i32
      %convert_element_type3A = arith.extui %ge3A_187 : i1 to i32
      %cond3A = arith.constant 0 : i32
      %cond3A_188 = arith.cmpi ne, %convert_element_type3A, %cond3A : i32
      scf.if %cond3A_188 {
        %sub3A = arith.constant 1 : i32
        %sub3A_225 = arith.subi %add3A_174, %sub3A : i32
        %dma_wait3A_226 = arith.constant 0 : i32
        %dma_wait3A_227 = tpu.memref_slice %arg10[%sub3A_225, %dma_wait3A_226] : memref<16x128xi32, #tpu.memory_space<vmem>> -> memref<1x128xi32, #tpu.memory_space<vmem>>
        %dma_wait3A_228 = tpu.memref_squeeze %dma_wait3A_227 : memref<1x128xi32, #tpu.memory_space<vmem>> -> memref<128xi32, #tpu.memory_space<vmem>>
        %dma_wait3A_229 = arith.constant 0 : i32
        %dma_wait3A_230 = arith.constant 0 : i32
        %dma_wait3A_231 = tpu.memref_slice %arg13[%dma_wait3A_229, %dma_wait3A_230] : memref<10240x128xf32, #tpu.memory_space<vmem_shared>> -> memref<10240x128xf32, #tpu.memory_space<vmem_shared>>
        tpu.wait_indirect_dma semaphore(%arg17 : memref<!tpu.dma_semaphore, #tpu.memory_space<semaphore_mem>>) src(%arg12 : memref<128x128xf32, #tpu.memory_space<vmem>>) dst(%dma_wait3A_231 : memref<10240x128xf32, #tpu.memory_space<vmem_shared>>)
      } else {
      }
      %add3A_189 = arith.constant 1 : i32
      %add3A_190 = arith.addi %add3A_174, %add3A_189 : i32
      %dma_start3A_191 = arith.constant 0 : i32
      %dma_start3A_192 = tpu.memref_slice %arg8[%add3A_190, %dma_start3A_191] : memref<16x128xi32, #tpu.memory_space<vmem>> -> memref<1x128xi32, #tpu.memory_space<vmem>>
      %dma_start3A_193 = tpu.memref_squeeze %dma_start3A_192 : memref<1x128xi32, #tpu.memory_space<vmem>> -> memref<128xi32, #tpu.memory_space<vmem>>
      %dma_start3A_194 = arith.constant 0 : i32
      %dma_start3A_195 = arith.constant 0 : i32
      %dma_start3A_196 = tpu.memref_slice %arg2[%dma_start3A_194, %dma_start3A_195] : memref<10240x128xf32, #tpu.memory_space<hbm>> -> memref<10240x128xf32, #tpu.memory_space<hbm>>
      tpu.enqueue_indirect_dma source(%dma_start3A_196 : memref<10240x128xf32, #tpu.memory_space<hbm>>) target(%arg12 : memref<128x128xf32, #tpu.memory_space<vmem>>) offsets(%dma_start3A_193 : memref<128xi32, #tpu.memory_space<vmem>>) semaphore(%arg15 : memref<!tpu.dma_semaphore, #tpu.memory_space<semaphore_mem>>)
      %add3A_197 = arith.constant 1 : i32
      %add3A_198 = arith.addi %add3A_174, %add3A_197 : i32
      %dma_wait3A_199 = arith.constant 0 : i32
      %dma_wait3A_200 = tpu.memref_slice %arg8[%add3A_198, %dma_wait3A_199] : memref<16x128xi32, #tpu.memory_space<vmem>> -> memref<1x128xi32, #tpu.memory_space<vmem>>
      %dma_wait3A_201 = tpu.memref_squeeze %dma_wait3A_200 : memref<1x128xi32, #tpu.memory_space<vmem>> -> memref<128xi32, #tpu.memory_space<vmem>>
      %dma_wait3A_202 = arith.constant 0 : i32
      %dma_wait3A_203 = arith.constant 0 : i32
      %dma_wait3A_204 = tpu.memref_slice %arg2[%dma_wait3A_202, %dma_wait3A_203] : memref<10240x128xf32, #tpu.memory_space<hbm>> -> memref<10240x128xf32, #tpu.memory_space<hbm>>
      tpu.wait_indirect_dma semaphore(%arg15 : memref<!tpu.dma_semaphore, #tpu.memory_space<semaphore_mem>>) src(%dma_wait3A_204 : memref<10240x128xf32, #tpu.memory_space<hbm>>) dst(%arg12 : memref<128x128xf32, #tpu.memory_space<vmem>>)
      %add3A_205 = arith.constant 1 : i32
      %add3A_206 = arith.addi %add3A_174, %add3A_205 : i32
      %dma_start3A_207 = arith.constant 0 : i32
      %dma_start3A_208 = tpu.memref_slice %arg10[%add3A_206, %dma_start3A_207] : memref<16x128xi32, #tpu.memory_space<vmem>> -> memref<1x128xi32, #tpu.memory_space<vmem>>
      %dma_start3A_209 = tpu.memref_squeeze %dma_start3A_208 : memref<1x128xi32, #tpu.memory_space<vmem>> -> memref<128xi32, #tpu.memory_space<vmem>>
      %dma_start3A_210 = arith.constant 0 : i32
      %dma_start3A_211 = arith.constant 0 : i32
      %dma_start3A_212 = tpu.memref_slice %arg13[%dma_start3A_210, %dma_start3A_211] : memref<10240x128xf32, #tpu.memory_space<vmem_shared>> -> memref<10240x128xf32, #tpu.memory_space<vmem_shared>>
      tpu.enqueue_indirect_dma source(%arg12 : memref<128x128xf32, #tpu.memory_space<vmem>>) target(%dma_start3A_212 : memref<10240x128xf32, #tpu.memory_space<vmem_shared>>) offsets(%dma_start3A_209 : memref<128xi32, #tpu.memory_space<vmem>>) semaphore(%arg17 : memref<!tpu.dma_semaphore, #tpu.memory_space<semaphore_mem>>) {add = true}
      %dma_wait3A_213 = arith.constant 0 : i32
      %dma_wait3A_214 = tpu.memref_slice %arg10[%add3A_174, %dma_wait3A_213] : memref<16x128xi32, #tpu.memory_space<vmem>> -> memref<1x128xi32, #tpu.memory_space<vmem>>
      %dma_wait3A_215 = tpu.memref_squeeze %dma_wait3A_214 : memref<1x128xi32, #tpu.memory_space<vmem>> -> memref<128xi32, #tpu.memory_space<vmem>>
      %dma_wait3A_216 = arith.constant 0 : i32
      %dma_wait3A_217 = arith.constant 0 : i32
      %dma_wait3A_218 = tpu.memref_slice %arg13[%dma_wait3A_216, %dma_wait3A_217] : memref<10240x128xf32, #tpu.memory_space<vmem_shared>> -> memref<10240x128xf32, #tpu.memory_space<vmem_shared>>
      tpu.wait_indirect_dma semaphore(%arg16 : memref<!tpu.dma_semaphore, #tpu.memory_space<semaphore_mem>>) src(%arg11 : memref<128x128xf32, #tpu.memory_space<vmem>>) dst(%dma_wait3A_218 : memref<10240x128xf32, #tpu.memory_space<vmem_shared>>)
      %add3A_219 = arith.constant 2 : i32
      %add3A_220 = arith.addi %add3A_174, %add3A_219 : i32
      %lt3A = arith.constant 16 : i32
      %lt3A_221 = arith.cmpi slt, %add3A_220, %lt3A : i32
      %convert_element_type3A_222 = arith.extui %lt3A_221 : i1 to i32
      %cond3A_223 = arith.constant 0 : i32
      %cond3A_224 = arith.cmpi ne, %convert_element_type3A_222, %cond3A_223 : i32
      scf.if %cond3A_224 {
        %add3A_225 = arith.constant 2 : i32
        %add3A_226 = arith.addi %add3A_174, %add3A_225 : i32
        %dma_start3A_227 = arith.constant 0 : i32
        %dma_start3A_228 = tpu.memref_slice %arg8[%add3A_226, %dma_start3A_227] : memref<16x128xi32, #tpu.memory_space<vmem>> -> memref<1x128xi32, #tpu.memory_space<vmem>>
        %dma_start3A_229 = tpu.memref_squeeze %dma_start3A_228 : memref<1x128xi32, #tpu.memory_space<vmem>> -> memref<128xi32, #tpu.memory_space<vmem>>
        %dma_start3A_230 = arith.constant 0 : i32
        %dma_start3A_231 = arith.constant 0 : i32
        %dma_start3A_232 = tpu.memref_slice %arg2[%dma_start3A_230, %dma_start3A_231] : memref<10240x128xf32, #tpu.memory_space<hbm>> -> memref<10240x128xf32, #tpu.memory_space<hbm>>
        tpu.enqueue_indirect_dma source(%dma_start3A_232 : memref<10240x128xf32, #tpu.memory_space<hbm>>) target(%arg11 : memref<128x128xf32, #tpu.memory_space<vmem>>) offsets(%dma_start3A_229 : memref<128xi32, #tpu.memory_space<vmem>>) semaphore(%arg14 : memref<!tpu.dma_semaphore, #tpu.memory_space<semaphore_mem>>)
      } else {
      }
    }
    %scan3A_60 = arith.constant 8 : i32
    %dma_wait3A_61 = arith.constant 15 : i32
    %dma_wait3A_62 = arith.constant 0 : i32
    %dma_wait3A_63 = tpu.memref_slice %arg10[%dma_wait3A_61, %dma_wait3A_62] : memref<16x128xi32, #tpu.memory_space<vmem>> -> memref<1x128xi32, #tpu.memory_space<vmem>>
    %dma_wait3A_64 = tpu.memref_squeeze %dma_wait3A_63 : memref<1x128xi32, #tpu.memory_space<vmem>> -> memref<128xi32, #tpu.memory_space<vmem>>
    %dma_wait3A_65 = arith.constant 0 : i32
    %dma_wait3A_66 = arith.constant 0 : i32
    %dma_wait3A_67 = tpu.memref_slice %arg13[%dma_wait3A_65, %dma_wait3A_66] : memref<10240x128xf32, #tpu.memory_space<vmem_shared>> -> memref<10240x128xf32, #tpu.memory_space<vmem_shared>>
    tpu.wait_indirect_dma semaphore(%arg17 : memref<!tpu.dma_semaphore, #tpu.memory_space<semaphore_mem>>) src(%arg12 : memref<128x128xf32, #tpu.memory_space<vmem>>) dst(%dma_wait3A_67 : memref<10240x128xf32, #tpu.memory_space<vmem_shared>>)
    %dma_wait3A_68 = arith.constant 0 : i32
    %dma_wait3A_69 = tpu.memref_slice %arg4[%mul3A_4, %dma_wait3A_68] : memref<2560x128xi32, #tpu.memory_space<hbm>> -> memref<16x128xi32, #tpu.memory_space<hbm>>
    %dma_wait3A_70 = arith.constant 0 : i32
    %dma_wait3A_71 = tpu.memref_slice %arg4[%mul3A_4, %dma_wait3A_70] : memref<2560x128xi32, #tpu.memory_space<hbm>> -> memref<16x128xi32, #tpu.memory_space<hbm>>
    tpu.wait_dma2 semaphore(%arg18 : memref<!tpu.dma_semaphore, #tpu.memory_space<semaphore_mem>>) src(%dma_wait3A_71 : memref<16x128xi32, #tpu.memory_space<hbm>>) dst(%arg7 : memref<16x128xi32, #tpu.memory_space<vmem>>)
    %dma_wait3A_72 = arith.constant 0 : i32
    %dma_wait3A_73 = tpu.memref_slice %arg3[%mul3A_4, %dma_wait3A_72] : memref<2560x128xi32, #tpu.memory_space<hbm>> -> memref<16x128xi32, #tpu.memory_space<hbm>>
    %dma_wait3A_74 = arith.constant 0 : i32
    %dma_wait3A_75 = tpu.memref_slice %arg3[%mul3A_4, %dma_wait3A_74] : memref<2560x128xi32, #tpu.memory_space<hbm>> -> memref<16x128xi32, #tpu.memory_space<hbm>>
    tpu.wait_dma2 semaphore(%arg19 : memref<!tpu.dma_semaphore, #tpu.memory_space<semaphore_mem>>) src(%dma_wait3A_75 : memref<16x128xi32, #tpu.memory_space<hbm>>) dst(%arg9 : memref<16x128xi32, #tpu.memory_space<vmem>>)
    %dma_start3A_76 = arith.constant 0 : i32
    %dma_start3A_77 = arith.constant 0 : i32
    %dma_start3A_78 = tpu.memref_slice %arg7[%dma_start3A_76, %dma_start3A_77] : memref<16x128xi32, #tpu.memory_space<vmem>> -> memref<1x128xi32, #tpu.memory_space<vmem>>
    %dma_start3A_79 = tpu.memref_squeeze %dma_start3A_78 : memref<1x128xi32, #tpu.memory_space<vmem>> -> memref<128xi32, #tpu.memory_space<vmem>>
    %dma_start3A_80 = arith.constant 0 : i32
    %dma_start3A_81 = arith.constant 0 : i32
    %dma_start3A_82 = tpu.memref_slice %arg2[%dma_start3A_80, %dma_start3A_81] : memref<10240x128xf32, #tpu.memory_space<hbm>> -> memref<10240x128xf32, #tpu.memory_space<hbm>>
    tpu.enqueue_indirect_dma source(%dma_start3A_82 : memref<10240x128xf32, #tpu.memory_space<hbm>>) target(%arg11 : memref<128x128xf32, #tpu.memory_space<vmem>>) offsets(%dma_start3A_79 : memref<128xi32, #tpu.memory_space<vmem>>) semaphore(%arg14 : memref<!tpu.dma_semaphore, #tpu.memory_space<semaphore_mem>>)
    %add3A_83 = arith.constant 48 : i32
    %add3A_84 = arith.addi %mul3A_4, %add3A_83 : i32
    %dma_start3A_85 = arith.constant 0 : i32
    %dma_start3A_86 = tpu.memref_slice %arg4[%add3A_84, %dma_start3A_85] : memref<2560x128xi32, #tpu.memory_space<hbm>> -> memref<16x128xi32, #tpu.memory_space<hbm>>
    %dma_start3A_87 = arith.constant 0 : i32
    %dma_start3A_88 = tpu.memref_slice %arg4[%add3A_84, %dma_start3A_87] : memref<2560x128xi32, #tpu.memory_space<hbm>> -> memref<16x128xi32, #tpu.memory_space<hbm>>
    tpu.enqueue_dma source(%dma_start3A_88 : memref<16x128xi32, #tpu.memory_space<hbm>>) target(%arg8 : memref<16x128xi32, #tpu.memory_space<vmem>>) target_semaphore(%arg18 : memref<!tpu.dma_semaphore, #tpu.memory_space<semaphore_mem>>)
    %dma_start3A_89 = arith.constant 0 : i32
    %dma_start3A_90 = tpu.memref_slice %arg3[%add3A_84, %dma_start3A_89] : memref<2560x128xi32, #tpu.memory_space<hbm>> -> memref<16x128xi32, #tpu.memory_space<hbm>>
    %dma_start3A_91 = arith.constant 0 : i32
    %dma_start3A_92 = tpu.memref_slice %arg3[%add3A_84, %dma_start3A_91] : memref<2560x128xi32, #tpu.memory_space<hbm>> -> memref<16x128xi32, #tpu.memory_space<hbm>>
    tpu.enqueue_dma source(%dma_start3A_92 : memref<16x128xi32, #tpu.memory_space<hbm>>) target(%arg10 : memref<16x128xi32, #tpu.memory_space<vmem>>) target_semaphore(%arg19 : memref<!tpu.dma_semaphore, #tpu.memory_space<semaphore_mem>>)
    %scan3A_93 = arith.constant 0 : i32
    %scan3A_94 = arith.constant 8 : i32
    %scan3A_95 = arith.addi %scan3A_93, %scan3A_94 : i32
    %scan3A_96 = arith.constant 1 : i32
    scf.for %scan3A_170 = %scan3A_93 to %scan3A_95 step %scan3A_96  : i32 {
      %mul3A_171 = arith.constant 2 : i32
      %mul3A_172 = arith.muli %scan3A_170, %mul3A_171 : i32
      %add3A_173 = arith.constant 0 : i32
      %add3A_174 = arith.addi %add3A_173, %mul3A_172 : i32
      %dma_wait3A_175 = arith.constant 0 : i32
      %dma_wait3A_176 = tpu.memref_slice %arg7[%add3A_174, %dma_wait3A_175] : memref<16x128xi32, #tpu.memory_space<vmem>> -> memref<1x128xi32, #tpu.memory_space<vmem>>
      %dma_wait3A_177 = tpu.memref_squeeze %dma_wait3A_176 : memref<1x128xi32, #tpu.memory_space<vmem>> -> memref<128xi32, #tpu.memory_space<vmem>>
      %dma_wait3A_178 = arith.constant 0 : i32
      %dma_wait3A_179 = arith.constant 0 : i32
      %dma_wait3A_180 = tpu.memref_slice %arg2[%dma_wait3A_178, %dma_wait3A_179] : memref<10240x128xf32, #tpu.memory_space<hbm>> -> memref<10240x128xf32, #tpu.memory_space<hbm>>
      tpu.wait_indirect_dma semaphore(%arg14 : memref<!tpu.dma_semaphore, #tpu.memory_space<semaphore_mem>>) src(%dma_wait3A_180 : memref<10240x128xf32, #tpu.memory_space<hbm>>) dst(%arg11 : memref<128x128xf32, #tpu.memory_space<vmem>>)
      %dma_start3A_181 = arith.constant 0 : i32
      %dma_start3A_182 = tpu.memref_slice %arg9[%add3A_174, %dma_start3A_181] : memref<16x128xi32, #tpu.memory_space<vmem>> -> memref<1x128xi32, #tpu.memory_space<vmem>>
      %dma_start3A_183 = tpu.memref_squeeze %dma_start3A_182 : memref<1x128xi32, #tpu.memory_space<vmem>> -> memref<128xi32, #tpu.memory_space<vmem>>
      %dma_start3A_184 = arith.constant 0 : i32
      %dma_start3A_185 = arith.constant 0 : i32
      %dma_start3A_186 = tpu.memref_slice %arg13[%dma_start3A_184, %dma_start3A_185] : memref<10240x128xf32, #tpu.memory_space<vmem_shared>> -> memref<10240x128xf32, #tpu.memory_space<vmem_shared>>
      tpu.enqueue_indirect_dma source(%arg11 : memref<128x128xf32, #tpu.memory_space<vmem>>) target(%dma_start3A_186 : memref<10240x128xf32, #tpu.memory_space<vmem_shared>>) offsets(%dma_start3A_183 : memref<128xi32, #tpu.memory_space<vmem>>) semaphore(%arg16 : memref<!tpu.dma_semaphore, #tpu.memory_space<semaphore_mem>>) {add = true}
      %ge3A = arith.constant 1 : i32
      %ge3A_187 = arith.cmpi sge, %add3A_174, %ge3A : i32
      %convert_element_type3A = arith.extui %ge3A_187 : i1 to i32
      %cond3A = arith.constant 0 : i32
      %cond3A_188 = arith.cmpi ne, %convert_element_type3A, %cond3A : i32
      scf.if %cond3A_188 {
        %sub3A = arith.constant 1 : i32
        %sub3A_225 = arith.subi %add3A_174, %sub3A : i32
        %dma_wait3A_226 = arith.constant 0 : i32
        %dma_wait3A_227 = tpu.memref_slice %arg9[%sub3A_225, %dma_wait3A_226] : memref<16x128xi32, #tpu.memory_space<vmem>> -> memref<1x128xi32, #tpu.memory_space<vmem>>
        %dma_wait3A_228 = tpu.memref_squeeze %dma_wait3A_227 : memref<1x128xi32, #tpu.memory_space<vmem>> -> memref<128xi32, #tpu.memory_space<vmem>>
        %dma_wait3A_229 = arith.constant 0 : i32
        %dma_wait3A_230 = arith.constant 0 : i32
        %dma_wait3A_231 = tpu.memref_slice %arg13[%dma_wait3A_229, %dma_wait3A_230] : memref<10240x128xf32, #tpu.memory_space<vmem_shared>> -> memref<10240x128xf32, #tpu.memory_space<vmem_shared>>
        tpu.wait_indirect_dma semaphore(%arg17 : memref<!tpu.dma_semaphore, #tpu.memory_space<semaphore_mem>>) src(%arg12 : memref<128x128xf32, #tpu.memory_space<vmem>>) dst(%dma_wait3A_231 : memref<10240x128xf32, #tpu.memory_space<vmem_shared>>)
      } else {
      }
      %add3A_189 = arith.constant 1 : i32
      %add3A_190 = arith.addi %add3A_174, %add3A_189 : i32
      %dma_start3A_191 = arith.constant 0 : i32
      %dma_start3A_192 = tpu.memref_slice %arg7[%add3A_190, %dma_start3A_191] : memref<16x128xi32, #tpu.memory_space<vmem>> -> memref<1x128xi32, #tpu.memory_space<vmem>>
      %dma_start3A_193 = tpu.memref_squeeze %dma_start3A_192 : memref<1x128xi32, #tpu.memory_space<vmem>> -> memref<128xi32, #tpu.memory_space<vmem>>
      %dma_start3A_194 = arith.constant 0 : i32
      %dma_start3A_195 = arith.constant 0 : i32
      %dma_start3A_196 = tpu.memref_slice %arg2[%dma_start3A_194, %dma_start3A_195] : memref<10240x128xf32, #tpu.memory_space<hbm>> -> memref<10240x128xf32, #tpu.memory_space<hbm>>
      tpu.enqueue_indirect_dma source(%dma_start3A_196 : memref<10240x128xf32, #tpu.memory_space<hbm>>) target(%arg12 : memref<128x128xf32, #tpu.memory_space<vmem>>) offsets(%dma_start3A_193 : memref<128xi32, #tpu.memory_space<vmem>>) semaphore(%arg15 : memref<!tpu.dma_semaphore, #tpu.memory_space<semaphore_mem>>)
      %add3A_197 = arith.constant 1 : i32
      %add3A_198 = arith.addi %add3A_174, %add3A_197 : i32
      %dma_wait3A_199 = arith.constant 0 : i32
      %dma_wait3A_200 = tpu.memref_slice %arg7[%add3A_198, %dma_wait3A_199] : memref<16x128xi32, #tpu.memory_space<vmem>> -> memref<1x128xi32, #tpu.memory_space<vmem>>
      %dma_wait3A_201 = tpu.memref_squeeze %dma_wait3A_200 : memref<1x128xi32, #tpu.memory_space<vmem>> -> memref<128xi32, #tpu.memory_space<vmem>>
      %dma_wait3A_202 = arith.constant 0 : i32
      %dma_wait3A_203 = arith.constant 0 : i32
      %dma_wait3A_204 = tpu.memref_slice %arg2[%dma_wait3A_202, %dma_wait3A_203] : memref<10240x128xf32, #tpu.memory_space<hbm>> -> memref<10240x128xf32, #tpu.memory_space<hbm>>
      tpu.wait_indirect_dma semaphore(%arg15 : memref<!tpu.dma_semaphore, #tpu.memory_space<semaphore_mem>>) src(%dma_wait3A_204 : memref<10240x128xf32, #tpu.memory_space<hbm>>) dst(%arg12 : memref<128x128xf32, #tpu.memory_space<vmem>>)
      %add3A_205 = arith.constant 1 : i32
      %add3A_206 = arith.addi %add3A_174, %add3A_205 : i32
      %dma_start3A_207 = arith.constant 0 : i32
      %dma_start3A_208 = tpu.memref_slice %arg9[%add3A_206, %dma_start3A_207] : memref<16x128xi32, #tpu.memory_space<vmem>> -> memref<1x128xi32, #tpu.memory_space<vmem>>
      %dma_start3A_209 = tpu.memref_squeeze %dma_start3A_208 : memref<1x128xi32, #tpu.memory_space<vmem>> -> memref<128xi32, #tpu.memory_space<vmem>>
      %dma_start3A_210 = arith.constant 0 : i32
      %dma_start3A_211 = arith.constant 0 : i32
      %dma_start3A_212 = tpu.memref_slice %arg13[%dma_start3A_210, %dma_start3A_211] : memref<10240x128xf32, #tpu.memory_space<vmem_shared>> -> memref<10240x128xf32, #tpu.memory_space<vmem_shared>>
      tpu.enqueue_indirect_dma source(%arg12 : memref<128x128xf32, #tpu.memory_space<vmem>>) target(%dma_start3A_212 : memref<10240x128xf32, #tpu.memory_space<vmem_shared>>) offsets(%dma_start3A_209 : memref<128xi32, #tpu.memory_space<vmem>>) semaphore(%arg17 : memref<!tpu.dma_semaphore, #tpu.memory_space<semaphore_mem>>) {add = true}
      %dma_wait3A_213 = arith.constant 0 : i32
      %dma_wait3A_214 = tpu.memref_slice %arg9[%add3A_174, %dma_wait3A_213] : memref<16x128xi32, #tpu.memory_space<vmem>> -> memref<1x128xi32, #tpu.memory_space<vmem>>
      %dma_wait3A_215 = tpu.memref_squeeze %dma_wait3A_214 : memref<1x128xi32, #tpu.memory_space<vmem>> -> memref<128xi32, #tpu.memory_space<vmem>>
      %dma_wait3A_216 = arith.constant 0 : i32
      %dma_wait3A_217 = arith.constant 0 : i32
      %dma_wait3A_218 = tpu.memref_slice %arg13[%dma_wait3A_216, %dma_wait3A_217] : memref<10240x128xf32, #tpu.memory_space<vmem_shared>> -> memref<10240x128xf32, #tpu.memory_space<vmem_shared>>
      tpu.wait_indirect_dma semaphore(%arg16 : memref<!tpu.dma_semaphore, #tpu.memory_space<semaphore_mem>>) src(%arg11 : memref<128x128xf32, #tpu.memory_space<vmem>>) dst(%dma_wait3A_218 : memref<10240x128xf32, #tpu.memory_space<vmem_shared>>)
      %add3A_219 = arith.constant 2 : i32
      %add3A_220 = arith.addi %add3A_174, %add3A_219 : i32
      %lt3A = arith.constant 16 : i32
      %lt3A_221 = arith.cmpi slt, %add3A_220, %lt3A : i32
      %convert_element_type3A_222 = arith.extui %lt3A_221 : i1 to i32
      %cond3A_223 = arith.constant 0 : i32
      %cond3A_224 = arith.cmpi ne, %convert_element_type3A_222, %cond3A_223 : i32
      scf.if %cond3A_224 {
        %add3A_225 = arith.constant 2 : i32
        %add3A_226 = arith.addi %add3A_174, %add3A_225 : i32
        %dma_start3A_227 = arith.constant 0 : i32
        %dma_start3A_228 = tpu.memref_slice %arg7[%add3A_226, %dma_start3A_227] : memref<16x128xi32, #tpu.memory_space<vmem>> -> memref<1x128xi32, #tpu.memory_space<vmem>>
        %dma_start3A_229 = tpu.memref_squeeze %dma_start3A_228 : memref<1x128xi32, #tpu.memory_space<vmem>> -> memref<128xi32, #tpu.memory_space<vmem>>
        %dma_start3A_230 = arith.constant 0 : i32
        %dma_start3A_231 = arith.constant 0 : i32
        %dma_start3A_232 = tpu.memref_slice %arg2[%dma_start3A_230, %dma_start3A_231] : memref<10240x128xf32, #tpu.memory_space<hbm>> -> memref<10240x128xf32, #tpu.memory_space<hbm>>
        tpu.enqueue_indirect_dma source(%dma_start3A_232 : memref<10240x128xf32, #tpu.memory_space<hbm>>) target(%arg11 : memref<128x128xf32, #tpu.memory_space<vmem>>) offsets(%dma_start3A_229 : memref<128xi32, #tpu.memory_space<vmem>>) semaphore(%arg14 : memref<!tpu.dma_semaphore, #tpu.memory_space<semaphore_mem>>)
      } else {
      }
    }
    %scan3A_97 = arith.constant 8 : i32
    %dma_wait3A_98 = arith.constant 15 : i32
    %dma_wait3A_99 = arith.constant 0 : i32
    %dma_wait3A_100 = tpu.memref_slice %arg9[%dma_wait3A_98, %dma_wait3A_99] : memref<16x128xi32, #tpu.memory_space<vmem>> -> memref<1x128xi32, #tpu.memory_space<vmem>>
    %dma_wait3A_101 = tpu.memref_squeeze %dma_wait3A_100 : memref<1x128xi32, #tpu.memory_space<vmem>> -> memref<128xi32, #tpu.memory_space<vmem>>
    %dma_wait3A_102 = arith.constant 0 : i32
    %dma_wait3A_103 = arith.constant 0 : i32
    %dma_wait3A_104 = tpu.memref_slice %arg13[%dma_wait3A_102, %dma_wait3A_103] : memref<10240x128xf32, #tpu.memory_space<vmem_shared>> -> memref<10240x128xf32, #tpu.memory_space<vmem_shared>>
    tpu.wait_indirect_dma semaphore(%arg17 : memref<!tpu.dma_semaphore, #tpu.memory_space<semaphore_mem>>) src(%arg12 : memref<128x128xf32, #tpu.memory_space<vmem>>) dst(%dma_wait3A_104 : memref<10240x128xf32, #tpu.memory_space<vmem_shared>>)
    %dma_wait3A_105 = arith.constant 0 : i32
    %dma_wait3A_106 = tpu.memref_slice %arg4[%mul3A_4, %dma_wait3A_105] : memref<2560x128xi32, #tpu.memory_space<hbm>> -> memref<16x128xi32, #tpu.memory_space<hbm>>
    %dma_wait3A_107 = arith.constant 0 : i32
    %dma_wait3A_108 = tpu.memref_slice %arg4[%mul3A_4, %dma_wait3A_107] : memref<2560x128xi32, #tpu.memory_space<hbm>> -> memref<16x128xi32, #tpu.memory_space<hbm>>
    tpu.wait_dma2 semaphore(%arg18 : memref<!tpu.dma_semaphore, #tpu.memory_space<semaphore_mem>>) src(%dma_wait3A_108 : memref<16x128xi32, #tpu.memory_space<hbm>>) dst(%arg8 : memref<16x128xi32, #tpu.memory_space<vmem>>)
    %dma_wait3A_109 = arith.constant 0 : i32
    %dma_wait3A_110 = tpu.memref_slice %arg3[%mul3A_4, %dma_wait3A_109] : memref<2560x128xi32, #tpu.memory_space<hbm>> -> memref<16x128xi32, #tpu.memory_space<hbm>>
    %dma_wait3A_111 = arith.constant 0 : i32
    %dma_wait3A_112 = tpu.memref_slice %arg3[%mul3A_4, %dma_wait3A_111] : memref<2560x128xi32, #tpu.memory_space<hbm>> -> memref<16x128xi32, #tpu.memory_space<hbm>>
    tpu.wait_dma2 semaphore(%arg19 : memref<!tpu.dma_semaphore, #tpu.memory_space<semaphore_mem>>) src(%dma_wait3A_112 : memref<16x128xi32, #tpu.memory_space<hbm>>) dst(%arg10 : memref<16x128xi32, #tpu.memory_space<vmem>>)
    %dma_start3A_113 = arith.constant 0 : i32
    %dma_start3A_114 = arith.constant 0 : i32
    %dma_start3A_115 = tpu.memref_slice %arg8[%dma_start3A_113, %dma_start3A_114] : memref<16x128xi32, #tpu.memory_space<vmem>> -> memref<1x128xi32, #tpu.memory_space<vmem>>
    %dma_start3A_116 = tpu.memref_squeeze %dma_start3A_115 : memref<1x128xi32, #tpu.memory_space<vmem>> -> memref<128xi32, #tpu.memory_space<vmem>>
    %dma_start3A_117 = arith.constant 0 : i32
    %dma_start3A_118 = arith.constant 0 : i32
    %dma_start3A_119 = tpu.memref_slice %arg2[%dma_start3A_117, %dma_start3A_118] : memref<10240x128xf32, #tpu.memory_space<hbm>> -> memref<10240x128xf32, #tpu.memory_space<hbm>>
    tpu.enqueue_indirect_dma source(%dma_start3A_119 : memref<10240x128xf32, #tpu.memory_space<hbm>>) target(%arg11 : memref<128x128xf32, #tpu.memory_space<vmem>>) offsets(%dma_start3A_116 : memref<128xi32, #tpu.memory_space<vmem>>) semaphore(%arg14 : memref<!tpu.dma_semaphore, #tpu.memory_space<semaphore_mem>>)
    %add3A_120 = arith.constant 64 : i32
    %add3A_121 = arith.addi %mul3A_4, %add3A_120 : i32
    %dma_start3A_122 = arith.constant 0 : i32
    %dma_start3A_123 = tpu.memref_slice %arg4[%add3A_121, %dma_start3A_122] : memref<2560x128xi32, #tpu.memory_space<hbm>> -> memref<16x128xi32, #tpu.memory_space<hbm>>
    %dma_start3A_124 = arith.constant 0 : i32
    %dma_start3A_125 = tpu.memref_slice %arg4[%add3A_121, %dma_start3A_124] : memref<2560x128xi32, #tpu.memory_space<hbm>> -> memref<16x128xi32, #tpu.memory_space<hbm>>
    tpu.enqueue_dma source(%dma_start3A_125 : memref<16x128xi32, #tpu.memory_space<hbm>>) target(%arg7 : memref<16x128xi32, #tpu.memory_space<vmem>>) target_semaphore(%arg18 : memref<!tpu.dma_semaphore, #tpu.memory_space<semaphore_mem>>)
    %dma_start3A_126 = arith.constant 0 : i32
    %dma_start3A_127 = tpu.memref_slice %arg3[%add3A_121, %dma_start3A_126] : memref<2560x128xi32, #tpu.memory_space<hbm>> -> memref<16x128xi32, #tpu.memory_space<hbm>>
    %dma_start3A_128 = arith.constant 0 : i32
    %dma_start3A_129 = tpu.memref_slice %arg3[%add3A_121, %dma_start3A_128] : memref<2560x128xi32, #tpu.memory_space<hbm>> -> memref<16x128xi32, #tpu.memory_space<hbm>>
    tpu.enqueue_dma source(%dma_start3A_129 : memref<16x128xi32, #tpu.memory_space<hbm>>) target(%arg9 : memref<16x128xi32, #tpu.memory_space<vmem>>) target_semaphore(%arg19 : memref<!tpu.dma_semaphore, #tpu.memory_space<semaphore_mem>>)
    %scan3A_130 = arith.constant 0 : i32
    %scan3A_131 = arith.constant 8 : i32
    %scan3A_132 = arith.addi %scan3A_130, %scan3A_131 : i32
    %scan3A_133 = arith.constant 1 : i32
    scf.for %scan3A_170 = %scan3A_130 to %scan3A_132 step %scan3A_133  : i32 {
      %mul3A_171 = arith.constant 2 : i32
      %mul3A_172 = arith.muli %scan3A_170, %mul3A_171 : i32
      %add3A_173 = arith.constant 0 : i32
      %add3A_174 = arith.addi %add3A_173, %mul3A_172 : i32
      %dma_wait3A_175 = arith.constant 0 : i32
      %dma_wait3A_176 = tpu.memref_slice %arg8[%add3A_174, %dma_wait3A_175] : memref<16x128xi32, #tpu.memory_space<vmem>> -> memref<1x128xi32, #tpu.memory_space<vmem>>
      %dma_wait3A_177 = tpu.memref_squeeze %dma_wait3A_176 : memref<1x128xi32, #tpu.memory_space<vmem>> -> memref<128xi32, #tpu.memory_space<vmem>>
      %dma_wait3A_178 = arith.constant 0 : i32
      %dma_wait3A_179 = arith.constant 0 : i32
      %dma_wait3A_180 = tpu.memref_slice %arg2[%dma_wait3A_178, %dma_wait3A_179] : memref<10240x128xf32, #tpu.memory_space<hbm>> -> memref<10240x128xf32, #tpu.memory_space<hbm>>
      tpu.wait_indirect_dma semaphore(%arg14 : memref<!tpu.dma_semaphore, #tpu.memory_space<semaphore_mem>>) src(%dma_wait3A_180 : memref<10240x128xf32, #tpu.memory_space<hbm>>) dst(%arg11 : memref<128x128xf32, #tpu.memory_space<vmem>>)
      %dma_start3A_181 = arith.constant 0 : i32
      %dma_start3A_182 = tpu.memref_slice %arg10[%add3A_174, %dma_start3A_181] : memref<16x128xi32, #tpu.memory_space<vmem>> -> memref<1x128xi32, #tpu.memory_space<vmem>>
      %dma_start3A_183 = tpu.memref_squeeze %dma_start3A_182 : memref<1x128xi32, #tpu.memory_space<vmem>> -> memref<128xi32, #tpu.memory_space<vmem>>
      %dma_start3A_184 = arith.constant 0 : i32
      %dma_start3A_185 = arith.constant 0 : i32
      %dma_start3A_186 = tpu.memref_slice %arg13[%dma_start3A_184, %dma_start3A_185] : memref<10240x128xf32, #tpu.memory_space<vmem_shared>> -> memref<10240x128xf32, #tpu.memory_space<vmem_shared>>
      tpu.enqueue_indirect_dma source(%arg11 : memref<128x128xf32, #tpu.memory_space<vmem>>) target(%dma_start3A_186 : memref<10240x128xf32, #tpu.memory_space<vmem_shared>>) offsets(%dma_start3A_183 : memref<128xi32, #tpu.memory_space<vmem>>) semaphore(%arg16 : memref<!tpu.dma_semaphore, #tpu.memory_space<semaphore_mem>>) {add = true}
      %ge3A = arith.constant 1 : i32
      %ge3A_187 = arith.cmpi sge, %add3A_174, %ge3A : i32
      %convert_element_type3A = arith.extui %ge3A_187 : i1 to i32
      %cond3A = arith.constant 0 : i32
      %cond3A_188 = arith.cmpi ne, %convert_element_type3A, %cond3A : i32
      scf.if %cond3A_188 {
        %sub3A = arith.constant 1 : i32
        %sub3A_225 = arith.subi %add3A_174, %sub3A : i32
        %dma_wait3A_226 = arith.constant 0 : i32
        %dma_wait3A_227 = tpu.memref_slice %arg10[%sub3A_225, %dma_wait3A_226] : memref<16x128xi32, #tpu.memory_space<vmem>> -> memref<1x128xi32, #tpu.memory_space<vmem>>
        %dma_wait3A_228 = tpu.memref_squeeze %dma_wait3A_227 : memref<1x128xi32, #tpu.memory_space<vmem>> -> memref<128xi32, #tpu.memory_space<vmem>>
        %dma_wait3A_229 = arith.constant 0 : i32
        %dma_wait3A_230 = arith.constant 0 : i32
        %dma_wait3A_231 = tpu.memref_slice %arg13[%dma_wait3A_229, %dma_wait3A_230] : memref<10240x128xf32, #tpu.memory_space<vmem_shared>> -> memref<10240x128xf32, #tpu.memory_space<vmem_shared>>
        tpu.wait_indirect_dma semaphore(%arg17 : memref<!tpu.dma_semaphore, #tpu.memory_space<semaphore_mem>>) src(%arg12 : memref<128x128xf32, #tpu.memory_space<vmem>>) dst(%dma_wait3A_231 : memref<10240x128xf32, #tpu.memory_space<vmem_shared>>)
      } else {
      }
      %add3A_189 = arith.constant 1 : i32
      %add3A_190 = arith.addi %add3A_174, %add3A_189 : i32
      %dma_start3A_191 = arith.constant 0 : i32
      %dma_start3A_192 = tpu.memref_slice %arg8[%add3A_190, %dma_start3A_191] : memref<16x128xi32, #tpu.memory_space<vmem>> -> memref<1x128xi32, #tpu.memory_space<vmem>>
      %dma_start3A_193 = tpu.memref_squeeze %dma_start3A_192 : memref<1x128xi32, #tpu.memory_space<vmem>> -> memref<128xi32, #tpu.memory_space<vmem>>
      %dma_start3A_194 = arith.constant 0 : i32
      %dma_start3A_195 = arith.constant 0 : i32
      %dma_start3A_196 = tpu.memref_slice %arg2[%dma_start3A_194, %dma_start3A_195] : memref<10240x128xf32, #tpu.memory_space<hbm>> -> memref<10240x128xf32, #tpu.memory_space<hbm>>
      tpu.enqueue_indirect_dma source(%dma_start3A_196 : memref<10240x128xf32, #tpu.memory_space<hbm>>) target(%arg12 : memref<128x128xf32, #tpu.memory_space<vmem>>) offsets(%dma_start3A_193 : memref<128xi32, #tpu.memory_space<vmem>>) semaphore(%arg15 : memref<!tpu.dma_semaphore, #tpu.memory_space<semaphore_mem>>)
      %add3A_197 = arith.constant 1 : i32
      %add3A_198 = arith.addi %add3A_174, %add3A_197 : i32
      %dma_wait3A_199 = arith.constant 0 : i32
      %dma_wait3A_200 = tpu.memref_slice %arg8[%add3A_198, %dma_wait3A_199] : memref<16x128xi32, #tpu.memory_space<vmem>> -> memref<1x128xi32, #tpu.memory_space<vmem>>
      %dma_wait3A_201 = tpu.memref_squeeze %dma_wait3A_200 : memref<1x128xi32, #tpu.memory_space<vmem>> -> memref<128xi32, #tpu.memory_space<vmem>>
      %dma_wait3A_202 = arith.constant 0 : i32
      %dma_wait3A_203 = arith.constant 0 : i32
      %dma_wait3A_204 = tpu.memref_slice %arg2[%dma_wait3A_202, %dma_wait3A_203] : memref<10240x128xf32, #tpu.memory_space<hbm>> -> memref<10240x128xf32, #tpu.memory_space<hbm>>
      tpu.wait_indirect_dma semaphore(%arg15 : memref<!tpu.dma_semaphore, #tpu.memory_space<semaphore_mem>>) src(%dma_wait3A_204 : memref<10240x128xf32, #tpu.memory_space<hbm>>) dst(%arg12 : memref<128x128xf32, #tpu.memory_space<vmem>>)
      %add3A_205 = arith.constant 1 : i32
      %add3A_206 = arith.addi %add3A_174, %add3A_205 : i32
      %dma_start3A_207 = arith.constant 0 : i32
      %dma_start3A_208 = tpu.memref_slice %arg10[%add3A_206, %dma_start3A_207] : memref<16x128xi32, #tpu.memory_space<vmem>> -> memref<1x128xi32, #tpu.memory_space<vmem>>
      %dma_start3A_209 = tpu.memref_squeeze %dma_start3A_208 : memref<1x128xi32, #tpu.memory_space<vmem>> -> memref<128xi32, #tpu.memory_space<vmem>>
      %dma_start3A_210 = arith.constant 0 : i32
      %dma_start3A_211 = arith.constant 0 : i32
      %dma_start3A_212 = tpu.memref_slice %arg13[%dma_start3A_210, %dma_start3A_211] : memref<10240x128xf32, #tpu.memory_space<vmem_shared>> -> memref<10240x128xf32, #tpu.memory_space<vmem_shared>>
      tpu.enqueue_indirect_dma source(%arg12 : memref<128x128xf32, #tpu.memory_space<vmem>>) target(%dma_start3A_212 : memref<10240x128xf32, #tpu.memory_space<vmem_shared>>) offsets(%dma_start3A_209 : memref<128xi32, #tpu.memory_space<vmem>>) semaphore(%arg17 : memref<!tpu.dma_semaphore, #tpu.memory_space<semaphore_mem>>) {add = true}
      %dma_wait3A_213 = arith.constant 0 : i32
      %dma_wait3A_214 = tpu.memref_slice %arg10[%add3A_174, %dma_wait3A_213] : memref<16x128xi32, #tpu.memory_space<vmem>> -> memref<1x128xi32, #tpu.memory_space<vmem>>
      %dma_wait3A_215 = tpu.memref_squeeze %dma_wait3A_214 : memref<1x128xi32, #tpu.memory_space<vmem>> -> memref<128xi32, #tpu.memory_space<vmem>>
      %dma_wait3A_216 = arith.constant 0 : i32
      %dma_wait3A_217 = arith.constant 0 : i32
      %dma_wait3A_218 = tpu.memref_slice %arg13[%dma_wait3A_216, %dma_wait3A_217] : memref<10240x128xf32, #tpu.memory_space<vmem_shared>> -> memref<10240x128xf32, #tpu.memory_space<vmem_shared>>
      tpu.wait_indirect_dma semaphore(%arg16 : memref<!tpu.dma_semaphore, #tpu.memory_space<semaphore_mem>>) src(%arg11 : memref<128x128xf32, #tpu.memory_space<vmem>>) dst(%dma_wait3A_218 : memref<10240x128xf32, #tpu.memory_space<vmem_shared>>)
      %add3A_219 = arith.constant 2 : i32
      %add3A_220 = arith.addi %add3A_174, %add3A_219 : i32
      %lt3A = arith.constant 16 : i32
      %lt3A_221 = arith.cmpi slt, %add3A_220, %lt3A : i32
      %convert_element_type3A_222 = arith.extui %lt3A_221 : i1 to i32
      %cond3A_223 = arith.constant 0 : i32
      %cond3A_224 = arith.cmpi ne, %convert_element_type3A_222, %cond3A_223 : i32
      scf.if %cond3A_224 {
        %add3A_225 = arith.constant 2 : i32
        %add3A_226 = arith.addi %add3A_174, %add3A_225 : i32
        %dma_start3A_227 = arith.constant 0 : i32
        %dma_start3A_228 = tpu.memref_slice %arg8[%add3A_226, %dma_start3A_227] : memref<16x128xi32, #tpu.memory_space<vmem>> -> memref<1x128xi32, #tpu.memory_space<vmem>>
        %dma_start3A_229 = tpu.memref_squeeze %dma_start3A_228 : memref<1x128xi32, #tpu.memory_space<vmem>> -> memref<128xi32, #tpu.memory_space<vmem>>
        %dma_start3A_230 = arith.constant 0 : i32
        %dma_start3A_231 = arith.constant 0 : i32
        %dma_start3A_232 = tpu.memref_slice %arg2[%dma_start3A_230, %dma_start3A_231] : memref<10240x128xf32, #tpu.memory_space<hbm>> -> memref<10240x128xf32, #tpu.memory_space<hbm>>
        tpu.enqueue_indirect_dma source(%dma_start3A_232 : memref<10240x128xf32, #tpu.memory_space<hbm>>) target(%arg11 : memref<128x128xf32, #tpu.memory_space<vmem>>) offsets(%dma_start3A_229 : memref<128xi32, #tpu.memory_space<vmem>>) semaphore(%arg14 : memref<!tpu.dma_semaphore, #tpu.memory_space<semaphore_mem>>)
      } else {
      }
    }
    %scan3A_134 = arith.constant 8 : i32
    %dma_wait3A_135 = arith.constant 15 : i32
    %dma_wait3A_136 = arith.constant 0 : i32
    %dma_wait3A_137 = tpu.memref_slice %arg10[%dma_wait3A_135, %dma_wait3A_136] : memref<16x128xi32, #tpu.memory_space<vmem>> -> memref<1x128xi32, #tpu.memory_space<vmem>>
    %dma_wait3A_138 = tpu.memref_squeeze %dma_wait3A_137 : memref<1x128xi32, #tpu.memory_space<vmem>> -> memref<128xi32, #tpu.memory_space<vmem>>
    %dma_wait3A_139 = arith.constant 0 : i32
    %dma_wait3A_140 = arith.constant 0 : i32
    %dma_wait3A_141 = tpu.memref_slice %arg13[%dma_wait3A_139, %dma_wait3A_140] : memref<10240x128xf32, #tpu.memory_space<vmem_shared>> -> memref<10240x128xf32, #tpu.memory_space<vmem_shared>>
    tpu.wait_indirect_dma semaphore(%arg17 : memref<!tpu.dma_semaphore, #tpu.memory_space<semaphore_mem>>) src(%arg12 : memref<128x128xf32, #tpu.memory_space<vmem>>) dst(%dma_wait3A_141 : memref<10240x128xf32, #tpu.memory_space<vmem_shared>>)
    %dma_wait3A_142 = arith.constant 0 : i32
    %dma_wait3A_143 = tpu.memref_slice %arg4[%mul3A_4, %dma_wait3A_142] : memref<2560x128xi32, #tpu.memory_space<hbm>> -> memref<16x128xi32, #tpu.memory_space<hbm>>
    %dma_wait3A_144 = arith.constant 0 : i32
    %dma_wait3A_145 = tpu.memref_slice %arg4[%mul3A_4, %dma_wait3A_144] : memref<2560x128xi32, #tpu.memory_space<hbm>> -> memref<16x128xi32, #tpu.memory_space<hbm>>
    tpu.wait_dma2 semaphore(%arg18 : memref<!tpu.dma_semaphore, #tpu.memory_space<semaphore_mem>>) src(%dma_wait3A_145 : memref<16x128xi32, #tpu.memory_space<hbm>>) dst(%arg7 : memref<16x128xi32, #tpu.memory_space<vmem>>)
    %dma_wait3A_146 = arith.constant 0 : i32
    %dma_wait3A_147 = tpu.memref_slice %arg3[%mul3A_4, %dma_wait3A_146] : memref<2560x128xi32, #tpu.memory_space<hbm>> -> memref<16x128xi32, #tpu.memory_space<hbm>>
    %dma_wait3A_148 = arith.constant 0 : i32
    %dma_wait3A_149 = tpu.memref_slice %arg3[%mul3A_4, %dma_wait3A_148] : memref<2560x128xi32, #tpu.memory_space<hbm>> -> memref<16x128xi32, #tpu.memory_space<hbm>>
    tpu.wait_dma2 semaphore(%arg19 : memref<!tpu.dma_semaphore, #tpu.memory_space<semaphore_mem>>) src(%dma_wait3A_149 : memref<16x128xi32, #tpu.memory_space<hbm>>) dst(%arg9 : memref<16x128xi32, #tpu.memory_space<vmem>>)
    %dma_start3A_150 = arith.constant 0 : i32
    %dma_start3A_151 = arith.constant 0 : i32
    %dma_start3A_152 = tpu.memref_slice %arg7[%dma_start3A_150, %dma_start3A_151] : memref<16x128xi32, #tpu.memory_space<vmem>> -> memref<1x128xi32, #tpu.memory_space<vmem>>
    %dma_start3A_153 = tpu.memref_squeeze %dma_start3A_152 : memref<1x128xi32, #tpu.memory_space<vmem>> -> memref<128xi32, #tpu.memory_space<vmem>>
    %dma_start3A_154 = arith.constant 0 : i32
    %dma_start3A_155 = arith.constant 0 : i32
    %dma_start3A_156 = tpu.memref_slice %arg2[%dma_start3A_154, %dma_start3A_155] : memref<10240x128xf32, #tpu.memory_space<hbm>> -> memref<10240x128xf32, #tpu.memory_space<hbm>>
    tpu.enqueue_indirect_dma source(%dma_start3A_156 : memref<10240x128xf32, #tpu.memory_space<hbm>>) target(%arg11 : memref<128x128xf32, #tpu.memory_space<vmem>>) offsets(%dma_start3A_153 : memref<128xi32, #tpu.memory_space<vmem>>) semaphore(%arg14 : memref<!tpu.dma_semaphore, #tpu.memory_space<semaphore_mem>>)
    %scan3A_157 = arith.constant 0 : i32
    %scan3A_158 = arith.constant 8 : i32
    %scan3A_159 = arith.addi %scan3A_157, %scan3A_158 : i32
    %scan3A_160 = arith.constant 1 : i32
    scf.for %scan3A_170 = %scan3A_157 to %scan3A_159 step %scan3A_160  : i32 {
      %mul3A_171 = arith.constant 2 : i32
      %mul3A_172 = arith.muli %scan3A_170, %mul3A_171 : i32
      %add3A_173 = arith.constant 0 : i32
      %add3A_174 = arith.addi %add3A_173, %mul3A_172 : i32
      %dma_wait3A_175 = arith.constant 0 : i32
      %dma_wait3A_176 = tpu.memref_slice %arg7[%add3A_174, %dma_wait3A_175] : memref<16x128xi32, #tpu.memory_space<vmem>> -> memref<1x128xi32, #tpu.memory_space<vmem>>
      %dma_wait3A_177 = tpu.memref_squeeze %dma_wait3A_176 : memref<1x128xi32, #tpu.memory_space<vmem>> -> memref<128xi32, #tpu.memory_space<vmem>>
      %dma_wait3A_178 = arith.constant 0 : i32
      %dma_wait3A_179 = arith.constant 0 : i32
      %dma_wait3A_180 = tpu.memref_slice %arg2[%dma_wait3A_178, %dma_wait3A_179] : memref<10240x128xf32, #tpu.memory_space<hbm>> -> memref<10240x128xf32, #tpu.memory_space<hbm>>
      tpu.wait_indirect_dma semaphore(%arg14 : memref<!tpu.dma_semaphore, #tpu.memory_space<semaphore_mem>>) src(%dma_wait3A_180 : memref<10240x128xf32, #tpu.memory_space<hbm>>) dst(%arg11 : memref<128x128xf32, #tpu.memory_space<vmem>>)
      %dma_start3A_181 = arith.constant 0 : i32
      %dma_start3A_182 = tpu.memref_slice %arg9[%add3A_174, %dma_start3A_181] : memref<16x128xi32, #tpu.memory_space<vmem>> -> memref<1x128xi32, #tpu.memory_space<vmem>>
      %dma_start3A_183 = tpu.memref_squeeze %dma_start3A_182 : memref<1x128xi32, #tpu.memory_space<vmem>> -> memref<128xi32, #tpu.memory_space<vmem>>
      %dma_start3A_184 = arith.constant 0 : i32
      %dma_start3A_185 = arith.constant 0 : i32
      %dma_start3A_186 = tpu.memref_slice %arg13[%dma_start3A_184, %dma_start3A_185] : memref<10240x128xf32, #tpu.memory_space<vmem_shared>> -> memref<10240x128xf32, #tpu.memory_space<vmem_shared>>
      tpu.enqueue_indirect_dma source(%arg11 : memref<128x128xf32, #tpu.memory_space<vmem>>) target(%dma_start3A_186 : memref<10240x128xf32, #tpu.memory_space<vmem_shared>>) offsets(%dma_start3A_183 : memref<128xi32, #tpu.memory_space<vmem>>) semaphore(%arg16 : memref<!tpu.dma_semaphore, #tpu.memory_space<semaphore_mem>>) {add = true}
      %ge3A = arith.constant 1 : i32
      %ge3A_187 = arith.cmpi sge, %add3A_174, %ge3A : i32
      %convert_element_type3A = arith.extui %ge3A_187 : i1 to i32
      %cond3A = arith.constant 0 : i32
      %cond3A_188 = arith.cmpi ne, %convert_element_type3A, %cond3A : i32
      scf.if %cond3A_188 {
        %sub3A = arith.constant 1 : i32
        %sub3A_225 = arith.subi %add3A_174, %sub3A : i32
        %dma_wait3A_226 = arith.constant 0 : i32
        %dma_wait3A_227 = tpu.memref_slice %arg9[%sub3A_225, %dma_wait3A_226] : memref<16x128xi32, #tpu.memory_space<vmem>> -> memref<1x128xi32, #tpu.memory_space<vmem>>
        %dma_wait3A_228 = tpu.memref_squeeze %dma_wait3A_227 : memref<1x128xi32, #tpu.memory_space<vmem>> -> memref<128xi32, #tpu.memory_space<vmem>>
        %dma_wait3A_229 = arith.constant 0 : i32
        %dma_wait3A_230 = arith.constant 0 : i32
        %dma_wait3A_231 = tpu.memref_slice %arg13[%dma_wait3A_229, %dma_wait3A_230] : memref<10240x128xf32, #tpu.memory_space<vmem_shared>> -> memref<10240x128xf32, #tpu.memory_space<vmem_shared>>
        tpu.wait_indirect_dma semaphore(%arg17 : memref<!tpu.dma_semaphore, #tpu.memory_space<semaphore_mem>>) src(%arg12 : memref<128x128xf32, #tpu.memory_space<vmem>>) dst(%dma_wait3A_231 : memref<10240x128xf32, #tpu.memory_space<vmem_shared>>)
      } else {
      }
      %add3A_189 = arith.constant 1 : i32
      %add3A_190 = arith.addi %add3A_174, %add3A_189 : i32
      %dma_start3A_191 = arith.constant 0 : i32
      %dma_start3A_192 = tpu.memref_slice %arg7[%add3A_190, %dma_start3A_191] : memref<16x128xi32, #tpu.memory_space<vmem>> -> memref<1x128xi32, #tpu.memory_space<vmem>>
      %dma_start3A_193 = tpu.memref_squeeze %dma_start3A_192 : memref<1x128xi32, #tpu.memory_space<vmem>> -> memref<128xi32, #tpu.memory_space<vmem>>
      %dma_start3A_194 = arith.constant 0 : i32
      %dma_start3A_195 = arith.constant 0 : i32
      %dma_start3A_196 = tpu.memref_slice %arg2[%dma_start3A_194, %dma_start3A_195] : memref<10240x128xf32, #tpu.memory_space<hbm>> -> memref<10240x128xf32, #tpu.memory_space<hbm>>
      tpu.enqueue_indirect_dma source(%dma_start3A_196 : memref<10240x128xf32, #tpu.memory_space<hbm>>) target(%arg12 : memref<128x128xf32, #tpu.memory_space<vmem>>) offsets(%dma_start3A_193 : memref<128xi32, #tpu.memory_space<vmem>>) semaphore(%arg15 : memref<!tpu.dma_semaphore, #tpu.memory_space<semaphore_mem>>)
      %add3A_197 = arith.constant 1 : i32
      %add3A_198 = arith.addi %add3A_174, %add3A_197 : i32
      %dma_wait3A_199 = arith.constant 0 : i32
      %dma_wait3A_200 = tpu.memref_slice %arg7[%add3A_198, %dma_wait3A_199] : memref<16x128xi32, #tpu.memory_space<vmem>> -> memref<1x128xi32, #tpu.memory_space<vmem>>
      %dma_wait3A_201 = tpu.memref_squeeze %dma_wait3A_200 : memref<1x128xi32, #tpu.memory_space<vmem>> -> memref<128xi32, #tpu.memory_space<vmem>>
      %dma_wait3A_202 = arith.constant 0 : i32
      %dma_wait3A_203 = arith.constant 0 : i32
      %dma_wait3A_204 = tpu.memref_slice %arg2[%dma_wait3A_202, %dma_wait3A_203] : memref<10240x128xf32, #tpu.memory_space<hbm>> -> memref<10240x128xf32, #tpu.memory_space<hbm>>
      tpu.wait_indirect_dma semaphore(%arg15 : memref<!tpu.dma_semaphore, #tpu.memory_space<semaphore_mem>>) src(%dma_wait3A_204 : memref<10240x128xf32, #tpu.memory_space<hbm>>) dst(%arg12 : memref<128x128xf32, #tpu.memory_space<vmem>>)
      %add3A_205 = arith.constant 1 : i32
      %add3A_206 = arith.addi %add3A_174, %add3A_205 : i32
      %dma_start3A_207 = arith.constant 0 : i32
      %dma_start3A_208 = tpu.memref_slice %arg9[%add3A_206, %dma_start3A_207] : memref<16x128xi32, #tpu.memory_space<vmem>> -> memref<1x128xi32, #tpu.memory_space<vmem>>
      %dma_start3A_209 = tpu.memref_squeeze %dma_start3A_208 : memref<1x128xi32, #tpu.memory_space<vmem>> -> memref<128xi32, #tpu.memory_space<vmem>>
      %dma_start3A_210 = arith.constant 0 : i32
      %dma_start3A_211 = arith.constant 0 : i32
      %dma_start3A_212 = tpu.memref_slice %arg13[%dma_start3A_210, %dma_start3A_211] : memref<10240x128xf32, #tpu.memory_space<vmem_shared>> -> memref<10240x128xf32, #tpu.memory_space<vmem_shared>>
      tpu.enqueue_indirect_dma source(%arg12 : memref<128x128xf32, #tpu.memory_space<vmem>>) target(%dma_start3A_212 : memref<10240x128xf32, #tpu.memory_space<vmem_shared>>) offsets(%dma_start3A_209 : memref<128xi32, #tpu.memory_space<vmem>>) semaphore(%arg17 : memref<!tpu.dma_semaphore, #tpu.memory_space<semaphore_mem>>) {add = true}
      %dma_wait3A_213 = arith.constant 0 : i32
      %dma_wait3A_214 = tpu.memref_slice %arg9[%add3A_174, %dma_wait3A_213] : memref<16x128xi32, #tpu.memory_space<vmem>> -> memref<1x128xi32, #tpu.memory_space<vmem>>
      %dma_wait3A_215 = tpu.memref_squeeze %dma_wait3A_214 : memref<1x128xi32, #tpu.memory_space<vmem>> -> memref<128xi32, #tpu.memory_space<vmem>>
      %dma_wait3A_216 = arith.constant 0 : i32
      %dma_wait3A_217 = arith.constant 0 : i32
      %dma_wait3A_218 = tpu.memref_slice %arg13[%dma_wait3A_216, %dma_wait3A_217] : memref<10240x128xf32, #tpu.memory_space<vmem_shared>> -> memref<10240x128xf32, #tpu.memory_space<vmem_shared>>
      tpu.wait_indirect_dma semaphore(%arg16 : memref<!tpu.dma_semaphore, #tpu.memory_space<semaphore_mem>>) src(%arg11 : memref<128x128xf32, #tpu.memory_space<vmem>>) dst(%dma_wait3A_218 : memref<10240x128xf32, #tpu.memory_space<vmem_shared>>)
      %add3A_219 = arith.constant 2 : i32
      %add3A_220 = arith.addi %add3A_174, %add3A_219 : i32
      %lt3A = arith.constant 16 : i32
      %lt3A_221 = arith.cmpi slt, %add3A_220, %lt3A : i32
      %convert_element_type3A_222 = arith.extui %lt3A_221 : i1 to i32
      %cond3A_223 = arith.constant 0 : i32
      %cond3A_224 = arith.cmpi ne, %convert_element_type3A_222, %cond3A_223 : i32
      scf.if %cond3A_224 {
        %add3A_225 = arith.constant 2 : i32
        %add3A_226 = arith.addi %add3A_174, %add3A_225 : i32
        %dma_start3A_227 = arith.constant 0 : i32
        %dma_start3A_228 = tpu.memref_slice %arg7[%add3A_226, %dma_start3A_227] : memref<16x128xi32, #tpu.memory_space<vmem>> -> memref<1x128xi32, #tpu.memory_space<vmem>>
        %dma_start3A_229 = tpu.memref_squeeze %dma_start3A_228 : memref<1x128xi32, #tpu.memory_space<vmem>> -> memref<128xi32, #tpu.memory_space<vmem>>
        %dma_start3A_230 = arith.constant 0 : i32
        %dma_start3A_231 = arith.constant 0 : i32
        %dma_start3A_232 = tpu.memref_slice %arg2[%dma_start3A_230, %dma_start3A_231] : memref<10240x128xf32, #tpu.memory_space<hbm>> -> memref<10240x128xf32, #tpu.memory_space<hbm>>
        tpu.enqueue_indirect_dma source(%dma_start3A_232 : memref<10240x128xf32, #tpu.memory_space<hbm>>) target(%arg11 : memref<128x128xf32, #tpu.memory_space<vmem>>) offsets(%dma_start3A_229 : memref<128xi32, #tpu.memory_space<vmem>>) semaphore(%arg14 : memref<!tpu.dma_semaphore, #tpu.memory_space<semaphore_mem>>)
      } else {
      }
    }
    %scan3A_161 = arith.constant 8 : i32
    %dma_wait3A_162 = arith.constant 15 : i32
    %dma_wait3A_163 = arith.constant 0 : i32
    %dma_wait3A_164 = tpu.memref_slice %arg9[%dma_wait3A_162, %dma_wait3A_163] : memref<16x128xi32, #tpu.memory_space<vmem>> -> memref<1x128xi32, #tpu.memory_space<vmem>>
    %dma_wait3A_165 = tpu.memref_squeeze %dma_wait3A_164 : memref<1x128xi32, #tpu.memory_space<vmem>> -> memref<128xi32, #tpu.memory_space<vmem>>
    %dma_wait3A_166 = arith.constant 0 : i32
    %dma_wait3A_167 = arith.constant 0 : i32
    %dma_wait3A_168 = tpu.memref_slice %arg13[%dma_wait3A_166, %dma_wait3A_167] : memref<10240x128xf32, #tpu.memory_space<vmem_shared>> -> memref<10240x128xf32, #tpu.memory_space<vmem_shared>>
    tpu.wait_indirect_dma semaphore(%arg17 : memref<!tpu.dma_semaphore, #tpu.memory_space<semaphore_mem>>) src(%arg12 : memref<128x128xf32, #tpu.memory_space<vmem>>) dst(%dma_wait3A_168 : memref<10240x128xf32, #tpu.memory_space<vmem_shared>>)
    %barrier3A_169 = arith.constant 0 : index
    tpu.barrier barrier_id(%barrier3A_169)
    "tpu.region"() ({
      %run_scoped3A = tpu.sem_alloc : memref<!tpu.dma_semaphore, #tpu.memory_space<semaphore_mem>>
      %dma_start3A_170 = arith.constant 0 : i32
      %dma_start3A_171 = arith.constant 0 : i32
      %dma_start3A_172 = tpu.memref_slice %arg6[%arg0, %dma_start3A_170, %dma_start3A_171] : memref<2x10240x128xf32, #tpu.memory_space<hbm>> -> memref<1x10240x128xf32, #tpu.memory_space<hbm>>
      %dma_start3A_173 = tpu.memref_squeeze %dma_start3A_172 : memref<1x10240x128xf32, #tpu.memory_space<hbm>> -> memref<10240x128xf32, #tpu.memory_space<hbm>>
      %dma_start3A_174 = arith.constant 0 : i32
      %dma_start3A_175 = tpu.memref_slice %dma_start3A_173[%mul3A_2, %dma_start3A_174] : memref<10240x128xf32, #tpu.memory_space<hbm>> -> memref<640x128xf32, #tpu.memory_space<hbm>>
      %dma_start3A_176 = arith.constant 0 : i32
      %dma_start3A_177 = tpu.memref_slice %arg13[%mul3A_2, %dma_start3A_176] : memref<10240x128xf32, #tpu.memory_space<vmem_shared>> -> memref<640x128xf32, #tpu.memory_space<vmem_shared>>
      tpu.enqueue_dma source(%dma_start3A_177 : memref<640x128xf32, #tpu.memory_space<vmem_shared>>) target(%dma_start3A_175 : memref<640x128xf32, #tpu.memory_space<hbm>>) target_semaphore(%run_scoped3A : memref<!tpu.dma_semaphore, #tpu.memory_space<semaphore_mem>>)
      %dma_wait3A_178 = arith.constant 0 : i32
      %dma_wait3A_179 = arith.constant 0 : i32
      %dma_wait3A_180 = tpu.memref_slice %arg6[%arg0, %dma_wait3A_178, %dma_wait3A_179] : memref<2x10240x128xf32, #tpu.memory_space<hbm>> -> memref<1x10240x128xf32, #tpu.memory_space<hbm>>
      %dma_wait3A_181 = tpu.memref_squeeze %dma_wait3A_180 : memref<1x10240x128xf32, #tpu.memory_space<hbm>> -> memref<10240x128xf32, #tpu.memory_space<hbm>>
      %dma_wait3A_182 = arith.constant 0 : i32
      %dma_wait3A_183 = tpu.memref_slice %dma_wait3A_181[%mul3A_2, %dma_wait3A_182] : memref<10240x128xf32, #tpu.memory_space<hbm>> -> memref<640x128xf32, #tpu.memory_space<hbm>>
      %dma_wait3A_184 = arith.constant 0 : i32
      %dma_wait3A_185 = tpu.memref_slice %arg13[%mul3A_2, %dma_wait3A_184] : memref<10240x128xf32, #tpu.memory_space<vmem_shared>> -> memref<640x128xf32, #tpu.memory_space<vmem_shared>>
      tpu.wait_dma2 semaphore(%run_scoped3A : memref<!tpu.dma_semaphore, #tpu.memory_space<semaphore_mem>>) src(%dma_wait3A_185 : memref<640x128xf32, #tpu.memory_space<vmem_shared>>) dst(%dma_wait3A_183 : memref<640x128xf32, #tpu.memory_space<hbm>>)
      tpu.yield
    }) : () -> ()
    return
  }
}

#map = affine_map<(d0, d1) -> (0, 0)>
#map1 = affine_map<(d0, d1) -> (0, 0, 0)>
module attributes {stable_mosaic.version = 14 : i64} {
  func.func @_sc_agg(%arg0: i32, %arg1: i32, %arg2: memref<10240x128xf32, #tpu.memory_space<hbm>>, %arg3: memref<2560x128xi32, #tpu.memory_space<hbm>>, %arg4: memref<2560x128xi32, #tpu.memory_space<hbm>>, %arg5: memref<640x128xf32, #tpu.memory_space<hbm>>, %arg6: memref<2x10240x128xf32, #tpu.memory_space<hbm>>, %arg7: memref<16x128xi32, #tpu.memory_space<vmem>>, %arg8: memref<16x128xi32, #tpu.memory_space<vmem>>, %arg9: memref<16x128xi32, #tpu.memory_space<vmem>>, %arg10: memref<16x128xi32, #tpu.memory_space<vmem>>, %arg11: memref<128x128xf32, #tpu.memory_space<vmem>>, %arg12: memref<128x128xf32, #tpu.memory_space<vmem>>, %arg13: memref<10240x128xf32, #tpu.memory_space<vmem_shared>>, %arg14: memref<!tpu.dma_semaphore, #tpu.memory_space<semaphore_mem>>, %arg15: memref<!tpu.dma_semaphore, #tpu.memory_space<semaphore_mem>>, %arg16: memref<!tpu.dma_semaphore, #tpu.memory_space<semaphore_mem>>, %arg17: memref<!tpu.dma_semaphore, #tpu.memory_space<semaphore_mem>>, %arg18: memref<!tpu.dma_semaphore, #tpu.memory_space<semaphore_mem>>, %arg19: memref<!tpu.dma_semaphore, #tpu.memory_space<semaphore_mem>>) attributes {dimension_semantics = [#tpu.dimension_semantics<core_parallel>, #tpu.dimension_semantics<subcore_parallel>], iteration_bounds = array<i64: 2, 16>, scalar_prefetch = 0 : i64, scratch_operands = 13 : i64, tpu.core_type = #tpu.core_type<sc_vector_subcore>, window_params = [{transform_indices = #map}, {transform_indices = #map}, {transform_indices = #map}, {transform_indices = #map}, {transform_indices = #map1}]} {
    %mul3A = arith.constant 16 : i32
    %mul3A_0 = arith.muli %arg0, %mul3A : i32
    %add3A = arith.addi %mul3A_0, %arg1 : i32
    %mul3A_1 = arith.constant 640 : i32
    %mul3A_2 = arith.muli %arg1, %mul3A_1 : i32
    "tpu.region"() ({
      %run_scoped3A = tpu.sem_alloc : memref<!tpu.dma_semaphore, #tpu.memory_space<semaphore_mem>>
      %dma_start3A_170 = arith.constant 0 : i32
      %dma_start3A_171 = tpu.memref_slice %arg13[%mul3A_2, %dma_start3A_170] : memref<10240x128xf32, #tpu.memory_space<vmem_shared>> -> memref<640x128xf32, #tpu.memory_space<vmem_shared>>
      tpu.enqueue_dma source(%arg5 : memref<640x128xf32, #tpu.memory_space<hbm>>) target(%dma_start3A_171 : memref<640x128xf32, #tpu.memory_space<vmem_shared>>) target_semaphore(%run_scoped3A : memref<!tpu.dma_semaphore, #tpu.memory_space<semaphore_mem>>)
      %dma_wait3A_172 = arith.constant 0 : i32
      %dma_wait3A_173 = tpu.memref_slice %arg13[%mul3A_2, %dma_wait3A_172] : memref<10240x128xf32, #tpu.memory_space<vmem_shared>> -> memref<640x128xf32, #tpu.memory_space<vmem_shared>>
      tpu.wait_dma2 semaphore(%run_scoped3A : memref<!tpu.dma_semaphore, #tpu.memory_space<semaphore_mem>>) src(%arg5 : memref<640x128xf32, #tpu.memory_space<hbm>>) dst(%dma_wait3A_173 : memref<640x128xf32, #tpu.memory_space<vmem_shared>>)
      tpu.yield
    }) : () -> ()
    %mul3A_3 = arith.constant 80 : i32
    %mul3A_4 = arith.muli %add3A, %mul3A_3 : i32
    "tpu.region"() ({
      %run_scoped3A = tpu.sem_alloc : memref<!tpu.dma_semaphore, #tpu.memory_space<semaphore_mem>>
      %dma_start3A_170 = arith.constant 0 : i32
      %dma_start3A_171 = tpu.memref_slice %arg4[%mul3A_4, %dma_start3A_170] : memref<2560x128xi32, #tpu.memory_space<hbm>> -> memref<16x128xi32, #tpu.memory_space<hbm>>
      %dma_start3A_172 = arith.constant 0 : i32
      %dma_start3A_173 = tpu.memref_slice %arg4[%mul3A_4, %dma_start3A_172] : memref<2560x128xi32, #tpu.memory_space<hbm>> -> memref<16x128xi32, #tpu.memory_space<hbm>>
      tpu.enqueue_dma source(%dma_start3A_173 : memref<16x128xi32, #tpu.memory_space<hbm>>) target(%arg7 : memref<16x128xi32, #tpu.memory_space<vmem>>) target_semaphore(%run_scoped3A : memref<!tpu.dma_semaphore, #tpu.memory_space<semaphore_mem>>)
      %dma_wait3A_174 = arith.constant 0 : i32
      %dma_wait3A_175 = tpu.memref_slice %arg4[%mul3A_4, %dma_wait3A_174] : memref<2560x128xi32, #tpu.memory_space<hbm>> -> memref<16x128xi32, #tpu.memory_space<hbm>>
      %dma_wait3A_176 = arith.constant 0 : i32
      %dma_wait3A_177 = tpu.memref_slice %arg4[%mul3A_4, %dma_wait3A_176] : memref<2560x128xi32, #tpu.memory_space<hbm>> -> memref<16x128xi32, #tpu.memory_space<hbm>>
      tpu.wait_dma2 semaphore(%run_scoped3A : memref<!tpu.dma_semaphore, #tpu.memory_space<semaphore_mem>>) src(%dma_wait3A_177 : memref<16x128xi32, #tpu.memory_space<hbm>>) dst(%arg7 : memref<16x128xi32, #tpu.memory_space<vmem>>)
      tpu.yield
    }) : () -> ()
    "tpu.region"() ({
      %run_scoped3A = tpu.sem_alloc : memref<!tpu.dma_semaphore, #tpu.memory_space<semaphore_mem>>
      %dma_start3A_170 = arith.constant 0 : i32
      %dma_start3A_171 = tpu.memref_slice %arg3[%mul3A_4, %dma_start3A_170] : memref<2560x128xi32, #tpu.memory_space<hbm>> -> memref<16x128xi32, #tpu.memory_space<hbm>>
      %dma_start3A_172 = arith.constant 0 : i32
      %dma_start3A_173 = tpu.memref_slice %arg3[%mul3A_4, %dma_start3A_172] : memref<2560x128xi32, #tpu.memory_space<hbm>> -> memref<16x128xi32, #tpu.memory_space<hbm>>
      tpu.enqueue_dma source(%dma_start3A_173 : memref<16x128xi32, #tpu.memory_space<hbm>>) target(%arg9 : memref<16x128xi32, #tpu.memory_space<vmem>>) target_semaphore(%run_scoped3A : memref<!tpu.dma_semaphore, #tpu.memory_space<semaphore_mem>>)
      %dma_wait3A_174 = arith.constant 0 : i32
      %dma_wait3A_175 = tpu.memref_slice %arg3[%mul3A_4, %dma_wait3A_174] : memref<2560x128xi32, #tpu.memory_space<hbm>> -> memref<16x128xi32, #tpu.memory_space<hbm>>
      %dma_wait3A_176 = arith.constant 0 : i32
      %dma_wait3A_177 = tpu.memref_slice %arg3[%mul3A_4, %dma_wait3A_176] : memref<2560x128xi32, #tpu.memory_space<hbm>> -> memref<16x128xi32, #tpu.memory_space<hbm>>
      tpu.wait_dma2 semaphore(%run_scoped3A : memref<!tpu.dma_semaphore, #tpu.memory_space<semaphore_mem>>) src(%dma_wait3A_177 : memref<16x128xi32, #tpu.memory_space<hbm>>) dst(%arg9 : memref<16x128xi32, #tpu.memory_space<vmem>>)
      tpu.yield
    }) : () -> ()
    %barrier3A = arith.constant 0 : index
    tpu.barrier barrier_id(%barrier3A)
    %dma_start3A = arith.constant 0 : i32
    %dma_start3A_5 = arith.constant 0 : i32
    %dma_start3A_6 = tpu.memref_slice %arg7[%dma_start3A, %dma_start3A_5] : memref<16x128xi32, #tpu.memory_space<vmem>> -> memref<1x128xi32, #tpu.memory_space<vmem>>
    %dma_start3A_7 = tpu.memref_squeeze %dma_start3A_6 : memref<1x128xi32, #tpu.memory_space<vmem>> -> memref<128xi32, #tpu.memory_space<vmem>>
    %dma_start3A_8 = arith.constant 0 : i32
    %dma_start3A_9 = arith.constant 0 : i32
    %dma_start3A_10 = tpu.memref_slice %arg2[%dma_start3A_8, %dma_start3A_9] : memref<10240x128xf32, #tpu.memory_space<hbm>> -> memref<10240x128xf32, #tpu.memory_space<hbm>>
    tpu.enqueue_indirect_dma source(%dma_start3A_10 : memref<10240x128xf32, #tpu.memory_space<hbm>>) target(%arg11 : memref<128x128xf32, #tpu.memory_space<vmem>>) offsets(%dma_start3A_7 : memref<128xi32, #tpu.memory_space<vmem>>) semaphore(%arg14 : memref<!tpu.dma_semaphore, #tpu.memory_space<semaphore_mem>>)
    %add3A_11 = arith.constant 16 : i32
    %add3A_12 = arith.addi %mul3A_4, %add3A_11 : i32
    %dma_start3A_13 = arith.constant 0 : i32
    %dma_start3A_14 = tpu.memref_slice %arg4[%add3A_12, %dma_start3A_13] : memref<2560x128xi32, #tpu.memory_space<hbm>> -> memref<16x128xi32, #tpu.memory_space<hbm>>
    %dma_start3A_15 = arith.constant 0 : i32
    %dma_start3A_16 = tpu.memref_slice %arg4[%add3A_12, %dma_start3A_15] : memref<2560x128xi32, #tpu.memory_space<hbm>> -> memref<16x128xi32, #tpu.memory_space<hbm>>
    tpu.enqueue_dma source(%dma_start3A_16 : memref<16x128xi32, #tpu.memory_space<hbm>>) target(%arg8 : memref<16x128xi32, #tpu.memory_space<vmem>>) target_semaphore(%arg18 : memref<!tpu.dma_semaphore, #tpu.memory_space<semaphore_mem>>)
    %dma_start3A_17 = arith.constant 0 : i32
    %dma_start3A_18 = tpu.memref_slice %arg3[%add3A_12, %dma_start3A_17] : memref<2560x128xi32, #tpu.memory_space<hbm>> -> memref<16x128xi32, #tpu.memory_space<hbm>>
    %dma_start3A_19 = arith.constant 0 : i32
    %dma_start3A_20 = tpu.memref_slice %arg3[%add3A_12, %dma_start3A_19] : memref<2560x128xi32, #tpu.memory_space<hbm>> -> memref<16x128xi32, #tpu.memory_space<hbm>>
    tpu.enqueue_dma source(%dma_start3A_20 : memref<16x128xi32, #tpu.memory_space<hbm>>) target(%arg10 : memref<16x128xi32, #tpu.memory_space<vmem>>) target_semaphore(%arg19 : memref<!tpu.dma_semaphore, #tpu.memory_space<semaphore_mem>>)
    %scan3A = arith.constant 0 : i32
    %scan3A_21 = arith.constant 8 : i32
    %scan3A_22 = arith.addi %scan3A, %scan3A_21 : i32
    %scan3A_23 = arith.constant 1 : i32
    scf.for %scan3A_170 = %scan3A to %scan3A_22 step %scan3A_23  : i32 {
      %mul3A_171 = arith.constant 2 : i32
      %mul3A_172 = arith.muli %scan3A_170, %mul3A_171 : i32
      %add3A_173 = arith.constant 0 : i32
      %add3A_174 = arith.addi %add3A_173, %mul3A_172 : i32
      %dma_wait3A_175 = arith.constant 0 : i32
      %dma_wait3A_176 = tpu.memref_slice %arg7[%add3A_174, %dma_wait3A_175] : memref<16x128xi32, #tpu.memory_space<vmem>> -> memref<1x128xi32, #tpu.memory_space<vmem>>
      %dma_wait3A_177 = tpu.memref_squeeze %dma_wait3A_176 : memref<1x128xi32, #tpu.memory_space<vmem>> -> memref<128xi32, #tpu.memory_space<vmem>>
      %dma_wait3A_178 = arith.constant 0 : i32
      %dma_wait3A_179 = arith.constant 0 : i32
      %dma_wait3A_180 = tpu.memref_slice %arg2[%dma_wait3A_178, %dma_wait3A_179] : memref<10240x128xf32, #tpu.memory_space<hbm>> -> memref<10240x128xf32, #tpu.memory_space<hbm>>
      tpu.wait_indirect_dma semaphore(%arg14 : memref<!tpu.dma_semaphore, #tpu.memory_space<semaphore_mem>>) src(%dma_wait3A_180 : memref<10240x128xf32, #tpu.memory_space<hbm>>) dst(%arg11 : memref<128x128xf32, #tpu.memory_space<vmem>>)
      %dma_start3A_181 = arith.constant 0 : i32
      %dma_start3A_182 = tpu.memref_slice %arg9[%add3A_174, %dma_start3A_181] : memref<16x128xi32, #tpu.memory_space<vmem>> -> memref<1x128xi32, #tpu.memory_space<vmem>>
      %dma_start3A_183 = tpu.memref_squeeze %dma_start3A_182 : memref<1x128xi32, #tpu.memory_space<vmem>> -> memref<128xi32, #tpu.memory_space<vmem>>
      %dma_start3A_184 = arith.constant 0 : i32
      %dma_start3A_185 = arith.constant 0 : i32
      %dma_start3A_186 = tpu.memref_slice %arg13[%dma_start3A_184, %dma_start3A_185] : memref<10240x128xf32, #tpu.memory_space<vmem_shared>> -> memref<10240x128xf32, #tpu.memory_space<vmem_shared>>
      tpu.enqueue_indirect_dma source(%arg11 : memref<128x128xf32, #tpu.memory_space<vmem>>) target(%dma_start3A_186 : memref<10240x128xf32, #tpu.memory_space<vmem_shared>>) offsets(%dma_start3A_183 : memref<128xi32, #tpu.memory_space<vmem>>) semaphore(%arg16 : memref<!tpu.dma_semaphore, #tpu.memory_space<semaphore_mem>>) {add = true}
      %ge3A = arith.constant 1 : i32
      %ge3A_187 = arith.cmpi sge, %add3A_174, %ge3A : i32
      %convert_element_type3A = arith.extui %ge3A_187 : i1 to i32
      %cond3A = arith.constant 0 : i32
      %cond3A_188 = arith.cmpi ne, %convert_element_type3A, %cond3A : i32
      scf.if %cond3A_188 {
        %sub3A = arith.constant 1 : i32
        %sub3A_225 = arith.subi %add3A_174, %sub3A : i32
        %dma_wait3A_226 = arith.constant 0 : i32
        %dma_wait3A_227 = tpu.memref_slice %arg9[%sub3A_225, %dma_wait3A_226] : memref<16x128xi32, #tpu.memory_space<vmem>> -> memref<1x128xi32, #tpu.memory_space<vmem>>
        %dma_wait3A_228 = tpu.memref_squeeze %dma_wait3A_227 : memref<1x128xi32, #tpu.memory_space<vmem>> -> memref<128xi32, #tpu.memory_space<vmem>>
        %dma_wait3A_229 = arith.constant 0 : i32
        %dma_wait3A_230 = arith.constant 0 : i32
        %dma_wait3A_231 = tpu.memref_slice %arg13[%dma_wait3A_229, %dma_wait3A_230] : memref<10240x128xf32, #tpu.memory_space<vmem_shared>> -> memref<10240x128xf32, #tpu.memory_space<vmem_shared>>
        tpu.wait_indirect_dma semaphore(%arg17 : memref<!tpu.dma_semaphore, #tpu.memory_space<semaphore_mem>>) src(%arg12 : memref<128x128xf32, #tpu.memory_space<vmem>>) dst(%dma_wait3A_231 : memref<10240x128xf32, #tpu.memory_space<vmem_shared>>)
      } else {
      }
      %add3A_189 = arith.constant 1 : i32
      %add3A_190 = arith.addi %add3A_174, %add3A_189 : i32
      %dma_start3A_191 = arith.constant 0 : i32
      %dma_start3A_192 = tpu.memref_slice %arg7[%add3A_190, %dma_start3A_191] : memref<16x128xi32, #tpu.memory_space<vmem>> -> memref<1x128xi32, #tpu.memory_space<vmem>>
      %dma_start3A_193 = tpu.memref_squeeze %dma_start3A_192 : memref<1x128xi32, #tpu.memory_space<vmem>> -> memref<128xi32, #tpu.memory_space<vmem>>
      %dma_start3A_194 = arith.constant 0 : i32
      %dma_start3A_195 = arith.constant 0 : i32
      %dma_start3A_196 = tpu.memref_slice %arg2[%dma_start3A_194, %dma_start3A_195] : memref<10240x128xf32, #tpu.memory_space<hbm>> -> memref<10240x128xf32, #tpu.memory_space<hbm>>
      tpu.enqueue_indirect_dma source(%dma_start3A_196 : memref<10240x128xf32, #tpu.memory_space<hbm>>) target(%arg12 : memref<128x128xf32, #tpu.memory_space<vmem>>) offsets(%dma_start3A_193 : memref<128xi32, #tpu.memory_space<vmem>>) semaphore(%arg15 : memref<!tpu.dma_semaphore, #tpu.memory_space<semaphore_mem>>)
      %add3A_197 = arith.constant 1 : i32
      %add3A_198 = arith.addi %add3A_174, %add3A_197 : i32
      %dma_wait3A_199 = arith.constant 0 : i32
      %dma_wait3A_200 = tpu.memref_slice %arg7[%add3A_198, %dma_wait3A_199] : memref<16x128xi32, #tpu.memory_space<vmem>> -> memref<1x128xi32, #tpu.memory_space<vmem>>
      %dma_wait3A_201 = tpu.memref_squeeze %dma_wait3A_200 : memref<1x128xi32, #tpu.memory_space<vmem>> -> memref<128xi32, #tpu.memory_space<vmem>>
      %dma_wait3A_202 = arith.constant 0 : i32
      %dma_wait3A_203 = arith.constant 0 : i32
      %dma_wait3A_204 = tpu.memref_slice %arg2[%dma_wait3A_202, %dma_wait3A_203] : memref<10240x128xf32, #tpu.memory_space<hbm>> -> memref<10240x128xf32, #tpu.memory_space<hbm>>
      tpu.wait_indirect_dma semaphore(%arg15 : memref<!tpu.dma_semaphore, #tpu.memory_space<semaphore_mem>>) src(%dma_wait3A_204 : memref<10240x128xf32, #tpu.memory_space<hbm>>) dst(%arg12 : memref<128x128xf32, #tpu.memory_space<vmem>>)
      %add3A_205 = arith.constant 1 : i32
      %add3A_206 = arith.addi %add3A_174, %add3A_205 : i32
      %dma_start3A_207 = arith.constant 0 : i32
      %dma_start3A_208 = tpu.memref_slice %arg9[%add3A_206, %dma_start3A_207] : memref<16x128xi32, #tpu.memory_space<vmem>> -> memref<1x128xi32, #tpu.memory_space<vmem>>
      %dma_start3A_209 = tpu.memref_squeeze %dma_start3A_208 : memref<1x128xi32, #tpu.memory_space<vmem>> -> memref<128xi32, #tpu.memory_space<vmem>>
      %dma_start3A_210 = arith.constant 0 : i32
      %dma_start3A_211 = arith.constant 0 : i32
      %dma_start3A_212 = tpu.memref_slice %arg13[%dma_start3A_210, %dma_start3A_211] : memref<10240x128xf32, #tpu.memory_space<vmem_shared>> -> memref<10240x128xf32, #tpu.memory_space<vmem_shared>>
      tpu.enqueue_indirect_dma source(%arg12 : memref<128x128xf32, #tpu.memory_space<vmem>>) target(%dma_start3A_212 : memref<10240x128xf32, #tpu.memory_space<vmem_shared>>) offsets(%dma_start3A_209 : memref<128xi32, #tpu.memory_space<vmem>>) semaphore(%arg17 : memref<!tpu.dma_semaphore, #tpu.memory_space<semaphore_mem>>) {add = true}
      %dma_wait3A_213 = arith.constant 0 : i32
      %dma_wait3A_214 = tpu.memref_slice %arg9[%add3A_174, %dma_wait3A_213] : memref<16x128xi32, #tpu.memory_space<vmem>> -> memref<1x128xi32, #tpu.memory_space<vmem>>
      %dma_wait3A_215 = tpu.memref_squeeze %dma_wait3A_214 : memref<1x128xi32, #tpu.memory_space<vmem>> -> memref<128xi32, #tpu.memory_space<vmem>>
      %dma_wait3A_216 = arith.constant 0 : i32
      %dma_wait3A_217 = arith.constant 0 : i32
      %dma_wait3A_218 = tpu.memref_slice %arg13[%dma_wait3A_216, %dma_wait3A_217] : memref<10240x128xf32, #tpu.memory_space<vmem_shared>> -> memref<10240x128xf32, #tpu.memory_space<vmem_shared>>
      tpu.wait_indirect_dma semaphore(%arg16 : memref<!tpu.dma_semaphore, #tpu.memory_space<semaphore_mem>>) src(%arg11 : memref<128x128xf32, #tpu.memory_space<vmem>>) dst(%dma_wait3A_218 : memref<10240x128xf32, #tpu.memory_space<vmem_shared>>)
      %add3A_219 = arith.constant 2 : i32
      %add3A_220 = arith.addi %add3A_174, %add3A_219 : i32
      %lt3A = arith.constant 16 : i32
      %lt3A_221 = arith.cmpi slt, %add3A_220, %lt3A : i32
      %convert_element_type3A_222 = arith.extui %lt3A_221 : i1 to i32
      %cond3A_223 = arith.constant 0 : i32
      %cond3A_224 = arith.cmpi ne, %convert_element_type3A_222, %cond3A_223 : i32
      scf.if %cond3A_224 {
        %add3A_225 = arith.constant 2 : i32
        %add3A_226 = arith.addi %add3A_174, %add3A_225 : i32
        %dma_start3A_227 = arith.constant 0 : i32
        %dma_start3A_228 = tpu.memref_slice %arg7[%add3A_226, %dma_start3A_227] : memref<16x128xi32, #tpu.memory_space<vmem>> -> memref<1x128xi32, #tpu.memory_space<vmem>>
        %dma_start3A_229 = tpu.memref_squeeze %dma_start3A_228 : memref<1x128xi32, #tpu.memory_space<vmem>> -> memref<128xi32, #tpu.memory_space<vmem>>
        %dma_start3A_230 = arith.constant 0 : i32
        %dma_start3A_231 = arith.constant 0 : i32
        %dma_start3A_232 = tpu.memref_slice %arg2[%dma_start3A_230, %dma_start3A_231] : memref<10240x128xf32, #tpu.memory_space<hbm>> -> memref<10240x128xf32, #tpu.memory_space<hbm>>
        tpu.enqueue_indirect_dma source(%dma_start3A_232 : memref<10240x128xf32, #tpu.memory_space<hbm>>) target(%arg11 : memref<128x128xf32, #tpu.memory_space<vmem>>) offsets(%dma_start3A_229 : memref<128xi32, #tpu.memory_space<vmem>>) semaphore(%arg14 : memref<!tpu.dma_semaphore, #tpu.memory_space<semaphore_mem>>)
      } else {
      }
    }
    %scan3A_24 = arith.constant 8 : i32
    %dma_wait3A = arith.constant 15 : i32
    %dma_wait3A_25 = arith.constant 0 : i32
    %dma_wait3A_26 = tpu.memref_slice %arg9[%dma_wait3A, %dma_wait3A_25] : memref<16x128xi32, #tpu.memory_space<vmem>> -> memref<1x128xi32, #tpu.memory_space<vmem>>
    %dma_wait3A_27 = tpu.memref_squeeze %dma_wait3A_26 : memref<1x128xi32, #tpu.memory_space<vmem>> -> memref<128xi32, #tpu.memory_space<vmem>>
    %dma_wait3A_28 = arith.constant 0 : i32
    %dma_wait3A_29 = arith.constant 0 : i32
    %dma_wait3A_30 = tpu.memref_slice %arg13[%dma_wait3A_28, %dma_wait3A_29] : memref<10240x128xf32, #tpu.memory_space<vmem_shared>> -> memref<10240x128xf32, #tpu.memory_space<vmem_shared>>
    tpu.wait_indirect_dma semaphore(%arg17 : memref<!tpu.dma_semaphore, #tpu.memory_space<semaphore_mem>>) src(%arg12 : memref<128x128xf32, #tpu.memory_space<vmem>>) dst(%dma_wait3A_30 : memref<10240x128xf32, #tpu.memory_space<vmem_shared>>)
    %dma_wait3A_31 = arith.constant 0 : i32
    %dma_wait3A_32 = tpu.memref_slice %arg4[%mul3A_4, %dma_wait3A_31] : memref<2560x128xi32, #tpu.memory_space<hbm>> -> memref<16x128xi32, #tpu.memory_space<hbm>>
    %dma_wait3A_33 = arith.constant 0 : i32
    %dma_wait3A_34 = tpu.memref_slice %arg4[%mul3A_4, %dma_wait3A_33] : memref<2560x128xi32, #tpu.memory_space<hbm>> -> memref<16x128xi32, #tpu.memory_space<hbm>>
    tpu.wait_dma2 semaphore(%arg18 : memref<!tpu.dma_semaphore, #tpu.memory_space<semaphore_mem>>) src(%dma_wait3A_34 : memref<16x128xi32, #tpu.memory_space<hbm>>) dst(%arg8 : memref<16x128xi32, #tpu.memory_space<vmem>>)
    %dma_wait3A_35 = arith.constant 0 : i32
    %dma_wait3A_36 = tpu.memref_slice %arg3[%mul3A_4, %dma_wait3A_35] : memref<2560x128xi32, #tpu.memory_space<hbm>> -> memref<16x128xi32, #tpu.memory_space<hbm>>
    %dma_wait3A_37 = arith.constant 0 : i32
    %dma_wait3A_38 = tpu.memref_slice %arg3[%mul3A_4, %dma_wait3A_37] : memref<2560x128xi32, #tpu.memory_space<hbm>> -> memref<16x128xi32, #tpu.memory_space<hbm>>
    tpu.wait_dma2 semaphore(%arg19 : memref<!tpu.dma_semaphore, #tpu.memory_space<semaphore_mem>>) src(%dma_wait3A_38 : memref<16x128xi32, #tpu.memory_space<hbm>>) dst(%arg10 : memref<16x128xi32, #tpu.memory_space<vmem>>)
    %dma_start3A_39 = arith.constant 0 : i32
    %dma_start3A_40 = arith.constant 0 : i32
    %dma_start3A_41 = tpu.memref_slice %arg8[%dma_start3A_39, %dma_start3A_40] : memref<16x128xi32, #tpu.memory_space<vmem>> -> memref<1x128xi32, #tpu.memory_space<vmem>>
    %dma_start3A_42 = tpu.memref_squeeze %dma_start3A_41 : memref<1x128xi32, #tpu.memory_space<vmem>> -> memref<128xi32, #tpu.memory_space<vmem>>
    %dma_start3A_43 = arith.constant 0 : i32
    %dma_start3A_44 = arith.constant 0 : i32
    %dma_start3A_45 = tpu.memref_slice %arg2[%dma_start3A_43, %dma_start3A_44] : memref<10240x128xf32, #tpu.memory_space<hbm>> -> memref<10240x128xf32, #tpu.memory_space<hbm>>
    tpu.enqueue_indirect_dma source(%dma_start3A_45 : memref<10240x128xf32, #tpu.memory_space<hbm>>) target(%arg11 : memref<128x128xf32, #tpu.memory_space<vmem>>) offsets(%dma_start3A_42 : memref<128xi32, #tpu.memory_space<vmem>>) semaphore(%arg14 : memref<!tpu.dma_semaphore, #tpu.memory_space<semaphore_mem>>)
    %add3A_46 = arith.constant 32 : i32
    %add3A_47 = arith.addi %mul3A_4, %add3A_46 : i32
    %dma_start3A_48 = arith.constant 0 : i32
    %dma_start3A_49 = tpu.memref_slice %arg4[%add3A_47, %dma_start3A_48] : memref<2560x128xi32, #tpu.memory_space<hbm>> -> memref<16x128xi32, #tpu.memory_space<hbm>>
    %dma_start3A_50 = arith.constant 0 : i32
    %dma_start3A_51 = tpu.memref_slice %arg4[%add3A_47, %dma_start3A_50] : memref<2560x128xi32, #tpu.memory_space<hbm>> -> memref<16x128xi32, #tpu.memory_space<hbm>>
    tpu.enqueue_dma source(%dma_start3A_51 : memref<16x128xi32, #tpu.memory_space<hbm>>) target(%arg7 : memref<16x128xi32, #tpu.memory_space<vmem>>) target_semaphore(%arg18 : memref<!tpu.dma_semaphore, #tpu.memory_space<semaphore_mem>>)
    %dma_start3A_52 = arith.constant 0 : i32
    %dma_start3A_53 = tpu.memref_slice %arg3[%add3A_47, %dma_start3A_52] : memref<2560x128xi32, #tpu.memory_space<hbm>> -> memref<16x128xi32, #tpu.memory_space<hbm>>
    %dma_start3A_54 = arith.constant 0 : i32
    %dma_start3A_55 = tpu.memref_slice %arg3[%add3A_47, %dma_start3A_54] : memref<2560x128xi32, #tpu.memory_space<hbm>> -> memref<16x128xi32, #tpu.memory_space<hbm>>
    tpu.enqueue_dma source(%dma_start3A_55 : memref<16x128xi32, #tpu.memory_space<hbm>>) target(%arg9 : memref<16x128xi32, #tpu.memory_space<vmem>>) target_semaphore(%arg19 : memref<!tpu.dma_semaphore, #tpu.memory_space<semaphore_mem>>)
    %scan3A_56 = arith.constant 0 : i32
    %scan3A_57 = arith.constant 8 : i32
    %scan3A_58 = arith.addi %scan3A_56, %scan3A_57 : i32
    %scan3A_59 = arith.constant 1 : i32
    scf.for %scan3A_170 = %scan3A_56 to %scan3A_58 step %scan3A_59  : i32 {
      %mul3A_171 = arith.constant 2 : i32
      %mul3A_172 = arith.muli %scan3A_170, %mul3A_171 : i32
      %add3A_173 = arith.constant 0 : i32
      %add3A_174 = arith.addi %add3A_173, %mul3A_172 : i32
      %dma_wait3A_175 = arith.constant 0 : i32
      %dma_wait3A_176 = tpu.memref_slice %arg8[%add3A_174, %dma_wait3A_175] : memref<16x128xi32, #tpu.memory_space<vmem>> -> memref<1x128xi32, #tpu.memory_space<vmem>>
      %dma_wait3A_177 = tpu.memref_squeeze %dma_wait3A_176 : memref<1x128xi32, #tpu.memory_space<vmem>> -> memref<128xi32, #tpu.memory_space<vmem>>
      %dma_wait3A_178 = arith.constant 0 : i32
      %dma_wait3A_179 = arith.constant 0 : i32
      %dma_wait3A_180 = tpu.memref_slice %arg2[%dma_wait3A_178, %dma_wait3A_179] : memref<10240x128xf32, #tpu.memory_space<hbm>> -> memref<10240x128xf32, #tpu.memory_space<hbm>>
      tpu.wait_indirect_dma semaphore(%arg14 : memref<!tpu.dma_semaphore, #tpu.memory_space<semaphore_mem>>) src(%dma_wait3A_180 : memref<10240x128xf32, #tpu.memory_space<hbm>>) dst(%arg11 : memref<128x128xf32, #tpu.memory_space<vmem>>)
      %dma_start3A_181 = arith.constant 0 : i32
      %dma_start3A_182 = tpu.memref_slice %arg10[%add3A_174, %dma_start3A_181] : memref<16x128xi32, #tpu.memory_space<vmem>> -> memref<1x128xi32, #tpu.memory_space<vmem>>
      %dma_start3A_183 = tpu.memref_squeeze %dma_start3A_182 : memref<1x128xi32, #tpu.memory_space<vmem>> -> memref<128xi32, #tpu.memory_space<vmem>>
      %dma_start3A_184 = arith.constant 0 : i32
      %dma_start3A_185 = arith.constant 0 : i32
      %dma_start3A_186 = tpu.memref_slice %arg13[%dma_start3A_184, %dma_start3A_185] : memref<10240x128xf32, #tpu.memory_space<vmem_shared>> -> memref<10240x128xf32, #tpu.memory_space<vmem_shared>>
      tpu.enqueue_indirect_dma source(%arg11 : memref<128x128xf32, #tpu.memory_space<vmem>>) target(%dma_start3A_186 : memref<10240x128xf32, #tpu.memory_space<vmem_shared>>) offsets(%dma_start3A_183 : memref<128xi32, #tpu.memory_space<vmem>>) semaphore(%arg16 : memref<!tpu.dma_semaphore, #tpu.memory_space<semaphore_mem>>) {add = true}
      %ge3A = arith.constant 1 : i32
      %ge3A_187 = arith.cmpi sge, %add3A_174, %ge3A : i32
      %convert_element_type3A = arith.extui %ge3A_187 : i1 to i32
      %cond3A = arith.constant 0 : i32
      %cond3A_188 = arith.cmpi ne, %convert_element_type3A, %cond3A : i32
      scf.if %cond3A_188 {
        %sub3A = arith.constant 1 : i32
        %sub3A_225 = arith.subi %add3A_174, %sub3A : i32
        %dma_wait3A_226 = arith.constant 0 : i32
        %dma_wait3A_227 = tpu.memref_slice %arg10[%sub3A_225, %dma_wait3A_226] : memref<16x128xi32, #tpu.memory_space<vmem>> -> memref<1x128xi32, #tpu.memory_space<vmem>>
        %dma_wait3A_228 = tpu.memref_squeeze %dma_wait3A_227 : memref<1x128xi32, #tpu.memory_space<vmem>> -> memref<128xi32, #tpu.memory_space<vmem>>
        %dma_wait3A_229 = arith.constant 0 : i32
        %dma_wait3A_230 = arith.constant 0 : i32
        %dma_wait3A_231 = tpu.memref_slice %arg13[%dma_wait3A_229, %dma_wait3A_230] : memref<10240x128xf32, #tpu.memory_space<vmem_shared>> -> memref<10240x128xf32, #tpu.memory_space<vmem_shared>>
        tpu.wait_indirect_dma semaphore(%arg17 : memref<!tpu.dma_semaphore, #tpu.memory_space<semaphore_mem>>) src(%arg12 : memref<128x128xf32, #tpu.memory_space<vmem>>) dst(%dma_wait3A_231 : memref<10240x128xf32, #tpu.memory_space<vmem_shared>>)
      } else {
      }
      %add3A_189 = arith.constant 1 : i32
      %add3A_190 = arith.addi %add3A_174, %add3A_189 : i32
      %dma_start3A_191 = arith.constant 0 : i32
      %dma_start3A_192 = tpu.memref_slice %arg8[%add3A_190, %dma_start3A_191] : memref<16x128xi32, #tpu.memory_space<vmem>> -> memref<1x128xi32, #tpu.memory_space<vmem>>
      %dma_start3A_193 = tpu.memref_squeeze %dma_start3A_192 : memref<1x128xi32, #tpu.memory_space<vmem>> -> memref<128xi32, #tpu.memory_space<vmem>>
      %dma_start3A_194 = arith.constant 0 : i32
      %dma_start3A_195 = arith.constant 0 : i32
      %dma_start3A_196 = tpu.memref_slice %arg2[%dma_start3A_194, %dma_start3A_195] : memref<10240x128xf32, #tpu.memory_space<hbm>> -> memref<10240x128xf32, #tpu.memory_space<hbm>>
      tpu.enqueue_indirect_dma source(%dma_start3A_196 : memref<10240x128xf32, #tpu.memory_space<hbm>>) target(%arg12 : memref<128x128xf32, #tpu.memory_space<vmem>>) offsets(%dma_start3A_193 : memref<128xi32, #tpu.memory_space<vmem>>) semaphore(%arg15 : memref<!tpu.dma_semaphore, #tpu.memory_space<semaphore_mem>>)
      %add3A_197 = arith.constant 1 : i32
      %add3A_198 = arith.addi %add3A_174, %add3A_197 : i32
      %dma_wait3A_199 = arith.constant 0 : i32
      %dma_wait3A_200 = tpu.memref_slice %arg8[%add3A_198, %dma_wait3A_199] : memref<16x128xi32, #tpu.memory_space<vmem>> -> memref<1x128xi32, #tpu.memory_space<vmem>>
      %dma_wait3A_201 = tpu.memref_squeeze %dma_wait3A_200 : memref<1x128xi32, #tpu.memory_space<vmem>> -> memref<128xi32, #tpu.memory_space<vmem>>
      %dma_wait3A_202 = arith.constant 0 : i32
      %dma_wait3A_203 = arith.constant 0 : i32
      %dma_wait3A_204 = tpu.memref_slice %arg2[%dma_wait3A_202, %dma_wait3A_203] : memref<10240x128xf32, #tpu.memory_space<hbm>> -> memref<10240x128xf32, #tpu.memory_space<hbm>>
      tpu.wait_indirect_dma semaphore(%arg15 : memref<!tpu.dma_semaphore, #tpu.memory_space<semaphore_mem>>) src(%dma_wait3A_204 : memref<10240x128xf32, #tpu.memory_space<hbm>>) dst(%arg12 : memref<128x128xf32, #tpu.memory_space<vmem>>)
      %add3A_205 = arith.constant 1 : i32
      %add3A_206 = arith.addi %add3A_174, %add3A_205 : i32
      %dma_start3A_207 = arith.constant 0 : i32
      %dma_start3A_208 = tpu.memref_slice %arg10[%add3A_206, %dma_start3A_207] : memref<16x128xi32, #tpu.memory_space<vmem>> -> memref<1x128xi32, #tpu.memory_space<vmem>>
      %dma_start3A_209 = tpu.memref_squeeze %dma_start3A_208 : memref<1x128xi32, #tpu.memory_space<vmem>> -> memref<128xi32, #tpu.memory_space<vmem>>
      %dma_start3A_210 = arith.constant 0 : i32
      %dma_start3A_211 = arith.constant 0 : i32
      %dma_start3A_212 = tpu.memref_slice %arg13[%dma_start3A_210, %dma_start3A_211] : memref<10240x128xf32, #tpu.memory_space<vmem_shared>> -> memref<10240x128xf32, #tpu.memory_space<vmem_shared>>
      tpu.enqueue_indirect_dma source(%arg12 : memref<128x128xf32, #tpu.memory_space<vmem>>) target(%dma_start3A_212 : memref<10240x128xf32, #tpu.memory_space<vmem_shared>>) offsets(%dma_start3A_209 : memref<128xi32, #tpu.memory_space<vmem>>) semaphore(%arg17 : memref<!tpu.dma_semaphore, #tpu.memory_space<semaphore_mem>>) {add = true}
      %dma_wait3A_213 = arith.constant 0 : i32
      %dma_wait3A_214 = tpu.memref_slice %arg10[%add3A_174, %dma_wait3A_213] : memref<16x128xi32, #tpu.memory_space<vmem>> -> memref<1x128xi32, #tpu.memory_space<vmem>>
      %dma_wait3A_215 = tpu.memref_squeeze %dma_wait3A_214 : memref<1x128xi32, #tpu.memory_space<vmem>> -> memref<128xi32, #tpu.memory_space<vmem>>
      %dma_wait3A_216 = arith.constant 0 : i32
      %dma_wait3A_217 = arith.constant 0 : i32
      %dma_wait3A_218 = tpu.memref_slice %arg13[%dma_wait3A_216, %dma_wait3A_217] : memref<10240x128xf32, #tpu.memory_space<vmem_shared>> -> memref<10240x128xf32, #tpu.memory_space<vmem_shared>>
      tpu.wait_indirect_dma semaphore(%arg16 : memref<!tpu.dma_semaphore, #tpu.memory_space<semaphore_mem>>) src(%arg11 : memref<128x128xf32, #tpu.memory_space<vmem>>) dst(%dma_wait3A_218 : memref<10240x128xf32, #tpu.memory_space<vmem_shared>>)
      %add3A_219 = arith.constant 2 : i32
      %add3A_220 = arith.addi %add3A_174, %add3A_219 : i32
      %lt3A = arith.constant 16 : i32
      %lt3A_221 = arith.cmpi slt, %add3A_220, %lt3A : i32
      %convert_element_type3A_222 = arith.extui %lt3A_221 : i1 to i32
      %cond3A_223 = arith.constant 0 : i32
      %cond3A_224 = arith.cmpi ne, %convert_element_type3A_222, %cond3A_223 : i32
      scf.if %cond3A_224 {
        %add3A_225 = arith.constant 2 : i32
        %add3A_226 = arith.addi %add3A_174, %add3A_225 : i32
        %dma_start3A_227 = arith.constant 0 : i32
        %dma_start3A_228 = tpu.memref_slice %arg8[%add3A_226, %dma_start3A_227] : memref<16x128xi32, #tpu.memory_space<vmem>> -> memref<1x128xi32, #tpu.memory_space<vmem>>
        %dma_start3A_229 = tpu.memref_squeeze %dma_start3A_228 : memref<1x128xi32, #tpu.memory_space<vmem>> -> memref<128xi32, #tpu.memory_space<vmem>>
        %dma_start3A_230 = arith.constant 0 : i32
        %dma_start3A_231 = arith.constant 0 : i32
        %dma_start3A_232 = tpu.memref_slice %arg2[%dma_start3A_230, %dma_start3A_231] : memref<10240x128xf32, #tpu.memory_space<hbm>> -> memref<10240x128xf32, #tpu.memory_space<hbm>>
        tpu.enqueue_indirect_dma source(%dma_start3A_232 : memref<10240x128xf32, #tpu.memory_space<hbm>>) target(%arg11 : memref<128x128xf32, #tpu.memory_space<vmem>>) offsets(%dma_start3A_229 : memref<128xi32, #tpu.memory_space<vmem>>) semaphore(%arg14 : memref<!tpu.dma_semaphore, #tpu.memory_space<semaphore_mem>>)
      } else {
      }
    }
    %scan3A_60 = arith.constant 8 : i32
    %dma_wait3A_61 = arith.constant 15 : i32
    %dma_wait3A_62 = arith.constant 0 : i32
    %dma_wait3A_63 = tpu.memref_slice %arg10[%dma_wait3A_61, %dma_wait3A_62] : memref<16x128xi32, #tpu.memory_space<vmem>> -> memref<1x128xi32, #tpu.memory_space<vmem>>
    %dma_wait3A_64 = tpu.memref_squeeze %dma_wait3A_63 : memref<1x128xi32, #tpu.memory_space<vmem>> -> memref<128xi32, #tpu.memory_space<vmem>>
    %dma_wait3A_65 = arith.constant 0 : i32
    %dma_wait3A_66 = arith.constant 0 : i32
    %dma_wait3A_67 = tpu.memref_slice %arg13[%dma_wait3A_65, %dma_wait3A_66] : memref<10240x128xf32, #tpu.memory_space<vmem_shared>> -> memref<10240x128xf32, #tpu.memory_space<vmem_shared>>
    tpu.wait_indirect_dma semaphore(%arg17 : memref<!tpu.dma_semaphore, #tpu.memory_space<semaphore_mem>>) src(%arg12 : memref<128x128xf32, #tpu.memory_space<vmem>>) dst(%dma_wait3A_67 : memref<10240x128xf32, #tpu.memory_space<vmem_shared>>)
    %dma_wait3A_68 = arith.constant 0 : i32
    %dma_wait3A_69 = tpu.memref_slice %arg4[%mul3A_4, %dma_wait3A_68] : memref<2560x128xi32, #tpu.memory_space<hbm>> -> memref<16x128xi32, #tpu.memory_space<hbm>>
    %dma_wait3A_70 = arith.constant 0 : i32
    %dma_wait3A_71 = tpu.memref_slice %arg4[%mul3A_4, %dma_wait3A_70] : memref<2560x128xi32, #tpu.memory_space<hbm>> -> memref<16x128xi32, #tpu.memory_space<hbm>>
    tpu.wait_dma2 semaphore(%arg18 : memref<!tpu.dma_semaphore, #tpu.memory_space<semaphore_mem>>) src(%dma_wait3A_71 : memref<16x128xi32, #tpu.memory_space<hbm>>) dst(%arg7 : memref<16x128xi32, #tpu.memory_space<vmem>>)
    %dma_wait3A_72 = arith.constant 0 : i32
    %dma_wait3A_73 = tpu.memref_slice %arg3[%mul3A_4, %dma_wait3A_72] : memref<2560x128xi32, #tpu.memory_space<hbm>> -> memref<16x128xi32, #tpu.memory_space<hbm>>
    %dma_wait3A_74 = arith.constant 0 : i32
    %dma_wait3A_75 = tpu.memref_slice %arg3[%mul3A_4, %dma_wait3A_74] : memref<2560x128xi32, #tpu.memory_space<hbm>> -> memref<16x128xi32, #tpu.memory_space<hbm>>
    tpu.wait_dma2 semaphore(%arg19 : memref<!tpu.dma_semaphore, #tpu.memory_space<semaphore_mem>>) src(%dma_wait3A_75 : memref<16x128xi32, #tpu.memory_space<hbm>>) dst(%arg9 : memref<16x128xi32, #tpu.memory_space<vmem>>)
    %dma_start3A_76 = arith.constant 0 : i32
    %dma_start3A_77 = arith.constant 0 : i32
    %dma_start3A_78 = tpu.memref_slice %arg7[%dma_start3A_76, %dma_start3A_77] : memref<16x128xi32, #tpu.memory_space<vmem>> -> memref<1x128xi32, #tpu.memory_space<vmem>>
    %dma_start3A_79 = tpu.memref_squeeze %dma_start3A_78 : memref<1x128xi32, #tpu.memory_space<vmem>> -> memref<128xi32, #tpu.memory_space<vmem>>
    %dma_start3A_80 = arith.constant 0 : i32
    %dma_start3A_81 = arith.constant 0 : i32
    %dma_start3A_82 = tpu.memref_slice %arg2[%dma_start3A_80, %dma_start3A_81] : memref<10240x128xf32, #tpu.memory_space<hbm>> -> memref<10240x128xf32, #tpu.memory_space<hbm>>
    tpu.enqueue_indirect_dma source(%dma_start3A_82 : memref<10240x128xf32, #tpu.memory_space<hbm>>) target(%arg11 : memref<128x128xf32, #tpu.memory_space<vmem>>) offsets(%dma_start3A_79 : memref<128xi32, #tpu.memory_space<vmem>>) semaphore(%arg14 : memref<!tpu.dma_semaphore, #tpu.memory_space<semaphore_mem>>)
    %add3A_83 = arith.constant 48 : i32
    %add3A_84 = arith.addi %mul3A_4, %add3A_83 : i32
    %dma_start3A_85 = arith.constant 0 : i32
    %dma_start3A_86 = tpu.memref_slice %arg4[%add3A_84, %dma_start3A_85] : memref<2560x128xi32, #tpu.memory_space<hbm>> -> memref<16x128xi32, #tpu.memory_space<hbm>>
    %dma_start3A_87 = arith.constant 0 : i32
    %dma_start3A_88 = tpu.memref_slice %arg4[%add3A_84, %dma_start3A_87] : memref<2560x128xi32, #tpu.memory_space<hbm>> -> memref<16x128xi32, #tpu.memory_space<hbm>>
    tpu.enqueue_dma source(%dma_start3A_88 : memref<16x128xi32, #tpu.memory_space<hbm>>) target(%arg8 : memref<16x128xi32, #tpu.memory_space<vmem>>) target_semaphore(%arg18 : memref<!tpu.dma_semaphore, #tpu.memory_space<semaphore_mem>>)
    %dma_start3A_89 = arith.constant 0 : i32
    %dma_start3A_90 = tpu.memref_slice %arg3[%add3A_84, %dma_start3A_89] : memref<2560x128xi32, #tpu.memory_space<hbm>> -> memref<16x128xi32, #tpu.memory_space<hbm>>
    %dma_start3A_91 = arith.constant 0 : i32
    %dma_start3A_92 = tpu.memref_slice %arg3[%add3A_84, %dma_start3A_91] : memref<2560x128xi32, #tpu.memory_space<hbm>> -> memref<16x128xi32, #tpu.memory_space<hbm>>
    tpu.enqueue_dma source(%dma_start3A_92 : memref<16x128xi32, #tpu.memory_space<hbm>>) target(%arg10 : memref<16x128xi32, #tpu.memory_space<vmem>>) target_semaphore(%arg19 : memref<!tpu.dma_semaphore, #tpu.memory_space<semaphore_mem>>)
    %scan3A_93 = arith.constant 0 : i32
    %scan3A_94 = arith.constant 8 : i32
    %scan3A_95 = arith.addi %scan3A_93, %scan3A_94 : i32
    %scan3A_96 = arith.constant 1 : i32
    scf.for %scan3A_170 = %scan3A_93 to %scan3A_95 step %scan3A_96  : i32 {
      %mul3A_171 = arith.constant 2 : i32
      %mul3A_172 = arith.muli %scan3A_170, %mul3A_171 : i32
      %add3A_173 = arith.constant 0 : i32
      %add3A_174 = arith.addi %add3A_173, %mul3A_172 : i32
      %dma_wait3A_175 = arith.constant 0 : i32
      %dma_wait3A_176 = tpu.memref_slice %arg7[%add3A_174, %dma_wait3A_175] : memref<16x128xi32, #tpu.memory_space<vmem>> -> memref<1x128xi32, #tpu.memory_space<vmem>>
      %dma_wait3A_177 = tpu.memref_squeeze %dma_wait3A_176 : memref<1x128xi32, #tpu.memory_space<vmem>> -> memref<128xi32, #tpu.memory_space<vmem>>
      %dma_wait3A_178 = arith.constant 0 : i32
      %dma_wait3A_179 = arith.constant 0 : i32
      %dma_wait3A_180 = tpu.memref_slice %arg2[%dma_wait3A_178, %dma_wait3A_179] : memref<10240x128xf32, #tpu.memory_space<hbm>> -> memref<10240x128xf32, #tpu.memory_space<hbm>>
      tpu.wait_indirect_dma semaphore(%arg14 : memref<!tpu.dma_semaphore, #tpu.memory_space<semaphore_mem>>) src(%dma_wait3A_180 : memref<10240x128xf32, #tpu.memory_space<hbm>>) dst(%arg11 : memref<128x128xf32, #tpu.memory_space<vmem>>)
      %dma_start3A_181 = arith.constant 0 : i32
      %dma_start3A_182 = tpu.memref_slice %arg9[%add3A_174, %dma_start3A_181] : memref<16x128xi32, #tpu.memory_space<vmem>> -> memref<1x128xi32, #tpu.memory_space<vmem>>
      %dma_start3A_183 = tpu.memref_squeeze %dma_start3A_182 : memref<1x128xi32, #tpu.memory_space<vmem>> -> memref<128xi32, #tpu.memory_space<vmem>>
      %dma_start3A_184 = arith.constant 0 : i32
      %dma_start3A_185 = arith.constant 0 : i32
      %dma_start3A_186 = tpu.memref_slice %arg13[%dma_start3A_184, %dma_start3A_185] : memref<10240x128xf32, #tpu.memory_space<vmem_shared>> -> memref<10240x128xf32, #tpu.memory_space<vmem_shared>>
      tpu.enqueue_indirect_dma source(%arg11 : memref<128x128xf32, #tpu.memory_space<vmem>>) target(%dma_start3A_186 : memref<10240x128xf32, #tpu.memory_space<vmem_shared>>) offsets(%dma_start3A_183 : memref<128xi32, #tpu.memory_space<vmem>>) semaphore(%arg16 : memref<!tpu.dma_semaphore, #tpu.memory_space<semaphore_mem>>) {add = true}
      %ge3A = arith.constant 1 : i32
      %ge3A_187 = arith.cmpi sge, %add3A_174, %ge3A : i32
      %convert_element_type3A = arith.extui %ge3A_187 : i1 to i32
      %cond3A = arith.constant 0 : i32
      %cond3A_188 = arith.cmpi ne, %convert_element_type3A, %cond3A : i32
      scf.if %cond3A_188 {
        %sub3A = arith.constant 1 : i32
        %sub3A_225 = arith.subi %add3A_174, %sub3A : i32
        %dma_wait3A_226 = arith.constant 0 : i32
        %dma_wait3A_227 = tpu.memref_slice %arg9[%sub3A_225, %dma_wait3A_226] : memref<16x128xi32, #tpu.memory_space<vmem>> -> memref<1x128xi32, #tpu.memory_space<vmem>>
        %dma_wait3A_228 = tpu.memref_squeeze %dma_wait3A_227 : memref<1x128xi32, #tpu.memory_space<vmem>> -> memref<128xi32, #tpu.memory_space<vmem>>
        %dma_wait3A_229 = arith.constant 0 : i32
        %dma_wait3A_230 = arith.constant 0 : i32
        %dma_wait3A_231 = tpu.memref_slice %arg13[%dma_wait3A_229, %dma_wait3A_230] : memref<10240x128xf32, #tpu.memory_space<vmem_shared>> -> memref<10240x128xf32, #tpu.memory_space<vmem_shared>>
        tpu.wait_indirect_dma semaphore(%arg17 : memref<!tpu.dma_semaphore, #tpu.memory_space<semaphore_mem>>) src(%arg12 : memref<128x128xf32, #tpu.memory_space<vmem>>) dst(%dma_wait3A_231 : memref<10240x128xf32, #tpu.memory_space<vmem_shared>>)
      } else {
      }
      %add3A_189 = arith.constant 1 : i32
      %add3A_190 = arith.addi %add3A_174, %add3A_189 : i32
      %dma_start3A_191 = arith.constant 0 : i32
      %dma_start3A_192 = tpu.memref_slice %arg7[%add3A_190, %dma_start3A_191] : memref<16x128xi32, #tpu.memory_space<vmem>> -> memref<1x128xi32, #tpu.memory_space<vmem>>
      %dma_start3A_193 = tpu.memref_squeeze %dma_start3A_192 : memref<1x128xi32, #tpu.memory_space<vmem>> -> memref<128xi32, #tpu.memory_space<vmem>>
      %dma_start3A_194 = arith.constant 0 : i32
      %dma_start3A_195 = arith.constant 0 : i32
      %dma_start3A_196 = tpu.memref_slice %arg2[%dma_start3A_194, %dma_start3A_195] : memref<10240x128xf32, #tpu.memory_space<hbm>> -> memref<10240x128xf32, #tpu.memory_space<hbm>>
      tpu.enqueue_indirect_dma source(%dma_start3A_196 : memref<10240x128xf32, #tpu.memory_space<hbm>>) target(%arg12 : memref<128x128xf32, #tpu.memory_space<vmem>>) offsets(%dma_start3A_193 : memref<128xi32, #tpu.memory_space<vmem>>) semaphore(%arg15 : memref<!tpu.dma_semaphore, #tpu.memory_space<semaphore_mem>>)
      %add3A_197 = arith.constant 1 : i32
      %add3A_198 = arith.addi %add3A_174, %add3A_197 : i32
      %dma_wait3A_199 = arith.constant 0 : i32
      %dma_wait3A_200 = tpu.memref_slice %arg7[%add3A_198, %dma_wait3A_199] : memref<16x128xi32, #tpu.memory_space<vmem>> -> memref<1x128xi32, #tpu.memory_space<vmem>>
      %dma_wait3A_201 = tpu.memref_squeeze %dma_wait3A_200 : memref<1x128xi32, #tpu.memory_space<vmem>> -> memref<128xi32, #tpu.memory_space<vmem>>
      %dma_wait3A_202 = arith.constant 0 : i32
      %dma_wait3A_203 = arith.constant 0 : i32
      %dma_wait3A_204 = tpu.memref_slice %arg2[%dma_wait3A_202, %dma_wait3A_203] : memref<10240x128xf32, #tpu.memory_space<hbm>> -> memref<10240x128xf32, #tpu.memory_space<hbm>>
      tpu.wait_indirect_dma semaphore(%arg15 : memref<!tpu.dma_semaphore, #tpu.memory_space<semaphore_mem>>) src(%dma_wait3A_204 : memref<10240x128xf32, #tpu.memory_space<hbm>>) dst(%arg12 : memref<128x128xf32, #tpu.memory_space<vmem>>)
      %add3A_205 = arith.constant 1 : i32
      %add3A_206 = arith.addi %add3A_174, %add3A_205 : i32
      %dma_start3A_207 = arith.constant 0 : i32
      %dma_start3A_208 = tpu.memref_slice %arg9[%add3A_206, %dma_start3A_207] : memref<16x128xi32, #tpu.memory_space<vmem>> -> memref<1x128xi32, #tpu.memory_space<vmem>>
      %dma_start3A_209 = tpu.memref_squeeze %dma_start3A_208 : memref<1x128xi32, #tpu.memory_space<vmem>> -> memref<128xi32, #tpu.memory_space<vmem>>
      %dma_start3A_210 = arith.constant 0 : i32
      %dma_start3A_211 = arith.constant 0 : i32
      %dma_start3A_212 = tpu.memref_slice %arg13[%dma_start3A_210, %dma_start3A_211] : memref<10240x128xf32, #tpu.memory_space<vmem_shared>> -> memref<10240x128xf32, #tpu.memory_space<vmem_shared>>
      tpu.enqueue_indirect_dma source(%arg12 : memref<128x128xf32, #tpu.memory_space<vmem>>) target(%dma_start3A_212 : memref<10240x128xf32, #tpu.memory_space<vmem_shared>>) offsets(%dma_start3A_209 : memref<128xi32, #tpu.memory_space<vmem>>) semaphore(%arg17 : memref<!tpu.dma_semaphore, #tpu.memory_space<semaphore_mem>>) {add = true}
      %dma_wait3A_213 = arith.constant 0 : i32
      %dma_wait3A_214 = tpu.memref_slice %arg9[%add3A_174, %dma_wait3A_213] : memref<16x128xi32, #tpu.memory_space<vmem>> -> memref<1x128xi32, #tpu.memory_space<vmem>>
      %dma_wait3A_215 = tpu.memref_squeeze %dma_wait3A_214 : memref<1x128xi32, #tpu.memory_space<vmem>> -> memref<128xi32, #tpu.memory_space<vmem>>
      %dma_wait3A_216 = arith.constant 0 : i32
      %dma_wait3A_217 = arith.constant 0 : i32
      %dma_wait3A_218 = tpu.memref_slice %arg13[%dma_wait3A_216, %dma_wait3A_217] : memref<10240x128xf32, #tpu.memory_space<vmem_shared>> -> memref<10240x128xf32, #tpu.memory_space<vmem_shared>>
      tpu.wait_indirect_dma semaphore(%arg16 : memref<!tpu.dma_semaphore, #tpu.memory_space<semaphore_mem>>) src(%arg11 : memref<128x128xf32, #tpu.memory_space<vmem>>) dst(%dma_wait3A_218 : memref<10240x128xf32, #tpu.memory_space<vmem_shared>>)
      %add3A_219 = arith.constant 2 : i32
      %add3A_220 = arith.addi %add3A_174, %add3A_219 : i32
      %lt3A = arith.constant 16 : i32
      %lt3A_221 = arith.cmpi slt, %add3A_220, %lt3A : i32
      %convert_element_type3A_222 = arith.extui %lt3A_221 : i1 to i32
      %cond3A_223 = arith.constant 0 : i32
      %cond3A_224 = arith.cmpi ne, %convert_element_type3A_222, %cond3A_223 : i32
      scf.if %cond3A_224 {
        %add3A_225 = arith.constant 2 : i32
        %add3A_226 = arith.addi %add3A_174, %add3A_225 : i32
        %dma_start3A_227 = arith.constant 0 : i32
        %dma_start3A_228 = tpu.memref_slice %arg7[%add3A_226, %dma_start3A_227] : memref<16x128xi32, #tpu.memory_space<vmem>> -> memref<1x128xi32, #tpu.memory_space<vmem>>
        %dma_start3A_229 = tpu.memref_squeeze %dma_start3A_228 : memref<1x128xi32, #tpu.memory_space<vmem>> -> memref<128xi32, #tpu.memory_space<vmem>>
        %dma_start3A_230 = arith.constant 0 : i32
        %dma_start3A_231 = arith.constant 0 : i32
        %dma_start3A_232 = tpu.memref_slice %arg2[%dma_start3A_230, %dma_start3A_231] : memref<10240x128xf32, #tpu.memory_space<hbm>> -> memref<10240x128xf32, #tpu.memory_space<hbm>>
        tpu.enqueue_indirect_dma source(%dma_start3A_232 : memref<10240x128xf32, #tpu.memory_space<hbm>>) target(%arg11 : memref<128x128xf32, #tpu.memory_space<vmem>>) offsets(%dma_start3A_229 : memref<128xi32, #tpu.memory_space<vmem>>) semaphore(%arg14 : memref<!tpu.dma_semaphore, #tpu.memory_space<semaphore_mem>>)
      } else {
      }
    }
    %scan3A_97 = arith.constant 8 : i32
    %dma_wait3A_98 = arith.constant 15 : i32
    %dma_wait3A_99 = arith.constant 0 : i32
    %dma_wait3A_100 = tpu.memref_slice %arg9[%dma_wait3A_98, %dma_wait3A_99] : memref<16x128xi32, #tpu.memory_space<vmem>> -> memref<1x128xi32, #tpu.memory_space<vmem>>
    %dma_wait3A_101 = tpu.memref_squeeze %dma_wait3A_100 : memref<1x128xi32, #tpu.memory_space<vmem>> -> memref<128xi32, #tpu.memory_space<vmem>>
    %dma_wait3A_102 = arith.constant 0 : i32
    %dma_wait3A_103 = arith.constant 0 : i32
    %dma_wait3A_104 = tpu.memref_slice %arg13[%dma_wait3A_102, %dma_wait3A_103] : memref<10240x128xf32, #tpu.memory_space<vmem_shared>> -> memref<10240x128xf32, #tpu.memory_space<vmem_shared>>
    tpu.wait_indirect_dma semaphore(%arg17 : memref<!tpu.dma_semaphore, #tpu.memory_space<semaphore_mem>>) src(%arg12 : memref<128x128xf32, #tpu.memory_space<vmem>>) dst(%dma_wait3A_104 : memref<10240x128xf32, #tpu.memory_space<vmem_shared>>)
    %dma_wait3A_105 = arith.constant 0 : i32
    %dma_wait3A_106 = tpu.memref_slice %arg4[%mul3A_4, %dma_wait3A_105] : memref<2560x128xi32, #tpu.memory_space<hbm>> -> memref<16x128xi32, #tpu.memory_space<hbm>>
    %dma_wait3A_107 = arith.constant 0 : i32
    %dma_wait3A_108 = tpu.memref_slice %arg4[%mul3A_4, %dma_wait3A_107] : memref<2560x128xi32, #tpu.memory_space<hbm>> -> memref<16x128xi32, #tpu.memory_space<hbm>>
    tpu.wait_dma2 semaphore(%arg18 : memref<!tpu.dma_semaphore, #tpu.memory_space<semaphore_mem>>) src(%dma_wait3A_108 : memref<16x128xi32, #tpu.memory_space<hbm>>) dst(%arg8 : memref<16x128xi32, #tpu.memory_space<vmem>>)
    %dma_wait3A_109 = arith.constant 0 : i32
    %dma_wait3A_110 = tpu.memref_slice %arg3[%mul3A_4, %dma_wait3A_109] : memref<2560x128xi32, #tpu.memory_space<hbm>> -> memref<16x128xi32, #tpu.memory_space<hbm>>
    %dma_wait3A_111 = arith.constant 0 : i32
    %dma_wait3A_112 = tpu.memref_slice %arg3[%mul3A_4, %dma_wait3A_111] : memref<2560x128xi32, #tpu.memory_space<hbm>> -> memref<16x128xi32, #tpu.memory_space<hbm>>
    tpu.wait_dma2 semaphore(%arg19 : memref<!tpu.dma_semaphore, #tpu.memory_space<semaphore_mem>>) src(%dma_wait3A_112 : memref<16x128xi32, #tpu.memory_space<hbm>>) dst(%arg10 : memref<16x128xi32, #tpu.memory_space<vmem>>)
    %dma_start3A_113 = arith.constant 0 : i32
    %dma_start3A_114 = arith.constant 0 : i32
    %dma_start3A_115 = tpu.memref_slice %arg8[%dma_start3A_113, %dma_start3A_114] : memref<16x128xi32, #tpu.memory_space<vmem>> -> memref<1x128xi32, #tpu.memory_space<vmem>>
    %dma_start3A_116 = tpu.memref_squeeze %dma_start3A_115 : memref<1x128xi32, #tpu.memory_space<vmem>> -> memref<128xi32, #tpu.memory_space<vmem>>
    %dma_start3A_117 = arith.constant 0 : i32
    %dma_start3A_118 = arith.constant 0 : i32
    %dma_start3A_119 = tpu.memref_slice %arg2[%dma_start3A_117, %dma_start3A_118] : memref<10240x128xf32, #tpu.memory_space<hbm>> -> memref<10240x128xf32, #tpu.memory_space<hbm>>
    tpu.enqueue_indirect_dma source(%dma_start3A_119 : memref<10240x128xf32, #tpu.memory_space<hbm>>) target(%arg11 : memref<128x128xf32, #tpu.memory_space<vmem>>) offsets(%dma_start3A_116 : memref<128xi32, #tpu.memory_space<vmem>>) semaphore(%arg14 : memref<!tpu.dma_semaphore, #tpu.memory_space<semaphore_mem>>)
    %add3A_120 = arith.constant 64 : i32
    %add3A_121 = arith.addi %mul3A_4, %add3A_120 : i32
    %dma_start3A_122 = arith.constant 0 : i32
    %dma_start3A_123 = tpu.memref_slice %arg4[%add3A_121, %dma_start3A_122] : memref<2560x128xi32, #tpu.memory_space<hbm>> -> memref<16x128xi32, #tpu.memory_space<hbm>>
    %dma_start3A_124 = arith.constant 0 : i32
    %dma_start3A_125 = tpu.memref_slice %arg4[%add3A_121, %dma_start3A_124] : memref<2560x128xi32, #tpu.memory_space<hbm>> -> memref<16x128xi32, #tpu.memory_space<hbm>>
    tpu.enqueue_dma source(%dma_start3A_125 : memref<16x128xi32, #tpu.memory_space<hbm>>) target(%arg7 : memref<16x128xi32, #tpu.memory_space<vmem>>) target_semaphore(%arg18 : memref<!tpu.dma_semaphore, #tpu.memory_space<semaphore_mem>>)
    %dma_start3A_126 = arith.constant 0 : i32
    %dma_start3A_127 = tpu.memref_slice %arg3[%add3A_121, %dma_start3A_126] : memref<2560x128xi32, #tpu.memory_space<hbm>> -> memref<16x128xi32, #tpu.memory_space<hbm>>
    %dma_start3A_128 = arith.constant 0 : i32
    %dma_start3A_129 = tpu.memref_slice %arg3[%add3A_121, %dma_start3A_128] : memref<2560x128xi32, #tpu.memory_space<hbm>> -> memref<16x128xi32, #tpu.memory_space<hbm>>
    tpu.enqueue_dma source(%dma_start3A_129 : memref<16x128xi32, #tpu.memory_space<hbm>>) target(%arg9 : memref<16x128xi32, #tpu.memory_space<vmem>>) target_semaphore(%arg19 : memref<!tpu.dma_semaphore, #tpu.memory_space<semaphore_mem>>)
    %scan3A_130 = arith.constant 0 : i32
    %scan3A_131 = arith.constant 8 : i32
    %scan3A_132 = arith.addi %scan3A_130, %scan3A_131 : i32
    %scan3A_133 = arith.constant 1 : i32
    scf.for %scan3A_170 = %scan3A_130 to %scan3A_132 step %scan3A_133  : i32 {
      %mul3A_171 = arith.constant 2 : i32
      %mul3A_172 = arith.muli %scan3A_170, %mul3A_171 : i32
      %add3A_173 = arith.constant 0 : i32
      %add3A_174 = arith.addi %add3A_173, %mul3A_172 : i32
      %dma_wait3A_175 = arith.constant 0 : i32
      %dma_wait3A_176 = tpu.memref_slice %arg8[%add3A_174, %dma_wait3A_175] : memref<16x128xi32, #tpu.memory_space<vmem>> -> memref<1x128xi32, #tpu.memory_space<vmem>>
      %dma_wait3A_177 = tpu.memref_squeeze %dma_wait3A_176 : memref<1x128xi32, #tpu.memory_space<vmem>> -> memref<128xi32, #tpu.memory_space<vmem>>
      %dma_wait3A_178 = arith.constant 0 : i32
      %dma_wait3A_179 = arith.constant 0 : i32
      %dma_wait3A_180 = tpu.memref_slice %arg2[%dma_wait3A_178, %dma_wait3A_179] : memref<10240x128xf32, #tpu.memory_space<hbm>> -> memref<10240x128xf32, #tpu.memory_space<hbm>>
      tpu.wait_indirect_dma semaphore(%arg14 : memref<!tpu.dma_semaphore, #tpu.memory_space<semaphore_mem>>) src(%dma_wait3A_180 : memref<10240x128xf32, #tpu.memory_space<hbm>>) dst(%arg11 : memref<128x128xf32, #tpu.memory_space<vmem>>)
      %dma_start3A_181 = arith.constant 0 : i32
      %dma_start3A_182 = tpu.memref_slice %arg10[%add3A_174, %dma_start3A_181] : memref<16x128xi32, #tpu.memory_space<vmem>> -> memref<1x128xi32, #tpu.memory_space<vmem>>
      %dma_start3A_183 = tpu.memref_squeeze %dma_start3A_182 : memref<1x128xi32, #tpu.memory_space<vmem>> -> memref<128xi32, #tpu.memory_space<vmem>>
      %dma_start3A_184 = arith.constant 0 : i32
      %dma_start3A_185 = arith.constant 0 : i32
      %dma_start3A_186 = tpu.memref_slice %arg13[%dma_start3A_184, %dma_start3A_185] : memref<10240x128xf32, #tpu.memory_space<vmem_shared>> -> memref<10240x128xf32, #tpu.memory_space<vmem_shared>>
      tpu.enqueue_indirect_dma source(%arg11 : memref<128x128xf32, #tpu.memory_space<vmem>>) target(%dma_start3A_186 : memref<10240x128xf32, #tpu.memory_space<vmem_shared>>) offsets(%dma_start3A_183 : memref<128xi32, #tpu.memory_space<vmem>>) semaphore(%arg16 : memref<!tpu.dma_semaphore, #tpu.memory_space<semaphore_mem>>) {add = true}
      %ge3A = arith.constant 1 : i32
      %ge3A_187 = arith.cmpi sge, %add3A_174, %ge3A : i32
      %convert_element_type3A = arith.extui %ge3A_187 : i1 to i32
      %cond3A = arith.constant 0 : i32
      %cond3A_188 = arith.cmpi ne, %convert_element_type3A, %cond3A : i32
      scf.if %cond3A_188 {
        %sub3A = arith.constant 1 : i32
        %sub3A_225 = arith.subi %add3A_174, %sub3A : i32
        %dma_wait3A_226 = arith.constant 0 : i32
        %dma_wait3A_227 = tpu.memref_slice %arg10[%sub3A_225, %dma_wait3A_226] : memref<16x128xi32, #tpu.memory_space<vmem>> -> memref<1x128xi32, #tpu.memory_space<vmem>>
        %dma_wait3A_228 = tpu.memref_squeeze %dma_wait3A_227 : memref<1x128xi32, #tpu.memory_space<vmem>> -> memref<128xi32, #tpu.memory_space<vmem>>
        %dma_wait3A_229 = arith.constant 0 : i32
        %dma_wait3A_230 = arith.constant 0 : i32
        %dma_wait3A_231 = tpu.memref_slice %arg13[%dma_wait3A_229, %dma_wait3A_230] : memref<10240x128xf32, #tpu.memory_space<vmem_shared>> -> memref<10240x128xf32, #tpu.memory_space<vmem_shared>>
        tpu.wait_indirect_dma semaphore(%arg17 : memref<!tpu.dma_semaphore, #tpu.memory_space<semaphore_mem>>) src(%arg12 : memref<128x128xf32, #tpu.memory_space<vmem>>) dst(%dma_wait3A_231 : memref<10240x128xf32, #tpu.memory_space<vmem_shared>>)
      } else {
      }
      %add3A_189 = arith.constant 1 : i32
      %add3A_190 = arith.addi %add3A_174, %add3A_189 : i32
      %dma_start3A_191 = arith.constant 0 : i32
      %dma_start3A_192 = tpu.memref_slice %arg8[%add3A_190, %dma_start3A_191] : memref<16x128xi32, #tpu.memory_space<vmem>> -> memref<1x128xi32, #tpu.memory_space<vmem>>
      %dma_start3A_193 = tpu.memref_squeeze %dma_start3A_192 : memref<1x128xi32, #tpu.memory_space<vmem>> -> memref<128xi32, #tpu.memory_space<vmem>>
      %dma_start3A_194 = arith.constant 0 : i32
      %dma_start3A_195 = arith.constant 0 : i32
      %dma_start3A_196 = tpu.memref_slice %arg2[%dma_start3A_194, %dma_start3A_195] : memref<10240x128xf32, #tpu.memory_space<hbm>> -> memref<10240x128xf32, #tpu.memory_space<hbm>>
      tpu.enqueue_indirect_dma source(%dma_start3A_196 : memref<10240x128xf32, #tpu.memory_space<hbm>>) target(%arg12 : memref<128x128xf32, #tpu.memory_space<vmem>>) offsets(%dma_start3A_193 : memref<128xi32, #tpu.memory_space<vmem>>) semaphore(%arg15 : memref<!tpu.dma_semaphore, #tpu.memory_space<semaphore_mem>>)
      %add3A_197 = arith.constant 1 : i32
      %add3A_198 = arith.addi %add3A_174, %add3A_197 : i32
      %dma_wait3A_199 = arith.constant 0 : i32
      %dma_wait3A_200 = tpu.memref_slice %arg8[%add3A_198, %dma_wait3A_199] : memref<16x128xi32, #tpu.memory_space<vmem>> -> memref<1x128xi32, #tpu.memory_space<vmem>>
      %dma_wait3A_201 = tpu.memref_squeeze %dma_wait3A_200 : memref<1x128xi32, #tpu.memory_space<vmem>> -> memref<128xi32, #tpu.memory_space<vmem>>
      %dma_wait3A_202 = arith.constant 0 : i32
      %dma_wait3A_203 = arith.constant 0 : i32
      %dma_wait3A_204 = tpu.memref_slice %arg2[%dma_wait3A_202, %dma_wait3A_203] : memref<10240x128xf32, #tpu.memory_space<hbm>> -> memref<10240x128xf32, #tpu.memory_space<hbm>>
      tpu.wait_indirect_dma semaphore(%arg15 : memref<!tpu.dma_semaphore, #tpu.memory_space<semaphore_mem>>) src(%dma_wait3A_204 : memref<10240x128xf32, #tpu.memory_space<hbm>>) dst(%arg12 : memref<128x128xf32, #tpu.memory_space<vmem>>)
      %add3A_205 = arith.constant 1 : i32
      %add3A_206 = arith.addi %add3A_174, %add3A_205 : i32
      %dma_start3A_207 = arith.constant 0 : i32
      %dma_start3A_208 = tpu.memref_slice %arg10[%add3A_206, %dma_start3A_207] : memref<16x128xi32, #tpu.memory_space<vmem>> -> memref<1x128xi32, #tpu.memory_space<vmem>>
      %dma_start3A_209 = tpu.memref_squeeze %dma_start3A_208 : memref<1x128xi32, #tpu.memory_space<vmem>> -> memref<128xi32, #tpu.memory_space<vmem>>
      %dma_start3A_210 = arith.constant 0 : i32
      %dma_start3A_211 = arith.constant 0 : i32
      %dma_start3A_212 = tpu.memref_slice %arg13[%dma_start3A_210, %dma_start3A_211] : memref<10240x128xf32, #tpu.memory_space<vmem_shared>> -> memref<10240x128xf32, #tpu.memory_space<vmem_shared>>
      tpu.enqueue_indirect_dma source(%arg12 : memref<128x128xf32, #tpu.memory_space<vmem>>) target(%dma_start3A_212 : memref<10240x128xf32, #tpu.memory_space<vmem_shared>>) offsets(%dma_start3A_209 : memref<128xi32, #tpu.memory_space<vmem>>) semaphore(%arg17 : memref<!tpu.dma_semaphore, #tpu.memory_space<semaphore_mem>>) {add = true}
      %dma_wait3A_213 = arith.constant 0 : i32
      %dma_wait3A_214 = tpu.memref_slice %arg10[%add3A_174, %dma_wait3A_213] : memref<16x128xi32, #tpu.memory_space<vmem>> -> memref<1x128xi32, #tpu.memory_space<vmem>>
      %dma_wait3A_215 = tpu.memref_squeeze %dma_wait3A_214 : memref<1x128xi32, #tpu.memory_space<vmem>> -> memref<128xi32, #tpu.memory_space<vmem>>
      %dma_wait3A_216 = arith.constant 0 : i32
      %dma_wait3A_217 = arith.constant 0 : i32
      %dma_wait3A_218 = tpu.memref_slice %arg13[%dma_wait3A_216, %dma_wait3A_217] : memref<10240x128xf32, #tpu.memory_space<vmem_shared>> -> memref<10240x128xf32, #tpu.memory_space<vmem_shared>>
      tpu.wait_indirect_dma semaphore(%arg16 : memref<!tpu.dma_semaphore, #tpu.memory_space<semaphore_mem>>) src(%arg11 : memref<128x128xf32, #tpu.memory_space<vmem>>) dst(%dma_wait3A_218 : memref<10240x128xf32, #tpu.memory_space<vmem_shared>>)
      %add3A_219 = arith.constant 2 : i32
      %add3A_220 = arith.addi %add3A_174, %add3A_219 : i32
      %lt3A = arith.constant 16 : i32
      %lt3A_221 = arith.cmpi slt, %add3A_220, %lt3A : i32
      %convert_element_type3A_222 = arith.extui %lt3A_221 : i1 to i32
      %cond3A_223 = arith.constant 0 : i32
      %cond3A_224 = arith.cmpi ne, %convert_element_type3A_222, %cond3A_223 : i32
      scf.if %cond3A_224 {
        %add3A_225 = arith.constant 2 : i32
        %add3A_226 = arith.addi %add3A_174, %add3A_225 : i32
        %dma_start3A_227 = arith.constant 0 : i32
        %dma_start3A_228 = tpu.memref_slice %arg8[%add3A_226, %dma_start3A_227] : memref<16x128xi32, #tpu.memory_space<vmem>> -> memref<1x128xi32, #tpu.memory_space<vmem>>
        %dma_start3A_229 = tpu.memref_squeeze %dma_start3A_228 : memref<1x128xi32, #tpu.memory_space<vmem>> -> memref<128xi32, #tpu.memory_space<vmem>>
        %dma_start3A_230 = arith.constant 0 : i32
        %dma_start3A_231 = arith.constant 0 : i32
        %dma_start3A_232 = tpu.memref_slice %arg2[%dma_start3A_230, %dma_start3A_231] : memref<10240x128xf32, #tpu.memory_space<hbm>> -> memref<10240x128xf32, #tpu.memory_space<hbm>>
        tpu.enqueue_indirect_dma source(%dma_start3A_232 : memref<10240x128xf32, #tpu.memory_space<hbm>>) target(%arg11 : memref<128x128xf32, #tpu.memory_space<vmem>>) offsets(%dma_start3A_229 : memref<128xi32, #tpu.memory_space<vmem>>) semaphore(%arg14 : memref<!tpu.dma_semaphore, #tpu.memory_space<semaphore_mem>>)
      } else {
      }
    }
    %scan3A_134 = arith.constant 8 : i32
    %dma_wait3A_135 = arith.constant 15 : i32
    %dma_wait3A_136 = arith.constant 0 : i32
    %dma_wait3A_137 = tpu.memref_slice %arg10[%dma_wait3A_135, %dma_wait3A_136] : memref<16x128xi32, #tpu.memory_space<vmem>> -> memref<1x128xi32, #tpu.memory_space<vmem>>
    %dma_wait3A_138 = tpu.memref_squeeze %dma_wait3A_137 : memref<1x128xi32, #tpu.memory_space<vmem>> -> memref<128xi32, #tpu.memory_space<vmem>>
    %dma_wait3A_139 = arith.constant 0 : i32
    %dma_wait3A_140 = arith.constant 0 : i32
    %dma_wait3A_141 = tpu.memref_slice %arg13[%dma_wait3A_139, %dma_wait3A_140] : memref<10240x128xf32, #tpu.memory_space<vmem_shared>> -> memref<10240x128xf32, #tpu.memory_space<vmem_shared>>
    tpu.wait_indirect_dma semaphore(%arg17 : memref<!tpu.dma_semaphore, #tpu.memory_space<semaphore_mem>>) src(%arg12 : memref<128x128xf32, #tpu.memory_space<vmem>>) dst(%dma_wait3A_141 : memref<10240x128xf32, #tpu.memory_space<vmem_shared>>)
    %dma_wait3A_142 = arith.constant 0 : i32
    %dma_wait3A_143 = tpu.memref_slice %arg4[%mul3A_4, %dma_wait3A_142] : memref<2560x128xi32, #tpu.memory_space<hbm>> -> memref<16x128xi32, #tpu.memory_space<hbm>>
    %dma_wait3A_144 = arith.constant 0 : i32
    %dma_wait3A_145 = tpu.memref_slice %arg4[%mul3A_4, %dma_wait3A_144] : memref<2560x128xi32, #tpu.memory_space<hbm>> -> memref<16x128xi32, #tpu.memory_space<hbm>>
    tpu.wait_dma2 semaphore(%arg18 : memref<!tpu.dma_semaphore, #tpu.memory_space<semaphore_mem>>) src(%dma_wait3A_145 : memref<16x128xi32, #tpu.memory_space<hbm>>) dst(%arg7 : memref<16x128xi32, #tpu.memory_space<vmem>>)
    %dma_wait3A_146 = arith.constant 0 : i32
    %dma_wait3A_147 = tpu.memref_slice %arg3[%mul3A_4, %dma_wait3A_146] : memref<2560x128xi32, #tpu.memory_space<hbm>> -> memref<16x128xi32, #tpu.memory_space<hbm>>
    %dma_wait3A_148 = arith.constant 0 : i32
    %dma_wait3A_149 = tpu.memref_slice %arg3[%mul3A_4, %dma_wait3A_148] : memref<2560x128xi32, #tpu.memory_space<hbm>> -> memref<16x128xi32, #tpu.memory_space<hbm>>
    tpu.wait_dma2 semaphore(%arg19 : memref<!tpu.dma_semaphore, #tpu.memory_space<semaphore_mem>>) src(%dma_wait3A_149 : memref<16x128xi32, #tpu.memory_space<hbm>>) dst(%arg9 : memref<16x128xi32, #tpu.memory_space<vmem>>)
    %dma_start3A_150 = arith.constant 0 : i32
    %dma_start3A_151 = arith.constant 0 : i32
    %dma_start3A_152 = tpu.memref_slice %arg7[%dma_start3A_150, %dma_start3A_151] : memref<16x128xi32, #tpu.memory_space<vmem>> -> memref<1x128xi32, #tpu.memory_space<vmem>>
    %dma_start3A_153 = tpu.memref_squeeze %dma_start3A_152 : memref<1x128xi32, #tpu.memory_space<vmem>> -> memref<128xi32, #tpu.memory_space<vmem>>
    %dma_start3A_154 = arith.constant 0 : i32
    %dma_start3A_155 = arith.constant 0 : i32
    %dma_start3A_156 = tpu.memref_slice %arg2[%dma_start3A_154, %dma_start3A_155] : memref<10240x128xf32, #tpu.memory_space<hbm>> -> memref<10240x128xf32, #tpu.memory_space<hbm>>
    tpu.enqueue_indirect_dma source(%dma_start3A_156 : memref<10240x128xf32, #tpu.memory_space<hbm>>) target(%arg11 : memref<128x128xf32, #tpu.memory_space<vmem>>) offsets(%dma_start3A_153 : memref<128xi32, #tpu.memory_space<vmem>>) semaphore(%arg14 : memref<!tpu.dma_semaphore, #tpu.memory_space<semaphore_mem>>)
    %scan3A_157 = arith.constant 0 : i32
    %scan3A_158 = arith.constant 8 : i32
    %scan3A_159 = arith.addi %scan3A_157, %scan3A_158 : i32
    %scan3A_160 = arith.constant 1 : i32
    scf.for %scan3A_170 = %scan3A_157 to %scan3A_159 step %scan3A_160  : i32 {
      %mul3A_171 = arith.constant 2 : i32
      %mul3A_172 = arith.muli %scan3A_170, %mul3A_171 : i32
      %add3A_173 = arith.constant 0 : i32
      %add3A_174 = arith.addi %add3A_173, %mul3A_172 : i32
      %dma_wait3A_175 = arith.constant 0 : i32
      %dma_wait3A_176 = tpu.memref_slice %arg7[%add3A_174, %dma_wait3A_175] : memref<16x128xi32, #tpu.memory_space<vmem>> -> memref<1x128xi32, #tpu.memory_space<vmem>>
      %dma_wait3A_177 = tpu.memref_squeeze %dma_wait3A_176 : memref<1x128xi32, #tpu.memory_space<vmem>> -> memref<128xi32, #tpu.memory_space<vmem>>
      %dma_wait3A_178 = arith.constant 0 : i32
      %dma_wait3A_179 = arith.constant 0 : i32
      %dma_wait3A_180 = tpu.memref_slice %arg2[%dma_wait3A_178, %dma_wait3A_179] : memref<10240x128xf32, #tpu.memory_space<hbm>> -> memref<10240x128xf32, #tpu.memory_space<hbm>>
      tpu.wait_indirect_dma semaphore(%arg14 : memref<!tpu.dma_semaphore, #tpu.memory_space<semaphore_mem>>) src(%dma_wait3A_180 : memref<10240x128xf32, #tpu.memory_space<hbm>>) dst(%arg11 : memref<128x128xf32, #tpu.memory_space<vmem>>)
      %dma_start3A_181 = arith.constant 0 : i32
      %dma_start3A_182 = tpu.memref_slice %arg9[%add3A_174, %dma_start3A_181] : memref<16x128xi32, #tpu.memory_space<vmem>> -> memref<1x128xi32, #tpu.memory_space<vmem>>
      %dma_start3A_183 = tpu.memref_squeeze %dma_start3A_182 : memref<1x128xi32, #tpu.memory_space<vmem>> -> memref<128xi32, #tpu.memory_space<vmem>>
      %dma_start3A_184 = arith.constant 0 : i32
      %dma_start3A_185 = arith.constant 0 : i32
      %dma_start3A_186 = tpu.memref_slice %arg13[%dma_start3A_184, %dma_start3A_185] : memref<10240x128xf32, #tpu.memory_space<vmem_shared>> -> memref<10240x128xf32, #tpu.memory_space<vmem_shared>>
      tpu.enqueue_indirect_dma source(%arg11 : memref<128x128xf32, #tpu.memory_space<vmem>>) target(%dma_start3A_186 : memref<10240x128xf32, #tpu.memory_space<vmem_shared>>) offsets(%dma_start3A_183 : memref<128xi32, #tpu.memory_space<vmem>>) semaphore(%arg16 : memref<!tpu.dma_semaphore, #tpu.memory_space<semaphore_mem>>) {add = true}
      %ge3A = arith.constant 1 : i32
      %ge3A_187 = arith.cmpi sge, %add3A_174, %ge3A : i32
      %convert_element_type3A = arith.extui %ge3A_187 : i1 to i32
      %cond3A = arith.constant 0 : i32
      %cond3A_188 = arith.cmpi ne, %convert_element_type3A, %cond3A : i32
      scf.if %cond3A_188 {
        %sub3A = arith.constant 1 : i32
        %sub3A_225 = arith.subi %add3A_174, %sub3A : i32
        %dma_wait3A_226 = arith.constant 0 : i32
        %dma_wait3A_227 = tpu.memref_slice %arg9[%sub3A_225, %dma_wait3A_226] : memref<16x128xi32, #tpu.memory_space<vmem>> -> memref<1x128xi32, #tpu.memory_space<vmem>>
        %dma_wait3A_228 = tpu.memref_squeeze %dma_wait3A_227 : memref<1x128xi32, #tpu.memory_space<vmem>> -> memref<128xi32, #tpu.memory_space<vmem>>
        %dma_wait3A_229 = arith.constant 0 : i32
        %dma_wait3A_230 = arith.constant 0 : i32
        %dma_wait3A_231 = tpu.memref_slice %arg13[%dma_wait3A_229, %dma_wait3A_230] : memref<10240x128xf32, #tpu.memory_space<vmem_shared>> -> memref<10240x128xf32, #tpu.memory_space<vmem_shared>>
        tpu.wait_indirect_dma semaphore(%arg17 : memref<!tpu.dma_semaphore, #tpu.memory_space<semaphore_mem>>) src(%arg12 : memref<128x128xf32, #tpu.memory_space<vmem>>) dst(%dma_wait3A_231 : memref<10240x128xf32, #tpu.memory_space<vmem_shared>>)
      } else {
      }
      %add3A_189 = arith.constant 1 : i32
      %add3A_190 = arith.addi %add3A_174, %add3A_189 : i32
      %dma_start3A_191 = arith.constant 0 : i32
      %dma_start3A_192 = tpu.memref_slice %arg7[%add3A_190, %dma_start3A_191] : memref<16x128xi32, #tpu.memory_space<vmem>> -> memref<1x128xi32, #tpu.memory_space<vmem>>
      %dma_start3A_193 = tpu.memref_squeeze %dma_start3A_192 : memref<1x128xi32, #tpu.memory_space<vmem>> -> memref<128xi32, #tpu.memory_space<vmem>>
      %dma_start3A_194 = arith.constant 0 : i32
      %dma_start3A_195 = arith.constant 0 : i32
      %dma_start3A_196 = tpu.memref_slice %arg2[%dma_start3A_194, %dma_start3A_195] : memref<10240x128xf32, #tpu.memory_space<hbm>> -> memref<10240x128xf32, #tpu.memory_space<hbm>>
      tpu.enqueue_indirect_dma source(%dma_start3A_196 : memref<10240x128xf32, #tpu.memory_space<hbm>>) target(%arg12 : memref<128x128xf32, #tpu.memory_space<vmem>>) offsets(%dma_start3A_193 : memref<128xi32, #tpu.memory_space<vmem>>) semaphore(%arg15 : memref<!tpu.dma_semaphore, #tpu.memory_space<semaphore_mem>>)
      %add3A_197 = arith.constant 1 : i32
      %add3A_198 = arith.addi %add3A_174, %add3A_197 : i32
      %dma_wait3A_199 = arith.constant 0 : i32
      %dma_wait3A_200 = tpu.memref_slice %arg7[%add3A_198, %dma_wait3A_199] : memref<16x128xi32, #tpu.memory_space<vmem>> -> memref<1x128xi32, #tpu.memory_space<vmem>>
      %dma_wait3A_201 = tpu.memref_squeeze %dma_wait3A_200 : memref<1x128xi32, #tpu.memory_space<vmem>> -> memref<128xi32, #tpu.memory_space<vmem>>
      %dma_wait3A_202 = arith.constant 0 : i32
      %dma_wait3A_203 = arith.constant 0 : i32
      %dma_wait3A_204 = tpu.memref_slice %arg2[%dma_wait3A_202, %dma_wait3A_203] : memref<10240x128xf32, #tpu.memory_space<hbm>> -> memref<10240x128xf32, #tpu.memory_space<hbm>>
      tpu.wait_indirect_dma semaphore(%arg15 : memref<!tpu.dma_semaphore, #tpu.memory_space<semaphore_mem>>) src(%dma_wait3A_204 : memref<10240x128xf32, #tpu.memory_space<hbm>>) dst(%arg12 : memref<128x128xf32, #tpu.memory_space<vmem>>)
      %add3A_205 = arith.constant 1 : i32
      %add3A_206 = arith.addi %add3A_174, %add3A_205 : i32
      %dma_start3A_207 = arith.constant 0 : i32
      %dma_start3A_208 = tpu.memref_slice %arg9[%add3A_206, %dma_start3A_207] : memref<16x128xi32, #tpu.memory_space<vmem>> -> memref<1x128xi32, #tpu.memory_space<vmem>>
      %dma_start3A_209 = tpu.memref_squeeze %dma_start3A_208 : memref<1x128xi32, #tpu.memory_space<vmem>> -> memref<128xi32, #tpu.memory_space<vmem>>
      %dma_start3A_210 = arith.constant 0 : i32
      %dma_start3A_211 = arith.constant 0 : i32
      %dma_start3A_212 = tpu.memref_slice %arg13[%dma_start3A_210, %dma_start3A_211] : memref<10240x128xf32, #tpu.memory_space<vmem_shared>> -> memref<10240x128xf32, #tpu.memory_space<vmem_shared>>
      tpu.enqueue_indirect_dma source(%arg12 : memref<128x128xf32, #tpu.memory_space<vmem>>) target(%dma_start3A_212 : memref<10240x128xf32, #tpu.memory_space<vmem_shared>>) offsets(%dma_start3A_209 : memref<128xi32, #tpu.memory_space<vmem>>) semaphore(%arg17 : memref<!tpu.dma_semaphore, #tpu.memory_space<semaphore_mem>>) {add = true}
      %dma_wait3A_213 = arith.constant 0 : i32
      %dma_wait3A_214 = tpu.memref_slice %arg9[%add3A_174, %dma_wait3A_213] : memref<16x128xi32, #tpu.memory_space<vmem>> -> memref<1x128xi32, #tpu.memory_space<vmem>>
      %dma_wait3A_215 = tpu.memref_squeeze %dma_wait3A_214 : memref<1x128xi32, #tpu.memory_space<vmem>> -> memref<128xi32, #tpu.memory_space<vmem>>
      %dma_wait3A_216 = arith.constant 0 : i32
      %dma_wait3A_217 = arith.constant 0 : i32
      %dma_wait3A_218 = tpu.memref_slice %arg13[%dma_wait3A_216, %dma_wait3A_217] : memref<10240x128xf32, #tpu.memory_space<vmem_shared>> -> memref<10240x128xf32, #tpu.memory_space<vmem_shared>>
      tpu.wait_indirect_dma semaphore(%arg16 : memref<!tpu.dma_semaphore, #tpu.memory_space<semaphore_mem>>) src(%arg11 : memref<128x128xf32, #tpu.memory_space<vmem>>) dst(%dma_wait3A_218 : memref<10240x128xf32, #tpu.memory_space<vmem_shared>>)
      %add3A_219 = arith.constant 2 : i32
      %add3A_220 = arith.addi %add3A_174, %add3A_219 : i32
      %lt3A = arith.constant 16 : i32
      %lt3A_221 = arith.cmpi slt, %add3A_220, %lt3A : i32
      %convert_element_type3A_222 = arith.extui %lt3A_221 : i1 to i32
      %cond3A_223 = arith.constant 0 : i32
      %cond3A_224 = arith.cmpi ne, %convert_element_type3A_222, %cond3A_223 : i32
      scf.if %cond3A_224 {
        %add3A_225 = arith.constant 2 : i32
        %add3A_226 = arith.addi %add3A_174, %add3A_225 : i32
        %dma_start3A_227 = arith.constant 0 : i32
        %dma_start3A_228 = tpu.memref_slice %arg7[%add3A_226, %dma_start3A_227] : memref<16x128xi32, #tpu.memory_space<vmem>> -> memref<1x128xi32, #tpu.memory_space<vmem>>
        %dma_start3A_229 = tpu.memref_squeeze %dma_start3A_228 : memref<1x128xi32, #tpu.memory_space<vmem>> -> memref<128xi32, #tpu.memory_space<vmem>>
        %dma_start3A_230 = arith.constant 0 : i32
        %dma_start3A_231 = arith.constant 0 : i32
        %dma_start3A_232 = tpu.memref_slice %arg2[%dma_start3A_230, %dma_start3A_231] : memref<10240x128xf32, #tpu.memory_space<hbm>> -> memref<10240x128xf32, #tpu.memory_space<hbm>>
        tpu.enqueue_indirect_dma source(%dma_start3A_232 : memref<10240x128xf32, #tpu.memory_space<hbm>>) target(%arg11 : memref<128x128xf32, #tpu.memory_space<vmem>>) offsets(%dma_start3A_229 : memref<128xi32, #tpu.memory_space<vmem>>) semaphore(%arg14 : memref<!tpu.dma_semaphore, #tpu.memory_space<semaphore_mem>>)
      } else {
      }
    }
    %scan3A_161 = arith.constant 8 : i32
    %dma_wait3A_162 = arith.constant 15 : i32
    %dma_wait3A_163 = arith.constant 0 : i32
    %dma_wait3A_164 = tpu.memref_slice %arg9[%dma_wait3A_162, %dma_wait3A_163] : memref<16x128xi32, #tpu.memory_space<vmem>> -> memref<1x128xi32, #tpu.memory_space<vmem>>
    %dma_wait3A_165 = tpu.memref_squeeze %dma_wait3A_164 : memref<1x128xi32, #tpu.memory_space<vmem>> -> memref<128xi32, #tpu.memory_space<vmem>>
    %dma_wait3A_166 = arith.constant 0 : i32
    %dma_wait3A_167 = arith.constant 0 : i32
    %dma_wait3A_168 = tpu.memref_slice %arg13[%dma_wait3A_166, %dma_wait3A_167] : memref<10240x128xf32, #tpu.memory_space<vmem_shared>> -> memref<10240x128xf32, #tpu.memory_space<vmem_shared>>
    tpu.wait_indirect_dma semaphore(%arg17 : memref<!tpu.dma_semaphore, #tpu.memory_space<semaphore_mem>>) src(%arg12 : memref<128x128xf32, #tpu.memory_space<vmem>>) dst(%dma_wait3A_168 : memref<10240x128xf32, #tpu.memory_space<vmem_shared>>)
    %barrier3A_169 = arith.constant 0 : index
    tpu.barrier barrier_id(%barrier3A_169)
    "tpu.region"() ({
      %run_scoped3A = tpu.sem_alloc : memref<!tpu.dma_semaphore, #tpu.memory_space<semaphore_mem>>
      %dma_start3A_170 = arith.constant 0 : i32
      %dma_start3A_171 = arith.constant 0 : i32
      %dma_start3A_172 = tpu.memref_slice %arg6[%arg0, %dma_start3A_170, %dma_start3A_171] : memref<2x10240x128xf32, #tpu.memory_space<hbm>> -> memref<1x10240x128xf32, #tpu.memory_space<hbm>>
      %dma_start3A_173 = tpu.memref_squeeze %dma_start3A_172 : memref<1x10240x128xf32, #tpu.memory_space<hbm>> -> memref<10240x128xf32, #tpu.memory_space<hbm>>
      %dma_start3A_174 = arith.constant 0 : i32
      %dma_start3A_175 = tpu.memref_slice %dma_start3A_173[%mul3A_2, %dma_start3A_174] : memref<10240x128xf32, #tpu.memory_space<hbm>> -> memref<640x128xf32, #tpu.memory_space<hbm>>
      %dma_start3A_176 = arith.constant 0 : i32
      %dma_start3A_177 = tpu.memref_slice %arg13[%mul3A_2, %dma_start3A_176] : memref<10240x128xf32, #tpu.memory_space<vmem_shared>> -> memref<640x128xf32, #tpu.memory_space<vmem_shared>>
      tpu.enqueue_dma source(%dma_start3A_177 : memref<640x128xf32, #tpu.memory_space<vmem_shared>>) target(%dma_start3A_175 : memref<640x128xf32, #tpu.memory_space<hbm>>) target_semaphore(%run_scoped3A : memref<!tpu.dma_semaphore, #tpu.memory_space<semaphore_mem>>)
      %dma_wait3A_178 = arith.constant 0 : i32
      %dma_wait3A_179 = arith.constant 0 : i32
      %dma_wait3A_180 = tpu.memref_slice %arg6[%arg0, %dma_wait3A_178, %dma_wait3A_179] : memref<2x10240x128xf32, #tpu.memory_space<hbm>> -> memref<1x10240x128xf32, #tpu.memory_space<hbm>>
      %dma_wait3A_181 = tpu.memref_squeeze %dma_wait3A_180 : memref<1x10240x128xf32, #tpu.memory_space<hbm>> -> memref<10240x128xf32, #tpu.memory_space<hbm>>
      %dma_wait3A_182 = arith.constant 0 : i32
      %dma_wait3A_183 = tpu.memref_slice %dma_wait3A_181[%mul3A_2, %dma_wait3A_182] : memref<10240x128xf32, #tpu.memory_space<hbm>> -> memref<640x128xf32, #tpu.memory_space<hbm>>
      %dma_wait3A_184 = arith.constant 0 : i32
      %dma_wait3A_185 = tpu.memref_slice %arg13[%mul3A_2, %dma_wait3A_184] : memref<10240x128xf32, #tpu.memory_space<vmem_shared>> -> memref<640x128xf32, #tpu.memory_space<vmem_shared>>
      tpu.wait_dma2 semaphore(%run_scoped3A : memref<!tpu.dma_semaphore, #tpu.memory_space<semaphore_mem>>) src(%dma_wait3A_185 : memref<640x128xf32, #tpu.memory_space<vmem_shared>>) dst(%dma_wait3A_183 : memref<640x128xf32, #tpu.memory_space<hbm>>)
      tpu.yield
    }) : () -> ()
    return
  }
}

module attributes {stable_mosaic.version = 14 : i64} {
  func.func @body(%arg0: i32, %arg1: memref<512x128xf32, #tpu.memory_space<vmem>>, %arg2: memref<128x128xf32, #tpu.memory_space<vmem>>, %arg3: memref<512x128xf32, #tpu.memory_space<vmem>>) attributes {dimension_semantics = [#tpu.dimension_semantics<arbitrary>], iteration_bounds = array<i64: 20>, scalar_prefetch = 0 : i64, scratch_operands = 0 : i64, tpu.core_type = #tpu.core_type<tc>, window_params = [{transform_indices = @transform_0, window_bounds = array<i64: 512, 128>}, {pipeline_mode = #tpu.pipeline_mode<synchronous>, transform_indices = @transform_1, window_bounds = array<i64: 128, 128>}, {transform_indices = @transform_2, window_bounds = array<i64: 512, 128>}]} {
    %get3A = arith.constant 0 : index
    %get3A_0 = arith.constant 0 : index
    %get3A_1 = vector.load %arg1[%get3A, %get3A_0] : memref<512x128xf32, #tpu.memory_space<vmem>>, vector<512x128xf32>
    %get3A_2 = arith.constant 0 : index
    %get3A_3 = arith.constant 0 : index
    %get3A_4 = vector.load %arg2[%get3A_2, %get3A_3] : memref<128x128xf32, #tpu.memory_space<vmem>>, vector<128x128xf32>
    %dot_general3A = arith.constant dense<0.000000e+00> : vector<512x128xf32>
    %dot_general3A_5 = tpu.matmul %get3A_1, %get3A_4, %dot_general3A {dimension_numbers = #tpu.dot_dimension_numbers<[1], [0], [0], [1], [0, 0, 1, 1], [], []>, transpose_lhs_hint = false} : vector<512x128xf32>, vector<128x128xf32>, vector<512x128xf32> -> vector<512x128xf32>
    %swap3A = arith.constant 0 : index
    %swap3A_6 = arith.constant 0 : index
    %swap3A_7 = vector.load %arg3[%swap3A, %swap3A_6] : memref<512x128xf32, #tpu.memory_space<vmem>>, vector<512x128xf32>
    tpu.vector_store %arg3[%swap3A, %swap3A_6], %dot_general3A_5 {strides = array<i32>} : memref<512x128xf32, #tpu.memory_space<vmem>>, vector<512x128xf32>,
    return
  }
  func.func @transform_0(%arg0: i32) -> (i32, i32) {
    %c0_i32 = arith.constant 0 : i32
    %c0_i32_0 = arith.constant 0 : i32
    return %arg0, %c0_i32 : i32, i32
  }
  func.func @transform_1(%arg0: i32) -> (i32, i32) {
    %c0_i32 = arith.constant 0 : i32
    %c0_i32_0 = arith.constant 0 : i32
    %c0_i32_1 = arith.constant 0 : i32
    return %c0_i32, %c0_i32_0 : i32, i32
  }
  func.func @transform_2(%arg0: i32) -> (i32, i32) {
    %c0_i32 = arith.constant 0 : i32
    %c0_i32_0 = arith.constant 0 : i32
    return %arg0, %c0_i32 : i32, i32
  }
}

module attributes {stable_mosaic.version = 14 : i64} {
  func.func @body(%arg0: i32, %arg1: memref<2x512x128xf32, #tpu.memory_space<vmem>>, %arg2: memref<512x32xf32, #tpu.memory_space<vmem>>, %arg3: memref<512x128xf32, #tpu.memory_space<vmem>>, %arg4: memref<128x128xf32, #tpu.memory_space<vmem>>, %arg5: memref<512x128xf32, #tpu.memory_space<vmem>>) attributes {dimension_semantics = [#tpu.dimension_semantics<arbitrary>], iteration_bounds = array<i64: 20>, scalar_prefetch = 0 : i64, scratch_operands = 0 : i64, tpu.core_type = #tpu.core_type<tc>, window_params = [{transform_indices = @transform_0, window_bounds = array<i64: 2, 512, 128>}, {transform_indices = @transform_1, window_bounds = array<i64: 512, 32>}, {transform_indices = @transform_2, window_bounds = array<i64: 512, 128>}, {pipeline_mode = #tpu.pipeline_mode<synchronous>, transform_indices = @transform_3, window_bounds = array<i64: 128, 128>}, {transform_indices = @transform_4, window_bounds = array<i64: 512, 128>}]} {
    %get3A = arith.constant 0 : index
    %get3A_0 = arith.constant 0 : index
    %get3A_1 = vector.load %arg2[%get3A, %get3A_0] : memref<512x32xf32, #tpu.memory_space<vmem>>, vector<512x32xf32>
    %reduce_sum3A = arith.constant dense<0.000000e+00> : vector<512xf32>
    %reduce_sum3A_2 = vector.multi_reduction <add>, %get3A_1, %reduce_sum3A [1] : vector<512x32xf32> to vector<512xf32>
    %broadcast_in_dim3A = vector.shape_cast %reduce_sum3A_2 : vector<512xf32> to vector<512x1xf32>
    %max3A = arith.constant 1.000000e+00 : f32
    %max3A_3 = vector.broadcast %max3A : f32 to vector<512x1xf32>
    %max3A_4 = arith.maximumf %broadcast_in_dim3A, %max3A_3 : vector<512x1xf32>
    %div3A = arith.constant 1.000000e+00 : f32
    %div3A_5 = vector.broadcast %div3A : f32 to vector<512x1xf32>
    %div3A_6 = arith.divf %div3A_5, %max3A_4 : vector<512x1xf32>
    %get3A_7 = arith.constant 0 : index
    %get3A_8 = arith.constant 0 : index
    %get3A_9 = arith.constant 0 : index
    %get3A_10 = vector.load %arg1[%get3A_7, %get3A_8, %get3A_9] : memref<2x512x128xf32, #tpu.memory_space<vmem>>, vector<1x512x128xf32>
    %get3A_11 = vector.shape_cast %get3A_10 : vector<1x512x128xf32> to vector<512x128xf32>
    %get3A_12 = arith.constant 1 : index
    %get3A_13 = arith.constant 0 : index
    %get3A_14 = arith.constant 0 : index
    %get3A_15 = vector.load %arg1[%get3A_12, %get3A_13, %get3A_14] : memref<2x512x128xf32, #tpu.memory_space<vmem>>, vector<1x512x128xf32>
    %get3A_16 = vector.shape_cast %get3A_15 : vector<1x512x128xf32> to vector<512x128xf32>
    %add3A = arith.addf %get3A_11, %get3A_16 : vector<512x128xf32>
    %mul3A = vector.broadcast %div3A_6 : vector<512x1xf32> to vector<512x128xf32>
    %mul3A_17 = arith.mulf %add3A, %mul3A : vector<512x128xf32>
    %get3A_18 = arith.constant 0 : index
    %get3A_19 = arith.constant 0 : index
    %get3A_20 = vector.load %arg3[%get3A_18, %get3A_19] : memref<512x128xf32, #tpu.memory_space<vmem>>, vector<512x128xf32>
    %add3A_21 = arith.addf %mul3A_17, %get3A_20 : vector<512x128xf32>
    %get3A_22 = arith.constant 0 : index
    %get3A_23 = arith.constant 0 : index
    %get3A_24 = vector.load %arg4[%get3A_22, %get3A_23] : memref<128x128xf32, #tpu.memory_space<vmem>>, vector<128x128xf32>
    %dot_general3A = arith.constant dense<0.000000e+00> : vector<512x128xf32>
    %dot_general3A_25 = tpu.matmul %add3A_21, %get3A_24, %dot_general3A {dimension_numbers = #tpu.dot_dimension_numbers<[1], [0], [0], [1], [0, 0, 1, 1], [], []>, transpose_lhs_hint = false} : vector<512x128xf32>, vector<128x128xf32>, vector<512x128xf32> -> vector<512x128xf32>
    %max3A_26 = arith.constant 0.000000e+00 : f32
    %max3A_27 = vector.broadcast %max3A_26 : f32 to vector<512x128xf32>
    %max3A_28 = arith.maximumf %dot_general3A_25, %max3A_27 : vector<512x128xf32>
    %swap3A = arith.constant 0 : index
    %swap3A_29 = arith.constant 0 : index
    %swap3A_30 = vector.load %arg5[%swap3A, %swap3A_29] : memref<512x128xf32, #tpu.memory_space<vmem>>, vector<512x128xf32>
    tpu.vector_store %arg5[%swap3A, %swap3A_29], %max3A_28 {strides = array<i32>} : memref<512x128xf32, #tpu.memory_space<vmem>>, vector<512x128xf32>,
    return
  }
  func.func @transform_0(%arg0: i32) -> (i32, i32, i32) {
    %c0_i32 = arith.constant 0 : i32
    %c0_i32_0 = arith.constant 0 : i32
    %c0_i32_1 = arith.constant 0 : i32
    return %c0_i32, %arg0, %c0_i32_0 : i32, i32, i32
  }
  func.func @transform_1(%arg0: i32) -> (i32, i32) {
    %c0_i32 = arith.constant 0 : i32
    %c0_i32_0 = arith.constant 0 : i32
    return %arg0, %c0_i32 : i32, i32
  }
  func.func @transform_2(%arg0: i32) -> (i32, i32) {
    %c0_i32 = arith.constant 0 : i32
    %c0_i32_0 = arith.constant 0 : i32
    return %arg0, %c0_i32 : i32, i32
  }
  func.func @transform_3(%arg0: i32) -> (i32, i32) {
    %c0_i32 = arith.constant 0 : i32
    %c0_i32_0 = arith.constant 0 : i32
    %c0_i32_1 = arith.constant 0 : i32
    return %c0_i32, %c0_i32_0 : i32, i32
  }
  func.func @transform_4(%arg0: i32) -> (i32, i32) {
    %c0_i32 = arith.constant 0 : i32
    %c0_i32_0 = arith.constant 0 : i32
    return %arg0, %c0_i32 : i32, i32
  }
}

module attributes {stable_mosaic.version = 14 : i64} {
  func.func @body(%arg0: i32, %arg1: memref<2x400x128xf32, #tpu.memory_space<vmem>>, %arg2: memref<400x32xf32, #tpu.memory_space<vmem>>, %arg3: memref<400x128xf32, #tpu.memory_space<vmem>>, %arg4: memref<128x128xf32, #tpu.memory_space<vmem>>, %arg5: memref<128x128xf32, #tpu.memory_space<vmem>>, %arg6: memref<400x128xf32, #tpu.memory_space<vmem>>) attributes {dimension_semantics = [#tpu.dimension_semantics<arbitrary>], iteration_bounds = array<i64: 25>, scalar_prefetch = 0 : i64, scratch_operands = 0 : i64, tpu.core_type = #tpu.core_type<tc>, window_params = [{transform_indices = @transform_0, window_bounds = array<i64: 2, 400, 128>}, {transform_indices = @transform_1, window_bounds = array<i64: 400, 32>}, {transform_indices = @transform_2, window_bounds = array<i64: 400, 128>}, {pipeline_mode = #tpu.pipeline_mode<synchronous>, transform_indices = @transform_3, window_bounds = array<i64: 128, 128>}, {pipeline_mode = #tpu.pipeline_mode<synchronous>, transform_indices = @transform_4, window_bounds = array<i64: 128, 128>}, {transform_indices = @transform_5, window_bounds = array<i64: 400, 128>}]} {
    %get3A = arith.constant 0 : index
    %get3A_0 = arith.constant 0 : index
    %get3A_1 = vector.load %arg2[%get3A, %get3A_0] : memref<400x32xf32, #tpu.memory_space<vmem>>, vector<400x32xf32>
    %reduce_sum3A = arith.constant dense<0.000000e+00> : vector<400xf32>
    %reduce_sum3A_2 = vector.multi_reduction <add>, %get3A_1, %reduce_sum3A [1] : vector<400x32xf32> to vector<400xf32>
    %broadcast_in_dim3A = vector.shape_cast %reduce_sum3A_2 : vector<400xf32> to vector<400x1xf32>
    %max3A = arith.constant 1.000000e+00 : f32
    %max3A_3 = vector.broadcast %max3A : f32 to vector<400x1xf32>
    %max3A_4 = arith.maximumf %broadcast_in_dim3A, %max3A_3 : vector<400x1xf32>
    %div3A = arith.constant 1.000000e+00 : f32
    %div3A_5 = vector.broadcast %div3A : f32 to vector<400x1xf32>
    %div3A_6 = arith.divf %div3A_5, %max3A_4 : vector<400x1xf32>
    %get3A_7 = arith.constant 0 : index
    %get3A_8 = arith.constant 0 : index
    %get3A_9 = arith.constant 0 : index
    %get3A_10 = vector.load %arg1[%get3A_7, %get3A_8, %get3A_9] : memref<2x400x128xf32, #tpu.memory_space<vmem>>, vector<1x400x128xf32>
    %get3A_11 = vector.shape_cast %get3A_10 : vector<1x400x128xf32> to vector<400x128xf32>
    %get3A_12 = arith.constant 1 : index
    %get3A_13 = arith.constant 0 : index
    %get3A_14 = arith.constant 0 : index
    %get3A_15 = vector.load %arg1[%get3A_12, %get3A_13, %get3A_14] : memref<2x400x128xf32, #tpu.memory_space<vmem>>, vector<1x400x128xf32>
    %get3A_16 = vector.shape_cast %get3A_15 : vector<1x400x128xf32> to vector<400x128xf32>
    %add3A = arith.addf %get3A_11, %get3A_16 : vector<400x128xf32>
    %mul3A = vector.broadcast %div3A_6 : vector<400x1xf32> to vector<400x128xf32>
    %mul3A_17 = arith.mulf %add3A, %mul3A : vector<400x128xf32>
    %get3A_18 = arith.constant 0 : index
    %get3A_19 = arith.constant 0 : index
    %get3A_20 = vector.load %arg3[%get3A_18, %get3A_19] : memref<400x128xf32, #tpu.memory_space<vmem>>, vector<400x128xf32>
    %add3A_21 = arith.addf %mul3A_17, %get3A_20 : vector<400x128xf32>
    %get3A_22 = arith.constant 0 : index
    %get3A_23 = arith.constant 0 : index
    %get3A_24 = vector.load %arg4[%get3A_22, %get3A_23] : memref<128x128xf32, #tpu.memory_space<vmem>>, vector<128x128xf32>
    %dot_general3A = arith.constant dense<0.000000e+00> : vector<400x128xf32>
    %dot_general3A_25 = tpu.matmul %add3A_21, %get3A_24, %dot_general3A {dimension_numbers = #tpu.dot_dimension_numbers<[1], [0], [0], [1], [0, 0, 1, 1], [], []>, transpose_lhs_hint = false} : vector<400x128xf32>, vector<128x128xf32>, vector<400x128xf32> -> vector<400x128xf32>
    %max3A_26 = arith.constant 0.000000e+00 : f32
    %max3A_27 = vector.broadcast %max3A_26 : f32 to vector<400x128xf32>
    %max3A_28 = arith.maximumf %dot_general3A_25, %max3A_27 : vector<400x128xf32>
    %get3A_29 = arith.constant 0 : index
    %get3A_30 = arith.constant 0 : index
    %get3A_31 = vector.load %arg5[%get3A_29, %get3A_30] : memref<128x128xf32, #tpu.memory_space<vmem>>, vector<128x128xf32>
    %dot_general3A_32 = arith.constant dense<0.000000e+00> : vector<400x128xf32>
    %dot_general3A_33 = tpu.matmul %max3A_28, %get3A_31, %dot_general3A_32 {dimension_numbers = #tpu.dot_dimension_numbers<[1], [0], [0], [1], [0, 0, 1, 1], [], []>, transpose_lhs_hint = false} : vector<400x128xf32>, vector<128x128xf32>, vector<400x128xf32> -> vector<400x128xf32>
    %swap3A = arith.constant 0 : index
    %swap3A_34 = arith.constant 0 : index
    %swap3A_35 = vector.load %arg6[%swap3A, %swap3A_34] : memref<400x128xf32, #tpu.memory_space<vmem>>, vector<400x128xf32>
    tpu.vector_store %arg6[%swap3A, %swap3A_34], %dot_general3A_33 {strides = array<i32>} : memref<400x128xf32, #tpu.memory_space<vmem>>, vector<400x128xf32>,
    return
  }
  func.func @transform_0(%arg0: i32) -> (i32, i32, i32) {
    %c0_i32 = arith.constant 0 : i32
    %c0_i32_0 = arith.constant 0 : i32
    %c0_i32_1 = arith.constant 0 : i32
    return %c0_i32, %arg0, %c0_i32_0 : i32, i32, i32
  }
  func.func @transform_1(%arg0: i32) -> (i32, i32) {
    %c0_i32 = arith.constant 0 : i32
    %c0_i32_0 = arith.constant 0 : i32
    return %arg0, %c0_i32 : i32, i32
  }
  func.func @transform_2(%arg0: i32) -> (i32, i32) {
    %c0_i32 = arith.constant 0 : i32
    %c0_i32_0 = arith.constant 0 : i32
    return %arg0, %c0_i32 : i32, i32
  }
  func.func @transform_3(%arg0: i32) -> (i32, i32) {
    %c0_i32 = arith.constant 0 : i32
    %c0_i32_0 = arith.constant 0 : i32
    %c0_i32_1 = arith.constant 0 : i32
    return %c0_i32, %c0_i32_0 : i32, i32
  }
  func.func @transform_4(%arg0: i32) -> (i32, i32) {
    %c0_i32 = arith.constant 0 : i32
    %c0_i32_0 = arith.constant 0 : i32
    %c0_i32_1 = arith.constant 0 : i32
    return %c0_i32, %c0_i32_0 : i32, i32
  }
  func.func @transform_5(%arg0: i32) -> (i32, i32) {
    %c0_i32 = arith.constant 0 : i32
    %c0_i32_0 = arith.constant 0 : i32
    return %arg0, %c0_i32 : i32, i32
  }
}

</mosaic_0001>

<sc_bundles>
// kernel: kernel.11.cloned.1.call-start
scs
__scs_entry_jumppad:
0x0: {  	(pc) =	sbr.rel $0x88, $3  }
0x1: {  	(tag) =	ssettag $0x0;
	lr =	simm.s32 $0x1  }
0x2: {  	[smem:$0x3F9C] =	sst lr;
	_ =	strace $0xD0000000  }
0x3: {  	_ = 	snop  }
0x4: {  	_ = 	snop  }
0x5: {  	_ = 	snop  }
0x6: {  	_ = 	snop  }
0x7: {  	_ = 	snop  }
__scs_overlays_trampoline_lowered:
0x8: {  	[smem:$0x3FAB] =	sst s0  }
0x9: {  	[smem:$0x3FAC] =	sst s1  }
0xa: {  	[smem:$0x3FAD] =	sst s2  }
0xb: {  	[smem:$0x3FAE] =	sst s3  }
0xc: {  	[smem:$0x3FAF] =	sst s4  }
0xd: {  	[smem:$0x3FB0] =	sst s5  }
0xe: {  	[smem:$0x3FB1] =	sst s6  }
0xf: {  	[smem:$0x3FB2] =	sst s7  }
0x10: {  	[smem:$0x3FB3] =	sst s8  }
0x11: {  	[smem:$0x3FB4] =	sst s9;
	s0 =	simm.s32 @!p0 $0x0  }
0x12: {  	s1 =	sld [smem:$0x3F9A];
	s0 =	simm.s32 @p0 $0x1  }
0x13: {  	[smem:$0x3FB5] =	sst s0;
	s0 =	simm.s32 @!p1 $0x0  }
0x14: {  	s2 =	sld [smem:$0x3F99];
	s0 =	simm.s32 @p1 $0x1  }
0x15: {  	[smem:$0x3FB6] =	sst s0;
	s0 =	simm.s32 @!p2 $0x0  }
0x16: {  	s3 =	sld [smem:$0x3FDB];
	s0 =	simm.s32 @p2 $0x1  }
0x17: {  	s4 =	simm.s32 $0x1BF5;
	[smem:$0x3FB8] =	sst s0  }
0x18: {  	s0 =	sld [smem:$0x3F9B];
	_ =	swait.ge [sflag:s4], $0x0  }
0x19: {  	s7 =	sld [smem:$0x3F9C]  }
0x1a: {  	s8 =	sadd.s32 $0xFFFFE003, lr  }
0x1b: {  	s9 =	sadd.s32 $0xFFFFFEF7, lr;
	s5 =	simm.s32 $0xFFFFFFFF;
	p2 =	slt.u32 s8, $0xFFFFF086  }
0x1c: {  	p1 =	slt.u32 s9, $0xF7A;
	s5 =	simm.s32 @!p2 $0x0  }
0x1d: {  	s5 =	simm.s32 @p1 $0x1;
	p0 =	seq.s32 s7, s2  }
0x1e: {  	s7 =	smul.u32 @!p0 $0xF7A, s2;
	p2 =	seq.s32 @!p0 s5, $0x0  }
0x1f: {  	s9 =	smul.u32 $0xF7A, s1;
	s8 =	simm.s32 @!p0 $0x1BF5;
	p2 =	por !p2, p0  }
0x20: {  	[sflag:s8] =	ssyncset.s32 @!p0 $0xFFFFF086;
	s6 =	sadd.s32 @!p0 s3, s7;
	s7 =	simm.s32 @!p0 $0x108  }
0x21: {  	s3 =	sadd.s32 s3, s9;
	s6 =	sadd.s32 @!p0 $0x88, s6;
	s7 =	simm.s32 @p2 $0x1082  }
0x22: {  	[simem:s7], [sflag:s8] =	dma.local @!p0 [hbm:s6], $0xF7A  }
0x23: {  	s9 =	sor.u32 $0xD0000000, s2;
	s6 =	simm.s32 $0x108;
	_ =	swait.ge @!p0 [sflag:s8], $0x0  }
0x24: {  	s3 =	sadd.s32 $0x88, s3;
	s6 =	simm.s32 @!p1 $0x1082;
	[sflag:s4] =	ssyncset.s32 $0xFFFFF086  }
0x25: {  	[simem:s6], [sflag:s4] =	dma.local [hbm:s3], $0xF7A  }
0x26: {  	[smem:$0x3F9C] =	sst s1;
	(tag) =	ssettag s2;
	_ =	strace s9  }
0x27: {  	s1 =	sld [smem:$0x3FAC]  }
0x28: {  	s2 =	sld [smem:$0x3FAD]  }
0x29: {  	s4 =	sld [smem:$0x3FAF]  }
0x2a: {  	p0 =	seq.s32 s5, $0x0;
	s5 =	sld [smem:$0x3FB0]  }
0x2b: {  	s6 =	sld [smem:$0x3FB1]  }
0x2c: {  	s7 =	sld [smem:$0x3FB2]  }
0x2d: {  	s3 =	simm.s32 $0x108;
	s8 =	sld [smem:$0x3FB3]  }
0x2e: {  	s3 =	simm.s32 @!p0 $0x1082;
	s9 =	sld [smem:$0x3FB4]  }
0x2f: {  	lr =	sadd.s32 s0, s3;
	s0 =	sld [smem:$0x3FAB]  }
0x30: {  	s3 =	sld [smem:$0x3FAE]  }
0x31: {  	[smem:$0x3FB7] =	sst s10  }
0x32: {  	s10 =	sld [smem:$0x3FB5];
	_ =	sdelay $0x3  }
0x33: {  	p0 =	seq.s32 s10, $0x1;
	s10 =	sld [smem:$0x3FB7];
	_ =	sdelay $0x3  }
0x34: {  	[smem:$0x3FB7] =	sst s10  }
0x35: {  	s10 =	sld [smem:$0x3FB6];
	_ =	sdelay $0x3  }
0x36: {  	p1 =	seq.s32 s10, $0x1;
	s10 =	sld [smem:$0x3FB7];
	_ =	sdelay $0x3  }
0x37: {  	[smem:$0x3FB7] =	sst s10  }
0x38: {  	s10 =	sld [smem:$0x3FB8]  }
0x39: {  	_ = 	snop;
	(pc) =	sbr.ind lr, $3  }
0x3a: {  	_ = 	snop  }
0x3b: {  	_ = 	snop  }
0x3c: {  	p2 =	seq.s32 s10, $0x1;
	s10 =	sld [smem:$0x3FB7]  }
0x3d: {  	_ =	shalt  }
0x3e: {  	_ =	shalt  }
0x3f: {  	_ =	shalt  }
0x40: {  	_ =	shalt  }
0x41: {  	_ =	shalt  }
0x42: {  	_ =	shalt  }
0x43: {  	_ =	shalt  }
0x44: {  	_ =	shalt  }
0x45: {  	_ =	shalt  }
0x46: {  	_ =	shalt  }
0x47: {  	_ =	shalt  }
0x48: {  	_ =	shalt  }
0x49: {  	_ =	shalt  }
0x4a: {  	_ =	shalt  }
0x4b: {  	_ =	shalt  }
0x4c: {  	_ =	shalt  }
0x4d: {  	_ =	shalt  }
0x4e: {  	_ =	shalt  }
0x4f: {  	_ =	shalt  }
0x50: {  	_ =	shalt  }
0x51: {  	_ =	shalt  }
0x52: {  	_ =	shalt  }
0x53: {  	_ =	shalt  }
0x54: {  	_ =	shalt  }
0x55: {  	_ =	shalt  }
0x56: {  	_ =	shalt  }
0x57: {  	_ =	shalt  }
0x58: {  	_ =	shalt  }
0x59: {  	_ =	shalt  }
0x5a: {  	_ =	shalt  }
0x5b: {  	_ =	shalt  }
0x5c: {  	_ =	shalt  }
0x5d: {  	_ =	shalt  }
0x5e: {  	_ =	shalt  }
0x5f: {  	_ =	shalt  }
0x60: {  	_ =	shalt  }
0x61: {  	_ =	shalt  }
0x62: {  	_ =	shalt  }
0x63: {  	_ =	shalt  }
0x64: {  	_ =	shalt  }
0x65: {  	_ =	shalt  }
0x66: {  	_ =	shalt  }
0x67: {  	_ =	shalt  }
0x68: {  	_ =	shalt  }
0x69: {  	_ =	shalt  }
0x6a: {  	_ =	shalt  }
0x6b: {  	_ =	shalt  }
0x6c: {  	_ =	shalt  }
0x6d: {  	_ =	shalt  }
0x6e: {  	_ =	shalt  }
0x6f: {  	_ =	shalt  }
0x70: {  	_ =	shalt  }
0x71: {  	_ =	shalt  }
0x72: {  	_ =	shalt  }
0x73: {  	_ =	shalt  }
0x74: {  	_ =	shalt  }
0x75: {  	_ =	shalt  }
0x76: {  	_ =	shalt  }
0x77: {  	_ =	shalt  }
0x78: {  	_ =	shalt  }
0x79: {  	_ =	shalt  }
0x7a: {  	_ =	shalt  }
0x7b: {  	_ =	shalt  }
0x7c: {  	_ =	shalt  }
0x7d: {  	_ =	shalt  }
0x7e: {  	_ =	shalt  }
0x7f: {  	_ =	shalt  }
0x80: {  	_ =	shalt  }
0x81: {  	_ =	shalt  }
0x82: {  	_ =	shalt  }
0x83: {  	_ =	shalt  }
0x84: {  	_ =	shalt  }
0x85: {  	_ =	shalt  }
0x86: {  	_ =	shalt  }
0x87: {  	_ =	shalt  }
.Lfunc_end0:
.L_simem_size_0:
called_computation.1_lowered:
.L_overlay_start_0:
0x88: {  	s2 =	sld [smem:$0x3FD9]  }
0x89: {  	s3 =	sld [smem:$0x3FFE];
	_ =	sdelay $0x1  }
0x8a: {  	s1 =	srdreg.scid  }
0x8b: {  	s0 =	sand.u32 $0x1, s1  }
0x8c: {  	s17 =	sshll.u32 s0, $0xA;
	s2 =	sadd.s32 s3, s2  }
0x8d: {  	s2 =	sadd.s32 s2, s17  }
0x8e: {  	[smem:$0x3FC3] =	sst s2  }
0x8f: {  	_ = 	snop  }
0x90: {  	s18 =	sld [smem:$0x3FD0];
	(tm) =	ssettm $0x1  }
0x91: {  	s19 =	sld [smem:$0x3FFB];
	_ =	sdelay $0x3  }
0x92: {  	_ =	strace s19  }
0x93: {  	s2 =	sld [smem:$0x3FFC];
	_ =	sdelay $0x3  }
0x94: {  	_ =	strace s2  }
0x95: {  	s2 =	sld [smem:$0x3FFD];
	_ =	sdelay $0x3  }
0x96: {  	_ =	strace s2  }
0x97: {  	_ =	strace $0x8FFFFFFF  }
0x98: {  	s20 =	sld [smem:$0x3FDB];
	_ =	sdelay $0x1  }
0x99: {  	s4 =	simm.s32 $_scs_section_size  }
0x9a: {  	s5 =	simm.s32 $_size__tile_overlayer_lowered;
	s6 =	simm.s32 $_tile_overlayer_lowered  }
0x9b: {  	s7 =	simm.s32 $0x1BFF;
	s21 =	sshll.u32 s6, $0x1;
	s4 =	sadd.s32 s4, s20  }
0x9c: {  	s22 =	simm.s32 $0x0;
	s5 =	sshll.u32 s5, $0x1;
	s6 =	sadd.s32 s21, s4  }
0x9d: {  	[timem:s22], [sflag:s7] =	dma.local [hbm:s6], s5  }
0x9e: {  	_ =	swait.ge [sflag:s7], s5  }
0x9f: {  	s5 =	ssub.s32 $0x0, s5;
	[sflag:s7] =	ssyncset.done $0x0  }
0xa0: {  	[sflag:s7] =	ssyncadd.s32 s5;
	_ =	sdelay $0x1  }
0xa1: {  	s23 =	simm.s32 $0x1B8B  }
0xa2: {  	_ =	swait.ge [sflag:s23], $0x1  }
0xa3: {  	[sflag:s23] =	ssyncset.done $0x0  }
0xa4: {  	[sflag:s23] =	ssyncadd.s32 $0xFFFFFFFF  }
0xa5: {  	s5 =	sld [smem:$0x0]  }
0xa6: {  	s6 =	sand.u32 $0xFFFFFFFE, s1  }
0xa7: {  	p0 =	sne.s32 s1, s6  }
0xa8: {  	s6 =	sshll.u32 @p0 s6, $0xE  }
0xa9: {  	s6 =	sadd.s32 @p0 $0x11B8D, s6;
	s7 =	sshll.u32 @p0 s5, $0x11  }
0xaa: {  	s6 =	sor.u32 @p0 s7, s6  }
0xab: {  	[sflag:s6] =	ssyncadd.remote.s32 @p0 $0x1;
	_ =	sdelay $0x1  }
0xac: {  	s6 =	simm.s32 @p0 $0x1B8D  }
0xad: {  	_ =	swait.eq @p0 [sflag:s6], $0x1  }
0xae: {  	[sflag:s6] =	ssyncadd.s32 @p0 $0xFFFFFFFF  }
0xaf: {  	s7 =	sshll.u32 @!p0 s1, $0xE  }
0xb0: {  	s7 =	sor.u32 @!p0 $0x4000, s7;
	s6 =	simm.s32 @!p0 $0x1B8D  }
0xb1: {  	s5 =	sshll.u32 @!p0 s5, $0x11;
	s7 =	sadd.s32 @!p0 $0x11B8D, s7;
	_ =	swait.eq @!p0 [sflag:s6], $0x1  }
0xb2: {  	s5 =	sor.u32 @!p0 s5, s7;
	[sflag:s6] =	ssyncadd.s32 @!p0 $0xFFFFFFFF  }
0xb3: {  	s25 =	simm.s32 $0x1B8E;
	s24 =	sld [smem:$0x3FFE];
	[sflag:s5] =	ssyncadd.remote.s32 @!p0 $0x1  }
0xb4: {  	s26 =	simm.s32 $execute0_lowered;
	[smem:$0x3FD2] =	sst s25  }
0xb5: {  	s6 =	sshll.u32 s26, $0x1;
	_ =	strace $0x80000049;
	[dreg:$0x1] =	wrdreg $0xFFFFFFFF  }
0xb6: {  	s28 =	simm.s32 $_size_execute0_lowered;
	s4 =	sadd.s32 s4, s6;
	[dreg:$0x0] =	wrdreg $0x0  }
0xb7: {  	s6 =	sshll.u32 s28, $0x1;
	[dreg:$0x2] =	wrdreg s4  }
0xb8: {  	[dreg:$0x3] =	wrdreg s6  }
0xb9: {  	[dreg:$0x4] =	wrdreg $0xC0  }
0xba: {  	_ =	task [dreg:s22], $0x5FFFF  }
0xbb: {  	[dreg:$0x1] =	wrdreg $0xFFFFFFFF  }
0xbc: {  	[dreg:$0x0] =	wrdreg $0x60  }
0xbd: {  	[dreg:$0x2] =	wrdreg s24  }
0xbe: {  	[dreg:$0x3] =	wrdreg s18  }
0xbf: {  	[dreg:$0x4] =	wrdreg $0xA0000  }
0xc0: {  	[dreg:$0x5] =	wrdreg $0xA  }
0xc1: {  	_ =	task.clear_ibuf [dreg:s22], $0x6FFFF;
	_ =	strace $0x90000049  }
0xc2: {  	s29 =	simm.s32 $0xA;
	_ =	strace $0x8000004B  }
0xc3: {  	_ =	swait.ge [sflag:s29], $0x1  }
0xc4: {  	[sflag:s29] =	ssyncadd.s32 $0xFFFFFFFF  }
0xc5: {  	_ =	strace $0x9000004B  }
0xc6: {  	_ =	sfence  }
0xc7: {  	s30 =	sld [smem:$0x0];
	_ =	sdelay $0x2  }
0xc8: {  	s31 =	sshll.u32 s1, $0xD;
	s1 =	sshrl.u32 s1, $0x2  }
0xc9: {  	s4 =	sand.u32 $0x4000, s31;
	s1 =	sadd.s32 s1, s30  }
0xca: {  	s0 =	sor.u32 s4, s0;
	s1 =	sshll.u32 s1, $0x11  }
0xcb: {  	s0 =	sor.u32 s1, s0  }
0xcc: {  	s0 =	sadd.s32 $0x8F2B, s0  }
0xcd: {  	[sflag:s0] =	ssyncadd.remote.s32 $0x1  }
0xce: {  	_ =	sfence.sel $0xFFFF  }
0xcf: {  	[dreg:$0x0] =	wrdreg $0xFFFFFFFF;
	(pc) =	sbr.abs _section_cstart, $3  }
0xd0: {  	[dreg:$0x1] =	wrdreg $0xFFFFFFFF  }
0xd1: {  	_ =	task.clear_ibuf [dreg:s22], $0x2FFFF;
	_ =	strace $0x9FFFFFFF  }
0xd2: {  	(tm) =	ssettm $0x7FFFFFFF  }
0xd3: {  	_ =	shalt  }
tec
execute0_lowered:
.L_overlay_start_1:
0x0: {  	(tag) =	ssettag $0x1  }
0x1: {  	s0 =	rddreg [dreg:$0x0]  }
0x2: {  	s4 =	rddreg [dreg:$0x1]  }
0x3: {  	s1 =	srdreg.scid;
	s2 =	rddreg [dreg:$0x2];
	s3 =	simm.s32 $0x0  }
0x4: {  	s10 =	stileid.u32;
	s8 =	sand.u32 $0x1, s1;
	[smem:$0x7FF] =	sst s3  }
0x5: {  	s6 =	sadd.s32 $0x3E600, s0;
	s7 =	sadd.s32 $0x2000, s0;
	s14 =	sshll.u32 s10, $0x6  }
0x6: {  	s15 =	smul.u32 $0x2800, s10;
	s1 =	sshll.u32 s8, $0x4;
	[dreg:$0x12] =	wrdreg s8  }
0x7: {  	s22 =	smul.u32 $0x28000, s8;
	s17 =	sor.u32 $0x1C07, s14;
	s1 =	sor.u32 s10, s1  }
0x8: {  	_ =	strace $0x8000004A;
	[dreg:$0x4] =	wrdreg s6;
	s5 =	smul.u32 $0x500, s1  }
0x9: {  	[dreg:$0x10] =	wrdreg s17;
	s1 =	smul.u32 $0x2800, s1;
	s6 =	sadd.s32 s22, s0  }
0xa: {  	s16 =	rddreg [dreg:$0x4];
	s6 =	sadd.s32 $0x40E00, s6;
	s23 =	sadd.s32 s4, s5  }
0xb: {  	s1 =	sshrl.u32 s1, $0x3;
	s5 =	sadd.s32 s7, s5;
	[dreg:$0x5] =	wrdreg s23  }
0xc: {  	s18 =	sadd.s32 s15, s6;
	s24 =	sadd.s32 $0x100, s1;
	[dreg:$0x6] =	wrdreg s5  }
0xd: {  	[dreg:$0xf] =	wrdreg s18;
	s25 =	sadd.s32 s4, s24  }
0xe: {  	s28 =	sadd.s32 $0x200, s1;
	s26 =	sadd.s32 s7, s24;
	[dreg:$0x7] =	wrdreg s25  }
0xf: {  	s29 =	sadd.s32 s4, s28;
	[dreg:$0x8] =	wrdreg s26  }
0x10: {  	s31 =	sadd.s32 $0x300, s1;
	s30 =	sadd.s32 s7, s28;
	[dreg:$0x9] =	wrdreg s29  }
0x11: {  	s9 =	smul.u32 $0x50000, s10;
	s11 =	sadd.s32 s4, s31;
	[dreg:$0xa] =	wrdreg s30  }
0x12: {  	s1 =	sadd.s32 $0x400, s1;
	s12 =	sadd.s32 s7, s31;
	[dreg:$0xb] =	wrdreg s11  }
0x13: {  	s9 =	sshrl.u32 s9, $0x2;
	s4 =	sadd.s32 s4, s1;
	[dreg:$0xc] =	wrdreg s12  }
0x14: {  	s13 =	sadd.s32 s9, s2;
	s1 =	sadd.s32 s7, s1;
	[dreg:$0xd] =	wrdreg s4  }
0x15: {  	s5 =	simm.s32 $0x7;
	[dreg:$0xe] =	wrdreg s1;
	s11 =	sshrl.u32 s13, $0x3  }
0x16: {  	[spmem:s11], [sflag:s17] =	dma.local [hbm:s16], $0x2800  }
0x17: {  	_ =	swait.ge [sflag:s5], $0x2800  }
0x18: {  	[sflag:s5] =	ssyncset.done $0x0  }
0x19: {  	s19 =	rddreg [dreg:$0x5];
	[sflag:s5] =	ssyncadd.s32 $0xFFFFD800  }
0x1a: {  	[tilespmem:s3], [sflag:$0x7] =	stream.linear.gather [hbm4b:s19+s3], $0x800, $0x38;
	[tilespmem:$0x1E000] =	vst v63  }
0x1b: {  	_ =	swait.ge [sflag:s5], $0x800  }
0x1c: {  	[sflag:s5] =	ssyncset.done $0x0  }
0x1d: {  	s12 =	simm.s32 $0x1000;
	s20 =	rddreg [dreg:$0x6];
	[sflag:s5] =	ssyncadd.s32 $0xFFFFF800  }
0x1e: {  	[tilespmem:s12], [sflag:$0x7] =	stream.linear.gather [hbm4b:s20+s3], $0x800, $0x38;
	[tilespmem:$0x1E000] =	vst v63  }
0x1f: {  	_ =	swait.ge [sflag:s5], $0x800  }
0x20: {  	[sflag:s5] =	ssyncset.done $0x0  }
0x21: {  	s8 =	sadd.s32 $0x16600, s0;
	[sflag:s5] =	ssyncadd.s32 $0xFFFFF800  }
0x22: {  	s10 =	simm.s32 $0x2000;
	s9 =	simm.s32 $0x80;
	[bflag:$0x0] =	sbarrier.arrive $0xFFFF  }
0x23: {  	[tilespmem:s10], [sflag:$0x1] =	stream.indirect.gather [hbm4b:s8+s9], $0x80, s3, s9, $0xb8;
	[tilespmem:$0x1E000] =	vst v63  }
0x24: {  	s22 =	simm.s32 $0x800;
	s21 =	rddreg [dreg:$0x7]  }
0x25: {  	[tilespmem:s22], [sflag:$0x5] =	stream.linear.gather [hbm4b:s21+s3], $0x800, $0x38;
	[tilespmem:$0x1E000] =	vst v63  }
0x26: {  	s24 =	simm.s32 $0x1800;
	s13 =	simm.s32 $0x1;
	s23 =	rddreg [dreg:$0x8]  }
0x27: {  	[tilespmem:s24], [sflag:$0x6] =	stream.linear.gather [hbm4b:s23+s3], $0x800, $0x38;
	[tilespmem:$0x1E000] =	vst v63  }
0x28: {  	_ =	swait.ge [sflag:s13], $0x4000  }
0x29: {  	[sflag:s13] =	ssyncset.done $0x0  }
0x2a: {  	[sflag:s13] =	ssyncadd.s32 $0xFFFFC000  }
0x2b: {  	[spmem:s2] =	stream.indirect.scatter.add.f32 [tilespmem:s10], [sflag:$0x3], $0x80, s12, s9, $0xb8;
	[tilespmem:$0x1E000] =	vst v63  }
0x2c: {  	s14 =	simm.s32 $0x6000;
	s15 =	simm.s32 $0x2  }
0x2d: {  	[tilespmem:s14], [sflag:$0x2] =	stream.indirect.gather [hbm4b:s8+s9], $0x80, s9, s9, $0xb8;
	[tilespmem:$0x1E000] =	vst v63  }
0x2e: {  	_ =	swait.ge [sflag:s15], $0x4000  }
0x2f: {  	[sflag:s15] =	ssyncset.done $0x0  }
0x30: {  	s25 =	simm.s32 $0x1080;
	s17 =	simm.s32 $0x3;
	[sflag:s15] =	ssyncadd.s32 $0xFFFFC000  }
0x31: {  	[spmem:s2] =	stream.indirect.scatter.add.f32 [tilespmem:s14], [sflag:$0x4], $0x80, s25, s9, $0xb8;
	[tilespmem:$0x1E000] =	vst v63  }
0x32: {  	_ =	swait.ge [sflag:s17], $0x4000  }
0x33: {  	[sflag:s17] =	ssyncset.done $0x0  }
0x34: {  	s26 =	simm.s32 $0x100;
	[sflag:s17] =	ssyncadd.s32 $0xFFFFC000  }
0x35: {  	[tilespmem:s10], [sflag:$0x1] =	stream.indirect.gather [hbm4b:s8+s9], $0x80, s26, s9, $0xb8;
	[tilespmem:$0x1E000] =	vst v63  }
0x36: {  	_ =	swait.ge [sflag:s13], $0x4000  }
0x37: {  	[sflag:s13] =	ssyncset.done $0x0  }
0x38: {  	s28 =	simm.s32 $0x1100;
	s20 =	simm.s32 $0x4;
	[sflag:s13] =	ssyncadd.s32 $0xFFFFC000  }
0x39: {  	[spmem:s2] =	stream.indirect.scatter.add.f32 [tilespmem:s10], [sflag:$0x3], $0x80, s28, s9, $0xb8;
	[tilespmem:$0x1E000] =	vst v63  }
0x3a: {  	_ =	swait.ge [sflag:s20], $0x4000  }
0x3b: {  	[sflag:s20] =	ssyncset.done $0x0  }
0x3c: {  	s29 =	simm.s32 $0x180;
	[sflag:s20] =	ssyncadd.s32 $0xFFFFC000  }
0x3d: {  	[tilespmem:s14], [sflag:$0x2] =	stream.indirect.gather [hbm4b:s8+s9], $0x80, s29, s9, $0xb8;
	[tilespmem:$0x1E000] =	vst v63  }
0x3e: {  	_ =	swait.ge [sflag:s15], $0x4000  }
0x3f: {  	[sflag:s15] =	ssyncset.done $0x0  }
0x40: {  	s30 =	simm.s32 $0x1180;
	[sflag:s15] =	ssyncadd.s32 $0xFFFFC000  }
0x41: {  	[spmem:s2] =	stream.indirect.scatter.add.f32 [tilespmem:s14], [sflag:$0x4], $0x80, s30, s9, $0xb8;
	[tilespmem:$0x1E000] =	vst v63  }
0x42: {  	_ =	swait.ge [sflag:s17], $0x4000  }
0x43: {  	[sflag:s17] =	ssyncset.done $0x0  }
0x44: {  	s31 =	simm.s32 $0x200;
	[sflag:s17] =	ssyncadd.s32 $0xFFFFC000  }
0x45: {  	[tilespmem:s10], [sflag:$0x1] =	stream.indirect.gather [hbm4b:s8+s9], $0x80, s31, s9, $0xb8;
	[tilespmem:$0x1E000] =	vst v63  }
0x46: {  	_ =	swait.ge [sflag:s13], $0x4000  }
0x47: {  	[sflag:s13] =	ssyncset.done $0x0  }
0x48: {  	s1 =	simm.s32 $0x1200;
	[sflag:s13] =	ssyncadd.s32 $0xFFFFC000  }
0x49: {  	[spmem:s2] =	stream.indirect.scatter.add.f32 [tilespmem:s10], [sflag:$0x3], $0x80, s1, s9, $0xb8;
	[tilespmem:$0x1E000] =	vst v63  }
0x4a: {  	_ =	swait.ge [sflag:s20], $0x4000  }
0x4b: {  	[sflag:s20] =	ssyncset.done $0x0  }
0x4c: {  	s6 =	simm.s32 $0x280;
	[sflag:s20] =	ssyncadd.s32 $0xFFFFC000  }
0x4d: {  	[tilespmem:s14], [sflag:$0x2] =	stream.indirect.gather [hbm4b:s8+s9], $0x80, s6, s9, $0xb8;
	[tilespmem:$0x1E000] =	vst v63  }
0x4e: {  	_ =	swait.ge [sflag:s15], $0x4000  }
0x4f: {  	[sflag:s15] =	ssyncset.done $0x0  }
0x50: {  	s7 =	simm.s32 $0x1280;
	[sflag:s15] =	ssyncadd.s32 $0xFFFFC000  }
0x51: {  	[spmem:s2] =	stream.indirect.scatter.add.f32 [tilespmem:s14], [sflag:$0x4], $0x80, s7, s9, $0xb8;
	[tilespmem:$0x1E000] =	vst v63  }
0x52: {  	_ =	swait.ge [sflag:s17], $0x4000  }
0x53: {  	[sflag:s17] =	ssyncset.done $0x0  }
0x54: {  	s16 =	simm.s32 $0x300;
	[sflag:s17] =	ssyncadd.s32 $0xFFFFC000  }
0x55: {  	[tilespmem:s10], [sflag:$0x1] =	stream.indirect.gather [hbm4b:s8+s9], $0x80, s16, s9, $0xb8;
	[tilespmem:$0x1E000] =	vst v63  }
0x56: {  	_ =	swait.ge [sflag:s13], $0x4000  }
0x57: {  	[sflag:s13] =	ssyncset.done $0x0  }
0x58: {  	s18 =	simm.s32 $0x1300;
	[sflag:s13] =	ssyncadd.s32 $0xFFFFC000  }
0x59: {  	[spmem:s2] =	stream.indirect.scatter.add.f32 [tilespmem:s10], [sflag:$0x3], $0x80, s18, s9, $0xb8;
	[tilespmem:$0x1E000] =	vst v63  }
0x5a: {  	_ =	swait.ge [sflag:s20], $0x4000  }
0x5b: {  	[sflag:s20] =	ssyncset.done $0x0  }
0x5c: {  	s19 =	simm.s32 $0x380;
	[sflag:s20] =	ssyncadd.s32 $0xFFFFC000  }
0x5d: {  	[tilespmem:s14], [sflag:$0x2] =	stream.indirect.gather [hbm4b:s8+s9], $0x80, s19, s9, $0xb8;
	[tilespmem:$0x1E000] =	vst v63  }
0x5e: {  	_ =	swait.ge [sflag:s15], $0x4000  }
0x5f: {  	[sflag:s15] =	ssyncset.done $0x0  }
0x60: {  	s21 =	simm.s32 $0x1380;
	[sflag:s15] =	ssyncadd.s32 $0xFFFFC000  }
0x61: {  	[spmem:s2] =	stream.indirect.scatter.add.f32 [tilespmem:s14], [sflag:$0x4], $0x80, s21, s9, $0xb8;
	[tilespmem:$0x1E000] =	vst v63  }
0x62: {  	_ =	swait.ge [sflag:s17], $0x4000  }
0x63: {  	[sflag:s17] =	ssyncset.done $0x0  }
0x64: {  	s22 =	simm.s32 $0x400;
	[sflag:s17] =	ssyncadd.s32 $0xFFFFC000  }
0x65: {  	[tilespmem:s10], [sflag:$0x1] =	stream.indirect.gather [hbm4b:s8+s9], $0x80, s22, s9, $0xb8;
	[tilespmem:$0x1E000] =	vst v63  }
0x66: {  	_ =	swait.ge [sflag:s13], $0x4000  }
0x67: {  	[sflag:s13] =	ssyncset.done $0x0  }
0x68: {  	s23 =	simm.s32 $0x1400;
	[sflag:s13] =	ssyncadd.s32 $0xFFFFC000  }
0x69: {  	[spmem:s2] =	stream.indirect.scatter.add.f32 [tilespmem:s10], [sflag:$0x3], $0x80, s23, s9, $0xb8;
	[tilespmem:$0x1E000] =	vst v63  }
0x6a: {  	_ =	swait.ge [sflag:s20], $0x4000  }
0x6b: {  	[sflag:s20] =	ssyncset.done $0x0  }
0x6c: {  	s24 =	simm.s32 $0x480;
	[sflag:s20] =	ssyncadd.s32 $0xFFFFC000  }
0x6d: {  	[tilespmem:s14], [sflag:$0x2] =	stream.indirect.gather [hbm4b:s8+s9], $0x80, s24, s9, $0xb8;
	[tilespmem:$0x1E000] =	vst v63  }
0x6e: {  	_ =	swait.ge [sflag:s15], $0x4000  }
0x6f: {  	[sflag:s15] =	ssyncset.done $0x0  }
0x70: {  	s25 =	simm.s32 $0x1480;
	[sflag:s15] =	ssyncadd.s32 $0xFFFFC000  }
0x71: {  	[spmem:s2] =	stream.indirect.scatter.add.f32 [tilespmem:s14], [sflag:$0x4], $0x80, s25, s9, $0xb8;
	[tilespmem:$0x1E000] =	vst v63  }
0x72: {  	_ =	swait.ge [sflag:s17], $0x4000  }
0x73: {  	[sflag:s17] =	ssyncset.done $0x0  }
0x74: {  	s26 =	simm.s32 $0x500;
	[sflag:s17] =	ssyncadd.s32 $0xFFFFC000  }
0x75: {  	[tilespmem:s10], [sflag:$0x1] =	stream.indirect.gather [hbm4b:s8+s9], $0x80, s26, s9, $0xb8;
	[tilespmem:$0x1E000] =	vst v63  }
0x76: {  	_ =	swait.ge [sflag:s13], $0x4000  }
0x77: {  	[sflag:s13] =	ssyncset.done $0x0  }
0x78: {  	s28 =	simm.s32 $0x1500;
	[sflag:s13] =	ssyncadd.s32 $0xFFFFC000  }
0x79: {  	[spmem:s2] =	stream.indirect.scatter.add.f32 [tilespmem:s10], [sflag:$0x3], $0x80, s28, s9, $0xb8;
	[tilespmem:$0x1E000] =	vst v63  }
0x7a: {  	_ =	swait.ge [sflag:s20], $0x4000  }
0x7b: {  	[sflag:s20] =	ssyncset.done $0x0  }
0x7c: {  	s29 =	simm.s32 $0x580;
	[sflag:s20] =	ssyncadd.s32 $0xFFFFC000  }
0x7d: {  	[tilespmem:s14], [sflag:$0x2] =	stream.indirect.gather [hbm4b:s8+s9], $0x80, s29, s9, $0xb8;
	[tilespmem:$0x1E000] =	vst v63  }
0x7e: {  	_ =	swait.ge [sflag:s15], $0x4000  }
0x7f: {  	[sflag:s15] =	ssyncset.done $0x0  }
0x80: {  	s30 =	simm.s32 $0x1580;
	[sflag:s15] =	ssyncadd.s32 $0xFFFFC000  }
0x81: {  	[spmem:s2] =	stream.indirect.scatter.add.f32 [tilespmem:s14], [sflag:$0x4], $0x80, s30, s9, $0xb8;
	[tilespmem:$0x1E000] =	vst v63  }
0x82: {  	_ =	swait.ge [sflag:s17], $0x4000  }
0x83: {  	[sflag:s17] =	ssyncset.done $0x0  }
0x84: {  	s31 =	simm.s32 $0x600;
	[sflag:s17] =	ssyncadd.s32 $0xFFFFC000  }
0x85: {  	[tilespmem:s10], [sflag:$0x1] =	stream.indirect.gather [hbm4b:s8+s9], $0x80, s31, s9, $0xb8;
	[tilespmem:$0x1E000] =	vst v63  }
0x86: {  	_ =	swait.ge [sflag:s13], $0x4000  }
0x87: {  	[sflag:s13] =	ssyncset.done $0x0  }
0x88: {  	s1 =	simm.s32 $0x1600;
	[sflag:s13] =	ssyncadd.s32 $0xFFFFC000  }
0x89: {  	[spmem:s2] =	stream.indirect.scatter.add.f32 [tilespmem:s10], [sflag:$0x3], $0x80, s1, s9, $0xb8;
	[tilespmem:$0x1E000] =	vst v63  }
0x8a: {  	_ =	swait.ge [sflag:s20], $0x4000  }
0x8b: {  	[sflag:s20] =	ssyncset.done $0x0  }
0x8c: {  	s6 =	simm.s32 $0x680;
	[sflag:s20] =	ssyncadd.s32 $0xFFFFC000  }
0x8d: {  	[tilespmem:s14], [sflag:$0x2] =	stream.indirect.gather [hbm4b:s8+s9], $0x80, s6, s9, $0xb8;
	[tilespmem:$0x1E000] =	vst v63  }
0x8e: {  	_ =	swait.ge [sflag:s15], $0x4000  }
0x8f: {  	[sflag:s15] =	ssyncset.done $0x0  }
0x90: {  	s7 =	simm.s32 $0x1680;
	[sflag:s15] =	ssyncadd.s32 $0xFFFFC000  }
0x91: {  	[spmem:s2] =	stream.indirect.scatter.add.f32 [tilespmem:s14], [sflag:$0x4], $0x80, s7, s9, $0xb8;
	[tilespmem:$0x1E000] =	vst v63  }
0x92: {  	_ =	swait.ge [sflag:s17], $0x4000  }
0x93: {  	[sflag:s17] =	ssyncset.done $0x0  }
0x94: {  	s16 =	simm.s32 $0x700;
	[sflag:s17] =	ssyncadd.s32 $0xFFFFC000  }
0x95: {  	[tilespmem:s10], [sflag:$0x1] =	stream.indirect.gather [hbm4b:s8+s9], $0x80, s16, s9, $0xb8;
	[tilespmem:$0x1E000] =	vst v63  }
0x96: {  	_ =	swait.ge [sflag:s13], $0x4000  }
0x97: {  	[sflag:s13] =	ssyncset.done $0x0  }
0x98: {  	s18 =	simm.s32 $0x1700;
	[sflag:s13] =	ssyncadd.s32 $0xFFFFC000  }
0x99: {  	[spmem:s2] =	stream.indirect.scatter.add.f32 [tilespmem:s10], [sflag:$0x3], $0x80, s18, s9, $0xb8;
	[tilespmem:$0x1E000] =	vst v63  }
0x9a: {  	_ =	swait.ge [sflag:s20], $0x4000  }
0x9b: {  	[sflag:s20] =	ssyncset.done $0x0  }
0x9c: {  	s19 =	simm.s32 $0x780;
	[sflag:s20] =	ssyncadd.s32 $0xFFFFC000  }
0x9d: {  	[tilespmem:s14], [sflag:$0x2] =	stream.indirect.gather [hbm4b:s8+s9], $0x80, s19, s9, $0xb8;
	[tilespmem:$0x1E000] =	vst v63  }
0x9e: {  	_ =	swait.ge [sflag:s15], $0x4000  }
0x9f: {  	[sflag:s15] =	ssyncset.done $0x0  }
0xa0: {  	s21 =	simm.s32 $0x1780;
	[sflag:s15] =	ssyncadd.s32 $0xFFFFC000  }
0xa1: {  	[spmem:s2] =	stream.indirect.scatter.add.f32 [tilespmem:s14], [sflag:$0x4], $0x80, s21, s9, $0xb8;
	[tilespmem:$0x1E000] =	vst v63  }
0xa2: {  	_ =	swait.ge [sflag:s17], $0x4000  }
0xa3: {  	[sflag:s17] =	ssyncset.done $0x0  }
0xa4: {  	[sflag:s17] =	ssyncadd.s32 $0xFFFFC000  }
0xa5: {  	_ =	swait.ge [sflag:s20], $0x4000  }
0xa6: {  	[sflag:s20] =	ssyncset.done $0x0  }
0xa7: {  	s1 =	simm.s32 $0x5;
	[sflag:s20] =	ssyncadd.s32 $0xFFFFC000  }
0xa8: {  	_ =	swait.ge [sflag:s1], $0x800  }
0xa9: {  	[sflag:s1] =	ssyncset.done $0x0  }
0xaa: {  	s16 =	simm.s32 $0x6;
	[sflag:s1] =	ssyncadd.s32 $0xFFFFF800  }
0xab: {  	_ =	swait.ge [sflag:s16], $0x800  }
0xac: {  	[sflag:s16] =	ssyncset.done $0x0  }
0xad: {  	s4 =	simm.s32 $0x800;
	[sflag:s16] =	ssyncadd.s32 $0xFFFFF800  }
0xae: {  	[tilespmem:s10], [sflag:$0x1] =	stream.indirect.gather [hbm4b:s8+s9], $0x80, s4, s9, $0xb8;
	[tilespmem:$0x1E000] =	vst v63  }
0xaf: {  	s22 =	rddreg [dreg:$0x9]  }
0xb0: {  	[tilespmem:s3], [sflag:$0x5] =	stream.linear.gather [hbm4b:s22+s3], $0x800, $0x38;
	[tilespmem:$0x1E000] =	vst v63  }
0xb1: {  	s18 =	rddreg [dreg:$0xa]  }
0xb2: {  	[tilespmem:s12], [sflag:$0x6] =	stream.linear.gather [hbm4b:s18+s3], $0x800, $0x38;
	[tilespmem:$0x1E000] =	vst v63  }
0xb3: {  	_ =	swait.ge [sflag:s13], $0x4000  }
0xb4: {  	[sflag:s13] =	ssyncset.done $0x0  }
0xb5: {  	s0 =	simm.s32 $0x1800;
	[sflag:s13] =	ssyncadd.s32 $0xFFFFC000  }
0xb6: {  	[spmem:s2] =	stream.indirect.scatter.add.f32 [tilespmem:s10], [sflag:$0x3], $0x80, s0, s9, $0xb8;
	[tilespmem:$0x1E000] =	vst v63  }
0xb7: {  	s23 =	simm.s32 $0x880  }
0xb8: {  	[tilespmem:s14], [sflag:$0x2] =	stream.indirect.gather [hbm4b:s8+s9], $0x80, s23, s9, $0xb8;
	[tilespmem:$0x1E000] =	vst v63  }
0xb9: {  	_ =	swait.ge [sflag:s15], $0x4000  }
0xba: {  	[sflag:s15] =	ssyncset.done $0x0  }
0xbb: {  	s24 =	simm.s32 $0x1880;
	[sflag:s15] =	ssyncadd.s32 $0xFFFFC000  }
0xbc: {  	[spmem:s2] =	stream.indirect.scatter.add.f32 [tilespmem:s14], [sflag:$0x4], $0x80, s24, s9, $0xb8;
	[tilespmem:$0x1E000] =	vst v63  }
0xbd: {  	_ =	swait.ge [sflag:s17], $0x4000  }
0xbe: {  	[sflag:s17] =	ssyncset.done $0x0  }
0xbf: {  	s25 =	simm.s32 $0x900;
	[sflag:s17] =	ssyncadd.s32 $0xFFFFC000  }
0xc0: {  	[tilespmem:s10], [sflag:$0x1] =	stream.indirect.gather [hbm4b:s8+s9], $0x80, s25, s9, $0xb8;
	[tilespmem:$0x1E000] =	vst v63  }
0xc1: {  	_ =	swait.ge [sflag:s13], $0x4000  }
0xc2: {  	[sflag:s13] =	ssyncset.done $0x0  }
0xc3: {  	s26 =	simm.s32 $0x1900;
	[sflag:s13] =	ssyncadd.s32 $0xFFFFC000  }
0xc4: {  	[spmem:s2] =	stream.indirect.scatter.add.f32 [tilespmem:s10], [sflag:$0x3], $0x80, s26, s9, $0xb8;
	[tilespmem:$0x1E000] =	vst v63  }
0xc5: {  	_ =	swait.ge [sflag:s20], $0x4000  }
0xc6: {  	[sflag:s20] =	ssyncset.done $0x0  }
0xc7: {  	s28 =	simm.s32 $0x980;
	[sflag:s20] =	ssyncadd.s32 $0xFFFFC000  }
0xc8: {  	[tilespmem:s14], [sflag:$0x2] =	stream.indirect.gather [hbm4b:s8+s9], $0x80, s28, s9, $0xb8;
	[tilespmem:$0x1E000] =	vst v63  }
0xc9: {  	_ =	swait.ge [sflag:s15], $0x4000  }
0xca: {  	[sflag:s15] =	ssyncset.done $0x0  }
0xcb: {  	s29 =	simm.s32 $0x1980;
	[sflag:s15] =	ssyncadd.s32 $0xFFFFC000  }
0xcc: {  	[spmem:s2] =	stream.indirect.scatter.add.f32 [tilespmem:s14], [sflag:$0x4], $0x80, s29, s9, $0xb8;
	[tilespmem:$0x1E000] =	vst v63  }
0xcd: {  	_ =	swait.ge [sflag:s17], $0x4000  }
0xce: {  	[sflag:s17] =	ssyncset.done $0x0  }
0xcf: {  	s30 =	simm.s32 $0xA00;
	[sflag:s17] =	ssyncadd.s32 $0xFFFFC000  }
0xd0: {  	[tilespmem:s10], [sflag:$0x1] =	stream.indirect.gather [hbm4b:s8+s9], $0x80, s30, s9, $0xb8;
	[tilespmem:$0x1E000] =	vst v63  }
0xd1: {  	_ =	swait.ge [sflag:s13], $0x4000  }
0xd2: {  	[sflag:s13] =	ssyncset.done $0x0  }
0xd3: {  	s31 =	simm.s32 $0x1A00;
	[sflag:s13] =	ssyncadd.s32 $0xFFFFC000  }
0xd4: {  	[spmem:s2] =	stream.indirect.scatter.add.f32 [tilespmem:s10], [sflag:$0x3], $0x80, s31, s9, $0xb8;
	[tilespmem:$0x1E000] =	vst v63  }
0xd5: {  	_ =	swait.ge [sflag:s20], $0x4000  }
0xd6: {  	[sflag:s20] =	ssyncset.done $0x0  }
0xd7: {  	s6 =	simm.s32 $0xA80;
	[sflag:s20] =	ssyncadd.s32 $0xFFFFC000  }
0xd8: {  	[tilespmem:s14], [sflag:$0x2] =	stream.indirect.gather [hbm4b:s8+s9], $0x80, s6, s9, $0xb8;
	[tilespmem:$0x1E000] =	vst v63  }
0xd9: {  	_ =	swait.ge [sflag:s15], $0x4000  }
0xda: {  	[sflag:s15] =	ssyncset.done $0x0  }
0xdb: {  	s18 =	simm.s32 $0x1A80;
	[sflag:s15] =	ssyncadd.s32 $0xFFFFC000  }
0xdc: {  	[spmem:s2] =	stream.indirect.scatter.add.f32 [tilespmem:s14], [sflag:$0x4], $0x80, s18, s9, $0xb8;
	[tilespmem:$0x1E000] =	vst v63  }
0xdd: {  	_ =	swait.ge [sflag:s17], $0x4000  }
0xde: {  	[sflag:s17] =	ssyncset.done $0x0  }
0xdf: {  	s19 =	simm.s32 $0xB00;
	[sflag:s17] =	ssyncadd.s32 $0xFFFFC000  }
0xe0: {  	[tilespmem:s10], [sflag:$0x1] =	stream.indirect.gather [hbm4b:s8+s9], $0x80, s19, s9, $0xb8;
	[tilespmem:$0x1E000] =	vst v63  }
0xe1: {  	_ =	swait.ge [sflag:s13], $0x4000  }
0xe2: {  	[sflag:s13] =	ssyncset.done $0x0  }
0xe3: {  	s21 =	simm.s32 $0x1B00;
	[sflag:s13] =	ssyncadd.s32 $0xFFFFC000  }
0xe4: {  	[spmem:s2] =	stream.indirect.scatter.add.f32 [tilespmem:s10], [sflag:$0x3], $0x80, s21, s9, $0xb8;
	[tilespmem:$0x1E000] =	vst v63  }
0xe5: {  	_ =	swait.ge [sflag:s20], $0x4000  }
0xe6: {  	[sflag:s20] =	ssyncset.done $0x0  }
0xe7: {  	s22 =	simm.s32 $0xB80;
	[sflag:s20] =	ssyncadd.s32 $0xFFFFC000  }
0xe8: {  	[tilespmem:s14], [sflag:$0x2] =	stream.indirect.gather [hbm4b:s8+s9], $0x80, s22, s9, $0xb8;
	[tilespmem:$0x1E000] =	vst v63  }
0xe9: {  	_ =	swait.ge [sflag:s15], $0x4000  }
0xea: {  	[sflag:s15] =	ssyncset.done $0x0  }
0xeb: {  	s23 =	simm.s32 $0x1B80;
	[sflag:s15] =	ssyncadd.s32 $0xFFFFC000  }
0xec: {  	[spmem:s2] =	stream.indirect.scatter.add.f32 [tilespmem:s14], [sflag:$0x4], $0x80, s23, s9, $0xb8;
	[tilespmem:$0x1E000] =	vst v63  }
0xed: {  	_ =	swait.ge [sflag:s17], $0x4000  }
0xee: {  	[sflag:s17] =	ssyncset.done $0x0  }
0xef: {  	s24 =	simm.s32 $0xC00;
	[sflag:s17] =	ssyncadd.s32 $0xFFFFC000  }
0xf0: {  	[tilespmem:s10], [sflag:$0x1] =	stream.indirect.gather [hbm4b:s8+s9], $0x80, s24, s9, $0xb8;
	[tilespmem:$0x1E000] =	vst v63  }
0xf1: {  	_ =	swait.ge [sflag:s13], $0x4000  }
0xf2: {  	[sflag:s13] =	ssyncset.done $0x0  }
0xf3: {  	s25 =	simm.s32 $0x1C00;
	[sflag:s13] =	ssyncadd.s32 $0xFFFFC000  }
0xf4: {  	[spmem:s2] =	stream.indirect.scatter.add.f32 [tilespmem:s10], [sflag:$0x3], $0x80, s25, s9, $0xb8;
	[tilespmem:$0x1E000] =	vst v63  }
0xf5: {  	_ =	swait.ge [sflag:s20], $0x4000  }
0xf6: {  	[sflag:s20] =	ssyncset.done $0x0  }
0xf7: {  	s26 =	simm.s32 $0xC80;
	[sflag:s20] =	ssyncadd.s32 $0xFFFFC000  }
0xf8: {  	[tilespmem:s14], [sflag:$0x2] =	stream.indirect.gather [hbm4b:s8+s9], $0x80, s26, s9, $0xb8;
	[tilespmem:$0x1E000] =	vst v63  }
0xf9: {  	_ =	swait.ge [sflag:s15], $0x4000  }
0xfa: {  	[sflag:s15] =	ssyncset.done $0x0  }
0xfb: {  	s28 =	simm.s32 $0x1C80;
	[sflag:s15] =	ssyncadd.s32 $0xFFFFC000  }
0xfc: {  	[spmem:s2] =	stream.indirect.scatter.add.f32 [tilespmem:s14], [sflag:$0x4], $0x80, s28, s9, $0xb8;
	[tilespmem:$0x1E000] =	vst v63  }
0xfd: {  	_ =	swait.ge [sflag:s17], $0x4000  }
0xfe: {  	[sflag:s17] =	ssyncset.done $0x0  }
0xff: {  	s29 =	simm.s32 $0xD00;
	[sflag:s17] =	ssyncadd.s32 $0xFFFFC000  }
0x100: {  	[tilespmem:s10], [sflag:$0x1] =	stream.indirect.gather [hbm4b:s8+s9], $0x80, s29, s9, $0xb8;
	[tilespmem:$0x1E000] =	vst v63  }
0x101: {  	_ =	swait.ge [sflag:s13], $0x4000  }
0x102: {  	[sflag:s13] =	ssyncset.done $0x0  }
0x103: {  	s30 =	simm.s32 $0x1D00;
	[sflag:s13] =	ssyncadd.s32 $0xFFFFC000  }
0x104: {  	[spmem:s2] =	stream.indirect.scatter.add.f32 [tilespmem:s10], [sflag:$0x3], $0x80, s30, s9, $0xb8;
	[tilespmem:$0x1E000] =	vst v63  }
0x105: {  	_ =	swait.ge [sflag:s20], $0x4000  }
0x106: {  	[sflag:s20] =	ssyncset.done $0x0  }
0x107: {  	s31 =	simm.s32 $0xD80;
	[sflag:s20] =	ssyncadd.s32 $0xFFFFC000  }
0x108: {  	[tilespmem:s14], [sflag:$0x2] =	stream.indirect.gather [hbm4b:s8+s9], $0x80, s31, s9, $0xb8;
	[tilespmem:$0x1E000] =	vst v63  }
0x109: {  	_ =	swait.ge [sflag:s15], $0x4000  }
0x10a: {  	[sflag:s15] =	ssyncset.done $0x0  }
0x10b: {  	s6 =	simm.s32 $0x1D80;
	[sflag:s15] =	ssyncadd.s32 $0xFFFFC000  }
0x10c: {  	[spmem:s2] =	stream.indirect.scatter.add.f32 [tilespmem:s14], [sflag:$0x4], $0x80, s6, s9, $0xb8;
	[tilespmem:$0x1E000] =	vst v63  }
0x10d: {  	_ =	swait.ge [sflag:s17], $0x4000  }
0x10e: {  	[sflag:s17] =	ssyncset.done $0x0  }
0x10f: {  	s18 =	simm.s32 $0xE00;
	[sflag:s17] =	ssyncadd.s32 $0xFFFFC000  }
0x110: {  	[tilespmem:s10], [sflag:$0x1] =	stream.indirect.gather [hbm4b:s8+s9], $0x80, s18, s9, $0xb8;
	[tilespmem:$0x1E000] =	vst v63  }
0x111: {  	_ =	swait.ge [sflag:s13], $0x4000  }
0x112: {  	[sflag:s13] =	ssyncset.done $0x0  }
0x113: {  	s19 =	simm.s32 $0x1E00;
	[sflag:s13] =	ssyncadd.s32 $0xFFFFC000  }
0x114: {  	[spmem:s2] =	stream.indirect.scatter.add.f32 [tilespmem:s10], [sflag:$0x3], $0x80, s19, s9, $0xb8;
	[tilespmem:$0x1E000] =	vst v63  }
0x115: {  	_ =	swait.ge [sflag:s20], $0x4000  }
0x116: {  	[sflag:s20] =	ssyncset.done $0x0  }
0x117: {  	s21 =	simm.s32 $0xE80;
	[sflag:s20] =	ssyncadd.s32 $0xFFFFC000  }
0x118: {  	[tilespmem:s14], [sflag:$0x2] =	stream.indirect.gather [hbm4b:s8+s9], $0x80, s21, s9, $0xb8;
	[tilespmem:$0x1E000] =	vst v63  }
0x119: {  	_ =	swait.ge [sflag:s15], $0x4000  }
0x11a: {  	[sflag:s15] =	ssyncset.done $0x0  }
0x11b: {  	s22 =	simm.s32 $0x1E80;
	[sflag:s15] =	ssyncadd.s32 $0xFFFFC000  }
0x11c: {  	[spmem:s2] =	stream.indirect.scatter.add.f32 [tilespmem:s14], [sflag:$0x4], $0x80, s22, s9, $0xb8;
	[tilespmem:$0x1E000] =	vst v63  }
0x11d: {  	_ =	swait.ge [sflag:s17], $0x4000  }
0x11e: {  	[sflag:s17] =	ssyncset.done $0x0  }
0x11f: {  	s23 =	simm.s32 $0xF00;
	[sflag:s17] =	ssyncadd.s32 $0xFFFFC000  }
0x120: {  	[tilespmem:s10], [sflag:$0x1] =	stream.indirect.gather [hbm4b:s8+s9], $0x80, s23, s9, $0xb8;
	[tilespmem:$0x1E000] =	vst v63  }
0x121: {  	_ =	swait.ge [sflag:s13], $0x4000  }
0x122: {  	[sflag:s13] =	ssyncset.done $0x0  }
0x123: {  	s24 =	simm.s32 $0x1F00;
	[sflag:s13] =	ssyncadd.s32 $0xFFFFC000  }
0x124: {  	[spmem:s2] =	stream.indirect.scatter.add.f32 [tilespmem:s10], [sflag:$0x3], $0x80, s24, s9, $0xb8;
	[tilespmem:$0x1E000] =	vst v63  }
0x125: {  	_ =	swait.ge [sflag:s20], $0x4000  }
0x126: {  	[sflag:s20] =	ssyncset.done $0x0  }
0x127: {  	s25 =	simm.s32 $0xF80;
	[sflag:s20] =	ssyncadd.s32 $0xFFFFC000  }
0x128: {  	[tilespmem:s14], [sflag:$0x2] =	stream.indirect.gather [hbm4b:s8+s9], $0x80, s25, s9, $0xb8;
	[tilespmem:$0x1E000] =	vst v63  }
0x129: {  	_ =	swait.ge [sflag:s15], $0x4000  }
0x12a: {  	[sflag:s15] =	ssyncset.done $0x0  }
0x12b: {  	s26 =	simm.s32 $0x1F80;
	[sflag:s15] =	ssyncadd.s32 $0xFFFFC000  }
0x12c: {  	[spmem:s2] =	stream.indirect.scatter.add.f32 [tilespmem:s14], [sflag:$0x4], $0x80, s26, s9, $0xb8;
	[tilespmem:$0x1E000] =	vst v63  }
0x12d: {  	_ =	swait.ge [sflag:s17], $0x4000  }
0x12e: {  	[sflag:s17] =	ssyncset.done $0x0  }
0x12f: {  	[sflag:s17] =	ssyncadd.s32 $0xFFFFC000  }
0x130: {  	_ =	swait.ge [sflag:s20], $0x4000  }
0x131: {  	[sflag:s20] =	ssyncset.done $0x0  }
0x132: {  	[sflag:s20] =	ssyncadd.s32 $0xFFFFC000  }
0x133: {  	_ =	swait.ge [sflag:s1], $0x800  }
0x134: {  	[sflag:s1] =	ssyncset.done $0x0  }
0x135: {  	[sflag:s1] =	ssyncadd.s32 $0xFFFFF800  }
0x136: {  	_ =	swait.ge [sflag:s16], $0x800  }
0x137: {  	[sflag:s16] =	ssyncset.done $0x0  }
0x138: {  	[sflag:s16] =	ssyncadd.s32 $0xFFFFF800  }
0x139: {  	[tilespmem:s10], [sflag:$0x1] =	stream.indirect.gather [hbm4b:s8+s9], $0x80, s3, s9, $0xb8;
	[tilespmem:$0x1E000] =	vst v63  }
0x13a: {  	s7 =	simm.s32 $0x800;
	s28 =	rddreg [dreg:$0xb]  }
0x13b: {  	[tilespmem:s7], [sflag:$0x5] =	stream.linear.gather [hbm4b:s28+s3], $0x800, $0x38;
	[tilespmem:$0x1E000] =	vst v63  }
0x13c: {  	s29 =	rddreg [dreg:$0xc]  }
0x13d: {  	[tilespmem:s0], [sflag:$0x6] =	stream.linear.gather [hbm4b:s29+s3], $0x800, $0x38;
	[tilespmem:$0x1E000] =	vst v63  }
0x13e: {  	_ =	swait.ge [sflag:s13], $0x4000  }
0x13f: {  	[sflag:s13] =	ssyncset.done $0x0  }
0x140: {  	[sflag:s13] =	ssyncadd.s32 $0xFFFFC000  }
0x141: {  	[spmem:s2] =	stream.indirect.scatter.add.f32 [tilespmem:s10], [sflag:$0x3], $0x80, s12, s9, $0xb8;
	[tilespmem:$0x1E000] =	vst v63  }
0x142: {  	_ = 	snop  }
0x143: {  	[tilespmem:s14], [sflag:$0x2] =	stream.indirect.gather [hbm4b:s8+s9], $0x80, s9, s9, $0xb8;
	[tilespmem:$0x1E000] =	vst v63  }
0x144: {  	_ =	swait.ge [sflag:s15], $0x4000  }
0x145: {  	[sflag:s15] =	ssyncset.done $0x0  }
0x146: {  	s30 =	simm.s32 $0x1080;
	[sflag:s15] =	ssyncadd.s32 $0xFFFFC000  }
0x147: {  	[spmem:s2] =	stream.indirect.scatter.add.f32 [tilespmem:s14], [sflag:$0x4], $0x80, s30, s9, $0xb8;
	[tilespmem:$0x1E000] =	vst v63  }
0x148: {  	_ =	swait.ge [sflag:s17], $0x4000  }
0x149: {  	[sflag:s17] =	ssyncset.done $0x0  }
0x14a: {  	s4 =	simm.s32 $0x100;
	[sflag:s17] =	ssyncadd.s32 $0xFFFFC000  }
0x14b: {  	[tilespmem:s10], [sflag:$0x1] =	stream.indirect.gather [hbm4b:s8+s9], $0x80, s4, s9, $0xb8;
	[tilespmem:$0x1E000] =	vst v63  }
0x14c: {  	_ =	swait.ge [sflag:s13], $0x4000  }
0x14d: {  	[sflag:s13] =	ssyncset.done $0x0  }
0x14e: {  	s7 =	simm.s32 $0x1100;
	[sflag:s13] =	ssyncadd.s32 $0xFFFFC000  }
0x14f: {  	[spmem:s2] =	stream.indirect.scatter.add.f32 [tilespmem:s10], [sflag:$0x3], $0x80, s7, s9, $0xb8;
	[tilespmem:$0x1E000] =	vst v63  }
0x150: {  	_ =	swait.ge [sflag:s20], $0x4000  }
0x151: {  	[sflag:s20] =	ssyncset.done $0x0  }
0x152: {  	s31 =	simm.s32 $0x180;
	[sflag:s20] =	ssyncadd.s32 $0xFFFFC000  }
0x153: {  	[tilespmem:s14], [sflag:$0x2] =	stream.indirect.gather [hbm4b:s8+s9], $0x80, s31, s9, $0xb8;
	[tilespmem:$0x1E000] =	vst v63  }
0x154: {  	_ =	swait.ge [sflag:s15], $0x4000  }
0x155: {  	[sflag:s15] =	ssyncset.done $0x0  }
0x156: {  	s19 =	simm.s32 $0x1180;
	[sflag:s15] =	ssyncadd.s32 $0xFFFFC000  }
0x157: {  	[spmem:s2] =	stream.indirect.scatter.add.f32 [tilespmem:s14], [sflag:$0x4], $0x80, s19, s9, $0xb8;
	[tilespmem:$0x1E000] =	vst v63  }
0x158: {  	_ =	swait.ge [sflag:s17], $0x4000  }
0x159: {  	[sflag:s17] =	ssyncset.done $0x0  }
0x15a: {  	s21 =	simm.s32 $0x200;
	[sflag:s17] =	ssyncadd.s32 $0xFFFFC000  }
0x15b: {  	[tilespmem:s10], [sflag:$0x1] =	stream.indirect.gather [hbm4b:s8+s9], $0x80, s21, s9, $0xb8;
	[tilespmem:$0x1E000] =	vst v63  }
0x15c: {  	_ =	swait.ge [sflag:s13], $0x4000  }
0x15d: {  	[sflag:s13] =	ssyncset.done $0x0  }
0x15e: {  	s22 =	simm.s32 $0x1200;
	[sflag:s13] =	ssyncadd.s32 $0xFFFFC000  }
0x15f: {  	[spmem:s2] =	stream.indirect.scatter.add.f32 [tilespmem:s10], [sflag:$0x3], $0x80, s22, s9, $0xb8;
	[tilespmem:$0x1E000] =	vst v63  }
0x160: {  	_ =	swait.ge [sflag:s20], $0x4000  }
0x161: {  	[sflag:s20] =	ssyncset.done $0x0  }
0x162: {  	s23 =	simm.s32 $0x280;
	[sflag:s20] =	ssyncadd.s32 $0xFFFFC000  }
0x163: {  	[tilespmem:s14], [sflag:$0x2] =	stream.indirect.gather [hbm4b:s8+s9], $0x80, s23, s9, $0xb8;
	[tilespmem:$0x1E000] =	vst v63  }
0x164: {  	_ =	swait.ge [sflag:s15], $0x4000  }
0x165: {  	[sflag:s15] =	ssyncset.done $0x0  }
0x166: {  	s24 =	simm.s32 $0x1280;
	[sflag:s15] =	ssyncadd.s32 $0xFFFFC000  }
0x167: {  	[spmem:s2] =	stream.indirect.scatter.add.f32 [tilespmem:s14], [sflag:$0x4], $0x80, s24, s9, $0xb8;
	[tilespmem:$0x1E000] =	vst v63  }
0x168: {  	_ =	swait.ge [sflag:s17], $0x4000  }
0x169: {  	[sflag:s17] =	ssyncset.done $0x0  }
0x16a: {  	s25 =	simm.s32 $0x300;
	[sflag:s17] =	ssyncadd.s32 $0xFFFFC000  }
0x16b: {  	[tilespmem:s10], [sflag:$0x1] =	stream.indirect.gather [hbm4b:s8+s9], $0x80, s25, s9, $0xb8;
	[tilespmem:$0x1E000] =	vst v63  }
0x16c: {  	_ =	swait.ge [sflag:s13], $0x4000  }
0x16d: {  	[sflag:s13] =	ssyncset.done $0x0  }
0x16e: {  	s26 =	simm.s32 $0x1300;
	[sflag:s13] =	ssyncadd.s32 $0xFFFFC000  }
0x16f: {  	[spmem:s2] =	stream.indirect.scatter.add.f32 [tilespmem:s10], [sflag:$0x3], $0x80, s26, s9, $0xb8;
	[tilespmem:$0x1E000] =	vst v63  }
0x170: {  	_ =	swait.ge [sflag:s20], $0x4000  }
0x171: {  	[sflag:s20] =	ssyncset.done $0x0  }
0x172: {  	s28 =	simm.s32 $0x380;
	[sflag:s20] =	ssyncadd.s32 $0xFFFFC000  }
0x173: {  	[tilespmem:s14], [sflag:$0x2] =	stream.indirect.gather [hbm4b:s8+s9], $0x80, s28, s9, $0xb8;
	[tilespmem:$0x1E000] =	vst v63  }
0x174: {  	_ =	swait.ge [sflag:s15], $0x4000  }
0x175: {  	[sflag:s15] =	ssyncset.done $0x0  }
0x176: {  	s29 =	simm.s32 $0x1380;
	[sflag:s15] =	ssyncadd.s32 $0xFFFFC000  }
0x177: {  	[spmem:s2] =	stream.indirect.scatter.add.f32 [tilespmem:s14], [sflag:$0x4], $0x80, s29, s9, $0xb8;
	[tilespmem:$0x1E000] =	vst v63  }
0x178: {  	_ =	swait.ge [sflag:s17], $0x4000  }
0x179: {  	[sflag:s17] =	ssyncset.done $0x0  }
0x17a: {  	s30 =	simm.s32 $0x400;
	[sflag:s17] =	ssyncadd.s32 $0xFFFFC000  }
0x17b: {  	[tilespmem:s10], [sflag:$0x1] =	stream.indirect.gather [hbm4b:s8+s9], $0x80, s30, s9, $0xb8;
	[tilespmem:$0x1E000] =	vst v63  }
0x17c: {  	_ =	swait.ge [sflag:s13], $0x4000  }
0x17d: {  	[sflag:s13] =	ssyncset.done $0x0  }
0x17e: {  	s31 =	simm.s32 $0x1400;
	[sflag:s13] =	ssyncadd.s32 $0xFFFFC000  }
0x17f: {  	[spmem:s2] =	stream.indirect.scatter.add.f32 [tilespmem:s10], [sflag:$0x3], $0x80, s31, s9, $0xb8;
	[tilespmem:$0x1E000] =	vst v63  }
0x180: {  	_ =	swait.ge [sflag:s20], $0x4000  }
0x181: {  	[sflag:s20] =	ssyncset.done $0x0  }
0x182: {  	s18 =	simm.s32 $0x480;
	[sflag:s20] =	ssyncadd.s32 $0xFFFFC000  }
0x183: {  	[tilespmem:s14], [sflag:$0x2] =	stream.indirect.gather [hbm4b:s8+s9], $0x80, s18, s9, $0xb8;
	[tilespmem:$0x1E000] =	vst v63  }
0x184: {  	_ =	swait.ge [sflag:s15], $0x4000  }
0x185: {  	[sflag:s15] =	ssyncset.done $0x0  }
0x186: {  	s18 =	simm.s32 $0x1480;
	[sflag:s15] =	ssyncadd.s32 $0xFFFFC000  }
0x187: {  	[spmem:s2] =	stream.indirect.scatter.add.f32 [tilespmem:s14], [sflag:$0x4], $0x80, s18, s9, $0xb8;
	[tilespmem:$0x1E000] =	vst v63  }
0x188: {  	_ =	swait.ge [sflag:s17], $0x4000  }
0x189: {  	[sflag:s17] =	ssyncset.done $0x0  }
0x18a: {  	s18 =	simm.s32 $0x500;
	[sflag:s17] =	ssyncadd.s32 $0xFFFFC000  }
0x18b: {  	[tilespmem:s10], [sflag:$0x1] =	stream.indirect.gather [hbm4b:s8+s9], $0x80, s18, s9, $0xb8;
	[tilespmem:$0x1E000] =	vst v63  }
0x18c: {  	_ =	swait.ge [sflag:s13], $0x4000  }
0x18d: {  	[sflag:s13] =	ssyncset.done $0x0  }
0x18e: {  	s18 =	simm.s32 $0x1500;
	[sflag:s13] =	ssyncadd.s32 $0xFFFFC000  }
0x18f: {  	[spmem:s2] =	stream.indirect.scatter.add.f32 [tilespmem:s10], [sflag:$0x3], $0x80, s18, s9, $0xb8;
	[tilespmem:$0x1E000] =	vst v63  }
0x190: {  	_ =	swait.ge [sflag:s20], $0x4000  }
0x191: {  	[sflag:s20] =	ssyncset.done $0x0  }
0x192: {  	s18 =	simm.s32 $0x580;
	[sflag:s20] =	ssyncadd.s32 $0xFFFFC000  }
0x193: {  	[tilespmem:s14], [sflag:$0x2] =	stream.indirect.gather [hbm4b:s8+s9], $0x80, s18, s9, $0xb8;
	[tilespmem:$0x1E000] =	vst v63  }
0x194: {  	_ =	swait.ge [sflag:s15], $0x4000  }
0x195: {  	[sflag:s15] =	ssyncset.done $0x0  }
0x196: {  	s18 =	simm.s32 $0x1580;
	[sflag:s15] =	ssyncadd.s32 $0xFFFFC000  }
0x197: {  	[spmem:s2] =	stream.indirect.scatter.add.f32 [tilespmem:s14], [sflag:$0x4], $0x80, s18, s9, $0xb8;
	[tilespmem:$0x1E000] =	vst v63  }
0x198: {  	_ =	swait.ge [sflag:s17], $0x4000  }
0x199: {  	[sflag:s17] =	ssyncset.done $0x0  }
0x19a: {  	s18 =	simm.s32 $0x600;
	[sflag:s17] =	ssyncadd.s32 $0xFFFFC000  }
0x19b: {  	[tilespmem:s10], [sflag:$0x1] =	stream.indirect.gather [hbm4b:s8+s9], $0x80, s18, s9, $0xb8;
	[tilespmem:$0x1E000] =	vst v63  }
0x19c: {  	_ =	swait.ge [sflag:s13], $0x4000  }
0x19d: {  	[sflag:s13] =	ssyncset.done $0x0  }
0x19e: {  	s18 =	simm.s32 $0x1600;
	[sflag:s13] =	ssyncadd.s32 $0xFFFFC000  }
0x19f: {  	[spmem:s2] =	stream.indirect.scatter.add.f32 [tilespmem:s10], [sflag:$0x3], $0x80, s18, s9, $0xb8;
	[tilespmem:$0x1E000] =	vst v63  }
0x1a0: {  	_ =	swait.ge [sflag:s20], $0x4000  }
0x1a1: {  	[sflag:s20] =	ssyncset.done $0x0  }
0x1a2: {  	s18 =	simm.s32 $0x680;
	[sflag:s20] =	ssyncadd.s32 $0xFFFFC000  }
0x1a3: {  	[tilespmem:s14], [sflag:$0x2] =	stream.indirect.gather [hbm4b:s8+s9], $0x80, s18, s9, $0xb8;
	[tilespmem:$0x1E000] =	vst v63  }
0x1a4: {  	_ =	swait.ge [sflag:s15], $0x4000  }
0x1a5: {  	[sflag:s15] =	ssyncset.done $0x0  }
0x1a6: {  	s18 =	simm.s32 $0x1680;
	[sflag:s15] =	ssyncadd.s32 $0xFFFFC000  }
0x1a7: {  	[spmem:s2] =	stream.indirect.scatter.add.f32 [tilespmem:s14], [sflag:$0x4], $0x80, s18, s9, $0xb8;
	[tilespmem:$0x1E000] =	vst v63  }
0x1a8: {  	_ =	swait.ge [sflag:s17], $0x4000  }
0x1a9: {  	[sflag:s17] =	ssyncset.done $0x0  }
0x1aa: {  	s18 =	simm.s32 $0x700;
	[sflag:s17] =	ssyncadd.s32 $0xFFFFC000  }
0x1ab: {  	[tilespmem:s10], [sflag:$0x1] =	stream.indirect.gather [hbm4b:s8+s9], $0x80, s18, s9, $0xb8;
	[tilespmem:$0x1E000] =	vst v63  }
0x1ac: {  	_ =	swait.ge [sflag:s13], $0x4000  }
0x1ad: {  	[sflag:s13] =	ssyncset.done $0x0  }
0x1ae: {  	s18 =	simm.s32 $0x1700;
	[sflag:s13] =	ssyncadd.s32 $0xFFFFC000  }
0x1af: {  	[spmem:s2] =	stream.indirect.scatter.add.f32 [tilespmem:s10], [sflag:$0x3], $0x80, s18, s9, $0xb8;
	[tilespmem:$0x1E000] =	vst v63  }
0x1b0: {  	_ =	swait.ge [sflag:s20], $0x4000  }
0x1b1: {  	[sflag:s20] =	ssyncset.done $0x0  }
0x1b2: {  	s18 =	simm.s32 $0x780;
	[sflag:s20] =	ssyncadd.s32 $0xFFFFC000  }
0x1b3: {  	[tilespmem:s14], [sflag:$0x2] =	stream.indirect.gather [hbm4b:s8+s9], $0x80, s18, s9, $0xb8;
	[tilespmem:$0x1E000] =	vst v63  }
0x1b4: {  	_ =	swait.ge [sflag:s15], $0x4000  }
0x1b5: {  	[sflag:s15] =	ssyncset.done $0x0  }
0x1b6: {  	s18 =	simm.s32 $0x1780;
	[sflag:s15] =	ssyncadd.s32 $0xFFFFC000  }
0x1b7: {  	[spmem:s2] =	stream.indirect.scatter.add.f32 [tilespmem:s14], [sflag:$0x4], $0x80, s18, s9, $0xb8;
	[tilespmem:$0x1E000] =	vst v63  }
0x1b8: {  	_ =	swait.ge [sflag:s17], $0x4000  }
0x1b9: {  	[sflag:s17] =	ssyncset.done $0x0  }
0x1ba: {  	[sflag:s17] =	ssyncadd.s32 $0xFFFFC000  }
0x1bb: {  	_ =	swait.ge [sflag:s20], $0x4000  }
0x1bc: {  	[sflag:s20] =	ssyncset.done $0x0  }
0x1bd: {  	[sflag:s20] =	ssyncadd.s32 $0xFFFFC000  }
0x1be: {  	_ =	swait.ge [sflag:s1], $0x800  }
0x1bf: {  	[sflag:s1] =	ssyncset.done $0x0  }
0x1c0: {  	[sflag:s1] =	ssyncadd.s32 $0xFFFFF800  }
0x1c1: {  	_ =	swait.ge [sflag:s16], $0x800  }
0x1c2: {  	[sflag:s16] =	ssyncset.done $0x0;
	s18 =	rddreg [dreg:$0xd]  }
0x1c3: {  	s6 =	simm.s32 $0x800;
	[sflag:s16] =	ssyncadd.s32 $0xFFFFF800;
	[dreg:$0x13] =	wrdreg s18  }
0x1c4: {  	[tilespmem:s10], [sflag:$0x1] =	stream.indirect.gather [hbm4b:s8+s9], $0x80, s6, s9, $0xb8;
	[tilespmem:$0x1E000] =	vst v63  }
0x1c5: {  	s6 =	rddreg [dreg:$0x13]  }
0x1c6: {  	[tilespmem:s3], [sflag:$0x5] =	stream.linear.gather [hbm4b:s6+s3], $0x800, $0x38;
	[tilespmem:$0x1E000] =	vst v63  }
0x1c7: {  	s18 =	rddreg [dreg:$0xe]  }
0x1c8: {  	[tilespmem:s12], [sflag:$0x6] =	stream.linear.gather [hbm4b:s18+s3], $0x800, $0x38;
	[tilespmem:$0x1E000] =	vst v63  }
0x1c9: {  	_ =	swait.ge [sflag:s13], $0x4000  }
0x1ca: {  	[sflag:s13] =	ssyncset.done $0x0  }
0x1cb: {  	s0 =	simm.s32 $0x1800;
	[sflag:s13] =	ssyncadd.s32 $0xFFFFC000  }
0x1cc: {  	[spmem:s2] =	stream.indirect.scatter.add.f32 [tilespmem:s10], [sflag:$0x3], $0x80, s0, s9, $0xb8;
	[tilespmem:$0x1E000] =	vst v63  }
0x1cd: {  	s18 =	simm.s32 $0x880  }
0x1ce: {  	[tilespmem:s14], [sflag:$0x2] =	stream.indirect.gather [hbm4b:s8+s9], $0x80, s18, s9, $0xb8;
	[tilespmem:$0x1E000] =	vst v63  }
0x1cf: {  	_ =	swait.ge [sflag:s15], $0x4000  }
0x1d0: {  	[sflag:s15] =	ssyncset.done $0x0  }
0x1d1: {  	s6 =	simm.s32 $0x1880;
	[sflag:s15] =	ssyncadd.s32 $0xFFFFC000  }
0x1d2: {  	[spmem:s2] =	stream.indirect.scatter.add.f32 [tilespmem:s14], [sflag:$0x4], $0x80, s6, s9, $0xb8;
	[tilespmem:$0x1E000] =	vst v63  }
0x1d3: {  	_ =	swait.ge [sflag:s17], $0x4000  }
0x1d4: {  	[sflag:s17] =	ssyncset.done $0x0  }
0x1d5: {  	s18 =	simm.s32 $0x900;
	[sflag:s17] =	ssyncadd.s32 $0xFFFFC000  }
0x1d6: {  	[tilespmem:s10], [sflag:$0x1] =	stream.indirect.gather [hbm4b:s8+s9], $0x80, s18, s9, $0xb8;
	[tilespmem:$0x1E000] =	vst v63  }
0x1d7: {  	_ =	swait.ge [sflag:s13], $0x4000  }
0x1d8: {  	[sflag:s13] =	ssyncset.done $0x0  }
0x1d9: {  	s6 =	simm.s32 $0x1900;
	[sflag:s13] =	ssyncadd.s32 $0xFFFFC000  }
0x1da: {  	[spmem:s2] =	stream.indirect.scatter.add.f32 [tilespmem:s10], [sflag:$0x3], $0x80, s6, s9, $0xb8;
	[tilespmem:$0x1E000] =	vst v63  }
0x1db: {  	_ =	swait.ge [sflag:s20], $0x4000  }
0x1dc: {  	[sflag:s20] =	ssyncset.done $0x0  }
0x1dd: {  	s18 =	simm.s32 $0x980;
	[sflag:s20] =	ssyncadd.s32 $0xFFFFC000  }
0x1de: {  	[tilespmem:s14], [sflag:$0x2] =	stream.indirect.gather [hbm4b:s8+s9], $0x80, s18, s9, $0xb8;
	[tilespmem:$0x1E000] =	vst v63  }
0x1df: {  	_ =	swait.ge [sflag:s15], $0x4000  }
0x1e0: {  	[sflag:s15] =	ssyncset.done $0x0  }
0x1e1: {  	s6 =	simm.s32 $0x1980;
	[sflag:s15] =	ssyncadd.s32 $0xFFFFC000  }
0x1e2: {  	[spmem:s2] =	stream.indirect.scatter.add.f32 [tilespmem:s14], [sflag:$0x4], $0x80, s6, s9, $0xb8;
	[tilespmem:$0x1E000] =	vst v63  }
0x1e3: {  	_ =	swait.ge [sflag:s17], $0x4000  }
0x1e4: {  	[sflag:s17] =	ssyncset.done $0x0  }
0x1e5: {  	s18 =	simm.s32 $0xA00;
	[sflag:s17] =	ssyncadd.s32 $0xFFFFC000  }
0x1e6: {  	[tilespmem:s10], [sflag:$0x1] =	stream.indirect.gather [hbm4b:s8+s9], $0x80, s18, s9, $0xb8;
	[tilespmem:$0x1E000] =	vst v63  }
0x1e7: {  	_ =	swait.ge [sflag:s13], $0x4000  }
0x1e8: {  	[sflag:s13] =	ssyncset.done $0x0  }
0x1e9: {  	s6 =	simm.s32 $0x1A00;
	[sflag:s13] =	ssyncadd.s32 $0xFFFFC000  }
0x1ea: {  	[spmem:s2] =	stream.indirect.scatter.add.f32 [tilespmem:s10], [sflag:$0x3], $0x80, s6, s9, $0xb8;
	[tilespmem:$0x1E000] =	vst v63  }
0x1eb: {  	_ =	swait.ge [sflag:s20], $0x4000  }
0x1ec: {  	[sflag:s20] =	ssyncset.done $0x0  }
0x1ed: {  	s18 =	simm.s32 $0xA80;
	[sflag:s20] =	ssyncadd.s32 $0xFFFFC000  }
0x1ee: {  	[tilespmem:s14], [sflag:$0x2] =	stream.indirect.gather [hbm4b:s8+s9], $0x80, s18, s9, $0xb8;
	[tilespmem:$0x1E000] =	vst v63  }
0x1ef: {  	_ =	swait.ge [sflag:s15], $0x4000  }
0x1f0: {  	[sflag:s15] =	ssyncset.done $0x0  }
0x1f1: {  	s6 =	simm.s32 $0x1A80;
	[sflag:s15] =	ssyncadd.s32 $0xFFFFC000  }
0x1f2: {  	[spmem:s2] =	stream.indirect.scatter.add.f32 [tilespmem:s14], [sflag:$0x4], $0x80, s6, s9, $0xb8;
	[tilespmem:$0x1E000] =	vst v63  }
0x1f3: {  	_ =	swait.ge [sflag:s17], $0x4000  }
0x1f4: {  	[sflag:s17] =	ssyncset.done $0x0  }
0x1f5: {  	s18 =	simm.s32 $0xB00;
	[sflag:s17] =	ssyncadd.s32 $0xFFFFC000  }
0x1f6: {  	[tilespmem:s10], [sflag:$0x1] =	stream.indirect.gather [hbm4b:s8+s9], $0x80, s18, s9, $0xb8;
	[tilespmem:$0x1E000] =	vst v63  }
0x1f7: {  	_ =	swait.ge [sflag:s13], $0x4000  }
0x1f8: {  	[sflag:s13] =	ssyncset.done $0x0  }
0x1f9: {  	s6 =	simm.s32 $0x1B00;
	[sflag:s13] =	ssyncadd.s32 $0xFFFFC000  }
0x1fa: {  	[spmem:s2] =	stream.indirect.scatter.add.f32 [tilespmem:s10], [sflag:$0x3], $0x80, s6, s9, $0xb8;
	[tilespmem:$0x1E000] =	vst v63  }
0x1fb: {  	_ =	swait.ge [sflag:s20], $0x4000  }
0x1fc: {  	[sflag:s20] =	ssyncset.done $0x0  }
0x1fd: {  	s18 =	simm.s32 $0xB80;
	[sflag:s20] =	ssyncadd.s32 $0xFFFFC000  }
0x1fe: {  	[tilespmem:s14], [sflag:$0x2] =	stream.indirect.gather [hbm4b:s8+s9], $0x80, s18, s9, $0xb8;
	[tilespmem:$0x1E000] =	vst v63  }
0x1ff: {  	_ =	swait.ge [sflag:s15], $0x4000  }
0x200: {  	[sflag:s15] =	ssyncset.done $0x0  }
0x201: {  	s6 =	simm.s32 $0x1B80;
	[sflag:s15] =	ssyncadd.s32 $0xFFFFC000  }
0x202: {  	[spmem:s2] =	stream.indirect.scatter.add.f32 [tilespmem:s14], [sflag:$0x4], $0x80, s6, s9, $0xb8;
	[tilespmem:$0x1E000] =	vst v63  }
0x203: {  	_ =	swait.ge [sflag:s17], $0x4000  }
0x204: {  	[sflag:s17] =	ssyncset.done $0x0  }
0x205: {  	s18 =	simm.s32 $0xC00;
	[sflag:s17] =	ssyncadd.s32 $0xFFFFC000  }
0x206: {  	[tilespmem:s10], [sflag:$0x1] =	stream.indirect.gather [hbm4b:s8+s9], $0x80, s18, s9, $0xb8;
	[tilespmem:$0x1E000] =	vst v63  }
0x207: {  	_ =	swait.ge [sflag:s13], $0x4000  }
0x208: {  	[sflag:s13] =	ssyncset.done $0x0  }
0x209: {  	s6 =	simm.s32 $0x1C00;
	[sflag:s13] =	ssyncadd.s32 $0xFFFFC000  }
0x20a: {  	[spmem:s2] =	stream.indirect.scatter.add.f32 [tilespmem:s10], [sflag:$0x3], $0x80, s6, s9, $0xb8;
	[tilespmem:$0x1E000] =	vst v63  }
0x20b: {  	_ =	swait.ge [sflag:s20], $0x4000  }
0x20c: {  	[sflag:s20] =	ssyncset.done $0x0  }
0x20d: {  	s18 =	simm.s32 $0xC80;
	[sflag:s20] =	ssyncadd.s32 $0xFFFFC000  }
0x20e: {  	[tilespmem:s14], [sflag:$0x2] =	stream.indirect.gather [hbm4b:s8+s9], $0x80, s18, s9, $0xb8;
	[tilespmem:$0x1E000] =	vst v63  }
0x20f: {  	_ =	swait.ge [sflag:s15], $0x4000  }
0x210: {  	[sflag:s15] =	ssyncset.done $0x0  }
0x211: {  	s6 =	simm.s32 $0x1C80;
	[sflag:s15] =	ssyncadd.s32 $0xFFFFC000  }
0x212: {  	[spmem:s2] =	stream.indirect.scatter.add.f32 [tilespmem:s14], [sflag:$0x4], $0x80, s6, s9, $0xb8;
	[tilespmem:$0x1E000] =	vst v63  }
0x213: {  	_ =	swait.ge [sflag:s17], $0x4000  }
0x214: {  	[sflag:s17] =	ssyncset.done $0x0  }
0x215: {  	s18 =	simm.s32 $0xD00;
	[sflag:s17] =	ssyncadd.s32 $0xFFFFC000  }
0x216: {  	[tilespmem:s10], [sflag:$0x1] =	stream.indirect.gather [hbm4b:s8+s9], $0x80, s18, s9, $0xb8;
	[tilespmem:$0x1E000] =	vst v63  }
0x217: {  	_ =	swait.ge [sflag:s13], $0x4000  }
0x218: {  	[sflag:s13] =	ssyncset.done $0x0  }
0x219: {  	s6 =	simm.s32 $0x1D00;
	[sflag:s13] =	ssyncadd.s32 $0xFFFFC000  }
0x21a: {  	[spmem:s2] =	stream.indirect.scatter.add.f32 [tilespmem:s10], [sflag:$0x3], $0x80, s6, s9, $0xb8;
	[tilespmem:$0x1E000] =	vst v63  }
0x21b: {  	_ =	swait.ge [sflag:s20], $0x4000  }
0x21c: {  	[sflag:s20] =	ssyncset.done $0x0  }
0x21d: {  	s18 =	simm.s32 $0xD80;
	[sflag:s20] =	ssyncadd.s32 $0xFFFFC000  }
0x21e: {  	[tilespmem:s14], [sflag:$0x2] =	stream.indirect.gather [hbm4b:s8+s9], $0x80, s18, s9, $0xb8;
	[tilespmem:$0x1E000] =	vst v63  }
0x21f: {  	_ =	swait.ge [sflag:s15], $0x4000  }
0x220: {  	[sflag:s15] =	ssyncset.done $0x0  }
0x221: {  	s6 =	simm.s32 $0x1D80;
	[sflag:s15] =	ssyncadd.s32 $0xFFFFC000  }
0x222: {  	[spmem:s2] =	stream.indirect.scatter.add.f32 [tilespmem:s14], [sflag:$0x4], $0x80, s6, s9, $0xb8;
	[tilespmem:$0x1E000] =	vst v63  }
0x223: {  	_ =	swait.ge [sflag:s17], $0x4000  }
0x224: {  	[sflag:s17] =	ssyncset.done $0x0  }
0x225: {  	s18 =	simm.s32 $0xE00;
	[sflag:s17] =	ssyncadd.s32 $0xFFFFC000  }
0x226: {  	[tilespmem:s10], [sflag:$0x1] =	stream.indirect.gather [hbm4b:s8+s9], $0x80, s18, s9, $0xb8;
	[tilespmem:$0x1E000] =	vst v63  }
0x227: {  	_ =	swait.ge [sflag:s13], $0x4000  }
0x228: {  	[sflag:s13] =	ssyncset.done $0x0  }
0x229: {  	s6 =	simm.s32 $0x1E00;
	[sflag:s13] =	ssyncadd.s32 $0xFFFFC000  }
0x22a: {  	[spmem:s2] =	stream.indirect.scatter.add.f32 [tilespmem:s10], [sflag:$0x3], $0x80, s6, s9, $0xb8;
	[tilespmem:$0x1E000] =	vst v63  }
0x22b: {  	_ =	swait.ge [sflag:s20], $0x4000  }
0x22c: {  	[sflag:s20] =	ssyncset.done $0x0  }
0x22d: {  	s18 =	simm.s32 $0xE80;
	[sflag:s20] =	ssyncadd.s32 $0xFFFFC000  }
0x22e: {  	[tilespmem:s14], [sflag:$0x2] =	stream.indirect.gather [hbm4b:s8+s9], $0x80, s18, s9, $0xb8;
	[tilespmem:$0x1E000] =	vst v63  }
0x22f: {  	_ =	swait.ge [sflag:s15], $0x4000  }
0x230: {  	[sflag:s15] =	ssyncset.done $0x0  }
0x231: {  	s6 =	simm.s32 $0x1E80;
	[sflag:s15] =	ssyncadd.s32 $0xFFFFC000  }
0x232: {  	[spmem:s2] =	stream.indirect.scatter.add.f32 [tilespmem:s14], [sflag:$0x4], $0x80, s6, s9, $0xb8;
	[tilespmem:$0x1E000] =	vst v63  }
0x233: {  	_ =	swait.ge [sflag:s17], $0x4000  }
0x234: {  	[sflag:s17] =	ssyncset.done $0x0  }
0x235: {  	s18 =	simm.s32 $0xF00;
	[sflag:s17] =	ssyncadd.s32 $0xFFFFC000  }
0x236: {  	[tilespmem:s10], [sflag:$0x1] =	stream.indirect.gather [hbm4b:s8+s9], $0x80, s18, s9, $0xb8;
	[tilespmem:$0x1E000] =	vst v63  }
0x237: {  	_ =	swait.ge [sflag:s13], $0x4000  }
0x238: {  	[sflag:s13] =	ssyncset.done $0x0  }
0x239: {  	s6 =	simm.s32 $0x1F00;
	[sflag:s13] =	ssyncadd.s32 $0xFFFFC000  }
0x23a: {  	[spmem:s2] =	stream.indirect.scatter.add.f32 [tilespmem:s10], [sflag:$0x3], $0x80, s6, s9, $0xb8;
	[tilespmem:$0x1E000] =	vst v63  }
0x23b: {  	_ =	swait.ge [sflag:s20], $0x4000  }
0x23c: {  	[sflag:s20] =	ssyncset.done $0x0  }
0x23d: {  	s18 =	simm.s32 $0xF80;
	[sflag:s20] =	ssyncadd.s32 $0xFFFFC000  }
0x23e: {  	[tilespmem:s14], [sflag:$0x2] =	stream.indirect.gather [hbm4b:s8+s9], $0x80, s18, s9, $0xb8;
	[tilespmem:$0x1E000] =	vst v63  }
0x23f: {  	_ =	swait.ge [sflag:s15], $0x4000  }
0x240: {  	[sflag:s15] =	ssyncset.done $0x0  }
0x241: {  	s6 =	simm.s32 $0x1F80;
	[sflag:s15] =	ssyncadd.s32 $0xFFFFC000  }
0x242: {  	[spmem:s2] =	stream.indirect.scatter.add.f32 [tilespmem:s14], [sflag:$0x4], $0x80, s6, s9, $0xb8;
	[tilespmem:$0x1E000] =	vst v63  }
0x243: {  	_ =	swait.ge [sflag:s17], $0x4000  }
0x244: {  	[sflag:s17] =	ssyncset.done $0x0  }
0x245: {  	[sflag:s17] =	ssyncadd.s32 $0xFFFFC000  }
0x246: {  	_ =	swait.ge [sflag:s20], $0x4000  }
0x247: {  	[sflag:s20] =	ssyncset.done $0x0  }
0x248: {  	[sflag:s20] =	ssyncadd.s32 $0xFFFFC000  }
0x249: {  	_ =	swait.ge [sflag:s1], $0x800  }
0x24a: {  	[sflag:s1] =	ssyncset.done $0x0  }
0x24b: {  	[sflag:s1] =	ssyncadd.s32 $0xFFFFF800  }
0x24c: {  	_ =	swait.ge [sflag:s16], $0x800  }
0x24d: {  	[sflag:s16] =	ssyncset.done $0x0  }
0x24e: {  	[sflag:s16] =	ssyncadd.s32 $0xFFFFF800  }
0x24f: {  	[tilespmem:s10], [sflag:$0x1] =	stream.indirect.gather [hbm4b:s8+s9], $0x80, s3, s9, $0xb8;
	[tilespmem:$0x1E000] =	vst v63  }
0x250: {  	_ =	swait.ge [sflag:s13], $0x4000  }
0x251: {  	[sflag:s13] =	ssyncset.done $0x0  }
0x252: {  	[sflag:s13] =	ssyncadd.s32 $0xFFFFC000  }
0x253: {  	[spmem:s2] =	stream.indirect.scatter.add.f32 [tilespmem:s10], [sflag:$0x3], $0x80, s12, s9, $0xb8;
	[tilespmem:$0x1E000] =	vst v63  }
0x254: {  	_ = 	snop  }
0x255: {  	[tilespmem:s14], [sflag:$0x2] =	stream.indirect.gather [hbm4b:s8+s9], $0x80, s9, s9, $0xb8;
	[tilespmem:$0x1E000] =	vst v63  }
0x256: {  	_ =	swait.ge [sflag:s15], $0x4000  }
0x257: {  	[sflag:s15] =	ssyncset.done $0x0  }
0x258: {  	s12 =	simm.s32 $0x1080;
	[sflag:s15] =	ssyncadd.s32 $0xFFFFC000  }
0x259: {  	[spmem:s2] =	stream.indirect.scatter.add.f32 [tilespmem:s14], [sflag:$0x4], $0x80, s12, s9, $0xb8;
	[tilespmem:$0x1E000] =	vst v63  }
0x25a: {  	_ =	swait.ge [sflag:s17], $0x4000  }
0x25b: {  	[sflag:s17] =	ssyncset.done $0x0  }
0x25c: {  	[sflag:s17] =	ssyncadd.s32 $0xFFFFC000  }
0x25d: {  	[tilespmem:s10], [sflag:$0x1] =	stream.indirect.gather [hbm4b:s8+s9], $0x80, s4, s9, $0xb8;
	[tilespmem:$0x1E000] =	vst v63  }
0x25e: {  	_ =	swait.ge [sflag:s13], $0x4000  }
0x25f: {  	[sflag:s13] =	ssyncset.done $0x0  }
0x260: {  	[sflag:s13] =	ssyncadd.s32 $0xFFFFC000  }
0x261: {  	[spmem:s2] =	stream.indirect.scatter.add.f32 [tilespmem:s10], [sflag:$0x3], $0x80, s7, s9, $0xb8;
	[tilespmem:$0x1E000] =	vst v63  }
0x262: {  	_ =	swait.ge [sflag:s20], $0x4000  }
0x263: {  	[sflag:s20] =	ssyncset.done $0x0  }
0x264: {  	s18 =	simm.s32 $0x180;
	[sflag:s20] =	ssyncadd.s32 $0xFFFFC000  }
0x265: {  	[tilespmem:s14], [sflag:$0x2] =	stream.indirect.gather [hbm4b:s8+s9], $0x80, s18, s9, $0xb8;
	[tilespmem:$0x1E000] =	vst v63  }
0x266: {  	_ =	swait.ge [sflag:s15], $0x4000  }
0x267: {  	[sflag:s15] =	ssyncset.done $0x0  }
0x268: {  	[sflag:s15] =	ssyncadd.s32 $0xFFFFC000  }
0x269: {  	[spmem:s2] =	stream.indirect.scatter.add.f32 [tilespmem:s14], [sflag:$0x4], $0x80, s19, s9, $0xb8;
	[tilespmem:$0x1E000] =	vst v63  }
0x26a: {  	_ =	swait.ge [sflag:s17], $0x4000  }
0x26b: {  	[sflag:s17] =	ssyncset.done $0x0  }
0x26c: {  	[sflag:s17] =	ssyncadd.s32 $0xFFFFC000  }
0x26d: {  	[tilespmem:s10], [sflag:$0x1] =	stream.indirect.gather [hbm4b:s8+s9], $0x80, s21, s9, $0xb8;
	[tilespmem:$0x1E000] =	vst v63  }
0x26e: {  	_ =	swait.ge [sflag:s13], $0x4000  }
0x26f: {  	[sflag:s13] =	ssyncset.done $0x0  }
0x270: {  	[sflag:s13] =	ssyncadd.s32 $0xFFFFC000  }
0x271: {  	[spmem:s2] =	stream.indirect.scatter.add.f32 [tilespmem:s10], [sflag:$0x3], $0x80, s22, s9, $0xb8;
	[tilespmem:$0x1E000] =	vst v63  }
0x272: {  	_ =	swait.ge [sflag:s20], $0x4000  }
0x273: {  	[sflag:s20] =	ssyncset.done $0x0  }
0x274: {  	[sflag:s20] =	ssyncadd.s32 $0xFFFFC000  }
0x275: {  	[tilespmem:s14], [sflag:$0x2] =	stream.indirect.gather [hbm4b:s8+s9], $0x80, s23, s9, $0xb8;
	[tilespmem:$0x1E000] =	vst v63  }
0x276: {  	_ =	swait.ge [sflag:s15], $0x4000  }
0x277: {  	[sflag:s15] =	ssyncset.done $0x0  }
0x278: {  	[sflag:s15] =	ssyncadd.s32 $0xFFFFC000  }
0x279: {  	[spmem:s2] =	stream.indirect.scatter.add.f32 [tilespmem:s14], [sflag:$0x4], $0x80, s24, s9, $0xb8;
	[tilespmem:$0x1E000] =	vst v63  }
0x27a: {  	_ =	swait.ge [sflag:s17], $0x4000  }
0x27b: {  	[sflag:s17] =	ssyncset.done $0x0  }
0x27c: {  	[sflag:s17] =	ssyncadd.s32 $0xFFFFC000  }
0x27d: {  	[tilespmem:s10], [sflag:$0x1] =	stream.indirect.gather [hbm4b:s8+s9], $0x80, s25, s9, $0xb8;
	[tilespmem:$0x1E000] =	vst v63  }
0x27e: {  	_ =	swait.ge [sflag:s13], $0x4000  }
0x27f: {  	[sflag:s13] =	ssyncset.done $0x0  }
0x280: {  	[sflag:s13] =	ssyncadd.s32 $0xFFFFC000  }
0x281: {  	[spmem:s2] =	stream.indirect.scatter.add.f32 [tilespmem:s10], [sflag:$0x3], $0x80, s26, s9, $0xb8;
	[tilespmem:$0x1E000] =	vst v63  }
0x282: {  	_ =	swait.ge [sflag:s20], $0x4000  }
0x283: {  	[sflag:s20] =	ssyncset.done $0x0  }
0x284: {  	[sflag:s20] =	ssyncadd.s32 $0xFFFFC000  }
0x285: {  	[tilespmem:s14], [sflag:$0x2] =	stream.indirect.gather [hbm4b:s8+s9], $0x80, s28, s9, $0xb8;
	[tilespmem:$0x1E000] =	vst v63  }
0x286: {  	_ =	swait.ge [sflag:s15], $0x4000  }
0x287: {  	[sflag:s15] =	ssyncset.done $0x0  }
0x288: {  	[sflag:s15] =	ssyncadd.s32 $0xFFFFC000  }
0x289: {  	[spmem:s2] =	stream.indirect.scatter.add.f32 [tilespmem:s14], [sflag:$0x4], $0x80, s29, s9, $0xb8;
	[tilespmem:$0x1E000] =	vst v63  }
0x28a: {  	_ =	swait.ge [sflag:s17], $0x4000  }
0x28b: {  	[sflag:s17] =	ssyncset.done $0x0  }
0x28c: {  	[sflag:s17] =	ssyncadd.s32 $0xFFFFC000  }
0x28d: {  	[tilespmem:s10], [sflag:$0x1] =	stream.indirect.gather [hbm4b:s8+s9], $0x80, s30, s9, $0xb8;
	[tilespmem:$0x1E000] =	vst v63  }
0x28e: {  	_ =	swait.ge [sflag:s13], $0x4000  }
0x28f: {  	[sflag:s13] =	ssyncset.done $0x0  }
0x290: {  	[sflag:s13] =	ssyncadd.s32 $0xFFFFC000  }
0x291: {  	[spmem:s2] =	stream.indirect.scatter.add.f32 [tilespmem:s10], [sflag:$0x3], $0x80, s31, s9, $0xb8;
	[tilespmem:$0x1E000] =	vst v63  }
0x292: {  	_ =	swait.ge [sflag:s20], $0x4000  }
0x293: {  	[sflag:s20] =	ssyncset.done $0x0  }
0x294: {  	s30 =	simm.s32 $0x480;
	[sflag:s20] =	ssyncadd.s32 $0xFFFFC000  }
0x295: {  	[tilespmem:s14], [sflag:$0x2] =	stream.indirect.gather [hbm4b:s8+s9], $0x80, s30, s9, $0xb8;
	[tilespmem:$0x1E000] =	vst v63  }
0x296: {  	_ =	swait.ge [sflag:s15], $0x4000  }
0x297: {  	[sflag:s15] =	ssyncset.done $0x0  }
0x298: {  	s31 =	simm.s32 $0x1480;
	[sflag:s15] =	ssyncadd.s32 $0xFFFFC000  }
0x299: {  	[spmem:s2] =	stream.indirect.scatter.add.f32 [tilespmem:s14], [sflag:$0x4], $0x80, s31, s9, $0xb8;
	[tilespmem:$0x1E000] =	vst v63  }
0x29a: {  	_ =	swait.ge [sflag:s17], $0x4000  }
0x29b: {  	[sflag:s17] =	ssyncset.done $0x0  }
0x29c: {  	s4 =	simm.s32 $0x500;
	[sflag:s17] =	ssyncadd.s32 $0xFFFFC000  }
0x29d: {  	[tilespmem:s10], [sflag:$0x1] =	stream.indirect.gather [hbm4b:s8+s9], $0x80, s4, s9, $0xb8;
	[tilespmem:$0x1E000] =	vst v63  }
0x29e: {  	_ =	swait.ge [sflag:s13], $0x4000  }
0x29f: {  	[sflag:s13] =	ssyncset.done $0x0  }
0x2a0: {  	s6 =	simm.s32 $0x1500;
	[sflag:s13] =	ssyncadd.s32 $0xFFFFC000  }
0x2a1: {  	[spmem:s2] =	stream.indirect.scatter.add.f32 [tilespmem:s10], [sflag:$0x3], $0x80, s6, s9, $0xb8;
	[tilespmem:$0x1E000] =	vst v63  }
0x2a2: {  	_ =	swait.ge [sflag:s20], $0x4000  }
0x2a3: {  	[sflag:s20] =	ssyncset.done $0x0  }
0x2a4: {  	s7 =	simm.s32 $0x580;
	[sflag:s20] =	ssyncadd.s32 $0xFFFFC000  }
0x2a5: {  	[tilespmem:s14], [sflag:$0x2] =	stream.indirect.gather [hbm4b:s8+s9], $0x80, s7, s9, $0xb8;
	[tilespmem:$0x1E000] =	vst v63  }
0x2a6: {  	_ =	swait.ge [sflag:s15], $0x4000  }
0x2a7: {  	[sflag:s15] =	ssyncset.done $0x0  }
0x2a8: {  	s12 =	simm.s32 $0x1580;
	[sflag:s15] =	ssyncadd.s32 $0xFFFFC000  }
0x2a9: {  	[spmem:s2] =	stream.indirect.scatter.add.f32 [tilespmem:s14], [sflag:$0x4], $0x80, s12, s9, $0xb8;
	[tilespmem:$0x1E000] =	vst v63  }
0x2aa: {  	_ =	swait.ge [sflag:s17], $0x4000  }
0x2ab: {  	[sflag:s17] =	ssyncset.done $0x0  }
0x2ac: {  	s18 =	simm.s32 $0x600;
	[sflag:s17] =	ssyncadd.s32 $0xFFFFC000  }
0x2ad: {  	[tilespmem:s10], [sflag:$0x1] =	stream.indirect.gather [hbm4b:s8+s9], $0x80, s18, s9, $0xb8;
	[tilespmem:$0x1E000] =	vst v63  }
0x2ae: {  	_ =	swait.ge [sflag:s13], $0x4000  }
0x2af: {  	[sflag:s13] =	ssyncset.done $0x0  }
0x2b0: {  	s19 =	simm.s32 $0x1600;
	[sflag:s13] =	ssyncadd.s32 $0xFFFFC000  }
0x2b1: {  	[spmem:s2] =	stream.indirect.scatter.add.f32 [tilespmem:s10], [sflag:$0x3], $0x80, s19, s9, $0xb8;
	[tilespmem:$0x1E000] =	vst v63  }
0x2b2: {  	_ =	swait.ge [sflag:s20], $0x4000  }
0x2b3: {  	[sflag:s20] =	ssyncset.done $0x0  }
0x2b4: {  	s21 =	simm.s32 $0x680;
	[sflag:s20] =	ssyncadd.s32 $0xFFFFC000  }
0x2b5: {  	[tilespmem:s14], [sflag:$0x2] =	stream.indirect.gather [hbm4b:s8+s9], $0x80, s21, s9, $0xb8;
	[tilespmem:$0x1E000] =	vst v63  }
0x2b6: {  	_ =	swait.ge [sflag:s15], $0x4000  }
0x2b7: {  	[sflag:s15] =	ssyncset.done $0x0  }
0x2b8: {  	s22 =	simm.s32 $0x1680;
	[sflag:s15] =	ssyncadd.s32 $0xFFFFC000  }
0x2b9: {  	[spmem:s2] =	stream.indirect.scatter.add.f32 [tilespmem:s14], [sflag:$0x4], $0x80, s22, s9, $0xb8;
	[tilespmem:$0x1E000] =	vst v63  }
0x2ba: {  	_ =	swait.ge [sflag:s17], $0x4000  }
0x2bb: {  	[sflag:s17] =	ssyncset.done $0x0  }
0x2bc: {  	s23 =	simm.s32 $0x700;
	[sflag:s17] =	ssyncadd.s32 $0xFFFFC000  }
0x2bd: {  	[tilespmem:s10], [sflag:$0x1] =	stream.indirect.gather [hbm4b:s8+s9], $0x80, s23, s9, $0xb8;
	[tilespmem:$0x1E000] =	vst v63  }
0x2be: {  	_ =	swait.ge [sflag:s13], $0x4000  }
0x2bf: {  	[sflag:s13] =	ssyncset.done $0x0  }
0x2c0: {  	s24 =	simm.s32 $0x1700;
	[sflag:s13] =	ssyncadd.s32 $0xFFFFC000  }
0x2c1: {  	[spmem:s2] =	stream.indirect.scatter.add.f32 [tilespmem:s10], [sflag:$0x3], $0x80, s24, s9, $0xb8;
	[tilespmem:$0x1E000] =	vst v63  }
0x2c2: {  	_ =	swait.ge [sflag:s20], $0x4000  }
0x2c3: {  	[sflag:s20] =	ssyncset.done $0x0  }
0x2c4: {  	s25 =	simm.s32 $0x780;
	[sflag:s20] =	ssyncadd.s32 $0xFFFFC000  }
0x2c5: {  	[tilespmem:s14], [sflag:$0x2] =	stream.indirect.gather [hbm4b:s8+s9], $0x80, s25, s9, $0xb8;
	[tilespmem:$0x1E000] =	vst v63  }
0x2c6: {  	_ =	swait.ge [sflag:s15], $0x4000  }
0x2c7: {  	[sflag:s15] =	ssyncset.done $0x0  }
0x2c8: {  	s26 =	simm.s32 $0x1780;
	[sflag:s15] =	ssyncadd.s32 $0xFFFFC000  }
0x2c9: {  	[spmem:s2] =	stream.indirect.scatter.add.f32 [tilespmem:s14], [sflag:$0x4], $0x80, s26, s9, $0xb8;
	[tilespmem:$0x1E000] =	vst v63  }
0x2ca: {  	_ =	swait.ge [sflag:s17], $0x4000  }
0x2cb: {  	[sflag:s17] =	ssyncset.done $0x0  }
0x2cc: {  	[sflag:s17] =	ssyncadd.s32 $0xFFFFC000  }
0x2cd: {  	_ =	swait.ge [sflag:s20], $0x4000  }
0x2ce: {  	[sflag:s20] =	ssyncset.done $0x0  }
0x2cf: {  	[sflag:s20] =	ssyncadd.s32 $0xFFFFC000  }
0x2d0: {  	[bflag:$0x0] =	sbarrier.arrive $0xFFFF  }
0x2d1: {  	s28 =	rddreg [dreg:$0x12]  }
0x2d2: {  	s0 =	ssub.s32 $0x2, s28  }
0x2d3: {  	s30 =	sshrl.u32 s0, $0x1  }
0x2d4: {  	s18 =	ssub.s32 s0, s30  }
0x2d5: {  	s18 =	smax.u32 s18, $0x1  }
0x2d6: {  	p0 =	sne.s32 s18, $0x1  }
.Ltmp0:
0x2d7: {  	s29 =	rddreg [dreg:$0xf];
	(pc) =	sbr.rel @!p0 .LBB2_3-.Ltmp0, $4  }
0x2d8: {  	s31 =	rddreg [dreg:$0x10]  }
0x2d9: {  	[dreg:$0x11] =	wrdreg s11  }
0x2da: {  	[hbm:s29], [sflag:s31] =	dma.local [spmem:s11], $0x2800  }
0x2db: {  	_ =	swait.ge [sflag:s5], $0x2800;
	s18 =	sadd.s32 $0xFFFFFFFF, s18  }
0x2dc: {  	s12 =	simm.s32 $0x800;
	s11 =	simm.s32 $0x900  }
0x2dd: {  	s22 =	simm.s32 $0x1900;
	s23 =	simm.s32 $0x980;
	s24 =	simm.s32 $0x1980  }
0x2de: {  	s25 =	simm.s32 $0xA00;
	s26 =	simm.s32 $0x1A00;
	s28 =	simm.s32 $0xA80  }
0x2df: {  	s29 =	simm.s32 $0x1A80;
	s30 =	simm.s32 $0xB00;
	s31 =	simm.s32 $0x1B00  }
.LBB2_2:
0x2e0: {  	s19 =	rddreg [dreg:$0x4]  }
0x2e1: {  	[sflag:s5] =	ssyncset.done $0x0;
	s0 =	rddreg [dreg:$0x10]  }
0x2e2: {  	s4 =	rddreg [dreg:$0x11];
	[sflag:s5] =	ssyncadd.s32 $0xFFFFD800  }
0x2e3: {  	[spmem:s4], [sflag:s0] =	dma.local [hbm:s19], $0x2800  }
0x2e4: {  	_ =	swait.ge [sflag:s5], $0x2800  }
0x2e5: {  	[sflag:s5] =	ssyncset.done $0x0  }
0x2e6: {  	s4 =	rddreg [dreg:$0x5];
	[sflag:s5] =	ssyncadd.s32 $0xFFFFD800  }
0x2e7: {  	[tilespmem:s3], [sflag:$0x7] =	stream.linear.gather [hbm4b:s4+s3], $0x800, $0x38;
	[tilespmem:$0x1E000] =	vst v63  }
0x2e8: {  	_ =	swait.ge [sflag:s5], $0x800  }
0x2e9: {  	[sflag:s5] =	ssyncset.done $0x0  }
0x2ea: {  	s0 =	simm.s32 $0x1000;
	s6 =	rddreg [dreg:$0x6];
	[sflag:s5] =	ssyncadd.s32 $0xFFFFF800  }
0x2eb: {  	[tilespmem:s0], [sflag:$0x7] =	stream.linear.gather [hbm4b:s6+s3], $0x800, $0x38;
	[tilespmem:$0x1E000] =	vst v63  }
0x2ec: {  	_ =	swait.ge [sflag:s5], $0x800  }
0x2ed: {  	[sflag:s5] =	ssyncset.done $0x0  }
0x2ee: {  	[sflag:s5] =	ssyncadd.s32 $0xFFFFF800  }
0x2ef: {  	[bflag:$0x0] =	sbarrier.arrive $0xFFFF  }
0x2f0: {  	[tilespmem:s10], [sflag:$0x1] =	stream.indirect.gather [hbm4b:s8+s9], $0x80, s3, s9, $0xb8;
	[tilespmem:$0x1E000] =	vst v63  }
0x2f1: {  	s7 =	rddreg [dreg:$0x7]  }
0x2f2: {  	[tilespmem:s12], [sflag:$0x5] =	stream.linear.gather [hbm4b:s7+s3], $0x800, $0x38;
	[tilespmem:$0x1E000] =	vst v63  }
0x2f3: {  	s21 =	rddreg [dreg:$0x8];
	s7 =	simm.s32 $0x1800  }
0x2f4: {  	[tilespmem:s7], [sflag:$0x6] =	stream.linear.gather [hbm4b:s21+s3], $0x800, $0x38;
	[tilespmem:$0x1E000] =	vst v63  }
0x2f5: {  	_ =	swait.ge [sflag:s13], $0x4000  }
0x2f6: {  	[sflag:s13] =	ssyncset.done $0x0  }
0x2f7: {  	[sflag:s13] =	ssyncadd.s32 $0xFFFFC000  }
0x2f8: {  	[spmem:s2] =	stream.indirect.scatter.add.f32 [tilespmem:s10], [sflag:$0x3], $0x80, s0, s9, $0xb8;
	[tilespmem:$0x1E000] =	vst v63  }
0x2f9: {  	_ = 	snop  }
0x2fa: {  	[tilespmem:s14], [sflag:$0x2] =	stream.indirect.gather [hbm4b:s8+s9], $0x80, s9, s9, $0xb8;
	[tilespmem:$0x1E000] =	vst v63  }
0x2fb: {  	_ =	swait.ge [sflag:s15], $0x4000  }
0x2fc: {  	[sflag:s15] =	ssyncset.done $0x0  }
0x2fd: {  	s19 =	simm.s32 $0x1080;
	[sflag:s15] =	ssyncadd.s32 $0xFFFFC000  }
0x2fe: {  	[spmem:s2] =	stream.indirect.scatter.add.f32 [tilespmem:s14], [sflag:$0x4], $0x80, s19, s9, $0xb8;
	[tilespmem:$0x1E000] =	vst v63  }
0x2ff: {  	_ =	swait.ge [sflag:s17], $0x4000  }
0x300: {  	[sflag:s17] =	ssyncset.done $0x0  }
0x301: {  	s21 =	simm.s32 $0x100;
	[sflag:s17] =	ssyncadd.s32 $0xFFFFC000  }
0x302: {  	[tilespmem:s10], [sflag:$0x1] =	stream.indirect.gather [hbm4b:s8+s9], $0x80, s21, s9, $0xb8;
	[tilespmem:$0x1E000] =	vst v63  }
0x303: {  	_ =	swait.ge [sflag:s13], $0x4000  }
0x304: {  	[sflag:s13] =	ssyncset.done $0x0  }
0x305: {  	s6 =	simm.s32 $0x1100;
	[sflag:s13] =	ssyncadd.s32 $0xFFFFC000  }
0x306: {  	[spmem:s2] =	stream.indirect.scatter.add.f32 [tilespmem:s10], [sflag:$0x3], $0x80, s6, s9, $0xb8;
	[tilespmem:$0x1E000] =	vst v63  }
0x307: {  	_ =	swait.ge [sflag:s20], $0x4000  }
0x308: {  	[sflag:s20] =	ssyncset.done $0x0  }
0x309: {  	s19 =	simm.s32 $0x180;
	[sflag:s20] =	ssyncadd.s32 $0xFFFFC000  }
0x30a: {  	[tilespmem:s14], [sflag:$0x2] =	stream.indirect.gather [hbm4b:s8+s9], $0x80, s19, s9, $0xb8;
	[tilespmem:$0x1E000] =	vst v63  }
0x30b: {  	_ =	swait.ge [sflag:s15], $0x4000  }
0x30c: {  	[sflag:s15] =	ssyncset.done $0x0  }
0x30d: {  	s21 =	simm.s32 $0x1180;
	[sflag:s15] =	ssyncadd.s32 $0xFFFFC000  }
0x30e: {  	[spmem:s2] =	stream.indirect.scatter.add.f32 [tilespmem:s14], [sflag:$0x4], $0x80, s21, s9, $0xb8;
	[tilespmem:$0x1E000] =	vst v63  }
0x30f: {  	_ =	swait.ge [sflag:s17], $0x4000  }
0x310: {  	[sflag:s17] =	ssyncset.done $0x0  }
0x311: {  	s6 =	simm.s32 $0x200;
	[sflag:s17] =	ssyncadd.s32 $0xFFFFC000  }
0x312: {  	[tilespmem:s10], [sflag:$0x1] =	stream.indirect.gather [hbm4b:s8+s9], $0x80, s6, s9, $0xb8;
	[tilespmem:$0x1E000] =	vst v63  }
0x313: {  	_ =	swait.ge [sflag:s13], $0x4000  }
0x314: {  	[sflag:s13] =	ssyncset.done $0x0  }
0x315: {  	s19 =	simm.s32 $0x1200;
	[sflag:s13] =	ssyncadd.s32 $0xFFFFC000  }
0x316: {  	[spmem:s2] =	stream.indirect.scatter.add.f32 [tilespmem:s10], [sflag:$0x3], $0x80, s19, s9, $0xb8;
	[tilespmem:$0x1E000] =	vst v63  }
0x317: {  	_ =	swait.ge [sflag:s20], $0x4000  }
0x318: {  	[sflag:s20] =	ssyncset.done $0x0  }
0x319: {  	s21 =	simm.s32 $0x280;
	[sflag:s20] =	ssyncadd.s32 $0xFFFFC000  }
0x31a: {  	[tilespmem:s14], [sflag:$0x2] =	stream.indirect.gather [hbm4b:s8+s9], $0x80, s21, s9, $0xb8;
	[tilespmem:$0x1E000] =	vst v63  }
0x31b: {  	_ =	swait.ge [sflag:s15], $0x4000  }
0x31c: {  	[sflag:s15] =	ssyncset.done $0x0  }
0x31d: {  	s6 =	simm.s32 $0x1280;
	[sflag:s15] =	ssyncadd.s32 $0xFFFFC000  }
0x31e: {  	[spmem:s2] =	stream.indirect.scatter.add.f32 [tilespmem:s14], [sflag:$0x4], $0x80, s6, s9, $0xb8;
	[tilespmem:$0x1E000] =	vst v63  }
0x31f: {  	_ =	swait.ge [sflag:s17], $0x4000  }
0x320: {  	[sflag:s17] =	ssyncset.done $0x0  }
0x321: {  	s19 =	simm.s32 $0x300;
	[sflag:s17] =	ssyncadd.s32 $0xFFFFC000  }
0x322: {  	[tilespmem:s10], [sflag:$0x1] =	stream.indirect.gather [hbm4b:s8+s9], $0x80, s19, s9, $0xb8;
	[tilespmem:$0x1E000] =	vst v63  }
0x323: {  	_ =	swait.ge [sflag:s13], $0x4000  }
0x324: {  	[sflag:s13] =	ssyncset.done $0x0  }
0x325: {  	s21 =	simm.s32 $0x1300;
	[sflag:s13] =	ssyncadd.s32 $0xFFFFC000  }
0x326: {  	[spmem:s2] =	stream.indirect.scatter.add.f32 [tilespmem:s10], [sflag:$0x3], $0x80, s21, s9, $0xb8;
	[tilespmem:$0x1E000] =	vst v63  }
0x327: {  	_ =	swait.ge [sflag:s20], $0x4000  }
0x328: {  	[sflag:s20] =	ssyncset.done $0x0  }
0x329: {  	s6 =	simm.s32 $0x380;
	[sflag:s20] =	ssyncadd.s32 $0xFFFFC000  }
0x32a: {  	[tilespmem:s14], [sflag:$0x2] =	stream.indirect.gather [hbm4b:s8+s9], $0x80, s6, s9, $0xb8;
	[tilespmem:$0x1E000] =	vst v63  }
0x32b: {  	_ =	swait.ge [sflag:s15], $0x4000  }
0x32c: {  	[sflag:s15] =	ssyncset.done $0x0  }
0x32d: {  	s19 =	simm.s32 $0x1380;
	[sflag:s15] =	ssyncadd.s32 $0xFFFFC000  }
0x32e: {  	[spmem:s2] =	stream.indirect.scatter.add.f32 [tilespmem:s14], [sflag:$0x4], $0x80, s19, s9, $0xb8;
	[tilespmem:$0x1E000] =	vst v63  }
0x32f: {  	_ =	swait.ge [sflag:s17], $0x4000  }
0x330: {  	[sflag:s17] =	ssyncset.done $0x0  }
0x331: {  	s21 =	simm.s32 $0x400;
	[sflag:s17] =	ssyncadd.s32 $0xFFFFC000  }
0x332: {  	[tilespmem:s10], [sflag:$0x1] =	stream.indirect.gather [hbm4b:s8+s9], $0x80, s21, s9, $0xb8;
	[tilespmem:$0x1E000] =	vst v63  }
0x333: {  	_ =	swait.ge [sflag:s13], $0x4000  }
0x334: {  	[sflag:s13] =	ssyncset.done $0x0  }
0x335: {  	s6 =	simm.s32 $0x1400;
	[sflag:s13] =	ssyncadd.s32 $0xFFFFC000  }
0x336: {  	[spmem:s2] =	stream.indirect.scatter.add.f32 [tilespmem:s10], [sflag:$0x3], $0x80, s6, s9, $0xb8;
	[tilespmem:$0x1E000] =	vst v63  }
0x337: {  	_ =	swait.ge [sflag:s20], $0x4000  }
0x338: {  	[sflag:s20] =	ssyncset.done $0x0  }
0x339: {  	s19 =	simm.s32 $0x480;
	[sflag:s20] =	ssyncadd.s32 $0xFFFFC000  }
0x33a: {  	[tilespmem:s14], [sflag:$0x2] =	stream.indirect.gather [hbm4b:s8+s9], $0x80, s19, s9, $0xb8;
	[tilespmem:$0x1E000] =	vst v63  }
0x33b: {  	_ =	swait.ge [sflag:s15], $0x4000  }
0x33c: {  	[sflag:s15] =	ssyncset.done $0x0  }
0x33d: {  	s21 =	simm.s32 $0x1480;
	[sflag:s15] =	ssyncadd.s32 $0xFFFFC000  }
0x33e: {  	[spmem:s2] =	stream.indirect.scatter.add.f32 [tilespmem:s14], [sflag:$0x4], $0x80, s21, s9, $0xb8;
	[tilespmem:$0x1E000] =	vst v63  }
0x33f: {  	_ =	swait.ge [sflag:s17], $0x4000  }
0x340: {  	[sflag:s17] =	ssyncset.done $0x0  }
0x341: {  	s6 =	simm.s32 $0x500;
	[sflag:s17] =	ssyncadd.s32 $0xFFFFC000  }
0x342: {  	[tilespmem:s10], [sflag:$0x1] =	stream.indirect.gather [hbm4b:s8+s9], $0x80, s6, s9, $0xb8;
	[tilespmem:$0x1E000] =	vst v63  }
0x343: {  	_ =	swait.ge [sflag:s13], $0x4000  }
0x344: {  	[sflag:s13] =	ssyncset.done $0x0  }
0x345: {  	s19 =	simm.s32 $0x1500;
	[sflag:s13] =	ssyncadd.s32 $0xFFFFC000  }
0x346: {  	[spmem:s2] =	stream.indirect.scatter.add.f32 [tilespmem:s10], [sflag:$0x3], $0x80, s19, s9, $0xb8;
	[tilespmem:$0x1E000] =	vst v63  }
0x347: {  	_ =	swait.ge [sflag:s20], $0x4000  }
0x348: {  	[sflag:s20] =	ssyncset.done $0x0  }
0x349: {  	s21 =	simm.s32 $0x580;
	[sflag:s20] =	ssyncadd.s32 $0xFFFFC000  }
0x34a: {  	[tilespmem:s14], [sflag:$0x2] =	stream.indirect.gather [hbm4b:s8+s9], $0x80, s21, s9, $0xb8;
	[tilespmem:$0x1E000] =	vst v63  }
0x34b: {  	_ =	swait.ge [sflag:s15], $0x4000  }
0x34c: {  	[sflag:s15] =	ssyncset.done $0x0  }
0x34d: {  	s6 =	simm.s32 $0x1580;
	[sflag:s15] =	ssyncadd.s32 $0xFFFFC000  }
0x34e: {  	[spmem:s2] =	stream.indirect.scatter.add.f32 [tilespmem:s14], [sflag:$0x4], $0x80, s6, s9, $0xb8;
	[tilespmem:$0x1E000] =	vst v63  }
0x34f: {  	_ =	swait.ge [sflag:s17], $0x4000  }
0x350: {  	[sflag:s17] =	ssyncset.done $0x0  }
0x351: {  	s19 =	simm.s32 $0x600;
	[sflag:s17] =	ssyncadd.s32 $0xFFFFC000  }
0x352: {  	[tilespmem:s10], [sflag:$0x1] =	stream.indirect.gather [hbm4b:s8+s9], $0x80, s19, s9, $0xb8;
	[tilespmem:$0x1E000] =	vst v63  }
0x353: {  	_ =	swait.ge [sflag:s13], $0x4000  }
0x354: {  	[sflag:s13] =	ssyncset.done $0x0  }
0x355: {  	s21 =	simm.s32 $0x1600;
	[sflag:s13] =	ssyncadd.s32 $0xFFFFC000  }
0x356: {  	[spmem:s2] =	stream.indirect.scatter.add.f32 [tilespmem:s10], [sflag:$0x3], $0x80, s21, s9, $0xb8;
	[tilespmem:$0x1E000] =	vst v63  }
0x357: {  	_ =	swait.ge [sflag:s20], $0x4000  }
0x358: {  	[sflag:s20] =	ssyncset.done $0x0  }
0x359: {  	s6 =	simm.s32 $0x680;
	[sflag:s20] =	ssyncadd.s32 $0xFFFFC000  }
0x35a: {  	[tilespmem:s14], [sflag:$0x2] =	stream.indirect.gather [hbm4b:s8+s9], $0x80, s6, s9, $0xb8;
	[tilespmem:$0x1E000] =	vst v63  }
0x35b: {  	_ =	swait.ge [sflag:s15], $0x4000  }
0x35c: {  	[sflag:s15] =	ssyncset.done $0x0  }
0x35d: {  	s19 =	simm.s32 $0x1680;
	[sflag:s15] =	ssyncadd.s32 $0xFFFFC000  }
0x35e: {  	[spmem:s2] =	stream.indirect.scatter.add.f32 [tilespmem:s14], [sflag:$0x4], $0x80, s19, s9, $0xb8;
	[tilespmem:$0x1E000] =	vst v63  }
0x35f: {  	_ =	swait.ge [sflag:s17], $0x4000  }
0x360: {  	[sflag:s17] =	ssyncset.done $0x0  }
0x361: {  	s21 =	simm.s32 $0x700;
	[sflag:s17] =	ssyncadd.s32 $0xFFFFC000  }
0x362: {  	[tilespmem:s10], [sflag:$0x1] =	stream.indirect.gather [hbm4b:s8+s9], $0x80, s21, s9, $0xb8;
	[tilespmem:$0x1E000] =	vst v63  }
0x363: {  	_ =	swait.ge [sflag:s13], $0x4000  }
0x364: {  	[sflag:s13] =	ssyncset.done $0x0  }
0x365: {  	s6 =	simm.s32 $0x1700;
	[sflag:s13] =	ssyncadd.s32 $0xFFFFC000  }
0x366: {  	[spmem:s2] =	stream.indirect.scatter.add.f32 [tilespmem:s10], [sflag:$0x3], $0x80, s6, s9, $0xb8;
	[tilespmem:$0x1E000] =	vst v63  }
0x367: {  	_ =	swait.ge [sflag:s20], $0x4000  }
0x368: {  	[sflag:s20] =	ssyncset.done $0x0  }
0x369: {  	s19 =	simm.s32 $0x780;
	[sflag:s20] =	ssyncadd.s32 $0xFFFFC000  }
0x36a: {  	[tilespmem:s14], [sflag:$0x2] =	stream.indirect.gather [hbm4b:s8+s9], $0x80, s19, s9, $0xb8;
	[tilespmem:$0x1E000] =	vst v63  }
0x36b: {  	_ =	swait.ge [sflag:s15], $0x4000  }
0x36c: {  	[sflag:s15] =	ssyncset.done $0x0  }
0x36d: {  	s21 =	simm.s32 $0x1780;
	[sflag:s15] =	ssyncadd.s32 $0xFFFFC000  }
0x36e: {  	[spmem:s2] =	stream.indirect.scatter.add.f32 [tilespmem:s14], [sflag:$0x4], $0x80, s21, s9, $0xb8;
	[tilespmem:$0x1E000] =	vst v63  }
0x36f: {  	_ =	swait.ge [sflag:s17], $0x4000  }
0x370: {  	[sflag:s17] =	ssyncset.done $0x0  }
0x371: {  	[sflag:s17] =	ssyncadd.s32 $0xFFFFC000  }
0x372: {  	_ =	swait.ge [sflag:s20], $0x4000  }
0x373: {  	[sflag:s20] =	ssyncset.done $0x0  }
0x374: {  	[sflag:s20] =	ssyncadd.s32 $0xFFFFC000  }
0x375: {  	_ =	swait.ge [sflag:s1], $0x800  }
0x376: {  	[sflag:s1] =	ssyncset.done $0x0  }
0x377: {  	[sflag:s1] =	ssyncadd.s32 $0xFFFFF800  }
0x378: {  	_ =	swait.ge [sflag:s16], $0x800  }
0x379: {  	[sflag:s16] =	ssyncset.done $0x0  }
0x37a: {  	[sflag:s16] =	ssyncadd.s32 $0xFFFFF800  }
0x37b: {  	[tilespmem:s10], [sflag:$0x1] =	stream.indirect.gather [hbm4b:s8+s9], $0x80, s12, s9, $0xb8;
	[tilespmem:$0x1E000] =	vst v63  }
0x37c: {  	s4 =	rddreg [dreg:$0x9]  }
0x37d: {  	[tilespmem:s3], [sflag:$0x5] =	stream.linear.gather [hbm4b:s4+s3], $0x800, $0x38;
	[tilespmem:$0x1E000] =	vst v63  }
0x37e: {  	s6 =	rddreg [dreg:$0xa]  }
0x37f: {  	[tilespmem:s0], [sflag:$0x6] =	stream.linear.gather [hbm4b:s6+s3], $0x800, $0x38;
	[tilespmem:$0x1E000] =	vst v63  }
0x380: {  	_ =	swait.ge [sflag:s13], $0x4000  }
0x381: {  	[sflag:s13] =	ssyncset.done $0x0  }
0x382: {  	[sflag:s13] =	ssyncadd.s32 $0xFFFFC000  }
0x383: {  	[spmem:s2] =	stream.indirect.scatter.add.f32 [tilespmem:s10], [sflag:$0x3], $0x80, s7, s9, $0xb8;
	[tilespmem:$0x1E000] =	vst v63  }
0x384: {  	s19 =	simm.s32 $0x880  }
0x385: {  	[tilespmem:s14], [sflag:$0x2] =	stream.indirect.gather [hbm4b:s8+s9], $0x80, s19, s9, $0xb8;
	[tilespmem:$0x1E000] =	vst v63  }
0x386: {  	_ =	swait.ge [sflag:s15], $0x4000  }
0x387: {  	[sflag:s15] =	ssyncset.done $0x0  }
0x388: {  	s6 =	simm.s32 $0x1880;
	[sflag:s15] =	ssyncadd.s32 $0xFFFFC000  }
0x389: {  	[spmem:s2] =	stream.indirect.scatter.add.f32 [tilespmem:s14], [sflag:$0x4], $0x80, s6, s9, $0xb8;
	[tilespmem:$0x1E000] =	vst v63  }
0x38a: {  	_ =	swait.ge [sflag:s17], $0x4000  }
0x38b: {  	[sflag:s17] =	ssyncset.done $0x0  }
0x38c: {  	[sflag:s17] =	ssyncadd.s32 $0xFFFFC000  }
0x38d: {  	[tilespmem:s10], [sflag:$0x1] =	stream.indirect.gather [hbm4b:s8+s9], $0x80, s11, s9, $0xb8;
	[tilespmem:$0x1E000] =	vst v63  }
0x38e: {  	_ =	swait.ge [sflag:s13], $0x4000  }
0x38f: {  	[sflag:s13] =	ssyncset.done $0x0  }
0x390: {  	[sflag:s13] =	ssyncadd.s32 $0xFFFFC000  }
0x391: {  	[spmem:s2] =	stream.indirect.scatter.add.f32 [tilespmem:s10], [sflag:$0x3], $0x80, s22, s9, $0xb8;
	[tilespmem:$0x1E000] =	vst v63  }
0x392: {  	_ =	swait.ge [sflag:s20], $0x4000  }
0x393: {  	[sflag:s20] =	ssyncset.done $0x0  }
0x394: {  	[sflag:s20] =	ssyncadd.s32 $0xFFFFC000  }
0x395: {  	[tilespmem:s14], [sflag:$0x2] =	stream.indirect.gather [hbm4b:s8+s9], $0x80, s23, s9, $0xb8;
	[tilespmem:$0x1E000] =	vst v63  }
0x396: {  	_ =	swait.ge [sflag:s15], $0x4000  }
0x397: {  	[sflag:s15] =	ssyncset.done $0x0  }
0x398: {  	[sflag:s15] =	ssyncadd.s32 $0xFFFFC000  }
0x399: {  	[spmem:s2] =	stream.indirect.scatter.add.f32 [tilespmem:s14], [sflag:$0x4], $0x80, s24, s9, $0xb8;
	[tilespmem:$0x1E000] =	vst v63  }
0x39a: {  	_ =	swait.ge [sflag:s17], $0x4000  }
0x39b: {  	[sflag:s17] =	ssyncset.done $0x0  }
0x39c: {  	[sflag:s17] =	ssyncadd.s32 $0xFFFFC000  }
0x39d: {  	[tilespmem:s10], [sflag:$0x1] =	stream.indirect.gather [hbm4b:s8+s9], $0x80, s25, s9, $0xb8;
	[tilespmem:$0x1E000] =	vst v63  }
0x39e: {  	_ =	swait.ge [sflag:s13], $0x4000  }
0x39f: {  	[sflag:s13] =	ssyncset.done $0x0  }
0x3a0: {  	[sflag:s13] =	ssyncadd.s32 $0xFFFFC000  }
0x3a1: {  	[spmem:s2] =	stream.indirect.scatter.add.f32 [tilespmem:s10], [sflag:$0x3], $0x80, s26, s9, $0xb8;
	[tilespmem:$0x1E000] =	vst v63  }
0x3a2: {  	_ =	swait.ge [sflag:s20], $0x4000  }
0x3a3: {  	[sflag:s20] =	ssyncset.done $0x0  }
0x3a4: {  	[sflag:s20] =	ssyncadd.s32 $0xFFFFC000  }
0x3a5: {  	[tilespmem:s14], [sflag:$0x2] =	stream.indirect.gather [hbm4b:s8+s9], $0x80, s28, s9, $0xb8;
	[tilespmem:$0x1E000] =	vst v63  }
0x3a6: {  	_ =	swait.ge [sflag:s15], $0x4000  }
0x3a7: {  	[sflag:s15] =	ssyncset.done $0x0  }
0x3a8: {  	[sflag:s15] =	ssyncadd.s32 $0xFFFFC000  }
0x3a9: {  	[spmem:s2] =	stream.indirect.scatter.add.f32 [tilespmem:s14], [sflag:$0x4], $0x80, s29, s9, $0xb8;
	[tilespmem:$0x1E000] =	vst v63  }
0x3aa: {  	_ =	swait.ge [sflag:s17], $0x4000  }
0x3ab: {  	[sflag:s17] =	ssyncset.done $0x0  }
0x3ac: {  	[sflag:s17] =	ssyncadd.s32 $0xFFFFC000  }
0x3ad: {  	[tilespmem:s10], [sflag:$0x1] =	stream.indirect.gather [hbm4b:s8+s9], $0x80, s30, s9, $0xb8;
	[tilespmem:$0x1E000] =	vst v63  }
0x3ae: {  	_ =	swait.ge [sflag:s13], $0x4000  }
0x3af: {  	[sflag:s13] =	ssyncset.done $0x0  }
0x3b0: {  	[sflag:s13] =	ssyncadd.s32 $0xFFFFC000  }
0x3b1: {  	[spmem:s2] =	stream.indirect.scatter.add.f32 [tilespmem:s10], [sflag:$0x3], $0x80, s31, s9, $0xb8;
	[tilespmem:$0x1E000] =	vst v63  }
0x3b2: {  	_ =	swait.ge [sflag:s20], $0x4000  }
0x3b3: {  	[sflag:s20] =	ssyncset.done $0x0  }
0x3b4: {  	s21 =	simm.s32 $0xB80;
	[sflag:s20] =	ssyncadd.s32 $0xFFFFC000  }
0x3b5: {  	[tilespmem:s14], [sflag:$0x2] =	stream.indirect.gather [hbm4b:s8+s9], $0x80, s21, s9, $0xb8;
	[tilespmem:$0x1E000] =	vst v63  }
0x3b6: {  	_ =	swait.ge [sflag:s15], $0x4000  }
0x3b7: {  	[sflag:s15] =	ssyncset.done $0x0  }
0x3b8: {  	s19 =	simm.s32 $0x1B80;
	[sflag:s15] =	ssyncadd.s32 $0xFFFFC000  }
0x3b9: {  	[spmem:s2] =	stream.indirect.scatter.add.f32 [tilespmem:s14], [sflag:$0x4], $0x80, s19, s9, $0xb8;
	[tilespmem:$0x1E000] =	vst v63  }
0x3ba: {  	_ =	swait.ge [sflag:s17], $0x4000  }
0x3bb: {  	[sflag:s17] =	ssyncset.done $0x0  }
0x3bc: {  	s21 =	simm.s32 $0xC00;
	[sflag:s17] =	ssyncadd.s32 $0xFFFFC000  }
0x3bd: {  	[tilespmem:s10], [sflag:$0x1] =	stream.indirect.gather [hbm4b:s8+s9], $0x80, s21, s9, $0xb8;
	[tilespmem:$0x1E000] =	vst v63  }
0x3be: {  	_ =	swait.ge [sflag:s13], $0x4000  }
0x3bf: {  	[sflag:s13] =	ssyncset.done $0x0  }
0x3c0: {  	s19 =	simm.s32 $0x1C00;
	[sflag:s13] =	ssyncadd.s32 $0xFFFFC000  }
0x3c1: {  	[spmem:s2] =	stream.indirect.scatter.add.f32 [tilespmem:s10], [sflag:$0x3], $0x80, s19, s9, $0xb8;
	[tilespmem:$0x1E000] =	vst v63  }
0x3c2: {  	_ =	swait.ge [sflag:s20], $0x4000  }
0x3c3: {  	[sflag:s20] =	ssyncset.done $0x0  }
0x3c4: {  	s21 =	simm.s32 $0xC80;
	[sflag:s20] =	ssyncadd.s32 $0xFFFFC000  }
0x3c5: {  	[tilespmem:s14], [sflag:$0x2] =	stream.indirect.gather [hbm4b:s8+s9], $0x80, s21, s9, $0xb8;
	[tilespmem:$0x1E000] =	vst v63  }
0x3c6: {  	_ =	swait.ge [sflag:s15], $0x4000  }
0x3c7: {  	[sflag:s15] =	ssyncset.done $0x0  }
0x3c8: {  	s19 =	simm.s32 $0x1C80;
	[sflag:s15] =	ssyncadd.s32 $0xFFFFC000  }
0x3c9: {  	[spmem:s2] =	stream.indirect.scatter.add.f32 [tilespmem:s14], [sflag:$0x4], $0x80, s19, s9, $0xb8;
	[tilespmem:$0x1E000] =	vst v63  }
0x3ca: {  	_ =	swait.ge [sflag:s17], $0x4000  }
0x3cb: {  	[sflag:s17] =	ssyncset.done $0x0  }
0x3cc: {  	s21 =	simm.s32 $0xD00;
	[sflag:s17] =	ssyncadd.s32 $0xFFFFC000  }
0x3cd: {  	[tilespmem:s10], [sflag:$0x1] =	stream.indirect.gather [hbm4b:s8+s9], $0x80, s21, s9, $0xb8;
	[tilespmem:$0x1E000] =	vst v63  }
0x3ce: {  	_ =	swait.ge [sflag:s13], $0x4000  }
0x3cf: {  	[sflag:s13] =	ssyncset.done $0x0  }
0x3d0: {  	s19 =	simm.s32 $0x1D00;
	[sflag:s13] =	ssyncadd.s32 $0xFFFFC000  }
0x3d1: {  	[spmem:s2] =	stream.indirect.scatter.add.f32 [tilespmem:s10], [sflag:$0x3], $0x80, s19, s9, $0xb8;
	[tilespmem:$0x1E000] =	vst v63  }
0x3d2: {  	_ =	swait.ge [sflag:s20], $0x4000  }
0x3d3: {  	[sflag:s20] =	ssyncset.done $0x0  }
0x3d4: {  	s21 =	simm.s32 $0xD80;
	[sflag:s20] =	ssyncadd.s32 $0xFFFFC000  }
0x3d5: {  	[tilespmem:s14], [sflag:$0x2] =	stream.indirect.gather [hbm4b:s8+s9], $0x80, s21, s9, $0xb8;
	[tilespmem:$0x1E000] =	vst v63  }
0x3d6: {  	_ =	swait.ge [sflag:s15], $0x4000  }
0x3d7: {  	[sflag:s15] =	ssyncset.done $0x0  }
0x3d8: {  	s19 =	simm.s32 $0x1D80;
	[sflag:s15] =	ssyncadd.s32 $0xFFFFC000  }
0x3d9: {  	[spmem:s2] =	stream.indirect.scatter.add.f32 [tilespmem:s14], [sflag:$0x4], $0x80, s19, s9, $0xb8;
	[tilespmem:$0x1E000] =	vst v63  }
0x3da: {  	_ =	swait.ge [sflag:s17], $0x4000  }
0x3db: {  	[sflag:s17] =	ssyncset.done $0x0  }
0x3dc: {  	s21 =	simm.s32 $0xE00;
	[sflag:s17] =	ssyncadd.s32 $0xFFFFC000  }
0x3dd: {  	[tilespmem:s10], [sflag:$0x1] =	stream.indirect.gather [hbm4b:s8+s9], $0x80, s21, s9, $0xb8;
	[tilespmem:$0x1E000] =	vst v63  }
0x3de: {  	_ =	swait.ge [sflag:s13], $0x4000  }
0x3df: {  	[sflag:s13] =	ssyncset.done $0x0  }
0x3e0: {  	s19 =	simm.s32 $0x1E00;
	[sflag:s13] =	ssyncadd.s32 $0xFFFFC000  }
0x3e1: {  	[spmem:s2] =	stream.indirect.scatter.add.f32 [tilespmem:s10], [sflag:$0x3], $0x80, s19, s9, $0xb8;
	[tilespmem:$0x1E000] =	vst v63  }
0x3e2: {  	_ =	swait.ge [sflag:s20], $0x4000  }
0x3e3: {  	[sflag:s20] =	ssyncset.done $0x0  }
0x3e4: {  	s21 =	simm.s32 $0xE80;
	[sflag:s20] =	ssyncadd.s32 $0xFFFFC000  }
0x3e5: {  	[tilespmem:s14], [sflag:$0x2] =	stream.indirect.gather [hbm4b:s8+s9], $0x80, s21, s9, $0xb8;
	[tilespmem:$0x1E000] =	vst v63  }
0x3e6: {  	_ =	swait.ge [sflag:s15], $0x4000  }
0x3e7: {  	[sflag:s15] =	ssyncset.done $0x0  }
0x3e8: {  	s19 =	simm.s32 $0x1E80;
	[sflag:s15] =	ssyncadd.s32 $0xFFFFC000  }
0x3e9: {  	[spmem:s2] =	stream.indirect.scatter.add.f32 [tilespmem:s14], [sflag:$0x4], $0x80, s19, s9, $0xb8;
	[tilespmem:$0x1E000] =	vst v63  }
0x3ea: {  	_ =	swait.ge [sflag:s17], $0x4000  }
0x3eb: {  	[sflag:s17] =	ssyncset.done $0x0  }
0x3ec: {  	s21 =	simm.s32 $0xF00;
	[sflag:s17] =	ssyncadd.s32 $0xFFFFC000  }
0x3ed: {  	[tilespmem:s10], [sflag:$0x1] =	stream.indirect.gather [hbm4b:s8+s9], $0x80, s21, s9, $0xb8;
	[tilespmem:$0x1E000] =	vst v63  }
0x3ee: {  	_ =	swait.ge [sflag:s13], $0x4000  }
0x3ef: {  	[sflag:s13] =	ssyncset.done $0x0  }
0x3f0: {  	s19 =	simm.s32 $0x1F00;
	[sflag:s13] =	ssyncadd.s32 $0xFFFFC000  }
0x3f1: {  	[spmem:s2] =	stream.indirect.scatter.add.f32 [tilespmem:s10], [sflag:$0x3], $0x80, s19, s9, $0xb8;
	[tilespmem:$0x1E000] =	vst v63  }
0x3f2: {  	_ =	swait.ge [sflag:s20], $0x4000  }
0x3f3: {  	[sflag:s20] =	ssyncset.done $0x0  }
0x3f4: {  	s21 =	simm.s32 $0xF80;
	[sflag:s20] =	ssyncadd.s32 $0xFFFFC000  }
0x3f5: {  	[tilespmem:s14], [sflag:$0x2] =	stream.indirect.gather [hbm4b:s8+s9], $0x80, s21, s9, $0xb8;
	[tilespmem:$0x1E000] =	vst v63  }
0x3f6: {  	_ =	swait.ge [sflag:s15], $0x4000  }
0x3f7: {  	[sflag:s15] =	ssyncset.done $0x0  }
0x3f8: {  	s19 =	simm.s32 $0x1F80;
	[sflag:s15] =	ssyncadd.s32 $0xFFFFC000  }
0x3f9: {  	[spmem:s2] =	stream.indirect.scatter.add.f32 [tilespmem:s14], [sflag:$0x4], $0x80, s19, s9, $0xb8;
	[tilespmem:$0x1E000] =	vst v63  }
0x3fa: {  	_ =	swait.ge [sflag:s17], $0x4000  }
0x3fb: {  	[sflag:s17] =	ssyncset.done $0x0  }
0x3fc: {  	[sflag:s17] =	ssyncadd.s32 $0xFFFFC000  }
0x3fd: {  	_ =	swait.ge [sflag:s20], $0x4000  }
0x3fe: {  	[sflag:s20] =	ssyncset.done $0x0  }
0x3ff: {  	[sflag:s20] =	ssyncadd.s32 $0xFFFFC000  }
0x400: {  	_ =	swait.ge [sflag:s1], $0x800  }
0x401: {  	[sflag:s1] =	ssyncset.done $0x0  }
0x402: {  	[sflag:s1] =	ssyncadd.s32 $0xFFFFF800  }
0x403: {  	_ =	swait.ge [sflag:s16], $0x800  }
0x404: {  	[sflag:s16] =	ssyncset.done $0x0  }
0x405: {  	[sflag:s16] =	ssyncadd.s32 $0xFFFFF800  }
0x406: {  	[tilespmem:s10], [sflag:$0x1] =	stream.indirect.gather [hbm4b:s8+s9], $0x80, s3, s9, $0xb8;
	[tilespmem:$0x1E000] =	vst v63  }
0x407: {  	s21 =	rddreg [dreg:$0xb]  }
0x408: {  	[tilespmem:s12], [sflag:$0x5] =	stream.linear.gather [hbm4b:s21+s3], $0x800, $0x38;
	[tilespmem:$0x1E000] =	vst v63  }
0x409: {  	s4 =	rddreg [dreg:$0xc]  }
0x40a: {  	[tilespmem:s7], [sflag:$0x6] =	stream.linear.gather [hbm4b:s4+s3], $0x800, $0x38;
	[tilespmem:$0x1E000] =	vst v63  }
0x40b: {  	_ =	swait.ge [sflag:s13], $0x4000  }
0x40c: {  	[sflag:s13] =	ssyncset.done $0x0  }
0x40d: {  	[sflag:s13] =	ssyncadd.s32 $0xFFFFC000  }
0x40e: {  	[spmem:s2] =	stream.indirect.scatter.add.f32 [tilespmem:s10], [sflag:$0x3], $0x80, s0, s9, $0xb8;
	[tilespmem:$0x1E000] =	vst v63  }
0x40f: {  	_ = 	snop  }
0x410: {  	[tilespmem:s14], [sflag:$0x2] =	stream.indirect.gather [hbm4b:s8+s9], $0x80, s9, s9, $0xb8;
	[tilespmem:$0x1E000] =	vst v63  }
0x411: {  	_ =	swait.ge [sflag:s15], $0x4000  }
0x412: {  	[sflag:s15] =	ssyncset.done $0x0  }
0x413: {  	s4 =	simm.s32 $0x1080;
	[sflag:s15] =	ssyncadd.s32 $0xFFFFC000  }
0x414: {  	[spmem:s2] =	stream.indirect.scatter.add.f32 [tilespmem:s14], [sflag:$0x4], $0x80, s4, s9, $0xb8;
	[tilespmem:$0x1E000] =	vst v63  }
0x415: {  	_ =	swait.ge [sflag:s17], $0x4000  }
0x416: {  	[sflag:s17] =	ssyncset.done $0x0  }
0x417: {  	s21 =	simm.s32 $0x100;
	[sflag:s17] =	ssyncadd.s32 $0xFFFFC000  }
0x418: {  	[tilespmem:s10], [sflag:$0x1] =	stream.indirect.gather [hbm4b:s8+s9], $0x80, s21, s9, $0xb8;
	[tilespmem:$0x1E000] =	vst v63  }
0x419: {  	_ =	swait.ge [sflag:s13], $0x4000  }
0x41a: {  	[sflag:s13] =	ssyncset.done $0x0  }
0x41b: {  	s21 =	simm.s32 $0x1100;
	[sflag:s13] =	ssyncadd.s32 $0xFFFFC000  }
0x41c: {  	[spmem:s2] =	stream.indirect.scatter.add.f32 [tilespmem:s10], [sflag:$0x3], $0x80, s21, s9, $0xb8;
	[tilespmem:$0x1E000] =	vst v63  }
0x41d: {  	_ =	swait.ge [sflag:s20], $0x4000  }
0x41e: {  	[sflag:s20] =	ssyncset.done $0x0  }
0x41f: {  	s21 =	simm.s32 $0x180;
	[sflag:s20] =	ssyncadd.s32 $0xFFFFC000  }
0x420: {  	[tilespmem:s14], [sflag:$0x2] =	stream.indirect.gather [hbm4b:s8+s9], $0x80, s21, s9, $0xb8;
	[tilespmem:$0x1E000] =	vst v63  }
0x421: {  	_ =	swait.ge [sflag:s15], $0x4000  }
0x422: {  	[sflag:s15] =	ssyncset.done $0x0  }
0x423: {  	s21 =	simm.s32 $0x1180;
	[sflag:s15] =	ssyncadd.s32 $0xFFFFC000  }
0x424: {  	[spmem:s2] =	stream.indirect.scatter.add.f32 [tilespmem:s14], [sflag:$0x4], $0x80, s21, s9, $0xb8;
	[tilespmem:$0x1E000] =	vst v63  }
0x425: {  	_ =	swait.ge [sflag:s17], $0x4000  }
0x426: {  	[sflag:s17] =	ssyncset.done $0x0  }
0x427: {  	s21 =	simm.s32 $0x200;
	[sflag:s17] =	ssyncadd.s32 $0xFFFFC000  }
0x428: {  	[tilespmem:s10], [sflag:$0x1] =	stream.indirect.gather [hbm4b:s8+s9], $0x80, s21, s9, $0xb8;
	[tilespmem:$0x1E000] =	vst v63  }
0x429: {  	_ =	swait.ge [sflag:s13], $0x4000  }
0x42a: {  	[sflag:s13] =	ssyncset.done $0x0  }
0x42b: {  	s21 =	simm.s32 $0x1200;
	[sflag:s13] =	ssyncadd.s32 $0xFFFFC000  }
0x42c: {  	[spmem:s2] =	stream.indirect.scatter.add.f32 [tilespmem:s10], [sflag:$0x3], $0x80, s21, s9, $0xb8;
	[tilespmem:$0x1E000] =	vst v63  }
0x42d: {  	_ =	swait.ge [sflag:s20], $0x4000  }
0x42e: {  	[sflag:s20] =	ssyncset.done $0x0  }
0x42f: {  	s21 =	simm.s32 $0x280;
	[sflag:s20] =	ssyncadd.s32 $0xFFFFC000  }
0x430: {  	[tilespmem:s14], [sflag:$0x2] =	stream.indirect.gather [hbm4b:s8+s9], $0x80, s21, s9, $0xb8;
	[tilespmem:$0x1E000] =	vst v63  }
0x431: {  	_ =	swait.ge [sflag:s15], $0x4000  }
0x432: {  	[sflag:s15] =	ssyncset.done $0x0  }
0x433: {  	s21 =	simm.s32 $0x1280;
	[sflag:s15] =	ssyncadd.s32 $0xFFFFC000  }
0x434: {  	[spmem:s2] =	stream.indirect.scatter.add.f32 [tilespmem:s14], [sflag:$0x4], $0x80, s21, s9, $0xb8;
	[tilespmem:$0x1E000] =	vst v63  }
0x435: {  	_ =	swait.ge [sflag:s17], $0x4000  }
0x436: {  	[sflag:s17] =	ssyncset.done $0x0  }
0x437: {  	s21 =	simm.s32 $0x300;
	[sflag:s17] =	ssyncadd.s32 $0xFFFFC000  }
0x438: {  	[tilespmem:s10], [sflag:$0x1] =	stream.indirect.gather [hbm4b:s8+s9], $0x80, s21, s9, $0xb8;
	[tilespmem:$0x1E000] =	vst v63  }
0x439: {  	_ =	swait.ge [sflag:s13], $0x4000  }
0x43a: {  	[sflag:s13] =	ssyncset.done $0x0  }
0x43b: {  	s21 =	simm.s32 $0x1300;
	[sflag:s13] =	ssyncadd.s32 $0xFFFFC000  }
0x43c: {  	[spmem:s2] =	stream.indirect.scatter.add.f32 [tilespmem:s10], [sflag:$0x3], $0x80, s21, s9, $0xb8;
	[tilespmem:$0x1E000] =	vst v63  }
0x43d: {  	_ =	swait.ge [sflag:s20], $0x4000  }
0x43e: {  	[sflag:s20] =	ssyncset.done $0x0  }
0x43f: {  	s21 =	simm.s32 $0x380;
	[sflag:s20] =	ssyncadd.s32 $0xFFFFC000  }
0x440: {  	[tilespmem:s14], [sflag:$0x2] =	stream.indirect.gather [hbm4b:s8+s9], $0x80, s21, s9, $0xb8;
	[tilespmem:$0x1E000] =	vst v63  }
0x441: {  	_ =	swait.ge [sflag:s15], $0x4000  }
0x442: {  	[sflag:s15] =	ssyncset.done $0x0  }
0x443: {  	s21 =	simm.s32 $0x1380;
	[sflag:s15] =	ssyncadd.s32 $0xFFFFC000  }
0x444: {  	[spmem:s2] =	stream.indirect.scatter.add.f32 [tilespmem:s14], [sflag:$0x4], $0x80, s21, s9, $0xb8;
	[tilespmem:$0x1E000] =	vst v63  }
0x445: {  	_ =	swait.ge [sflag:s17], $0x4000  }
0x446: {  	[sflag:s17] =	ssyncset.done $0x0  }
0x447: {  	s21 =	simm.s32 $0x400;
	[sflag:s17] =	ssyncadd.s32 $0xFFFFC000  }
0x448: {  	[tilespmem:s10], [sflag:$0x1] =	stream.indirect.gather [hbm4b:s8+s9], $0x80, s21, s9, $0xb8;
	[tilespmem:$0x1E000] =	vst v63  }
0x449: {  	_ =	swait.ge [sflag:s13], $0x4000  }
0x44a: {  	[sflag:s13] =	ssyncset.done $0x0  }
0x44b: {  	s21 =	simm.s32 $0x1400;
	[sflag:s13] =	ssyncadd.s32 $0xFFFFC000  }
0x44c: {  	[spmem:s2] =	stream.indirect.scatter.add.f32 [tilespmem:s10], [sflag:$0x3], $0x80, s21, s9, $0xb8;
	[tilespmem:$0x1E000] =	vst v63  }
0x44d: {  	_ =	swait.ge [sflag:s20], $0x4000  }
0x44e: {  	[sflag:s20] =	ssyncset.done $0x0  }
0x44f: {  	s21 =	simm.s32 $0x480;
	[sflag:s20] =	ssyncadd.s32 $0xFFFFC000  }
0x450: {  	[tilespmem:s14], [sflag:$0x2] =	stream.indirect.gather [hbm4b:s8+s9], $0x80, s21, s9, $0xb8;
	[tilespmem:$0x1E000] =	vst v63  }
0x451: {  	_ =	swait.ge [sflag:s15], $0x4000  }
0x452: {  	[sflag:s15] =	ssyncset.done $0x0  }
0x453: {  	s21 =	simm.s32 $0x1480;
	[sflag:s15] =	ssyncadd.s32 $0xFFFFC000  }
0x454: {  	[spmem:s2] =	stream.indirect.scatter.add.f32 [tilespmem:s14], [sflag:$0x4], $0x80, s21, s9, $0xb8;
	[tilespmem:$0x1E000] =	vst v63  }
0x455: {  	_ =	swait.ge [sflag:s17], $0x4000  }
0x456: {  	[sflag:s17] =	ssyncset.done $0x0  }
0x457: {  	s21 =	simm.s32 $0x500;
	[sflag:s17] =	ssyncadd.s32 $0xFFFFC000  }
0x458: {  	[tilespmem:s10], [sflag:$0x1] =	stream.indirect.gather [hbm4b:s8+s9], $0x80, s21, s9, $0xb8;
	[tilespmem:$0x1E000] =	vst v63  }
0x459: {  	_ =	swait.ge [sflag:s13], $0x4000  }
0x45a: {  	[sflag:s13] =	ssyncset.done $0x0  }
0x45b: {  	s21 =	simm.s32 $0x1500;
	[sflag:s13] =	ssyncadd.s32 $0xFFFFC000  }
0x45c: {  	[spmem:s2] =	stream.indirect.scatter.add.f32 [tilespmem:s10], [sflag:$0x3], $0x80, s21, s9, $0xb8;
	[tilespmem:$0x1E000] =	vst v63  }
0x45d: {  	_ =	swait.ge [sflag:s20], $0x4000  }
0x45e: {  	[sflag:s20] =	ssyncset.done $0x0  }
0x45f: {  	s21 =	simm.s32 $0x580;
	[sflag:s20] =	ssyncadd.s32 $0xFFFFC000  }
0x460: {  	[tilespmem:s14], [sflag:$0x2] =	stream.indirect.gather [hbm4b:s8+s9], $0x80, s21, s9, $0xb8;
	[tilespmem:$0x1E000] =	vst v63  }
0x461: {  	_ =	swait.ge [sflag:s15], $0x4000  }
0x462: {  	[sflag:s15] =	ssyncset.done $0x0  }
0x463: {  	s21 =	simm.s32 $0x1580;
	[sflag:s15] =	ssyncadd.s32 $0xFFFFC000  }
0x464: {  	[spmem:s2] =	stream.indirect.scatter.add.f32 [tilespmem:s14], [sflag:$0x4], $0x80, s21, s9, $0xb8;
	[tilespmem:$0x1E000] =	vst v63  }
0x465: {  	_ =	swait.ge [sflag:s17], $0x4000  }
0x466: {  	[sflag:s17] =	ssyncset.done $0x0  }
0x467: {  	s21 =	simm.s32 $0x600;
	[sflag:s17] =	ssyncadd.s32 $0xFFFFC000  }
0x468: {  	[tilespmem:s10], [sflag:$0x1] =	stream.indirect.gather [hbm4b:s8+s9], $0x80, s21, s9, $0xb8;
	[tilespmem:$0x1E000] =	vst v63  }
0x469: {  	_ =	swait.ge [sflag:s13], $0x4000  }
0x46a: {  	[sflag:s13] =	ssyncset.done $0x0  }
0x46b: {  	s21 =	simm.s32 $0x1600;
	[sflag:s13] =	ssyncadd.s32 $0xFFFFC000  }
0x46c: {  	[spmem:s2] =	stream.indirect.scatter.add.f32 [tilespmem:s10], [sflag:$0x3], $0x80, s21, s9, $0xb8;
	[tilespmem:$0x1E000] =	vst v63  }
0x46d: {  	_ =	swait.ge [sflag:s20], $0x4000  }
0x46e: {  	[sflag:s20] =	ssyncset.done $0x0  }
0x46f: {  	s21 =	simm.s32 $0x680;
	[sflag:s20] =	ssyncadd.s32 $0xFFFFC000  }
0x470: {  	[tilespmem:s14], [sflag:$0x2] =	stream.indirect.gather [hbm4b:s8+s9], $0x80, s21, s9, $0xb8;
	[tilespmem:$0x1E000] =	vst v63  }
0x471: {  	_ =	swait.ge [sflag:s15], $0x4000  }
0x472: {  	[sflag:s15] =	ssyncset.done $0x0  }
0x473: {  	s21 =	simm.s32 $0x1680;
	[sflag:s15] =	ssyncadd.s32 $0xFFFFC000  }
0x474: {  	[spmem:s2] =	stream.indirect.scatter.add.f32 [tilespmem:s14], [sflag:$0x4], $0x80, s21, s9, $0xb8;
	[tilespmem:$0x1E000] =	vst v63  }
0x475: {  	_ =	swait.ge [sflag:s17], $0x4000  }
0x476: {  	[sflag:s17] =	ssyncset.done $0x0  }
0x477: {  	s21 =	simm.s32 $0x700;
	[sflag:s17] =	ssyncadd.s32 $0xFFFFC000  }
0x478: {  	[tilespmem:s10], [sflag:$0x1] =	stream.indirect.gather [hbm4b:s8+s9], $0x80, s21, s9, $0xb8;
	[tilespmem:$0x1E000] =	vst v63  }
0x479: {  	_ =	swait.ge [sflag:s13], $0x4000  }
0x47a: {  	[sflag:s13] =	ssyncset.done $0x0  }
0x47b: {  	s21 =	simm.s32 $0x1700;
	[sflag:s13] =	ssyncadd.s32 $0xFFFFC000  }
0x47c: {  	[spmem:s2] =	stream.indirect.scatter.add.f32 [tilespmem:s10], [sflag:$0x3], $0x80, s21, s9, $0xb8;
	[tilespmem:$0x1E000] =	vst v63  }
0x47d: {  	_ =	swait.ge [sflag:s20], $0x4000  }
0x47e: {  	[sflag:s20] =	ssyncset.done $0x0  }
0x47f: {  	s21 =	simm.s32 $0x780;
	[sflag:s20] =	ssyncadd.s32 $0xFFFFC000  }
0x480: {  	[tilespmem:s14], [sflag:$0x2] =	stream.indirect.gather [hbm4b:s8+s9], $0x80, s21, s9, $0xb8;
	[tilespmem:$0x1E000] =	vst v63  }
0x481: {  	_ =	swait.ge [sflag:s15], $0x4000  }
0x482: {  	[sflag:s15] =	ssyncset.done $0x0  }
0x483: {  	s21 =	simm.s32 $0x1780;
	[sflag:s15] =	ssyncadd.s32 $0xFFFFC000  }
0x484: {  	[spmem:s2] =	stream.indirect.scatter.add.f32 [tilespmem:s14], [sflag:$0x4], $0x80, s21, s9, $0xb8;
	[tilespmem:$0x1E000] =	vst v63  }
0x485: {  	_ =	swait.ge [sflag:s17], $0x4000  }
0x486: {  	[sflag:s17] =	ssyncset.done $0x0  }
0x487: {  	[sflag:s17] =	ssyncadd.s32 $0xFFFFC000  }
0x488: {  	_ =	swait.ge [sflag:s20], $0x4000  }
0x489: {  	[sflag:s20] =	ssyncset.done $0x0  }
0x48a: {  	[sflag:s20] =	ssyncadd.s32 $0xFFFFC000  }
0x48b: {  	_ =	swait.ge [sflag:s1], $0x800  }
0x48c: {  	[sflag:s1] =	ssyncset.done $0x0  }
0x48d: {  	[sflag:s1] =	ssyncadd.s32 $0xFFFFF800  }
0x48e: {  	_ =	swait.ge [sflag:s16], $0x800  }
0x48f: {  	[sflag:s16] =	ssyncset.done $0x0  }
0x490: {  	[sflag:s16] =	ssyncadd.s32 $0xFFFFF800  }
0x491: {  	[tilespmem:s10], [sflag:$0x1] =	stream.indirect.gather [hbm4b:s8+s9], $0x80, s12, s9, $0xb8;
	[tilespmem:$0x1E000] =	vst v63  }
0x492: {  	s19 =	rddreg [dreg:$0xd]  }
0x493: {  	[tilespmem:s3], [sflag:$0x5] =	stream.linear.gather [hbm4b:s19+s3], $0x800, $0x38;
	[tilespmem:$0x1E000] =	vst v63  }
0x494: {  	s21 =	rddreg [dreg:$0xe]  }
0x495: {  	[tilespmem:s0], [sflag:$0x6] =	stream.linear.gather [hbm4b:s21+s3], $0x800, $0x38;
	[tilespmem:$0x1E000] =	vst v63  }
0x496: {  	_ =	swait.ge [sflag:s13], $0x4000  }
0x497: {  	[sflag:s13] =	ssyncset.done $0x0  }
0x498: {  	[sflag:s13] =	ssyncadd.s32 $0xFFFFC000  }
0x499: {  	[spmem:s2] =	stream.indirect.scatter.add.f32 [tilespmem:s10], [sflag:$0x3], $0x80, s7, s9, $0xb8;
	[tilespmem:$0x1E000] =	vst v63  }
0x49a: {  	s21 =	simm.s32 $0x880  }
0x49b: {  	[tilespmem:s14], [sflag:$0x2] =	stream.indirect.gather [hbm4b:s8+s9], $0x80, s21, s9, $0xb8;
	[tilespmem:$0x1E000] =	vst v63  }
0x49c: {  	_ =	swait.ge [sflag:s15], $0x4000  }
0x49d: {  	[sflag:s15] =	ssyncset.done $0x0  }
0x49e: {  	[sflag:s15] =	ssyncadd.s32 $0xFFFFC000  }
0x49f: {  	[spmem:s2] =	stream.indirect.scatter.add.f32 [tilespmem:s14], [sflag:$0x4], $0x80, s6, s9, $0xb8;
	[tilespmem:$0x1E000] =	vst v63  }
0x4a0: {  	_ =	swait.ge [sflag:s17], $0x4000  }
0x4a1: {  	[sflag:s17] =	ssyncset.done $0x0  }
0x4a2: {  	[sflag:s17] =	ssyncadd.s32 $0xFFFFC000  }
0x4a3: {  	[tilespmem:s10], [sflag:$0x1] =	stream.indirect.gather [hbm4b:s8+s9], $0x80, s11, s9, $0xb8;
	[tilespmem:$0x1E000] =	vst v63  }
0x4a4: {  	_ =	swait.ge [sflag:s13], $0x4000  }
0x4a5: {  	[sflag:s13] =	ssyncset.done $0x0  }
0x4a6: {  	[sflag:s13] =	ssyncadd.s32 $0xFFFFC000  }
0x4a7: {  	[spmem:s2] =	stream.indirect.scatter.add.f32 [tilespmem:s10], [sflag:$0x3], $0x80, s22, s9, $0xb8;
	[tilespmem:$0x1E000] =	vst v63  }
0x4a8: {  	_ =	swait.ge [sflag:s20], $0x4000  }
0x4a9: {  	[sflag:s20] =	ssyncset.done $0x0  }
0x4aa: {  	[sflag:s20] =	ssyncadd.s32 $0xFFFFC000  }
0x4ab: {  	[tilespmem:s14], [sflag:$0x2] =	stream.indirect.gather [hbm4b:s8+s9], $0x80, s23, s9, $0xb8;
	[tilespmem:$0x1E000] =	vst v63  }
0x4ac: {  	_ =	swait.ge [sflag:s15], $0x4000  }
0x4ad: {  	[sflag:s15] =	ssyncset.done $0x0  }
0x4ae: {  	[sflag:s15] =	ssyncadd.s32 $0xFFFFC000  }
0x4af: {  	[spmem:s2] =	stream.indirect.scatter.add.f32 [tilespmem:s14], [sflag:$0x4], $0x80, s24, s9, $0xb8;
	[tilespmem:$0x1E000] =	vst v63  }
0x4b0: {  	_ =	swait.ge [sflag:s17], $0x4000  }
0x4b1: {  	[sflag:s17] =	ssyncset.done $0x0  }
0x4b2: {  	[sflag:s17] =	ssyncadd.s32 $0xFFFFC000  }
0x4b3: {  	[tilespmem:s10], [sflag:$0x1] =	stream.indirect.gather [hbm4b:s8+s9], $0x80, s25, s9, $0xb8;
	[tilespmem:$0x1E000] =	vst v63  }
0x4b4: {  	_ =	swait.ge [sflag:s13], $0x4000  }
0x4b5: {  	[sflag:s13] =	ssyncset.done $0x0  }
0x4b6: {  	[sflag:s13] =	ssyncadd.s32 $0xFFFFC000  }
0x4b7: {  	[spmem:s2] =	stream.indirect.scatter.add.f32 [tilespmem:s10], [sflag:$0x3], $0x80, s26, s9, $0xb8;
	[tilespmem:$0x1E000] =	vst v63  }
0x4b8: {  	_ =	swait.ge [sflag:s20], $0x4000  }
0x4b9: {  	[sflag:s20] =	ssyncset.done $0x0  }
0x4ba: {  	[sflag:s20] =	ssyncadd.s32 $0xFFFFC000  }
0x4bb: {  	[tilespmem:s14], [sflag:$0x2] =	stream.indirect.gather [hbm4b:s8+s9], $0x80, s28, s9, $0xb8;
	[tilespmem:$0x1E000] =	vst v63  }
0x4bc: {  	_ =	swait.ge [sflag:s15], $0x4000  }
0x4bd: {  	[sflag:s15] =	ssyncset.done $0x0  }
0x4be: {  	[sflag:s15] =	ssyncadd.s32 $0xFFFFC000  }
0x4bf: {  	[spmem:s2] =	stream.indirect.scatter.add.f32 [tilespmem:s14], [sflag:$0x4], $0x80, s29, s9, $0xb8;
	[tilespmem:$0x1E000] =	vst v63  }
0x4c0: {  	_ =	swait.ge [sflag:s17], $0x4000  }
0x4c1: {  	[sflag:s17] =	ssyncset.done $0x0  }
0x4c2: {  	[sflag:s17] =	ssyncadd.s32 $0xFFFFC000  }
0x4c3: {  	[tilespmem:s10], [sflag:$0x1] =	stream.indirect.gather [hbm4b:s8+s9], $0x80, s30, s9, $0xb8;
	[tilespmem:$0x1E000] =	vst v63  }
0x4c4: {  	_ =	swait.ge [sflag:s13], $0x4000  }
0x4c5: {  	[sflag:s13] =	ssyncset.done $0x0  }
0x4c6: {  	[sflag:s13] =	ssyncadd.s32 $0xFFFFC000  }
0x4c7: {  	[spmem:s2] =	stream.indirect.scatter.add.f32 [tilespmem:s10], [sflag:$0x3], $0x80, s31, s9, $0xb8;
	[tilespmem:$0x1E000] =	vst v63  }
0x4c8: {  	_ =	swait.ge [sflag:s20], $0x4000  }
0x4c9: {  	[sflag:s20] =	ssyncset.done $0x0  }
0x4ca: {  	s19 =	simm.s32 $0xB80;
	[sflag:s20] =	ssyncadd.s32 $0xFFFFC000  }
0x4cb: {  	[tilespmem:s14], [sflag:$0x2] =	stream.indirect.gather [hbm4b:s8+s9], $0x80, s19, s9, $0xb8;
	[tilespmem:$0x1E000] =	vst v63  }
0x4cc: {  	_ =	swait.ge [sflag:s15], $0x4000  }
0x4cd: {  	[sflag:s15] =	ssyncset.done $0x0  }
0x4ce: {  	s21 =	simm.s32 $0x1B80;
	[sflag:s15] =	ssyncadd.s32 $0xFFFFC000  }
0x4cf: {  	[spmem:s2] =	stream.indirect.scatter.add.f32 [tilespmem:s14], [sflag:$0x4], $0x80, s21, s9, $0xb8;
	[tilespmem:$0x1E000] =	vst v63  }
0x4d0: {  	_ =	swait.ge [sflag:s17], $0x4000  }
0x4d1: {  	[sflag:s17] =	ssyncset.done $0x0  }
0x4d2: {  	s7 =	simm.s32 $0xC00;
	[sflag:s17] =	ssyncadd.s32 $0xFFFFC000  }
0x4d3: {  	[tilespmem:s10], [sflag:$0x1] =	stream.indirect.gather [hbm4b:s8+s9], $0x80, s7, s9, $0xb8;
	[tilespmem:$0x1E000] =	vst v63  }
0x4d4: {  	_ =	swait.ge [sflag:s13], $0x4000  }
0x4d5: {  	[sflag:s13] =	ssyncset.done $0x0  }
0x4d6: {  	s19 =	simm.s32 $0x1C00;
	[sflag:s13] =	ssyncadd.s32 $0xFFFFC000  }
0x4d7: {  	[spmem:s2] =	stream.indirect.scatter.add.f32 [tilespmem:s10], [sflag:$0x3], $0x80, s19, s9, $0xb8;
	[tilespmem:$0x1E000] =	vst v63  }
0x4d8: {  	_ =	swait.ge [sflag:s20], $0x4000  }
0x4d9: {  	[sflag:s20] =	ssyncset.done $0x0  }
0x4da: {  	s21 =	simm.s32 $0xC80;
	[sflag:s20] =	ssyncadd.s32 $0xFFFFC000  }
0x4db: {  	[tilespmem:s14], [sflag:$0x2] =	stream.indirect.gather [hbm4b:s8+s9], $0x80, s21, s9, $0xb8;
	[tilespmem:$0x1E000] =	vst v63  }
0x4dc: {  	_ =	swait.ge [sflag:s15], $0x4000  }
0x4dd: {  	[sflag:s15] =	ssyncset.done $0x0  }
0x4de: {  	s7 =	simm.s32 $0x1C80;
	[sflag:s15] =	ssyncadd.s32 $0xFFFFC000  }
0x4df: {  	[spmem:s2] =	stream.indirect.scatter.add.f32 [tilespmem:s14], [sflag:$0x4], $0x80, s7, s9, $0xb8;
	[tilespmem:$0x1E000] =	vst v63  }
0x4e0: {  	_ =	swait.ge [sflag:s17], $0x4000  }
0x4e1: {  	[sflag:s17] =	ssyncset.done $0x0  }
0x4e2: {  	s19 =	simm.s32 $0xD00;
	[sflag:s17] =	ssyncadd.s32 $0xFFFFC000  }
0x4e3: {  	[tilespmem:s10], [sflag:$0x1] =	stream.indirect.gather [hbm4b:s8+s9], $0x80, s19, s9, $0xb8;
	[tilespmem:$0x1E000] =	vst v63  }
0x4e4: {  	_ =	swait.ge [sflag:s13], $0x4000  }
0x4e5: {  	[sflag:s13] =	ssyncset.done $0x0  }
0x4e6: {  	s21 =	simm.s32 $0x1D00;
	[sflag:s13] =	ssyncadd.s32 $0xFFFFC000  }
0x4e7: {  	[spmem:s2] =	stream.indirect.scatter.add.f32 [tilespmem:s10], [sflag:$0x3], $0x80, s21, s9, $0xb8;
	[tilespmem:$0x1E000] =	vst v63  }
0x4e8: {  	_ =	swait.ge [sflag:s20], $0x4000  }
0x4e9: {  	[sflag:s20] =	ssyncset.done $0x0  }
0x4ea: {  	s7 =	simm.s32 $0xD80;
	[sflag:s20] =	ssyncadd.s32 $0xFFFFC000  }
0x4eb: {  	[tilespmem:s14], [sflag:$0x2] =	stream.indirect.gather [hbm4b:s8+s9], $0x80, s7, s9, $0xb8;
	[tilespmem:$0x1E000] =	vst v63  }
0x4ec: {  	_ =	swait.ge [sflag:s15], $0x4000  }
0x4ed: {  	[sflag:s15] =	ssyncset.done $0x0  }
0x4ee: {  	s19 =	simm.s32 $0x1D80;
	[sflag:s15] =	ssyncadd.s32 $0xFFFFC000  }
0x4ef: {  	[spmem:s2] =	stream.indirect.scatter.add.f32 [tilespmem:s14], [sflag:$0x4], $0x80, s19, s9, $0xb8;
	[tilespmem:$0x1E000] =	vst v63  }
0x4f0: {  	_ =	swait.ge [sflag:s17], $0x4000  }
0x4f1: {  	[sflag:s17] =	ssyncset.done $0x0  }
0x4f2: {  	s21 =	simm.s32 $0xE00;
	[sflag:s17] =	ssyncadd.s32 $0xFFFFC000  }
0x4f3: {  	[tilespmem:s10], [sflag:$0x1] =	stream.indirect.gather [hbm4b:s8+s9], $0x80, s21, s9, $0xb8;
	[tilespmem:$0x1E000] =	vst v63  }
0x4f4: {  	_ =	swait.ge [sflag:s13], $0x4000  }
0x4f5: {  	[sflag:s13] =	ssyncset.done $0x0  }
0x4f6: {  	s7 =	simm.s32 $0x1E00;
	[sflag:s13] =	ssyncadd.s32 $0xFFFFC000  }
0x4f7: {  	[spmem:s2] =	stream.indirect.scatter.add.f32 [tilespmem:s10], [sflag:$0x3], $0x80, s7, s9, $0xb8;
	[tilespmem:$0x1E000] =	vst v63  }
0x4f8: {  	_ =	swait.ge [sflag:s20], $0x4000  }
0x4f9: {  	[sflag:s20] =	ssyncset.done $0x0  }
0x4fa: {  	s19 =	simm.s32 $0xE80;
	[sflag:s20] =	ssyncadd.s32 $0xFFFFC000  }
0x4fb: {  	[tilespmem:s14], [sflag:$0x2] =	stream.indirect.gather [hbm4b:s8+s9], $0x80, s19, s9, $0xb8;
	[tilespmem:$0x1E000] =	vst v63  }
0x4fc: {  	_ =	swait.ge [sflag:s15], $0x4000  }
0x4fd: {  	[sflag:s15] =	ssyncset.done $0x0  }
0x4fe: {  	s21 =	simm.s32 $0x1E80;
	[sflag:s15] =	ssyncadd.s32 $0xFFFFC000  }
0x4ff: {  	[spmem:s2] =	stream.indirect.scatter.add.f32 [tilespmem:s14], [sflag:$0x4], $0x80, s21, s9, $0xb8;
	[tilespmem:$0x1E000] =	vst v63  }
0x500: {  	_ =	swait.ge [sflag:s17], $0x4000  }
0x501: {  	[sflag:s17] =	ssyncset.done $0x0  }
0x502: {  	s7 =	simm.s32 $0xF00;
	[sflag:s17] =	ssyncadd.s32 $0xFFFFC000  }
0x503: {  	[tilespmem:s10], [sflag:$0x1] =	stream.indirect.gather [hbm4b:s8+s9], $0x80, s7, s9, $0xb8;
	[tilespmem:$0x1E000] =	vst v63  }
0x504: {  	_ =	swait.ge [sflag:s13], $0x4000  }
0x505: {  	[sflag:s13] =	ssyncset.done $0x0  }
0x506: {  	s19 =	simm.s32 $0x1F00;
	[sflag:s13] =	ssyncadd.s32 $0xFFFFC000  }
0x507: {  	[spmem:s2] =	stream.indirect.scatter.add.f32 [tilespmem:s10], [sflag:$0x3], $0x80, s19, s9, $0xb8;
	[tilespmem:$0x1E000] =	vst v63  }
0x508: {  	_ =	swait.ge [sflag:s20], $0x4000  }
0x509: {  	[sflag:s20] =	ssyncset.done $0x0  }
0x50a: {  	s21 =	simm.s32 $0xF80;
	[sflag:s20] =	ssyncadd.s32 $0xFFFFC000  }
0x50b: {  	[tilespmem:s14], [sflag:$0x2] =	stream.indirect.gather [hbm4b:s8+s9], $0x80, s21, s9, $0xb8;
	[tilespmem:$0x1E000] =	vst v63  }
0x50c: {  	_ =	swait.ge [sflag:s15], $0x4000  }
0x50d: {  	[sflag:s15] =	ssyncset.done $0x0  }
0x50e: {  	s7 =	simm.s32 $0x1F80;
	[sflag:s15] =	ssyncadd.s32 $0xFFFFC000  }
0x50f: {  	[spmem:s2] =	stream.indirect.scatter.add.f32 [tilespmem:s14], [sflag:$0x4], $0x80, s7, s9, $0xb8;
	[tilespmem:$0x1E000] =	vst v63  }
0x510: {  	_ =	swait.ge [sflag:s17], $0x4000  }
0x511: {  	[sflag:s17] =	ssyncset.done $0x0  }
0x512: {  	[sflag:s17] =	ssyncadd.s32 $0xFFFFC000  }
0x513: {  	_ =	swait.ge [sflag:s20], $0x4000  }
0x514: {  	[sflag:s20] =	ssyncset.done $0x0  }
0x515: {  	[sflag:s20] =	ssyncadd.s32 $0xFFFFC000  }
0x516: {  	_ =	swait.ge [sflag:s1], $0x800  }
0x517: {  	[sflag:s1] =	ssyncset.done $0x0  }
0x518: {  	[sflag:s1] =	ssyncadd.s32 $0xFFFFF800  }
0x519: {  	_ =	swait.ge [sflag:s16], $0x800  }
0x51a: {  	[sflag:s16] =	ssyncset.done $0x0  }
0x51b: {  	[sflag:s16] =	ssyncadd.s32 $0xFFFFF800  }
0x51c: {  	[tilespmem:s10], [sflag:$0x1] =	stream.indirect.gather [hbm4b:s8+s9], $0x80, s3, s9, $0xb8;
	[tilespmem:$0x1E000] =	vst v63  }
0x51d: {  	_ =	swait.ge [sflag:s13], $0x4000  }
0x51e: {  	[sflag:s13] =	ssyncset.done $0x0  }
0x51f: {  	[sflag:s13] =	ssyncadd.s32 $0xFFFFC000  }
0x520: {  	[spmem:s2] =	stream.indirect.scatter.add.f32 [tilespmem:s10], [sflag:$0x3], $0x80, s0, s9, $0xb8;
	[tilespmem:$0x1E000] =	vst v63  }
0x521: {  	_ = 	snop  }
0x522: {  	[tilespmem:s14], [sflag:$0x2] =	stream.indirect.gather [hbm4b:s8+s9], $0x80, s9, s9, $0xb8;
	[tilespmem:$0x1E000] =	vst v63  }
0x523: {  	_ =	swait.ge [sflag:s15], $0x4000  }
0x524: {  	[sflag:s15] =	ssyncset.done $0x0  }
0x525: {  	[sflag:s15] =	ssyncadd.s32 $0xFFFFC000  }
0x526: {  	[spmem:s2] =	stream.indirect.scatter.add.f32 [tilespmem:s14], [sflag:$0x4], $0x80, s4, s9, $0xb8;
	[tilespmem:$0x1E000] =	vst v63  }
0x527: {  	_ =	swait.ge [sflag:s17], $0x4000  }
0x528: {  	[sflag:s17] =	ssyncset.done $0x0  }
0x529: {  	s19 =	simm.s32 $0x100;
	[sflag:s17] =	ssyncadd.s32 $0xFFFFC000  }
0x52a: {  	[tilespmem:s10], [sflag:$0x1] =	stream.indirect.gather [hbm4b:s8+s9], $0x80, s19, s9, $0xb8;
	[tilespmem:$0x1E000] =	vst v63  }
0x52b: {  	_ =	swait.ge [sflag:s13], $0x4000  }
0x52c: {  	[sflag:s13] =	ssyncset.done $0x0  }
0x52d: {  	s21 =	simm.s32 $0x1100;
	[sflag:s13] =	ssyncadd.s32 $0xFFFFC000  }
0x52e: {  	[spmem:s2] =	stream.indirect.scatter.add.f32 [tilespmem:s10], [sflag:$0x3], $0x80, s21, s9, $0xb8;
	[tilespmem:$0x1E000] =	vst v63  }
0x52f: {  	_ =	swait.ge [sflag:s20], $0x4000  }
0x530: {  	[sflag:s20] =	ssyncset.done $0x0  }
0x531: {  	s4 =	simm.s32 $0x180;
	[sflag:s20] =	ssyncadd.s32 $0xFFFFC000  }
0x532: {  	[tilespmem:s14], [sflag:$0x2] =	stream.indirect.gather [hbm4b:s8+s9], $0x80, s4, s9, $0xb8;
	[tilespmem:$0x1E000] =	vst v63  }
0x533: {  	_ =	swait.ge [sflag:s15], $0x4000  }
0x534: {  	[sflag:s15] =	ssyncset.done $0x0  }
0x535: {  	s6 =	simm.s32 $0x1180;
	[sflag:s15] =	ssyncadd.s32 $0xFFFFC000  }
0x536: {  	[spmem:s2] =	stream.indirect.scatter.add.f32 [tilespmem:s14], [sflag:$0x4], $0x80, s6, s9, $0xb8;
	[tilespmem:$0x1E000] =	vst v63  }
0x537: {  	_ =	swait.ge [sflag:s17], $0x4000  }
0x538: {  	[sflag:s17] =	ssyncset.done $0x0  }
0x539: {  	s7 =	simm.s32 $0x200;
	[sflag:s17] =	ssyncadd.s32 $0xFFFFC000  }
0x53a: {  	[tilespmem:s10], [sflag:$0x1] =	stream.indirect.gather [hbm4b:s8+s9], $0x80, s7, s9, $0xb8;
	[tilespmem:$0x1E000] =	vst v63  }
0x53b: {  	_ =	swait.ge [sflag:s13], $0x4000  }
0x53c: {  	[sflag:s13] =	ssyncset.done $0x0  }
0x53d: {  	s19 =	simm.s32 $0x1200;
	[sflag:s13] =	ssyncadd.s32 $0xFFFFC000  }
0x53e: {  	[spmem:s2] =	stream.indirect.scatter.add.f32 [tilespmem:s10], [sflag:$0x3], $0x80, s19, s9, $0xb8;
	[tilespmem:$0x1E000] =	vst v63  }
0x53f: {  	_ =	swait.ge [sflag:s20], $0x4000  }
0x540: {  	[sflag:s20] =	ssyncset.done $0x0  }
0x541: {  	s21 =	simm.s32 $0x280;
	[sflag:s20] =	ssyncadd.s32 $0xFFFFC000  }
0x542: {  	[tilespmem:s14], [sflag:$0x2] =	stream.indirect.gather [hbm4b:s8+s9], $0x80, s21, s9, $0xb8;
	[tilespmem:$0x1E000] =	vst v63  }
0x543: {  	_ =	swait.ge [sflag:s15], $0x4000  }
0x544: {  	[sflag:s15] =	ssyncset.done $0x0  }
0x545: {  	s4 =	simm.s32 $0x1280;
	[sflag:s15] =	ssyncadd.s32 $0xFFFFC000  }
0x546: {  	[spmem:s2] =	stream.indirect.scatter.add.f32 [tilespmem:s14], [sflag:$0x4], $0x80, s4, s9, $0xb8;
	[tilespmem:$0x1E000] =	vst v63  }
0x547: {  	_ =	swait.ge [sflag:s17], $0x4000  }
0x548: {  	[sflag:s17] =	ssyncset.done $0x0  }
0x549: {  	s6 =	simm.s32 $0x300;
	[sflag:s17] =	ssyncadd.s32 $0xFFFFC000  }
0x54a: {  	[tilespmem:s10], [sflag:$0x1] =	stream.indirect.gather [hbm4b:s8+s9], $0x80, s6, s9, $0xb8;
	[tilespmem:$0x1E000] =	vst v63  }
0x54b: {  	_ =	swait.ge [sflag:s13], $0x4000  }
0x54c: {  	[sflag:s13] =	ssyncset.done $0x0  }
0x54d: {  	s7 =	simm.s32 $0x1300;
	[sflag:s13] =	ssyncadd.s32 $0xFFFFC000  }
0x54e: {  	[spmem:s2] =	stream.indirect.scatter.add.f32 [tilespmem:s10], [sflag:$0x3], $0x80, s7, s9, $0xb8;
	[tilespmem:$0x1E000] =	vst v63  }
0x54f: {  	_ =	swait.ge [sflag:s20], $0x4000  }
0x550: {  	[sflag:s20] =	ssyncset.done $0x0  }
0x551: {  	s19 =	simm.s32 $0x380;
	[sflag:s20] =	ssyncadd.s32 $0xFFFFC000  }
0x552: {  	[tilespmem:s14], [sflag:$0x2] =	stream.indirect.gather [hbm4b:s8+s9], $0x80, s19, s9, $0xb8;
	[tilespmem:$0x1E000] =	vst v63  }
0x553: {  	_ =	swait.ge [sflag:s15], $0x4000  }
0x554: {  	[sflag:s15] =	ssyncset.done $0x0  }
0x555: {  	s21 =	simm.s32 $0x1380;
	[sflag:s15] =	ssyncadd.s32 $0xFFFFC000  }
0x556: {  	[spmem:s2] =	stream.indirect.scatter.add.f32 [tilespmem:s14], [sflag:$0x4], $0x80, s21, s9, $0xb8;
	[tilespmem:$0x1E000] =	vst v63  }
0x557: {  	_ =	swait.ge [sflag:s17], $0x4000  }
0x558: {  	[sflag:s17] =	ssyncset.done $0x0  }
0x559: {  	s4 =	simm.s32 $0x400;
	[sflag:s17] =	ssyncadd.s32 $0xFFFFC000  }
0x55a: {  	[tilespmem:s10], [sflag:$0x1] =	stream.indirect.gather [hbm4b:s8+s9], $0x80, s4, s9, $0xb8;
	[tilespmem:$0x1E000] =	vst v63  }
0x55b: {  	_ =	swait.ge [sflag:s13], $0x4000  }
0x55c: {  	[sflag:s13] =	ssyncset.done $0x0  }
0x55d: {  	s6 =	simm.s32 $0x1400;
	[sflag:s13] =	ssyncadd.s32 $0xFFFFC000  }
0x55e: {  	[spmem:s2] =	stream.indirect.scatter.add.f32 [tilespmem:s10], [sflag:$0x3], $0x80, s6, s9, $0xb8;
	[tilespmem:$0x1E000] =	vst v63  }
0x55f: {  	_ =	swait.ge [sflag:s20], $0x4000  }
0x560: {  	[sflag:s20] =	ssyncset.done $0x0  }
0x561: {  	s7 =	simm.s32 $0x480;
	[sflag:s20] =	ssyncadd.s32 $0xFFFFC000  }
0x562: {  	[tilespmem:s14], [sflag:$0x2] =	stream.indirect.gather [hbm4b:s8+s9], $0x80, s7, s9, $0xb8;
	[tilespmem:$0x1E000] =	vst v63  }
0x563: {  	_ =	swait.ge [sflag:s15], $0x4000  }
0x564: {  	[sflag:s15] =	ssyncset.done $0x0  }
0x565: {  	s19 =	simm.s32 $0x1480;
	[sflag:s15] =	ssyncadd.s32 $0xFFFFC000  }
0x566: {  	[spmem:s2] =	stream.indirect.scatter.add.f32 [tilespmem:s14], [sflag:$0x4], $0x80, s19, s9, $0xb8;
	[tilespmem:$0x1E000] =	vst v63  }
0x567: {  	_ =	swait.ge [sflag:s17], $0x4000  }
0x568: {  	[sflag:s17] =	ssyncset.done $0x0  }
0x569: {  	s21 =	simm.s32 $0x500;
	[sflag:s17] =	ssyncadd.s32 $0xFFFFC000  }
0x56a: {  	[tilespmem:s10], [sflag:$0x1] =	stream.indirect.gather [hbm4b:s8+s9], $0x80, s21, s9, $0xb8;
	[tilespmem:$0x1E000] =	vst v63  }
0x56b: {  	_ =	swait.ge [sflag:s13], $0x4000  }
0x56c: {  	[sflag:s13] =	ssyncset.done $0x0  }
0x56d: {  	s4 =	simm.s32 $0x1500;
	[sflag:s13] =	ssyncadd.s32 $0xFFFFC000  }
0x56e: {  	[spmem:s2] =	stream.indirect.scatter.add.f32 [tilespmem:s10], [sflag:$0x3], $0x80, s4, s9, $0xb8;
	[tilespmem:$0x1E000] =	vst v63  }
0x56f: {  	_ =	swait.ge [sflag:s20], $0x4000  }
0x570: {  	[sflag:s20] =	ssyncset.done $0x0  }
0x571: {  	s6 =	simm.s32 $0x580;
	[sflag:s20] =	ssyncadd.s32 $0xFFFFC000  }
0x572: {  	[tilespmem:s14], [sflag:$0x2] =	stream.indirect.gather [hbm4b:s8+s9], $0x80, s6, s9, $0xb8;
	[tilespmem:$0x1E000] =	vst v63  }
0x573: {  	_ =	swait.ge [sflag:s15], $0x4000  }
0x574: {  	[sflag:s15] =	ssyncset.done $0x0  }
0x575: {  	s7 =	simm.s32 $0x1580;
	[sflag:s15] =	ssyncadd.s32 $0xFFFFC000  }
0x576: {  	[spmem:s2] =	stream.indirect.scatter.add.f32 [tilespmem:s14], [sflag:$0x4], $0x80, s7, s9, $0xb8;
	[tilespmem:$0x1E000] =	vst v63  }
0x577: {  	_ =	swait.ge [sflag:s17], $0x4000  }
0x578: {  	[sflag:s17] =	ssyncset.done $0x0  }
0x579: {  	s19 =	simm.s32 $0x600;
	[sflag:s17] =	ssyncadd.s32 $0xFFFFC000  }
0x57a: {  	[tilespmem:s10], [sflag:$0x1] =	stream.indirect.gather [hbm4b:s8+s9], $0x80, s19, s9, $0xb8;
	[tilespmem:$0x1E000] =	vst v63  }
0x57b: {  	_ =	swait.ge [sflag:s13], $0x4000  }
0x57c: {  	[sflag:s13] =	ssyncset.done $0x0  }
0x57d: {  	s21 =	simm.s32 $0x1600;
	[sflag:s13] =	ssyncadd.s32 $0xFFFFC000  }
0x57e: {  	[spmem:s2] =	stream.indirect.scatter.add.f32 [tilespmem:s10], [sflag:$0x3], $0x80, s21, s9, $0xb8;
	[tilespmem:$0x1E000] =	vst v63  }
0x57f: {  	_ =	swait.ge [sflag:s20], $0x4000  }
0x580: {  	[sflag:s20] =	ssyncset.done $0x0  }
0x581: {  	s4 =	simm.s32 $0x680;
	[sflag:s20] =	ssyncadd.s32 $0xFFFFC000  }
0x582: {  	[tilespmem:s14], [sflag:$0x2] =	stream.indirect.gather [hbm4b:s8+s9], $0x80, s4, s9, $0xb8;
	[tilespmem:$0x1E000] =	vst v63  }
0x583: {  	_ =	swait.ge [sflag:s15], $0x4000  }
0x584: {  	[sflag:s15] =	ssyncset.done $0x0  }
0x585: {  	s6 =	simm.s32 $0x1680;
	[sflag:s15] =	ssyncadd.s32 $0xFFFFC000  }
0x586: {  	[spmem:s2] =	stream.indirect.scatter.add.f32 [tilespmem:s14], [sflag:$0x4], $0x80, s6, s9, $0xb8;
	[tilespmem:$0x1E000] =	vst v63  }
0x587: {  	_ =	swait.ge [sflag:s17], $0x4000  }
0x588: {  	[sflag:s17] =	ssyncset.done $0x0  }
0x589: {  	s7 =	simm.s32 $0x700;
	[sflag:s17] =	ssyncadd.s32 $0xFFFFC000  }
0x58a: {  	[tilespmem:s10], [sflag:$0x1] =	stream.indirect.gather [hbm4b:s8+s9], $0x80, s7, s9, $0xb8;
	[tilespmem:$0x1E000] =	vst v63  }
0x58b: {  	_ =	swait.ge [sflag:s13], $0x4000  }
0x58c: {  	[sflag:s13] =	ssyncset.done $0x0  }
0x58d: {  	s19 =	simm.s32 $0x1700;
	[sflag:s13] =	ssyncadd.s32 $0xFFFFC000  }
0x58e: {  	[spmem:s2] =	stream.indirect.scatter.add.f32 [tilespmem:s10], [sflag:$0x3], $0x80, s19, s9, $0xb8;
	[tilespmem:$0x1E000] =	vst v63  }
0x58f: {  	_ =	swait.ge [sflag:s20], $0x4000  }
0x590: {  	[sflag:s20] =	ssyncset.done $0x0  }
0x591: {  	s21 =	simm.s32 $0x780;
	[sflag:s20] =	ssyncadd.s32 $0xFFFFC000  }
0x592: {  	[tilespmem:s14], [sflag:$0x2] =	stream.indirect.gather [hbm4b:s8+s9], $0x80, s21, s9, $0xb8;
	[tilespmem:$0x1E000] =	vst v63  }
0x593: {  	_ =	swait.ge [sflag:s15], $0x4000  }
0x594: {  	[sflag:s15] =	ssyncset.done $0x0  }
0x595: {  	s4 =	simm.s32 $0x1780;
	[sflag:s15] =	ssyncadd.s32 $0xFFFFC000  }
0x596: {  	[spmem:s2] =	stream.indirect.scatter.add.f32 [tilespmem:s14], [sflag:$0x4], $0x80, s4, s9, $0xb8;
	[tilespmem:$0x1E000] =	vst v63  }
0x597: {  	_ =	swait.ge [sflag:s17], $0x4000  }
0x598: {  	[sflag:s17] =	ssyncset.done $0x0  }
0x599: {  	[sflag:s17] =	ssyncadd.s32 $0xFFFFC000  }
0x59a: {  	_ =	swait.ge [sflag:s20], $0x4000  }
0x59b: {  	[sflag:s20] =	ssyncset.done $0x0  }
0x59c: {  	[sflag:s20] =	ssyncadd.s32 $0xFFFFC000  }
0x59d: {  	p0 =	sne.s32 s18, $0x1;
	[bflag:$0x0] =	sbarrier.arrive $0xFFFF  }
.Ltmp1:
0x59e: {  	s6 =	rddreg [dreg:$0xf];
	(pc) =	sbr.rel @p0 .LBB2_2-.Ltmp1, $4  }
0x59f: {  	s7 =	rddreg [dreg:$0x11]  }
0x5a0: {  	s21 =	rddreg [dreg:$0x10]  }
0x5a1: {  	[hbm:s6], [sflag:s21] =	dma.local [spmem:s7], $0x2800  }
0x5a2: {  	s18 =	sadd.s32 $0xFFFFFFFF, s18;
	_ =	swait.ge [sflag:s5], $0x2800  }
.LBB2_3:
0x5a3: {  	[sflag:s5] =	ssyncset.done $0x0  }
0x5a4: {  	[sflag:s5] =	ssyncadd.s32 $0xFFFFD800  }
0x5a5: {  	_ =	sfence.sel $0x180000  }
0x5a6: {  	[bflag:$0x0] =	sbarrier.arrive $0xFFFF  }
0x5a7: {  	_ =	strace $0x9000004A  }
0x5a8: {  	s0 =	stileid.u32;
	[bflag:$0x2] =	sbarrier.arrive $0xFFFF  }
0x5a9: {  	p0 =	sne.s32 s0, $0x0;
	s0 =	rddreg [dreg:$0x3]  }
0x5aa: {  	s0 =	sadd.s32 @!p0 $0x100000, s0  }
0x5ab: {  	[sflag:s0] =	ssyncadd.tile.s32 @!p0 $0x1;
	_ =	shalt  }
.Lfunc_end2:
_tile_overlayer_lowered:
.L_overlay_start_2:
0x5ac: {  	(tag) =	ssettag $0x2  }
0x5ad: {  	s0 =	rddreg [dreg:$0x0];
	s2 =	stileid.u32  }
0x5ae: {  	s1 =	rddreg [dreg:$0x1];
	p0 =	sne.s32 s2, $0x0  }
0x5af: {  	s3 =	rddreg [dreg:$0x2];
	[bflag:$0x3] =	sbarrier.arrive $0xFFFF;
	s2 =	simm.s32 @!p0 $0x1C07  }
0x5b0: {  	[timem:s3], [sflag:s2] =	dma.local @!p0 [hbm:s0], s1  }
0x5b1: {  	s0 =	simm.s32 @!p0 $0x7  }
0x5b2: {  	_ =	swait.ge @!p0 [sflag:s0], s1  }
0x5b3: {  	s1 =	ssub.s32 @!p0 $0x0, s1;
	[sflag:s0] =	ssyncset.done @!p0 $0x0  }
0x5b4: {  	[sflag:s0] =	ssyncadd.s32 @!p0 s1  }
0x5b5: {  	[bflag:$0x3] =	sbarrier.arrive $0xFFFF  }
0x5b6: {  	_ =	shalt  }

// kernel: kernel.14.cloned.1.call-start
scs
__scs_entry_jumppad:
0x0: {  	(pc) =	sbr.rel $0x88, $3  }
0x1: {  	(tag) =	ssettag $0x0;
	lr =	simm.s32 $0x1  }
0x2: {  	[smem:$0x3F9C] =	sst lr;
	_ =	strace $0xD0000000  }
0x3: {  	_ = 	snop  }
0x4: {  	_ = 	snop  }
0x5: {  	_ = 	snop  }
0x6: {  	_ = 	snop  }
0x7: {  	_ = 	snop  }
__scs_overlays_trampoline_lowered:
0x8: {  	[smem:$0x3FAB] =	sst s0  }
0x9: {  	[smem:$0x3FAC] =	sst s1  }
0xa: {  	[smem:$0x3FAD] =	sst s2  }
0xb: {  	[smem:$0x3FAE] =	sst s3  }
0xc: {  	[smem:$0x3FAF] =	sst s4  }
0xd: {  	[smem:$0x3FB0] =	sst s5  }
0xe: {  	[smem:$0x3FB1] =	sst s6  }
0xf: {  	[smem:$0x3FB2] =	sst s7  }
0x10: {  	[smem:$0x3FB3] =	sst s8  }
0x11: {  	[smem:$0x3FB4] =	sst s9;
	s0 =	simm.s32 @!p0 $0x0  }
0x12: {  	s1 =	sld [smem:$0x3F9A];
	s0 =	simm.s32 @p0 $0x1  }
0x13: {  	[smem:$0x3FB5] =	sst s0;
	s0 =	simm.s32 @!p1 $0x0  }
0x14: {  	s2 =	sld [smem:$0x3F99];
	s0 =	simm.s32 @p1 $0x1  }
0x15: {  	[smem:$0x3FB6] =	sst s0;
	s0 =	simm.s32 @!p2 $0x0  }
0x16: {  	s3 =	sld [smem:$0x3FDB];
	s0 =	simm.s32 @p2 $0x1  }
0x17: {  	s4 =	simm.s32 $0x1BF5;
	[smem:$0x3FB8] =	sst s0  }
0x18: {  	s0 =	sld [smem:$0x3F9B];
	_ =	swait.ge [sflag:s4], $0x0  }
0x19: {  	s7 =	sld [smem:$0x3F9C]  }
0x1a: {  	s8 =	sadd.s32 $0xFFFFE003, lr  }
0x1b: {  	s9 =	sadd.s32 $0xFFFFFEF7, lr;
	s5 =	simm.s32 $0xFFFFFFFF;
	p2 =	slt.u32 s8, $0xFFFFF086  }
0x1c: {  	p1 =	slt.u32 s9, $0xF7A;
	s5 =	simm.s32 @!p2 $0x0  }
0x1d: {  	s5 =	simm.s32 @p1 $0x1;
	p0 =	seq.s32 s7, s2  }
0x1e: {  	s7 =	smul.u32 @!p0 $0xF7A, s2;
	p2 =	seq.s32 @!p0 s5, $0x0  }
0x1f: {  	s9 =	smul.u32 $0xF7A, s1;
	s8 =	simm.s32 @!p0 $0x1BF5;
	p2 =	por !p2, p0  }
0x20: {  	[sflag:s8] =	ssyncset.s32 @!p0 $0xFFFFF086;
	s6 =	sadd.s32 @!p0 s3, s7;
	s7 =	simm.s32 @!p0 $0x108  }
0x21: {  	s3 =	sadd.s32 s3, s9;
	s6 =	sadd.s32 @!p0 $0x88, s6;
	s7 =	simm.s32 @p2 $0x1082  }
0x22: {  	[simem:s7], [sflag:s8] =	dma.local @!p0 [hbm:s6], $0xF7A  }
0x23: {  	s9 =	sor.u32 $0xD0000000, s2;
	s6 =	simm.s32 $0x108;
	_ =	swait.ge @!p0 [sflag:s8], $0x0  }
0x24: {  	s3 =	sadd.s32 $0x88, s3;
	s6 =	simm.s32 @!p1 $0x1082;
	[sflag:s4] =	ssyncset.s32 $0xFFFFF086  }
0x25: {  	[simem:s6], [sflag:s4] =	dma.local [hbm:s3], $0xF7A  }
0x26: {  	[smem:$0x3F9C] =	sst s1;
	(tag) =	ssettag s2;
	_ =	strace s9  }
0x27: {  	s1 =	sld [smem:$0x3FAC]  }
0x28: {  	s2 =	sld [smem:$0x3FAD]  }
0x29: {  	s4 =	sld [smem:$0x3FAF]  }
0x2a: {  	p0 =	seq.s32 s5, $0x0;
	s5 =	sld [smem:$0x3FB0]  }
0x2b: {  	s6 =	sld [smem:$0x3FB1]  }
0x2c: {  	s7 =	sld [smem:$0x3FB2]  }
0x2d: {  	s3 =	simm.s32 $0x108;
	s8 =	sld [smem:$0x3FB3]  }
0x2e: {  	s3 =	simm.s32 @!p0 $0x1082;
	s9 =	sld [smem:$0x3FB4]  }
0x2f: {  	lr =	sadd.s32 s0, s3;
	s0 =	sld [smem:$0x3FAB]  }
0x30: {  	s3 =	sld [smem:$0x3FAE]  }
0x31: {  	[smem:$0x3FB7] =	sst s10  }
0x32: {  	s10 =	sld [smem:$0x3FB5];
	_ =	sdelay $0x3  }
0x33: {  	p0 =	seq.s32 s10, $0x1;
	s10 =	sld [smem:$0x3FB7];
	_ =	sdelay $0x3  }
0x34: {  	[smem:$0x3FB7] =	sst s10  }
0x35: {  	s10 =	sld [smem:$0x3FB6];
	_ =	sdelay $0x3  }
0x36: {  	p1 =	seq.s32 s10, $0x1;
	s10 =	sld [smem:$0x3FB7];
	_ =	sdelay $0x3  }
0x37: {  	[smem:$0x3FB7] =	sst s10  }
0x38: {  	s10 =	sld [smem:$0x3FB8]  }
0x39: {  	_ = 	snop;
	(pc) =	sbr.ind lr, $3  }
0x3a: {  	_ = 	snop  }
0x3b: {  	_ = 	snop  }
0x3c: {  	p2 =	seq.s32 s10, $0x1;
	s10 =	sld [smem:$0x3FB7]  }
0x3d: {  	_ =	shalt  }
0x3e: {  	_ =	shalt  }
0x3f: {  	_ =	shalt  }
0x40: {  	_ =	shalt  }
0x41: {  	_ =	shalt  }
0x42: {  	_ =	shalt  }
0x43: {  	_ =	shalt  }
0x44: {  	_ =	shalt  }
0x45: {  	_ =	shalt  }
0x46: {  	_ =	shalt  }
0x47: {  	_ =	shalt  }
0x48: {  	_ =	shalt  }
0x49: {  	_ =	shalt  }
0x4a: {  	_ =	shalt  }
0x4b: {  	_ =	shalt  }
0x4c: {  	_ =	shalt  }
0x4d: {  	_ =	shalt  }
0x4e: {  	_ =	shalt  }
0x4f: {  	_ =	shalt  }
0x50: {  	_ =	shalt  }
0x51: {  	_ =	shalt  }
0x52: {  	_ =	shalt  }
0x53: {  	_ =	shalt  }
0x54: {  	_ =	shalt  }
0x55: {  	_ =	shalt  }
0x56: {  	_ =	shalt  }
0x57: {  	_ =	shalt  }
0x58: {  	_ =	shalt  }
0x59: {  	_ =	shalt  }
0x5a: {  	_ =	shalt  }
0x5b: {  	_ =	shalt  }
0x5c: {  	_ =	shalt  }
0x5d: {  	_ =	shalt  }
0x5e: {  	_ =	shalt  }
0x5f: {  	_ =	shalt  }
0x60: {  	_ =	shalt  }
0x61: {  	_ =	shalt  }
0x62: {  	_ =	shalt  }
0x63: {  	_ =	shalt  }
0x64: {  	_ =	shalt  }
0x65: {  	_ =	shalt  }
0x66: {  	_ =	shalt  }
0x67: {  	_ =	shalt  }
0x68: {  	_ =	shalt  }
0x69: {  	_ =	shalt  }
0x6a: {  	_ =	shalt  }
0x6b: {  	_ =	shalt  }
0x6c: {  	_ =	shalt  }
0x6d: {  	_ =	shalt  }
0x6e: {  	_ =	shalt  }
0x6f: {  	_ =	shalt  }
0x70: {  	_ =	shalt  }
0x71: {  	_ =	shalt  }
0x72: {  	_ =	shalt  }
0x73: {  	_ =	shalt  }
0x74: {  	_ =	shalt  }
0x75: {  	_ =	shalt  }
0x76: {  	_ =	shalt  }
0x77: {  	_ =	shalt  }
0x78: {  	_ =	shalt  }
0x79: {  	_ =	shalt  }
0x7a: {  	_ =	shalt  }
0x7b: {  	_ =	shalt  }
0x7c: {  	_ =	shalt  }
0x7d: {  	_ =	shalt  }
0x7e: {  	_ =	shalt  }
0x7f: {  	_ =	shalt  }
0x80: {  	_ =	shalt  }
0x81: {  	_ =	shalt  }
0x82: {  	_ =	shalt  }
0x83: {  	_ =	shalt  }
0x84: {  	_ =	shalt  }
0x85: {  	_ =	shalt  }
0x86: {  	_ =	shalt  }
0x87: {  	_ =	shalt  }
.Lfunc_end0:
.L_simem_size_0:
called_computation.2_lowered:
.L_overlay_start_0:
0x88: {  	s2 =	sld [smem:$0x3FD9]  }
0x89: {  	s3 =	sld [smem:$0x3FFE];
	_ =	sdelay $0x1  }
0x8a: {  	s1 =	srdreg.scid  }
0x8b: {  	s0 =	sand.u32 $0x1, s1  }
0x8c: {  	s17 =	sshll.u32 s0, $0xA;
	s2 =	sadd.s32 s3, s2  }
0x8d: {  	s2 =	sadd.s32 s2, s17  }
0x8e: {  	[smem:$0x3FC3] =	sst s2  }
0x8f: {  	_ = 	snop  }
0x90: {  	s2 =	sld [smem:$0x3FD0];
	(tm) =	ssettm $0x1  }
0x91: {  	s18 =	sld [smem:$0x3FFB];
	_ =	sdelay $0x3  }
0x92: {  	_ =	strace s18  }
0x93: {  	s3 =	sld [smem:$0x3FFC];
	_ =	sdelay $0x3  }
0x94: {  	_ =	strace s3  }
0x95: {  	s3 =	sld [smem:$0x3FFD];
	_ =	sdelay $0x3  }
0x96: {  	_ =	strace s3  }
0x97: {  	_ =	strace $0x8FFFFFFF  }
0x98: {  	s19 =	sld [smem:$0x3FDB];
	_ =	sdelay $0x1  }
0x99: {  	s4 =	simm.s32 $_scs_section_size  }
0x9a: {  	s5 =	simm.s32 $_size__tile_overlayer_lowered;
	s6 =	simm.s32 $_tile_overlayer_lowered  }
0x9b: {  	s22 =	simm.s32 $0x1BFF;
	s21 =	sshll.u32 s6, $0x1;
	s3 =	sadd.s32 s4, s19  }
0x9c: {  	s7 =	simm.s32 $0x0;
	s20 =	sshll.u32 s5, $0x1;
	s5 =	sadd.s32 s21, s3  }
0x9d: {  	[timem:s7], [sflag:s22] =	dma.local [hbm:s5], s20  }
0x9e: {  	_ =	swait.ge [sflag:s22], s20  }
0x9f: {  	s4 =	ssub.s32 $0x0, s20;
	[sflag:s22] =	ssyncset.done $0x0  }
0xa0: {  	[sflag:s22] =	ssyncadd.s32 s4;
	_ =	sdelay $0x1  }
0xa1: {  	s23 =	simm.s32 $0x1B8B  }
0xa2: {  	_ =	swait.ge [sflag:s23], $0x1  }
0xa3: {  	[sflag:s23] =	ssyncset.done $0x0  }
0xa4: {  	s25 =	simm.s32 $0x1B8E;
	s24 =	sld [smem:$0x3FFE];
	[sflag:s23] =	ssyncadd.s32 $0xFFFFFFFF  }
0xa5: {  	s26 =	simm.s32 $execute0_lowered;
	[smem:$0x3FD2] =	sst s25  }
0xa6: {  	s5 =	sshll.u32 s26, $0x1;
	_ =	strace $0x8000004C;
	[dreg:$0x1] =	wrdreg $0xFFFFFFFF  }
0xa7: {  	s28 =	simm.s32 $_size_execute0_lowered;
	s3 =	sadd.s32 s3, s5;
	[dreg:$0x0] =	wrdreg $0x0  }
0xa8: {  	s5 =	sshll.u32 s28, $0x1;
	[dreg:$0x2] =	wrdreg s3  }
0xa9: {  	[dreg:$0x3] =	wrdreg s5  }
0xaa: {  	[dreg:$0x4] =	wrdreg $0xC0  }
0xab: {  	_ =	task [dreg:s7], $0x5FFFF  }
0xac: {  	[dreg:$0x1] =	wrdreg $0xFFFFFFFF  }
0xad: {  	[dreg:$0x0] =	wrdreg $0x60  }
0xae: {  	[dreg:$0x2] =	wrdreg s24  }
0xaf: {  	[dreg:$0x3] =	wrdreg s2  }
0xb0: {  	[dreg:$0x4] =	wrdreg $0xA0000  }
0xb1: {  	[dreg:$0x5] =	wrdreg $0x9  }
0xb2: {  	_ =	task.clear_ibuf [dreg:s7], $0x6FFFF;
	_ =	strace $0x9000004C  }
0xb3: {  	s29 =	simm.s32 $0x9;
	_ =	strace $0x8000004E  }
0xb4: {  	_ =	swait.ge [sflag:s29], $0x1  }
0xb5: {  	[sflag:s29] =	ssyncadd.s32 $0xFFFFFFFF  }
0xb6: {  	_ =	strace $0x9000004E  }
0xb7: {  	_ =	sfence  }
0xb8: {  	s30 =	sld [smem:$0x0];
	_ =	sdelay $0x2  }
0xb9: {  	s31 =	sshll.u32 s1, $0xD;
	s1 =	sshrl.u32 s1, $0x2  }
0xba: {  	s3 =	sand.u32 $0x4000, s31;
	s1 =	sadd.s32 s1, s30  }
0xbb: {  	s0 =	sor.u32 s3, s0;
	s1 =	sshll.u32 s1, $0x11  }
0xbc: {  	s0 =	sor.u32 s1, s0  }
0xbd: {  	s0 =	sadd.s32 $0x8F2B, s0  }
0xbe: {  	[sflag:s0] =	ssyncadd.remote.s32 $0x1  }
0xbf: {  	_ =	sfence.sel $0xFFFF  }
0xc0: {  	[dreg:$0x0] =	wrdreg $0xFFFFFFFF;
	(pc) =	sbr.abs _section_cstart, $3  }
0xc1: {  	[dreg:$0x1] =	wrdreg $0xFFFFFFFF  }
0xc2: {  	_ =	task.clear_ibuf [dreg:s7], $0x2FFFF;
	_ =	strace $0x9FFFFFFF  }
0xc3: {  	(tm) =	ssettm $0x7FFFFFFF  }
tec
execute0_lowered:
.L_overlay_start_1:
0x0: {  	(tag) =	ssettag $0x1  }
0x1: {  	s0 =	rddreg [dreg:$0x0]  }
0x2: {  	s4 =	rddreg [dreg:$0x1]  }
0x3: {  	s1 =	srdreg.scid;
	s2 =	rddreg [dreg:$0x2];
	s3 =	simm.s32 $0x0  }
0x4: {  	s10 =	stileid.u32;
	s8 =	sand.u32 $0x1, s1;
	[smem:$0x7FF] =	sst s3  }
0x5: {  	s6 =	sadd.s32 $0x3E600, s0;
	s7 =	sadd.s32 $0x2000, s0;
	s14 =	sshll.u32 s10, $0x6  }
0x6: {  	s15 =	smul.u32 $0x2800, s10;
	s1 =	sshll.u32 s8, $0x4;
	[dreg:$0x12] =	wrdreg s8  }
0x7: {  	s22 =	smul.u32 $0x28000, s8;
	s17 =	sor.u32 $0x1C07, s14;
	s1 =	sor.u32 s10, s1  }
0x8: {  	_ =	strace $0x8000004D;
	[dreg:$0x4] =	wrdreg s6;
	s5 =	smul.u32 $0x500, s1  }
0x9: {  	[dreg:$0x10] =	wrdreg s17;
	s1 =	smul.u32 $0x2800, s1;
	s6 =	sadd.s32 s22, s0  }
0xa: {  	s16 =	rddreg [dreg:$0x4];
	s6 =	sadd.s32 $0x40E00, s6;
	s23 =	sadd.s32 s4, s5  }
0xb: {  	s1 =	sshrl.u32 s1, $0x3;
	s5 =	sadd.s32 s7, s5;
	[dreg:$0x5] =	wrdreg s23  }
0xc: {  	s18 =	sadd.s32 s15, s6;
	s24 =	sadd.s32 $0x100, s1;
	[dreg:$0x6] =	wrdreg s5  }
0xd: {  	[dreg:$0xf] =	wrdreg s18;
	s25 =	sadd.s32 s4, s24  }
0xe: {  	s28 =	sadd.s32 $0x200, s1;
	s26 =	sadd.s32 s7, s24;
	[dreg:$0x7] =	wrdreg s25  }
0xf: {  	s29 =	sadd.s32 s4, s28;
	[dreg:$0x8] =	wrdreg s26  }
0x10: {  	s31 =	sadd.s32 $0x300, s1;
	s30 =	sadd.s32 s7, s28;
	[dreg:$0x9] =	wrdreg s29  }
0x11: {  	s9 =	smul.u32 $0x50000, s10;
	s11 =	sadd.s32 s4, s31;
	[dreg:$0xa] =	wrdreg s30  }
0x12: {  	s1 =	sadd.s32 $0x400, s1;
	s12 =	sadd.s32 s7, s31;
	[dreg:$0xb] =	wrdreg s11  }
0x13: {  	s9 =	sshrl.u32 s9, $0x2;
	s4 =	sadd.s32 s4, s1;
	[dreg:$0xc] =	wrdreg s12  }
0x14: {  	s13 =	sadd.s32 s9, s2;
	s1 =	sadd.s32 s7, s1;
	[dreg:$0xd] =	wrdreg s4  }
0x15: {  	s5 =	simm.s32 $0x7;
	[dreg:$0xe] =	wrdreg s1;
	s11 =	sshrl.u32 s13, $0x3  }
0x16: {  	[spmem:s11], [sflag:s17] =	dma.local [hbm:s16], $0x2800  }
0x17: {  	_ =	swait.ge [sflag:s5], $0x2800  }
0x18: {  	[sflag:s5] =	ssyncset.done $0x0  }
0x19: {  	s19 =	rddreg [dreg:$0x5];
	[sflag:s5] =	ssyncadd.s32 $0xFFFFD800  }
0x1a: {  	[tilespmem:s3], [sflag:$0x7] =	stream.linear.gather [hbm4b:s19+s3], $0x800, $0x38;
	[tilespmem:$0x1E000] =	vst v63  }
0x1b: {  	_ =	swait.ge [sflag:s5], $0x800  }
0x1c: {  	[sflag:s5] =	ssyncset.done $0x0  }
0x1d: {  	s12 =	simm.s32 $0x1000;
	s20 =	rddreg [dreg:$0x6];
	[sflag:s5] =	ssyncadd.s32 $0xFFFFF800  }
0x1e: {  	[tilespmem:s12], [sflag:$0x7] =	stream.linear.gather [hbm4b:s20+s3], $0x800, $0x38;
	[tilespmem:$0x1E000] =	vst v63  }
0x1f: {  	_ =	swait.ge [sflag:s5], $0x800  }
0x20: {  	[sflag:s5] =	ssyncset.done $0x0  }
0x21: {  	s8 =	sadd.s32 $0xC000, s0;
	[sflag:s5] =	ssyncadd.s32 $0xFFFFF800  }
0x22: {  	s10 =	simm.s32 $0x2000;
	s9 =	simm.s32 $0x80;
	[bflag:$0x0] =	sbarrier.arrive $0xFFFF  }
0x23: {  	[tilespmem:s10], [sflag:$0x1] =	stream.indirect.gather [hbm4b:s8+s9], $0x80, s3, s9, $0xb8;
	[tilespmem:$0x1E000] =	vst v63  }
0x24: {  	s22 =	simm.s32 $0x800;
	s21 =	rddreg [dreg:$0x7]  }
0x25: {  	[tilespmem:s22], [sflag:$0x5] =	stream.linear.gather [hbm4b:s21+s3], $0x800, $0x38;
	[tilespmem:$0x1E000] =	vst v63  }
0x26: {  	s24 =	simm.s32 $0x1800;
	s13 =	simm.s32 $0x1;
	s23 =	rddreg [dreg:$0x8]  }
0x27: {  	[tilespmem:s24], [sflag:$0x6] =	stream.linear.gather [hbm4b:s23+s3], $0x800, $0x38;
	[tilespmem:$0x1E000] =	vst v63  }
0x28: {  	_ =	swait.ge [sflag:s13], $0x4000  }
0x29: {  	[sflag:s13] =	ssyncset.done $0x0  }
0x2a: {  	[sflag:s13] =	ssyncadd.s32 $0xFFFFC000  }
0x2b: {  	[spmem:s2] =	stream.indirect.scatter.add.f32 [tilespmem:s10], [sflag:$0x3], $0x80, s12, s9, $0xb8;
	[tilespmem:$0x1E000] =	vst v63  }
0x2c: {  	s14 =	simm.s32 $0x6000;
	s15 =	simm.s32 $0x2  }
0x2d: {  	[tilespmem:s14], [sflag:$0x2] =	stream.indirect.gather [hbm4b:s8+s9], $0x80, s9, s9, $0xb8;
	[tilespmem:$0x1E000] =	vst v63  }
0x2e: {  	_ =	swait.ge [sflag:s15], $0x4000  }
0x2f: {  	[sflag:s15] =	ssyncset.done $0x0  }
0x30: {  	s25 =	simm.s32 $0x1080;
	s17 =	simm.s32 $0x3;
	[sflag:s15] =	ssyncadd.s32 $0xFFFFC000  }
0x31: {  	[spmem:s2] =	stream.indirect.scatter.add.f32 [tilespmem:s14], [sflag:$0x4], $0x80, s25, s9, $0xb8;
	[tilespmem:$0x1E000] =	vst v63  }
0x32: {  	_ =	swait.ge [sflag:s17], $0x4000  }
0x33: {  	[sflag:s17] =	ssyncset.done $0x0  }
0x34: {  	s26 =	simm.s32 $0x100;
	[sflag:s17] =	ssyncadd.s32 $0xFFFFC000  }
0x35: {  	[tilespmem:s10], [sflag:$0x1] =	stream.indirect.gather [hbm4b:s8+s9], $0x80, s26, s9, $0xb8;
	[tilespmem:$0x1E000] =	vst v63  }
0x36: {  	_ =	swait.ge [sflag:s13], $0x4000  }
0x37: {  	[sflag:s13] =	ssyncset.done $0x0  }
0x38: {  	s28 =	simm.s32 $0x1100;
	s20 =	simm.s32 $0x4;
	[sflag:s13] =	ssyncadd.s32 $0xFFFFC000  }
0x39: {  	[spmem:s2] =	stream.indirect.scatter.add.f32 [tilespmem:s10], [sflag:$0x3], $0x80, s28, s9, $0xb8;
	[tilespmem:$0x1E000] =	vst v63  }
0x3a: {  	_ =	swait.ge [sflag:s20], $0x4000  }
0x3b: {  	[sflag:s20] =	ssyncset.done $0x0  }
0x3c: {  	s29 =	simm.s32 $0x180;
	[sflag:s20] =	ssyncadd.s32 $0xFFFFC000  }
0x3d: {  	[tilespmem:s14], [sflag:$0x2] =	stream.indirect.gather [hbm4b:s8+s9], $0x80, s29, s9, $0xb8;
	[tilespmem:$0x1E000] =	vst v63  }
0x3e: {  	_ =	swait.ge [sflag:s15], $0x4000  }
0x3f: {  	[sflag:s15] =	ssyncset.done $0x0  }
0x40: {  	s30 =	simm.s32 $0x1180;
	[sflag:s15] =	ssyncadd.s32 $0xFFFFC000  }
0x41: {  	[spmem:s2] =	stream.indirect.scatter.add.f32 [tilespmem:s14], [sflag:$0x4], $0x80, s30, s9, $0xb8;
	[tilespmem:$0x1E000] =	vst v63  }
0x42: {  	_ =	swait.ge [sflag:s17], $0x4000  }
0x43: {  	[sflag:s17] =	ssyncset.done $0x0  }
0x44: {  	s31 =	simm.s32 $0x200;
	[sflag:s17] =	ssyncadd.s32 $0xFFFFC000  }
0x45: {  	[tilespmem:s10], [sflag:$0x1] =	stream.indirect.gather [hbm4b:s8+s9], $0x80, s31, s9, $0xb8;
	[tilespmem:$0x1E000] =	vst v63  }
0x46: {  	_ =	swait.ge [sflag:s13], $0x4000  }
0x47: {  	[sflag:s13] =	ssyncset.done $0x0  }
0x48: {  	s1 =	simm.s32 $0x1200;
	[sflag:s13] =	ssyncadd.s32 $0xFFFFC000  }
0x49: {  	[spmem:s2] =	stream.indirect.scatter.add.f32 [tilespmem:s10], [sflag:$0x3], $0x80, s1, s9, $0xb8;
	[tilespmem:$0x1E000] =	vst v63  }
0x4a: {  	_ =	swait.ge [sflag:s20], $0x4000  }
0x4b: {  	[sflag:s20] =	ssyncset.done $0x0  }
0x4c: {  	s6 =	simm.s32 $0x280;
	[sflag:s20] =	ssyncadd.s32 $0xFFFFC000  }
0x4d: {  	[tilespmem:s14], [sflag:$0x2] =	stream.indirect.gather [hbm4b:s8+s9], $0x80, s6, s9, $0xb8;
	[tilespmem:$0x1E000] =	vst v63  }
0x4e: {  	_ =	swait.ge [sflag:s15], $0x4000  }
0x4f: {  	[sflag:s15] =	ssyncset.done $0x0  }
0x50: {  	s7 =	simm.s32 $0x1280;
	[sflag:s15] =	ssyncadd.s32 $0xFFFFC000  }
0x51: {  	[spmem:s2] =	stream.indirect.scatter.add.f32 [tilespmem:s14], [sflag:$0x4], $0x80, s7, s9, $0xb8;
	[tilespmem:$0x1E000] =	vst v63  }
0x52: {  	_ =	swait.ge [sflag:s17], $0x4000  }
0x53: {  	[sflag:s17] =	ssyncset.done $0x0  }
0x54: {  	s16 =	simm.s32 $0x300;
	[sflag:s17] =	ssyncadd.s32 $0xFFFFC000  }
0x55: {  	[tilespmem:s10], [sflag:$0x1] =	stream.indirect.gather [hbm4b:s8+s9], $0x80, s16, s9, $0xb8;
	[tilespmem:$0x1E000] =	vst v63  }
0x56: {  	_ =	swait.ge [sflag:s13], $0x4000  }
0x57: {  	[sflag:s13] =	ssyncset.done $0x0  }
0x58: {  	s18 =	simm.s32 $0x1300;
	[sflag:s13] =	ssyncadd.s32 $0xFFFFC000  }
0x59: {  	[spmem:s2] =	stream.indirect.scatter.add.f32 [tilespmem:s10], [sflag:$0x3], $0x80, s18, s9, $0xb8;
	[tilespmem:$0x1E000] =	vst v63  }
0x5a: {  	_ =	swait.ge [sflag:s20], $0x4000  }
0x5b: {  	[sflag:s20] =	ssyncset.done $0x0  }
0x5c: {  	s19 =	simm.s32 $0x380;
	[sflag:s20] =	ssyncadd.s32 $0xFFFFC000  }
0x5d: {  	[tilespmem:s14], [sflag:$0x2] =	stream.indirect.gather [hbm4b:s8+s9], $0x80, s19, s9, $0xb8;
	[tilespmem:$0x1E000] =	vst v63  }
0x5e: {  	_ =	swait.ge [sflag:s15], $0x4000  }
0x5f: {  	[sflag:s15] =	ssyncset.done $0x0  }
0x60: {  	s21 =	simm.s32 $0x1380;
	[sflag:s15] =	ssyncadd.s32 $0xFFFFC000  }
0x61: {  	[spmem:s2] =	stream.indirect.scatter.add.f32 [tilespmem:s14], [sflag:$0x4], $0x80, s21, s9, $0xb8;
	[tilespmem:$0x1E000] =	vst v63  }
0x62: {  	_ =	swait.ge [sflag:s17], $0x4000  }
0x63: {  	[sflag:s17] =	ssyncset.done $0x0  }
0x64: {  	s22 =	simm.s32 $0x400;
	[sflag:s17] =	ssyncadd.s32 $0xFFFFC000  }
0x65: {  	[tilespmem:s10], [sflag:$0x1] =	stream.indirect.gather [hbm4b:s8+s9], $0x80, s22, s9, $0xb8;
	[tilespmem:$0x1E000] =	vst v63  }
0x66: {  	_ =	swait.ge [sflag:s13], $0x4000  }
0x67: {  	[sflag:s13] =	ssyncset.done $0x0  }
0x68: {  	s23 =	simm.s32 $0x1400;
	[sflag:s13] =	ssyncadd.s32 $0xFFFFC000  }
0x69: {  	[spmem:s2] =	stream.indirect.scatter.add.f32 [tilespmem:s10], [sflag:$0x3], $0x80, s23, s9, $0xb8;
	[tilespmem:$0x1E000] =	vst v63  }
0x6a: {  	_ =	swait.ge [sflag:s20], $0x4000  }
0x6b: {  	[sflag:s20] =	ssyncset.done $0x0  }
0x6c: {  	s24 =	simm.s32 $0x480;
	[sflag:s20] =	ssyncadd.s32 $0xFFFFC000  }
0x6d: {  	[tilespmem:s14], [sflag:$0x2] =	stream.indirect.gather [hbm4b:s8+s9], $0x80, s24, s9, $0xb8;
	[tilespmem:$0x1E000] =	vst v63  }
0x6e: {  	_ =	swait.ge [sflag:s15], $0x4000  }
0x6f: {  	[sflag:s15] =	ssyncset.done $0x0  }
0x70: {  	s25 =	simm.s32 $0x1480;
	[sflag:s15] =	ssyncadd.s32 $0xFFFFC000  }
0x71: {  	[spmem:s2] =	stream.indirect.scatter.add.f32 [tilespmem:s14], [sflag:$0x4], $0x80, s25, s9, $0xb8;
	[tilespmem:$0x1E000] =	vst v63  }
0x72: {  	_ =	swait.ge [sflag:s17], $0x4000  }
0x73: {  	[sflag:s17] =	ssyncset.done $0x0  }
0x74: {  	s26 =	simm.s32 $0x500;
	[sflag:s17] =	ssyncadd.s32 $0xFFFFC000  }
0x75: {  	[tilespmem:s10], [sflag:$0x1] =	stream.indirect.gather [hbm4b:s8+s9], $0x80, s26, s9, $0xb8;
	[tilespmem:$0x1E000] =	vst v63  }
0x76: {  	_ =	swait.ge [sflag:s13], $0x4000  }
0x77: {  	[sflag:s13] =	ssyncset.done $0x0  }
0x78: {  	s28 =	simm.s32 $0x1500;
	[sflag:s13] =	ssyncadd.s32 $0xFFFFC000  }
0x79: {  	[spmem:s2] =	stream.indirect.scatter.add.f32 [tilespmem:s10], [sflag:$0x3], $0x80, s28, s9, $0xb8;
	[tilespmem:$0x1E000] =	vst v63  }
0x7a: {  	_ =	swait.ge [sflag:s20], $0x4000  }
0x7b: {  	[sflag:s20] =	ssyncset.done $0x0  }
0x7c: {  	s29 =	simm.s32 $0x580;
	[sflag:s20] =	ssyncadd.s32 $0xFFFFC000  }
0x7d: {  	[tilespmem:s14], [sflag:$0x2] =	stream.indirect.gather [hbm4b:s8+s9], $0x80, s29, s9, $0xb8;
	[tilespmem:$0x1E000] =	vst v63  }
0x7e: {  	_ =	swait.ge [sflag:s15], $0x4000  }
0x7f: {  	[sflag:s15] =	ssyncset.done $0x0  }
0x80: {  	s30 =	simm.s32 $0x1580;
	[sflag:s15] =	ssyncadd.s32 $0xFFFFC000  }
0x81: {  	[spmem:s2] =	stream.indirect.scatter.add.f32 [tilespmem:s14], [sflag:$0x4], $0x80, s30, s9, $0xb8;
	[tilespmem:$0x1E000] =	vst v63  }
0x82: {  	_ =	swait.ge [sflag:s17], $0x4000  }
0x83: {  	[sflag:s17] =	ssyncset.done $0x0  }
0x84: {  	s31 =	simm.s32 $0x600;
	[sflag:s17] =	ssyncadd.s32 $0xFFFFC000  }
0x85: {  	[tilespmem:s10], [sflag:$0x1] =	stream.indirect.gather [hbm4b:s8+s9], $0x80, s31, s9, $0xb8;
	[tilespmem:$0x1E000] =	vst v63  }
0x86: {  	_ =	swait.ge [sflag:s13], $0x4000  }
0x87: {  	[sflag:s13] =	ssyncset.done $0x0  }
0x88: {  	s1 =	simm.s32 $0x1600;
	[sflag:s13] =	ssyncadd.s32 $0xFFFFC000  }
0x89: {  	[spmem:s2] =	stream.indirect.scatter.add.f32 [tilespmem:s10], [sflag:$0x3], $0x80, s1, s9, $0xb8;
	[tilespmem:$0x1E000] =	vst v63  }
0x8a: {  	_ =	swait.ge [sflag:s20], $0x4000  }
0x8b: {  	[sflag:s20] =	ssyncset.done $0x0  }
0x8c: {  	s6 =	simm.s32 $0x680;
	[sflag:s20] =	ssyncadd.s32 $0xFFFFC000  }
0x8d: {  	[tilespmem:s14], [sflag:$0x2] =	stream.indirect.gather [hbm4b:s8+s9], $0x80, s6, s9, $0xb8;
	[tilespmem:$0x1E000] =	vst v63  }
0x8e: {  	_ =	swait.ge [sflag:s15], $0x4000  }
0x8f: {  	[sflag:s15] =	ssyncset.done $0x0  }
0x90: {  	s7 =	simm.s32 $0x1680;
	[sflag:s15] =	ssyncadd.s32 $0xFFFFC000  }
0x91: {  	[spmem:s2] =	stream.indirect.scatter.add.f32 [tilespmem:s14], [sflag:$0x4], $0x80, s7, s9, $0xb8;
	[tilespmem:$0x1E000] =	vst v63  }
0x92: {  	_ =	swait.ge [sflag:s17], $0x4000  }
0x93: {  	[sflag:s17] =	ssyncset.done $0x0  }
0x94: {  	s16 =	simm.s32 $0x700;
	[sflag:s17] =	ssyncadd.s32 $0xFFFFC000  }
0x95: {  	[tilespmem:s10], [sflag:$0x1] =	stream.indirect.gather [hbm4b:s8+s9], $0x80, s16, s9, $0xb8;
	[tilespmem:$0x1E000] =	vst v63  }
0x96: {  	_ =	swait.ge [sflag:s13], $0x4000  }
0x97: {  	[sflag:s13] =	ssyncset.done $0x0  }
0x98: {  	s18 =	simm.s32 $0x1700;
	[sflag:s13] =	ssyncadd.s32 $0xFFFFC000  }
0x99: {  	[spmem:s2] =	stream.indirect.scatter.add.f32 [tilespmem:s10], [sflag:$0x3], $0x80, s18, s9, $0xb8;
	[tilespmem:$0x1E000] =	vst v63  }
0x9a: {  	_ =	swait.ge [sflag:s20], $0x4000  }
0x9b: {  	[sflag:s20] =	ssyncset.done $0x0  }
0x9c: {  	s19 =	simm.s32 $0x780;
	[sflag:s20] =	ssyncadd.s32 $0xFFFFC000  }
0x9d: {  	[tilespmem:s14], [sflag:$0x2] =	stream.indirect.gather [hbm4b:s8+s9], $0x80, s19, s9, $0xb8;
	[tilespmem:$0x1E000] =	vst v63  }
0x9e: {  	_ =	swait.ge [sflag:s15], $0x4000  }
0x9f: {  	[sflag:s15] =	ssyncset.done $0x0  }
0xa0: {  	s21 =	simm.s32 $0x1780;
	[sflag:s15] =	ssyncadd.s32 $0xFFFFC000  }
0xa1: {  	[spmem:s2] =	stream.indirect.scatter.add.f32 [tilespmem:s14], [sflag:$0x4], $0x80, s21, s9, $0xb8;
	[tilespmem:$0x1E000] =	vst v63  }
0xa2: {  	_ =	swait.ge [sflag:s17], $0x4000  }
0xa3: {  	[sflag:s17] =	ssyncset.done $0x0  }
0xa4: {  	[sflag:s17] =	ssyncadd.s32 $0xFFFFC000  }
0xa5: {  	_ =	swait.ge [sflag:s20], $0x4000  }
0xa6: {  	[sflag:s20] =	ssyncset.done $0x0  }
0xa7: {  	s1 =	simm.s32 $0x5;
	[sflag:s20] =	ssyncadd.s32 $0xFFFFC000  }
0xa8: {  	_ =	swait.ge [sflag:s1], $0x800  }
0xa9: {  	[sflag:s1] =	ssyncset.done $0x0  }
0xaa: {  	s16 =	simm.s32 $0x6;
	[sflag:s1] =	ssyncadd.s32 $0xFFFFF800  }
0xab: {  	_ =	swait.ge [sflag:s16], $0x800  }
0xac: {  	[sflag:s16] =	ssyncset.done $0x0  }
0xad: {  	s4 =	simm.s32 $0x800;
	[sflag:s16] =	ssyncadd.s32 $0xFFFFF800  }
0xae: {  	[tilespmem:s10], [sflag:$0x1] =	stream.indirect.gather [hbm4b:s8+s9], $0x80, s4, s9, $0xb8;
	[tilespmem:$0x1E000] =	vst v63  }
0xaf: {  	s22 =	rddreg [dreg:$0x9]  }
0xb0: {  	[tilespmem:s3], [sflag:$0x5] =	stream.linear.gather [hbm4b:s22+s3], $0x800, $0x38;
	[tilespmem:$0x1E000] =	vst v63  }
0xb1: {  	s18 =	rddreg [dreg:$0xa]  }
0xb2: {  	[tilespmem:s12], [sflag:$0x6] =	stream.linear.gather [hbm4b:s18+s3], $0x800, $0x38;
	[tilespmem:$0x1E000] =	vst v63  }
0xb3: {  	_ =	swait.ge [sflag:s13], $0x4000  }
0xb4: {  	[sflag:s13] =	ssyncset.done $0x0  }
0xb5: {  	s0 =	simm.s32 $0x1800;
	[sflag:s13] =	ssyncadd.s32 $0xFFFFC000  }
0xb6: {  	[spmem:s2] =	stream.indirect.scatter.add.f32 [tilespmem:s10], [sflag:$0x3], $0x80, s0, s9, $0xb8;
	[tilespmem:$0x1E000] =	vst v63  }
0xb7: {  	s23 =	simm.s32 $0x880  }
0xb8: {  	[tilespmem:s14], [sflag:$0x2] =	stream.indirect.gather [hbm4b:s8+s9], $0x80, s23, s9, $0xb8;
	[tilespmem:$0x1E000] =	vst v63  }
0xb9: {  	_ =	swait.ge [sflag:s15], $0x4000  }
0xba: {  	[sflag:s15] =	ssyncset.done $0x0  }
0xbb: {  	s24 =	simm.s32 $0x1880;
	[sflag:s15] =	ssyncadd.s32 $0xFFFFC000  }
0xbc: {  	[spmem:s2] =	stream.indirect.scatter.add.f32 [tilespmem:s14], [sflag:$0x4], $0x80, s24, s9, $0xb8;
	[tilespmem:$0x1E000] =	vst v63  }
0xbd: {  	_ =	swait.ge [sflag:s17], $0x4000  }
0xbe: {  	[sflag:s17] =	ssyncset.done $0x0  }
0xbf: {  	s25 =	simm.s32 $0x900;
	[sflag:s17] =	ssyncadd.s32 $0xFFFFC000  }
0xc0: {  	[tilespmem:s10], [sflag:$0x1] =	stream.indirect.gather [hbm4b:s8+s9], $0x80, s25, s9, $0xb8;
	[tilespmem:$0x1E000] =	vst v63  }
0xc1: {  	_ =	swait.ge [sflag:s13], $0x4000  }
0xc2: {  	[sflag:s13] =	ssyncset.done $0x0  }
0xc3: {  	s26 =	simm.s32 $0x1900;
	[sflag:s13] =	ssyncadd.s32 $0xFFFFC000  }
0xc4: {  	[spmem:s2] =	stream.indirect.scatter.add.f32 [tilespmem:s10], [sflag:$0x3], $0x80, s26, s9, $0xb8;
	[tilespmem:$0x1E000] =	vst v63  }
0xc5: {  	_ =	swait.ge [sflag:s20], $0x4000  }
0xc6: {  	[sflag:s20] =	ssyncset.done $0x0  }
0xc7: {  	s28 =	simm.s32 $0x980;
	[sflag:s20] =	ssyncadd.s32 $0xFFFFC000  }
0xc8: {  	[tilespmem:s14], [sflag:$0x2] =	stream.indirect.gather [hbm4b:s8+s9], $0x80, s28, s9, $0xb8;
	[tilespmem:$0x1E000] =	vst v63  }
0xc9: {  	_ =	swait.ge [sflag:s15], $0x4000  }
0xca: {  	[sflag:s15] =	ssyncset.done $0x0  }
0xcb: {  	s29 =	simm.s32 $0x1980;
	[sflag:s15] =	ssyncadd.s32 $0xFFFFC000  }
0xcc: {  	[spmem:s2] =	stream.indirect.scatter.add.f32 [tilespmem:s14], [sflag:$0x4], $0x80, s29, s9, $0xb8;
	[tilespmem:$0x1E000] =	vst v63  }
0xcd: {  	_ =	swait.ge [sflag:s17], $0x4000  }
0xce: {  	[sflag:s17] =	ssyncset.done $0x0  }
0xcf: {  	s30 =	simm.s32 $0xA00;
	[sflag:s17] =	ssyncadd.s32 $0xFFFFC000  }
0xd0: {  	[tilespmem:s10], [sflag:$0x1] =	stream.indirect.gather [hbm4b:s8+s9], $0x80, s30, s9, $0xb8;
	[tilespmem:$0x1E000] =	vst v63  }
0xd1: {  	_ =	swait.ge [sflag:s13], $0x4000  }
0xd2: {  	[sflag:s13] =	ssyncset.done $0x0  }
0xd3: {  	s31 =	simm.s32 $0x1A00;
	[sflag:s13] =	ssyncadd.s32 $0xFFFFC000  }
0xd4: {  	[spmem:s2] =	stream.indirect.scatter.add.f32 [tilespmem:s10], [sflag:$0x3], $0x80, s31, s9, $0xb8;
	[tilespmem:$0x1E000] =	vst v63  }
0xd5: {  	_ =	swait.ge [sflag:s20], $0x4000  }
0xd6: {  	[sflag:s20] =	ssyncset.done $0x0  }
0xd7: {  	s6 =	simm.s32 $0xA80;
	[sflag:s20] =	ssyncadd.s32 $0xFFFFC000  }
0xd8: {  	[tilespmem:s14], [sflag:$0x2] =	stream.indirect.gather [hbm4b:s8+s9], $0x80, s6, s9, $0xb8;
	[tilespmem:$0x1E000] =	vst v63  }
0xd9: {  	_ =	swait.ge [sflag:s15], $0x4000  }
0xda: {  	[sflag:s15] =	ssyncset.done $0x0  }
0xdb: {  	s18 =	simm.s32 $0x1A80;
	[sflag:s15] =	ssyncadd.s32 $0xFFFFC000  }
0xdc: {  	[spmem:s2] =	stream.indirect.scatter.add.f32 [tilespmem:s14], [sflag:$0x4], $0x80, s18, s9, $0xb8;
	[tilespmem:$0x1E000] =	vst v63  }
0xdd: {  	_ =	swait.ge [sflag:s17], $0x4000  }
0xde: {  	[sflag:s17] =	ssyncset.done $0x0  }
0xdf: {  	s19 =	simm.s32 $0xB00;
	[sflag:s17] =	ssyncadd.s32 $0xFFFFC000  }
0xe0: {  	[tilespmem:s10], [sflag:$0x1] =	stream.indirect.gather [hbm4b:s8+s9], $0x80, s19, s9, $0xb8;
	[tilespmem:$0x1E000] =	vst v63  }
0xe1: {  	_ =	swait.ge [sflag:s13], $0x4000  }
0xe2: {  	[sflag:s13] =	ssyncset.done $0x0  }
0xe3: {  	s21 =	simm.s32 $0x1B00;
	[sflag:s13] =	ssyncadd.s32 $0xFFFFC000  }
0xe4: {  	[spmem:s2] =	stream.indirect.scatter.add.f32 [tilespmem:s10], [sflag:$0x3], $0x80, s21, s9, $0xb8;
	[tilespmem:$0x1E000] =	vst v63  }
0xe5: {  	_ =	swait.ge [sflag:s20], $0x4000  }
0xe6: {  	[sflag:s20] =	ssyncset.done $0x0  }
0xe7: {  	s22 =	simm.s32 $0xB80;
	[sflag:s20] =	ssyncadd.s32 $0xFFFFC000  }
0xe8: {  	[tilespmem:s14], [sflag:$0x2] =	stream.indirect.gather [hbm4b:s8+s9], $0x80, s22, s9, $0xb8;
	[tilespmem:$0x1E000] =	vst v63  }
0xe9: {  	_ =	swait.ge [sflag:s15], $0x4000  }
0xea: {  	[sflag:s15] =	ssyncset.done $0x0  }
0xeb: {  	s23 =	simm.s32 $0x1B80;
	[sflag:s15] =	ssyncadd.s32 $0xFFFFC000  }
0xec: {  	[spmem:s2] =	stream.indirect.scatter.add.f32 [tilespmem:s14], [sflag:$0x4], $0x80, s23, s9, $0xb8;
	[tilespmem:$0x1E000] =	vst v63  }
0xed: {  	_ =	swait.ge [sflag:s17], $0x4000  }
0xee: {  	[sflag:s17] =	ssyncset.done $0x0  }
0xef: {  	s24 =	simm.s32 $0xC00;
	[sflag:s17] =	ssyncadd.s32 $0xFFFFC000  }
0xf0: {  	[tilespmem:s10], [sflag:$0x1] =	stream.indirect.gather [hbm4b:s8+s9], $0x80, s24, s9, $0xb8;
	[tilespmem:$0x1E000] =	vst v63  }
0xf1: {  	_ =	swait.ge [sflag:s13], $0x4000  }
0xf2: {  	[sflag:s13] =	ssyncset.done $0x0  }
0xf3: {  	s25 =	simm.s32 $0x1C00;
	[sflag:s13] =	ssyncadd.s32 $0xFFFFC000  }
0xf4: {  	[spmem:s2] =	stream.indirect.scatter.add.f32 [tilespmem:s10], [sflag:$0x3], $0x80, s25, s9, $0xb8;
	[tilespmem:$0x1E000] =	vst v63  }
0xf5: {  	_ =	swait.ge [sflag:s20], $0x4000  }
0xf6: {  	[sflag:s20] =	ssyncset.done $0x0  }
0xf7: {  	s26 =	simm.s32 $0xC80;
	[sflag:s20] =	ssyncadd.s32 $0xFFFFC000  }
0xf8: {  	[tilespmem:s14], [sflag:$0x2] =	stream.indirect.gather [hbm4b:s8+s9], $0x80, s26, s9, $0xb8;
	[tilespmem:$0x1E000] =	vst v63  }
0xf9: {  	_ =	swait.ge [sflag:s15], $0x4000  }
0xfa: {  	[sflag:s15] =	ssyncset.done $0x0  }
0xfb: {  	s28 =	simm.s32 $0x1C80;
	[sflag:s15] =	ssyncadd.s32 $0xFFFFC000  }
0xfc: {  	[spmem:s2] =	stream.indirect.scatter.add.f32 [tilespmem:s14], [sflag:$0x4], $0x80, s28, s9, $0xb8;
	[tilespmem:$0x1E000] =	vst v63  }
0xfd: {  	_ =	swait.ge [sflag:s17], $0x4000  }
0xfe: {  	[sflag:s17] =	ssyncset.done $0x0  }
0xff: {  	s29 =	simm.s32 $0xD00;
	[sflag:s17] =	ssyncadd.s32 $0xFFFFC000  }
0x100: {  	[tilespmem:s10], [sflag:$0x1] =	stream.indirect.gather [hbm4b:s8+s9], $0x80, s29, s9, $0xb8;
	[tilespmem:$0x1E000] =	vst v63  }
0x101: {  	_ =	swait.ge [sflag:s13], $0x4000  }
0x102: {  	[sflag:s13] =	ssyncset.done $0x0  }
0x103: {  	s30 =	simm.s32 $0x1D00;
	[sflag:s13] =	ssyncadd.s32 $0xFFFFC000  }
0x104: {  	[spmem:s2] =	stream.indirect.scatter.add.f32 [tilespmem:s10], [sflag:$0x3], $0x80, s30, s9, $0xb8;
	[tilespmem:$0x1E000] =	vst v63  }
0x105: {  	_ =	swait.ge [sflag:s20], $0x4000  }
0x106: {  	[sflag:s20] =	ssyncset.done $0x0  }
0x107: {  	s31 =	simm.s32 $0xD80;
	[sflag:s20] =	ssyncadd.s32 $0xFFFFC000  }
0x108: {  	[tilespmem:s14], [sflag:$0x2] =	stream.indirect.gather [hbm4b:s8+s9], $0x80, s31, s9, $0xb8;
	[tilespmem:$0x1E000] =	vst v63  }
0x109: {  	_ =	swait.ge [sflag:s15], $0x4000  }
0x10a: {  	[sflag:s15] =	ssyncset.done $0x0  }
0x10b: {  	s6 =	simm.s32 $0x1D80;
	[sflag:s15] =	ssyncadd.s32 $0xFFFFC000  }
0x10c: {  	[spmem:s2] =	stream.indirect.scatter.add.f32 [tilespmem:s14], [sflag:$0x4], $0x80, s6, s9, $0xb8;
	[tilespmem:$0x1E000] =	vst v63  }
0x10d: {  	_ =	swait.ge [sflag:s17], $0x4000  }
0x10e: {  	[sflag:s17] =	ssyncset.done $0x0  }
0x10f: {  	s18 =	simm.s32 $0xE00;
	[sflag:s17] =	ssyncadd.s32 $0xFFFFC000  }
0x110: {  	[tilespmem:s10], [sflag:$0x1] =	stream.indirect.gather [hbm4b:s8+s9], $0x80, s18, s9, $0xb8;
	[tilespmem:$0x1E000] =	vst v63  }
0x111: {  	_ =	swait.ge [sflag:s13], $0x4000  }
0x112: {  	[sflag:s13] =	ssyncset.done $0x0  }
0x113: {  	s19 =	simm.s32 $0x1E00;
	[sflag:s13] =	ssyncadd.s32 $0xFFFFC000  }
0x114: {  	[spmem:s2] =	stream.indirect.scatter.add.f32 [tilespmem:s10], [sflag:$0x3], $0x80, s19, s9, $0xb8;
	[tilespmem:$0x1E000] =	vst v63  }
0x115: {  	_ =	swait.ge [sflag:s20], $0x4000  }
0x116: {  	[sflag:s20] =	ssyncset.done $0x0  }
0x117: {  	s21 =	simm.s32 $0xE80;
	[sflag:s20] =	ssyncadd.s32 $0xFFFFC000  }
0x118: {  	[tilespmem:s14], [sflag:$0x2] =	stream.indirect.gather [hbm4b:s8+s9], $0x80, s21, s9, $0xb8;
	[tilespmem:$0x1E000] =	vst v63  }
0x119: {  	_ =	swait.ge [sflag:s15], $0x4000  }
0x11a: {  	[sflag:s15] =	ssyncset.done $0x0  }
0x11b: {  	s22 =	simm.s32 $0x1E80;
	[sflag:s15] =	ssyncadd.s32 $0xFFFFC000  }
0x11c: {  	[spmem:s2] =	stream.indirect.scatter.add.f32 [tilespmem:s14], [sflag:$0x4], $0x80, s22, s9, $0xb8;
	[tilespmem:$0x1E000] =	vst v63  }
0x11d: {  	_ =	swait.ge [sflag:s17], $0x4000  }
0x11e: {  	[sflag:s17] =	ssyncset.done $0x0  }
0x11f: {  	s23 =	simm.s32 $0xF00;
	[sflag:s17] =	ssyncadd.s32 $0xFFFFC000  }
0x120: {  	[tilespmem:s10], [sflag:$0x1] =	stream.indirect.gather [hbm4b:s8+s9], $0x80, s23, s9, $0xb8;
	[tilespmem:$0x1E000] =	vst v63  }
0x121: {  	_ =	swait.ge [sflag:s13], $0x4000  }
0x122: {  	[sflag:s13] =	ssyncset.done $0x0  }
0x123: {  	s24 =	simm.s32 $0x1F00;
	[sflag:s13] =	ssyncadd.s32 $0xFFFFC000  }
0x124: {  	[spmem:s2] =	stream.indirect.scatter.add.f32 [tilespmem:s10], [sflag:$0x3], $0x80, s24, s9, $0xb8;
	[tilespmem:$0x1E000] =	vst v63  }
0x125: {  	_ =	swait.ge [sflag:s20], $0x4000  }
0x126: {  	[sflag:s20] =	ssyncset.done $0x0  }
0x127: {  	s25 =	simm.s32 $0xF80;
	[sflag:s20] =	ssyncadd.s32 $0xFFFFC000  }
0x128: {  	[tilespmem:s14], [sflag:$0x2] =	stream.indirect.gather [hbm4b:s8+s9], $0x80, s25, s9, $0xb8;
	[tilespmem:$0x1E000] =	vst v63  }
0x129: {  	_ =	swait.ge [sflag:s15], $0x4000  }
0x12a: {  	[sflag:s15] =	ssyncset.done $0x0  }
0x12b: {  	s26 =	simm.s32 $0x1F80;
	[sflag:s15] =	ssyncadd.s32 $0xFFFFC000  }
0x12c: {  	[spmem:s2] =	stream.indirect.scatter.add.f32 [tilespmem:s14], [sflag:$0x4], $0x80, s26, s9, $0xb8;
	[tilespmem:$0x1E000] =	vst v63  }
0x12d: {  	_ =	swait.ge [sflag:s17], $0x4000  }
0x12e: {  	[sflag:s17] =	ssyncset.done $0x0  }
0x12f: {  	[sflag:s17] =	ssyncadd.s32 $0xFFFFC000  }
0x130: {  	_ =	swait.ge [sflag:s20], $0x4000  }
0x131: {  	[sflag:s20] =	ssyncset.done $0x0  }
0x132: {  	[sflag:s20] =	ssyncadd.s32 $0xFFFFC000  }
0x133: {  	_ =	swait.ge [sflag:s1], $0x800  }
0x134: {  	[sflag:s1] =	ssyncset.done $0x0  }
0x135: {  	[sflag:s1] =	ssyncadd.s32 $0xFFFFF800  }
0x136: {  	_ =	swait.ge [sflag:s16], $0x800  }
0x137: {  	[sflag:s16] =	ssyncset.done $0x0  }
0x138: {  	[sflag:s16] =	ssyncadd.s32 $0xFFFFF800  }
0x139: {  	[tilespmem:s10], [sflag:$0x1] =	stream.indirect.gather [hbm4b:s8+s9], $0x80, s3, s9, $0xb8;
	[tilespmem:$0x1E000] =	vst v63  }
0x13a: {  	s7 =	simm.s32 $0x800;
	s28 =	rddreg [dreg:$0xb]  }
0x13b: {  	[tilespmem:s7], [sflag:$0x5] =	stream.linear.gather [hbm4b:s28+s3], $0x800, $0x38;
	[tilespmem:$0x1E000] =	vst v63  }
0x13c: {  	s29 =	rddreg [dreg:$0xc]  }
0x13d: {  	[tilespmem:s0], [sflag:$0x6] =	stream.linear.gather [hbm4b:s29+s3], $0x800, $0x38;
	[tilespmem:$0x1E000] =	vst v63  }
0x13e: {  	_ =	swait.ge [sflag:s13], $0x4000  }
0x13f: {  	[sflag:s13] =	ssyncset.done $0x0  }
0x140: {  	[sflag:s13] =	ssyncadd.s32 $0xFFFFC000  }
0x141: {  	[spmem:s2] =	stream.indirect.scatter.add.f32 [tilespmem:s10], [sflag:$0x3], $0x80, s12, s9, $0xb8;
	[tilespmem:$0x1E000] =	vst v63  }
0x142: {  	_ = 	snop  }
0x143: {  	[tilespmem:s14], [sflag:$0x2] =	stream.indirect.gather [hbm4b:s8+s9], $0x80, s9, s9, $0xb8;
	[tilespmem:$0x1E000] =	vst v63  }
0x144: {  	_ =	swait.ge [sflag:s15], $0x4000  }
0x145: {  	[sflag:s15] =	ssyncset.done $0x0  }
0x146: {  	s30 =	simm.s32 $0x1080;
	[sflag:s15] =	ssyncadd.s32 $0xFFFFC000  }
0x147: {  	[spmem:s2] =	stream.indirect.scatter.add.f32 [tilespmem:s14], [sflag:$0x4], $0x80, s30, s9, $0xb8;
	[tilespmem:$0x1E000] =	vst v63  }
0x148: {  	_ =	swait.ge [sflag:s17], $0x4000  }
0x149: {  	[sflag:s17] =	ssyncset.done $0x0  }
0x14a: {  	s4 =	simm.s32 $0x100;
	[sflag:s17] =	ssyncadd.s32 $0xFFFFC000  }
0x14b: {  	[tilespmem:s10], [sflag:$0x1] =	stream.indirect.gather [hbm4b:s8+s9], $0x80, s4, s9, $0xb8;
	[tilespmem:$0x1E000] =	vst v63  }
0x14c: {  	_ =	swait.ge [sflag:s13], $0x4000  }
0x14d: {  	[sflag:s13] =	ssyncset.done $0x0  }
0x14e: {  	s7 =	simm.s32 $0x1100;
	[sflag:s13] =	ssyncadd.s32 $0xFFFFC000  }
0x14f: {  	[spmem:s2] =	stream.indirect.scatter.add.f32 [tilespmem:s10], [sflag:$0x3], $0x80, s7, s9, $0xb8;
	[tilespmem:$0x1E000] =	vst v63  }
0x150: {  	_ =	swait.ge [sflag:s20], $0x4000  }
0x151: {  	[sflag:s20] =	ssyncset.done $0x0  }
0x152: {  	s31 =	simm.s32 $0x180;
	[sflag:s20] =	ssyncadd.s32 $0xFFFFC000  }
0x153: {  	[tilespmem:s14], [sflag:$0x2] =	stream.indirect.gather [hbm4b:s8+s9], $0x80, s31, s9, $0xb8;
	[tilespmem:$0x1E000] =	vst v63  }
0x154: {  	_ =	swait.ge [sflag:s15], $0x4000  }
0x155: {  	[sflag:s15] =	ssyncset.done $0x0  }
0x156: {  	s19 =	simm.s32 $0x1180;
	[sflag:s15] =	ssyncadd.s32 $0xFFFFC000  }
0x157: {  	[spmem:s2] =	stream.indirect.scatter.add.f32 [tilespmem:s14], [sflag:$0x4], $0x80, s19, s9, $0xb8;
	[tilespmem:$0x1E000] =	vst v63  }
0x158: {  	_ =	swait.ge [sflag:s17], $0x4000  }
0x159: {  	[sflag:s17] =	ssyncset.done $0x0  }
0x15a: {  	s21 =	simm.s32 $0x200;
	[sflag:s17] =	ssyncadd.s32 $0xFFFFC000  }
0x15b: {  	[tilespmem:s10], [sflag:$0x1] =	stream.indirect.gather [hbm4b:s8+s9], $0x80, s21, s9, $0xb8;
	[tilespmem:$0x1E000] =	vst v63  }
0x15c: {  	_ =	swait.ge [sflag:s13], $0x4000  }
0x15d: {  	[sflag:s13] =	ssyncset.done $0x0  }
0x15e: {  	s22 =	simm.s32 $0x1200;
	[sflag:s13] =	ssyncadd.s32 $0xFFFFC000  }
0x15f: {  	[spmem:s2] =	stream.indirect.scatter.add.f32 [tilespmem:s10], [sflag:$0x3], $0x80, s22, s9, $0xb8;
	[tilespmem:$0x1E000] =	vst v63  }
0x160: {  	_ =	swait.ge [sflag:s20], $0x4000  }
0x161: {  	[sflag:s20] =	ssyncset.done $0x0  }
0x162: {  	s23 =	simm.s32 $0x280;
	[sflag:s20] =	ssyncadd.s32 $0xFFFFC000  }
0x163: {  	[tilespmem:s14], [sflag:$0x2] =	stream.indirect.gather [hbm4b:s8+s9], $0x80, s23, s9, $0xb8;
	[tilespmem:$0x1E000] =	vst v63  }
0x164: {  	_ =	swait.ge [sflag:s15], $0x4000  }
0x165: {  	[sflag:s15] =	ssyncset.done $0x0  }
0x166: {  	s24 =	simm.s32 $0x1280;
	[sflag:s15] =	ssyncadd.s32 $0xFFFFC000  }
0x167: {  	[spmem:s2] =	stream.indirect.scatter.add.f32 [tilespmem:s14], [sflag:$0x4], $0x80, s24, s9, $0xb8;
	[tilespmem:$0x1E000] =	vst v63  }
0x168: {  	_ =	swait.ge [sflag:s17], $0x4000  }
0x169: {  	[sflag:s17] =	ssyncset.done $0x0  }
0x16a: {  	s25 =	simm.s32 $0x300;
	[sflag:s17] =	ssyncadd.s32 $0xFFFFC000  }
0x16b: {  	[tilespmem:s10], [sflag:$0x1] =	stream.indirect.gather [hbm4b:s8+s9], $0x80, s25, s9, $0xb8;
	[tilespmem:$0x1E000] =	vst v63  }
0x16c: {  	_ =	swait.ge [sflag:s13], $0x4000  }
0x16d: {  	[sflag:s13] =	ssyncset.done $0x0  }
0x16e: {  	s26 =	simm.s32 $0x1300;
	[sflag:s13] =	ssyncadd.s32 $0xFFFFC000  }
0x16f: {  	[spmem:s2] =	stream.indirect.scatter.add.f32 [tilespmem:s10], [sflag:$0x3], $0x80, s26, s9, $0xb8;
	[tilespmem:$0x1E000] =	vst v63  }
0x170: {  	_ =	swait.ge [sflag:s20], $0x4000  }
0x171: {  	[sflag:s20] =	ssyncset.done $0x0  }
0x172: {  	s28 =	simm.s32 $0x380;
	[sflag:s20] =	ssyncadd.s32 $0xFFFFC000  }
0x173: {  	[tilespmem:s14], [sflag:$0x2] =	stream.indirect.gather [hbm4b:s8+s9], $0x80, s28, s9, $0xb8;
	[tilespmem:$0x1E000] =	vst v63  }
0x174: {  	_ =	swait.ge [sflag:s15], $0x4000  }
0x175: {  	[sflag:s15] =	ssyncset.done $0x0  }
0x176: {  	s29 =	simm.s32 $0x1380;
	[sflag:s15] =	ssyncadd.s32 $0xFFFFC000  }
0x177: {  	[spmem:s2] =	stream.indirect.scatter.add.f32 [tilespmem:s14], [sflag:$0x4], $0x80, s29, s9, $0xb8;
	[tilespmem:$0x1E000] =	vst v63  }
0x178: {  	_ =	swait.ge [sflag:s17], $0x4000  }
0x179: {  	[sflag:s17] =	ssyncset.done $0x0  }
0x17a: {  	s30 =	simm.s32 $0x400;
	[sflag:s17] =	ssyncadd.s32 $0xFFFFC000  }
0x17b: {  	[tilespmem:s10], [sflag:$0x1] =	stream.indirect.gather [hbm4b:s8+s9], $0x80, s30, s9, $0xb8;
	[tilespmem:$0x1E000] =	vst v63  }
0x17c: {  	_ =	swait.ge [sflag:s13], $0x4000  }
0x17d: {  	[sflag:s13] =	ssyncset.done $0x0  }
0x17e: {  	s31 =	simm.s32 $0x1400;
	[sflag:s13] =	ssyncadd.s32 $0xFFFFC000  }
0x17f: {  	[spmem:s2] =	stream.indirect.scatter.add.f32 [tilespmem:s10], [sflag:$0x3], $0x80, s31, s9, $0xb8;
	[tilespmem:$0x1E000] =	vst v63  }
0x180: {  	_ =	swait.ge [sflag:s20], $0x4000  }
0x181: {  	[sflag:s20] =	ssyncset.done $0x0  }
0x182: {  	s18 =	simm.s32 $0x480;
	[sflag:s20] =	ssyncadd.s32 $0xFFFFC000  }
0x183: {  	[tilespmem:s14], [sflag:$0x2] =	stream.indirect.gather [hbm4b:s8+s9], $0x80, s18, s9, $0xb8;
	[tilespmem:$0x1E000] =	vst v63  }
0x184: {  	_ =	swait.ge [sflag:s15], $0x4000  }
0x185: {  	[sflag:s15] =	ssyncset.done $0x0  }
0x186: {  	s18 =	simm.s32 $0x1480;
	[sflag:s15] =	ssyncadd.s32 $0xFFFFC000  }
0x187: {  	[spmem:s2] =	stream.indirect.scatter.add.f32 [tilespmem:s14], [sflag:$0x4], $0x80, s18, s9, $0xb8;
	[tilespmem:$0x1E000] =	vst v63  }
0x188: {  	_ =	swait.ge [sflag:s17], $0x4000  }
0x189: {  	[sflag:s17] =	ssyncset.done $0x0  }
0x18a: {  	s18 =	simm.s32 $0x500;
	[sflag:s17] =	ssyncadd.s32 $0xFFFFC000  }
0x18b: {  	[tilespmem:s10], [sflag:$0x1] =	stream.indirect.gather [hbm4b:s8+s9], $0x80, s18, s9, $0xb8;
	[tilespmem:$0x1E000] =	vst v63  }
0x18c: {  	_ =	swait.ge [sflag:s13], $0x4000  }
0x18d: {  	[sflag:s13] =	ssyncset.done $0x0  }
0x18e: {  	s18 =	simm.s32 $0x1500;
	[sflag:s13] =	ssyncadd.s32 $0xFFFFC000  }
0x18f: {  	[spmem:s2] =	stream.indirect.scatter.add.f32 [tilespmem:s10], [sflag:$0x3], $0x80, s18, s9, $0xb8;
	[tilespmem:$0x1E000] =	vst v63  }
0x190: {  	_ =	swait.ge [sflag:s20], $0x4000  }
0x191: {  	[sflag:s20] =	ssyncset.done $0x0  }
0x192: {  	s18 =	simm.s32 $0x580;
	[sflag:s20] =	ssyncadd.s32 $0xFFFFC000  }
0x193: {  	[tilespmem:s14], [sflag:$0x2] =	stream.indirect.gather [hbm4b:s8+s9], $0x80, s18, s9, $0xb8;
	[tilespmem:$0x1E000] =	vst v63  }
0x194: {  	_ =	swait.ge [sflag:s15], $0x4000  }
0x195: {  	[sflag:s15] =	ssyncset.done $0x0  }
0x196: {  	s18 =	simm.s32 $0x1580;
	[sflag:s15] =	ssyncadd.s32 $0xFFFFC000  }
0x197: {  	[spmem:s2] =	stream.indirect.scatter.add.f32 [tilespmem:s14], [sflag:$0x4], $0x80, s18, s9, $0xb8;
	[tilespmem:$0x1E000] =	vst v63  }
0x198: {  	_ =	swait.ge [sflag:s17], $0x4000  }
0x199: {  	[sflag:s17] =	ssyncset.done $0x0  }
0x19a: {  	s18 =	simm.s32 $0x600;
	[sflag:s17] =	ssyncadd.s32 $0xFFFFC000  }
0x19b: {  	[tilespmem:s10], [sflag:$0x1] =	stream.indirect.gather [hbm4b:s8+s9], $0x80, s18, s9, $0xb8;
	[tilespmem:$0x1E000] =	vst v63  }
0x19c: {  	_ =	swait.ge [sflag:s13], $0x4000  }
0x19d: {  	[sflag:s13] =	ssyncset.done $0x0  }
0x19e: {  	s18 =	simm.s32 $0x1600;
	[sflag:s13] =	ssyncadd.s32 $0xFFFFC000  }
0x19f: {  	[spmem:s2] =	stream.indirect.scatter.add.f32 [tilespmem:s10], [sflag:$0x3], $0x80, s18, s9, $0xb8;
	[tilespmem:$0x1E000] =	vst v63  }
0x1a0: {  	_ =	swait.ge [sflag:s20], $0x4000  }
0x1a1: {  	[sflag:s20] =	ssyncset.done $0x0  }
0x1a2: {  	s18 =	simm.s32 $0x680;
	[sflag:s20] =	ssyncadd.s32 $0xFFFFC000  }
0x1a3: {  	[tilespmem:s14], [sflag:$0x2] =	stream.indirect.gather [hbm4b:s8+s9], $0x80, s18, s9, $0xb8;
	[tilespmem:$0x1E000] =	vst v63  }
0x1a4: {  	_ =	swait.ge [sflag:s15], $0x4000  }
0x1a5: {  	[sflag:s15] =	ssyncset.done $0x0  }
0x1a6: {  	s18 =	simm.s32 $0x1680;
	[sflag:s15] =	ssyncadd.s32 $0xFFFFC000  }
0x1a7: {  	[spmem:s2] =	stream.indirect.scatter.add.f32 [tilespmem:s14], [sflag:$0x4], $0x80, s18, s9, $0xb8;
	[tilespmem:$0x1E000] =	vst v63  }
0x1a8: {  	_ =	swait.ge [sflag:s17], $0x4000  }
0x1a9: {  	[sflag:s17] =	ssyncset.done $0x0  }
0x1aa: {  	s18 =	simm.s32 $0x700;
	[sflag:s17] =	ssyncadd.s32 $0xFFFFC000  }
0x1ab: {  	[tilespmem:s10], [sflag:$0x1] =	stream.indirect.gather [hbm4b:s8+s9], $0x80, s18, s9, $0xb8;
	[tilespmem:$0x1E000] =	vst v63  }
0x1ac: {  	_ =	swait.ge [sflag:s13], $0x4000  }
0x1ad: {  	[sflag:s13] =	ssyncset.done $0x0  }
0x1ae: {  	s18 =	simm.s32 $0x1700;
	[sflag:s13] =	ssyncadd.s32 $0xFFFFC000  }
0x1af: {  	[spmem:s2] =	stream.indirect.scatter.add.f32 [tilespmem:s10], [sflag:$0x3], $0x80, s18, s9, $0xb8;
	[tilespmem:$0x1E000] =	vst v63  }
0x1b0: {  	_ =	swait.ge [sflag:s20], $0x4000  }
0x1b1: {  	[sflag:s20] =	ssyncset.done $0x0  }
0x1b2: {  	s18 =	simm.s32 $0x780;
	[sflag:s20] =	ssyncadd.s32 $0xFFFFC000  }
0x1b3: {  	[tilespmem:s14], [sflag:$0x2] =	stream.indirect.gather [hbm4b:s8+s9], $0x80, s18, s9, $0xb8;
	[tilespmem:$0x1E000] =	vst v63  }
0x1b4: {  	_ =	swait.ge [sflag:s15], $0x4000  }
0x1b5: {  	[sflag:s15] =	ssyncset.done $0x0  }
0x1b6: {  	s18 =	simm.s32 $0x1780;
	[sflag:s15] =	ssyncadd.s32 $0xFFFFC000  }
0x1b7: {  	[spmem:s2] =	stream.indirect.scatter.add.f32 [tilespmem:s14], [sflag:$0x4], $0x80, s18, s9, $0xb8;
	[tilespmem:$0x1E000] =	vst v63  }
0x1b8: {  	_ =	swait.ge [sflag:s17], $0x4000  }
0x1b9: {  	[sflag:s17] =	ssyncset.done $0x0  }
0x1ba: {  	[sflag:s17] =	ssyncadd.s32 $0xFFFFC000  }
0x1bb: {  	_ =	swait.ge [sflag:s20], $0x4000  }
0x1bc: {  	[sflag:s20] =	ssyncset.done $0x0  }
0x1bd: {  	[sflag:s20] =	ssyncadd.s32 $0xFFFFC000  }
0x1be: {  	_ =	swait.ge [sflag:s1], $0x800  }
0x1bf: {  	[sflag:s1] =	ssyncset.done $0x0  }
0x1c0: {  	[sflag:s1] =	ssyncadd.s32 $0xFFFFF800  }
0x1c1: {  	_ =	swait.ge [sflag:s16], $0x800  }
0x1c2: {  	[sflag:s16] =	ssyncset.done $0x0;
	s18 =	rddreg [dreg:$0xd]  }
0x1c3: {  	s6 =	simm.s32 $0x800;
	[sflag:s16] =	ssyncadd.s32 $0xFFFFF800;
	[dreg:$0x13] =	wrdreg s18  }
0x1c4: {  	[tilespmem:s10], [sflag:$0x1] =	stream.indirect.gather [hbm4b:s8+s9], $0x80, s6, s9, $0xb8;
	[tilespmem:$0x1E000] =	vst v63  }
0x1c5: {  	s6 =	rddreg [dreg:$0x13]  }
0x1c6: {  	[tilespmem:s3], [sflag:$0x5] =	stream.linear.gather [hbm4b:s6+s3], $0x800, $0x38;
	[tilespmem:$0x1E000] =	vst v63  }
0x1c7: {  	s18 =	rddreg [dreg:$0xe]  }
0x1c8: {  	[tilespmem:s12], [sflag:$0x6] =	stream.linear.gather [hbm4b:s18+s3], $0x800, $0x38;
	[tilespmem:$0x1E000] =	vst v63  }
0x1c9: {  	_ =	swait.ge [sflag:s13], $0x4000  }
0x1ca: {  	[sflag:s13] =	ssyncset.done $0x0  }
0x1cb: {  	s0 =	simm.s32 $0x1800;
	[sflag:s13] =	ssyncadd.s32 $0xFFFFC000  }
0x1cc: {  	[spmem:s2] =	stream.indirect.scatter.add.f32 [tilespmem:s10], [sflag:$0x3], $0x80, s0, s9, $0xb8;
	[tilespmem:$0x1E000] =	vst v63  }
0x1cd: {  	s18 =	simm.s32 $0x880  }
0x1ce: {  	[tilespmem:s14], [sflag:$0x2] =	stream.indirect.gather [hbm4b:s8+s9], $0x80, s18, s9, $0xb8;
	[tilespmem:$0x1E000] =	vst v63  }
0x1cf: {  	_ =	swait.ge [sflag:s15], $0x4000  }
0x1d0: {  	[sflag:s15] =	ssyncset.done $0x0  }
0x1d1: {  	s6 =	simm.s32 $0x1880;
	[sflag:s15] =	ssyncadd.s32 $0xFFFFC000  }
0x1d2: {  	[spmem:s2] =	stream.indirect.scatter.add.f32 [tilespmem:s14], [sflag:$0x4], $0x80, s6, s9, $0xb8;
	[tilespmem:$0x1E000] =	vst v63  }
0x1d3: {  	_ =	swait.ge [sflag:s17], $0x4000  }
0x1d4: {  	[sflag:s17] =	ssyncset.done $0x0  }
0x1d5: {  	s18 =	simm.s32 $0x900;
	[sflag:s17] =	ssyncadd.s32 $0xFFFFC000  }
0x1d6: {  	[tilespmem:s10], [sflag:$0x1] =	stream.indirect.gather [hbm4b:s8+s9], $0x80, s18, s9, $0xb8;
	[tilespmem:$0x1E000] =	vst v63  }
0x1d7: {  	_ =	swait.ge [sflag:s13], $0x4000  }
0x1d8: {  	[sflag:s13] =	ssyncset.done $0x0  }
0x1d9: {  	s6 =	simm.s32 $0x1900;
	[sflag:s13] =	ssyncadd.s32 $0xFFFFC000  }
0x1da: {  	[spmem:s2] =	stream.indirect.scatter.add.f32 [tilespmem:s10], [sflag:$0x3], $0x80, s6, s9, $0xb8;
	[tilespmem:$0x1E000] =	vst v63  }
0x1db: {  	_ =	swait.ge [sflag:s20], $0x4000  }
0x1dc: {  	[sflag:s20] =	ssyncset.done $0x0  }
0x1dd: {  	s18 =	simm.s32 $0x980;
	[sflag:s20] =	ssyncadd.s32 $0xFFFFC000  }
0x1de: {  	[tilespmem:s14], [sflag:$0x2] =	stream.indirect.gather [hbm4b:s8+s9], $0x80, s18, s9, $0xb8;
	[tilespmem:$0x1E000] =	vst v63  }
0x1df: {  	_ =	swait.ge [sflag:s15], $0x4000  }
0x1e0: {  	[sflag:s15] =	ssyncset.done $0x0  }
0x1e1: {  	s6 =	simm.s32 $0x1980;
	[sflag:s15] =	ssyncadd.s32 $0xFFFFC000  }
0x1e2: {  	[spmem:s2] =	stream.indirect.scatter.add.f32 [tilespmem:s14], [sflag:$0x4], $0x80, s6, s9, $0xb8;
	[tilespmem:$0x1E000] =	vst v63  }
0x1e3: {  	_ =	swait.ge [sflag:s17], $0x4000  }
0x1e4: {  	[sflag:s17] =	ssyncset.done $0x0  }
0x1e5: {  	s18 =	simm.s32 $0xA00;
	[sflag:s17] =	ssyncadd.s32 $0xFFFFC000  }
0x1e6: {  	[tilespmem:s10], [sflag:$0x1] =	stream.indirect.gather [hbm4b:s8+s9], $0x80, s18, s9, $0xb8;
	[tilespmem:$0x1E000] =	vst v63  }
0x1e7: {  	_ =	swait.ge [sflag:s13], $0x4000  }
0x1e8: {  	[sflag:s13] =	ssyncset.done $0x0  }
0x1e9: {  	s6 =	simm.s32 $0x1A00;
	[sflag:s13] =	ssyncadd.s32 $0xFFFFC000  }
0x1ea: {  	[spmem:s2] =	stream.indirect.scatter.add.f32 [tilespmem:s10], [sflag:$0x3], $0x80, s6, s9, $0xb8;
	[tilespmem:$0x1E000] =	vst v63  }
0x1eb: {  	_ =	swait.ge [sflag:s20], $0x4000  }
0x1ec: {  	[sflag:s20] =	ssyncset.done $0x0  }
0x1ed: {  	s18 =	simm.s32 $0xA80;
	[sflag:s20] =	ssyncadd.s32 $0xFFFFC000  }
0x1ee: {  	[tilespmem:s14], [sflag:$0x2] =	stream.indirect.gather [hbm4b:s8+s9], $0x80, s18, s9, $0xb8;
	[tilespmem:$0x1E000] =	vst v63  }
0x1ef: {  	_ =	swait.ge [sflag:s15], $0x4000  }
0x1f0: {  	[sflag:s15] =	ssyncset.done $0x0  }
0x1f1: {  	s6 =	simm.s32 $0x1A80;
	[sflag:s15] =	ssyncadd.s32 $0xFFFFC000  }
0x1f2: {  	[spmem:s2] =	stream.indirect.scatter.add.f32 [tilespmem:s14], [sflag:$0x4], $0x80, s6, s9, $0xb8;
	[tilespmem:$0x1E000] =	vst v63  }
0x1f3: {  	_ =	swait.ge [sflag:s17], $0x4000  }
0x1f4: {  	[sflag:s17] =	ssyncset.done $0x0  }
0x1f5: {  	s18 =	simm.s32 $0xB00;
	[sflag:s17] =	ssyncadd.s32 $0xFFFFC000  }
0x1f6: {  	[tilespmem:s10], [sflag:$0x1] =	stream.indirect.gather [hbm4b:s8+s9], $0x80, s18, s9, $0xb8;
	[tilespmem:$0x1E000] =	vst v63  }
0x1f7: {  	_ =	swait.ge [sflag:s13], $0x4000  }
0x1f8: {  	[sflag:s13] =	ssyncset.done $0x0  }
0x1f9: {  	s6 =	simm.s32 $0x1B00;
	[sflag:s13] =	ssyncadd.s32 $0xFFFFC000  }
0x1fa: {  	[spmem:s2] =	stream.indirect.scatter.add.f32 [tilespmem:s10], [sflag:$0x3], $0x80, s6, s9, $0xb8;
	[tilespmem:$0x1E000] =	vst v63  }
0x1fb: {  	_ =	swait.ge [sflag:s20], $0x4000  }
0x1fc: {  	[sflag:s20] =	ssyncset.done $0x0  }
0x1fd: {  	s18 =	simm.s32 $0xB80;
	[sflag:s20] =	ssyncadd.s32 $0xFFFFC000  }
0x1fe: {  	[tilespmem:s14], [sflag:$0x2] =	stream.indirect.gather [hbm4b:s8+s9], $0x80, s18, s9, $0xb8;
	[tilespmem:$0x1E000] =	vst v63  }
0x1ff: {  	_ =	swait.ge [sflag:s15], $0x4000  }
0x200: {  	[sflag:s15] =	ssyncset.done $0x0  }
0x201: {  	s6 =	simm.s32 $0x1B80;
	[sflag:s15] =	ssyncadd.s32 $0xFFFFC000  }
0x202: {  	[spmem:s2] =	stream.indirect.scatter.add.f32 [tilespmem:s14], [sflag:$0x4], $0x80, s6, s9, $0xb8;
	[tilespmem:$0x1E000] =	vst v63  }
0x203: {  	_ =	swait.ge [sflag:s17], $0x4000  }
0x204: {  	[sflag:s17] =	ssyncset.done $0x0  }
0x205: {  	s18 =	simm.s32 $0xC00;
	[sflag:s17] =	ssyncadd.s32 $0xFFFFC000  }
0x206: {  	[tilespmem:s10], [sflag:$0x1] =	stream.indirect.gather [hbm4b:s8+s9], $0x80, s18, s9, $0xb8;
	[tilespmem:$0x1E000] =	vst v63  }
0x207: {  	_ =	swait.ge [sflag:s13], $0x4000  }
0x208: {  	[sflag:s13] =	ssyncset.done $0x0  }
0x209: {  	s6 =	simm.s32 $0x1C00;
	[sflag:s13] =	ssyncadd.s32 $0xFFFFC000  }
0x20a: {  	[spmem:s2] =	stream.indirect.scatter.add.f32 [tilespmem:s10], [sflag:$0x3], $0x80, s6, s9, $0xb8;
	[tilespmem:$0x1E000] =	vst v63  }
0x20b: {  	_ =	swait.ge [sflag:s20], $0x4000  }
0x20c: {  	[sflag:s20] =	ssyncset.done $0x0  }
0x20d: {  	s18 =	simm.s32 $0xC80;
	[sflag:s20] =	ssyncadd.s32 $0xFFFFC000  }
0x20e: {  	[tilespmem:s14], [sflag:$0x2] =	stream.indirect.gather [hbm4b:s8+s9], $0x80, s18, s9, $0xb8;
	[tilespmem:$0x1E000] =	vst v63  }
0x20f: {  	_ =	swait.ge [sflag:s15], $0x4000  }
0x210: {  	[sflag:s15] =	ssyncset.done $0x0  }
0x211: {  	s6 =	simm.s32 $0x1C80;
	[sflag:s15] =	ssyncadd.s32 $0xFFFFC000  }
0x212: {  	[spmem:s2] =	stream.indirect.scatter.add.f32 [tilespmem:s14], [sflag:$0x4], $0x80, s6, s9, $0xb8;
	[tilespmem:$0x1E000] =	vst v63  }
0x213: {  	_ =	swait.ge [sflag:s17], $0x4000  }
0x214: {  	[sflag:s17] =	ssyncset.done $0x0  }
0x215: {  	s18 =	simm.s32 $0xD00;
	[sflag:s17] =	ssyncadd.s32 $0xFFFFC000  }
0x216: {  	[tilespmem:s10], [sflag:$0x1] =	stream.indirect.gather [hbm4b:s8+s9], $0x80, s18, s9, $0xb8;
	[tilespmem:$0x1E000] =	vst v63  }
0x217: {  	_ =	swait.ge [sflag:s13], $0x4000  }
0x218: {  	[sflag:s13] =	ssyncset.done $0x0  }
0x219: {  	s6 =	simm.s32 $0x1D00;
	[sflag:s13] =	ssyncadd.s32 $0xFFFFC000  }
0x21a: {  	[spmem:s2] =	stream.indirect.scatter.add.f32 [tilespmem:s10], [sflag:$0x3], $0x80, s6, s9, $0xb8;
	[tilespmem:$0x1E000] =	vst v63  }
0x21b: {  	_ =	swait.ge [sflag:s20], $0x4000  }
0x21c: {  	[sflag:s20] =	ssyncset.done $0x0  }
0x21d: {  	s18 =	simm.s32 $0xD80;
	[sflag:s20] =	ssyncadd.s32 $0xFFFFC000  }
0x21e: {  	[tilespmem:s14], [sflag:$0x2] =	stream.indirect.gather [hbm4b:s8+s9], $0x80, s18, s9, $0xb8;
	[tilespmem:$0x1E000] =	vst v63  }
0x21f: {  	_ =	swait.ge [sflag:s15], $0x4000  }
0x220: {  	[sflag:s15] =	ssyncset.done $0x0  }
0x221: {  	s6 =	simm.s32 $0x1D80;
	[sflag:s15] =	ssyncadd.s32 $0xFFFFC000  }
0x222: {  	[spmem:s2] =	stream.indirect.scatter.add.f32 [tilespmem:s14], [sflag:$0x4], $0x80, s6, s9, $0xb8;
	[tilespmem:$0x1E000] =	vst v63  }
0x223: {  	_ =	swait.ge [sflag:s17], $0x4000  }
0x224: {  	[sflag:s17] =	ssyncset.done $0x0  }
0x225: {  	s18 =	simm.s32 $0xE00;
	[sflag:s17] =	ssyncadd.s32 $0xFFFFC000  }
0x226: {  	[tilespmem:s10], [sflag:$0x1] =	stream.indirect.gather [hbm4b:s8+s9], $0x80, s18, s9, $0xb8;
	[tilespmem:$0x1E000] =	vst v63  }
0x227: {  	_ =	swait.ge [sflag:s13], $0x4000  }
0x228: {  	[sflag:s13] =	ssyncset.done $0x0  }
0x229: {  	s6 =	simm.s32 $0x1E00;
	[sflag:s13] =	ssyncadd.s32 $0xFFFFC000  }
0x22a: {  	[spmem:s2] =	stream.indirect.scatter.add.f32 [tilespmem:s10], [sflag:$0x3], $0x80, s6, s9, $0xb8;
	[tilespmem:$0x1E000] =	vst v63  }
0x22b: {  	_ =	swait.ge [sflag:s20], $0x4000  }
0x22c: {  	[sflag:s20] =	ssyncset.done $0x0  }
0x22d: {  	s18 =	simm.s32 $0xE80;
	[sflag:s20] =	ssyncadd.s32 $0xFFFFC000  }
0x22e: {  	[tilespmem:s14], [sflag:$0x2] =	stream.indirect.gather [hbm4b:s8+s9], $0x80, s18, s9, $0xb8;
	[tilespmem:$0x1E000] =	vst v63  }
0x22f: {  	_ =	swait.ge [sflag:s15], $0x4000  }
0x230: {  	[sflag:s15] =	ssyncset.done $0x0  }
0x231: {  	s6 =	simm.s32 $0x1E80;
	[sflag:s15] =	ssyncadd.s32 $0xFFFFC000  }
0x232: {  	[spmem:s2] =	stream.indirect.scatter.add.f32 [tilespmem:s14], [sflag:$0x4], $0x80, s6, s9, $0xb8;
	[tilespmem:$0x1E000] =	vst v63  }
0x233: {  	_ =	swait.ge [sflag:s17], $0x4000  }
0x234: {  	[sflag:s17] =	ssyncset.done $0x0  }
0x235: {  	s18 =	simm.s32 $0xF00;
	[sflag:s17] =	ssyncadd.s32 $0xFFFFC000  }
0x236: {  	[tilespmem:s10], [sflag:$0x1] =	stream.indirect.gather [hbm4b:s8+s9], $0x80, s18, s9, $0xb8;
	[tilespmem:$0x1E000] =	vst v63  }
0x237: {  	_ =	swait.ge [sflag:s13], $0x4000  }
0x238: {  	[sflag:s13] =	ssyncset.done $0x0  }
0x239: {  	s6 =	simm.s32 $0x1F00;
	[sflag:s13] =	ssyncadd.s32 $0xFFFFC000  }
0x23a: {  	[spmem:s2] =	stream.indirect.scatter.add.f32 [tilespmem:s10], [sflag:$0x3], $0x80, s6, s9, $0xb8;
	[tilespmem:$0x1E000] =	vst v63  }
0x23b: {  	_ =	swait.ge [sflag:s20], $0x4000  }
0x23c: {  	[sflag:s20] =	ssyncset.done $0x0  }
0x23d: {  	s18 =	simm.s32 $0xF80;
	[sflag:s20] =	ssyncadd.s32 $0xFFFFC000  }
0x23e: {  	[tilespmem:s14], [sflag:$0x2] =	stream.indirect.gather [hbm4b:s8+s9], $0x80, s18, s9, $0xb8;
	[tilespmem:$0x1E000] =	vst v63  }
0x23f: {  	_ =	swait.ge [sflag:s15], $0x4000  }
0x240: {  	[sflag:s15] =	ssyncset.done $0x0  }
0x241: {  	s6 =	simm.s32 $0x1F80;
	[sflag:s15] =	ssyncadd.s32 $0xFFFFC000  }
0x242: {  	[spmem:s2] =	stream.indirect.scatter.add.f32 [tilespmem:s14], [sflag:$0x4], $0x80, s6, s9, $0xb8;
	[tilespmem:$0x1E000] =	vst v63  }
0x243: {  	_ =	swait.ge [sflag:s17], $0x4000  }
0x244: {  	[sflag:s17] =	ssyncset.done $0x0  }
0x245: {  	[sflag:s17] =	ssyncadd.s32 $0xFFFFC000  }
0x246: {  	_ =	swait.ge [sflag:s20], $0x4000  }
0x247: {  	[sflag:s20] =	ssyncset.done $0x0  }
0x248: {  	[sflag:s20] =	ssyncadd.s32 $0xFFFFC000  }
0x249: {  	_ =	swait.ge [sflag:s1], $0x800  }
0x24a: {  	[sflag:s1] =	ssyncset.done $0x0  }
0x24b: {  	[sflag:s1] =	ssyncadd.s32 $0xFFFFF800  }
0x24c: {  	_ =	swait.ge [sflag:s16], $0x800  }
0x24d: {  	[sflag:s16] =	ssyncset.done $0x0  }
0x24e: {  	[sflag:s16] =	ssyncadd.s32 $0xFFFFF800  }
0x24f: {  	[tilespmem:s10], [sflag:$0x1] =	stream.indirect.gather [hbm4b:s8+s9], $0x80, s3, s9, $0xb8;
	[tilespmem:$0x1E000] =	vst v63  }
0x250: {  	_ =	swait.ge [sflag:s13], $0x4000  }
0x251: {  	[sflag:s13] =	ssyncset.done $0x0  }
0x252: {  	[sflag:s13] =	ssyncadd.s32 $0xFFFFC000  }
0x253: {  	[spmem:s2] =	stream.indirect.scatter.add.f32 [tilespmem:s10], [sflag:$0x3], $0x80, s12, s9, $0xb8;
	[tilespmem:$0x1E000] =	vst v63  }
0x254: {  	_ = 	snop  }
0x255: {  	[tilespmem:s14], [sflag:$0x2] =	stream.indirect.gather [hbm4b:s8+s9], $0x80, s9, s9, $0xb8;
	[tilespmem:$0x1E000] =	vst v63  }
0x256: {  	_ =	swait.ge [sflag:s15], $0x4000  }
0x257: {  	[sflag:s15] =	ssyncset.done $0x0  }
0x258: {  	s12 =	simm.s32 $0x1080;
	[sflag:s15] =	ssyncadd.s32 $0xFFFFC000  }
0x259: {  	[spmem:s2] =	stream.indirect.scatter.add.f32 [tilespmem:s14], [sflag:$0x4], $0x80, s12, s9, $0xb8;
	[tilespmem:$0x1E000] =	vst v63  }
0x25a: {  	_ =	swait.ge [sflag:s17], $0x4000  }
0x25b: {  	[sflag:s17] =	ssyncset.done $0x0  }
0x25c: {  	[sflag:s17] =	ssyncadd.s32 $0xFFFFC000  }
0x25d: {  	[tilespmem:s10], [sflag:$0x1] =	stream.indirect.gather [hbm4b:s8+s9], $0x80, s4, s9, $0xb8;
	[tilespmem:$0x1E000] =	vst v63  }
0x25e: {  	_ =	swait.ge [sflag:s13], $0x4000  }
0x25f: {  	[sflag:s13] =	ssyncset.done $0x0  }
0x260: {  	[sflag:s13] =	ssyncadd.s32 $0xFFFFC000  }
0x261: {  	[spmem:s2] =	stream.indirect.scatter.add.f32 [tilespmem:s10], [sflag:$0x3], $0x80, s7, s9, $0xb8;
	[tilespmem:$0x1E000] =	vst v63  }
0x262: {  	_ =	swait.ge [sflag:s20], $0x4000  }
0x263: {  	[sflag:s20] =	ssyncset.done $0x0  }
0x264: {  	s18 =	simm.s32 $0x180;
	[sflag:s20] =	ssyncadd.s32 $0xFFFFC000  }
0x265: {  	[tilespmem:s14], [sflag:$0x2] =	stream.indirect.gather [hbm4b:s8+s9], $0x80, s18, s9, $0xb8;
	[tilespmem:$0x1E000] =	vst v63  }
0x266: {  	_ =	swait.ge [sflag:s15], $0x4000  }
0x267: {  	[sflag:s15] =	ssyncset.done $0x0  }
0x268: {  	[sflag:s15] =	ssyncadd.s32 $0xFFFFC000  }
0x269: {  	[spmem:s2] =	stream.indirect.scatter.add.f32 [tilespmem:s14], [sflag:$0x4], $0x80, s19, s9, $0xb8;
	[tilespmem:$0x1E000] =	vst v63  }
0x26a: {  	_ =	swait.ge [sflag:s17], $0x4000  }
0x26b: {  	[sflag:s17] =	ssyncset.done $0x0  }
0x26c: {  	[sflag:s17] =	ssyncadd.s32 $0xFFFFC000  }
0x26d: {  	[tilespmem:s10], [sflag:$0x1] =	stream.indirect.gather [hbm4b:s8+s9], $0x80, s21, s9, $0xb8;
	[tilespmem:$0x1E000] =	vst v63  }
0x26e: {  	_ =	swait.ge [sflag:s13], $0x4000  }
0x26f: {  	[sflag:s13] =	ssyncset.done $0x0  }
0x270: {  	[sflag:s13] =	ssyncadd.s32 $0xFFFFC000  }
0x271: {  	[spmem:s2] =	stream.indirect.scatter.add.f32 [tilespmem:s10], [sflag:$0x3], $0x80, s22, s9, $0xb8;
	[tilespmem:$0x1E000] =	vst v63  }
0x272: {  	_ =	swait.ge [sflag:s20], $0x4000  }
0x273: {  	[sflag:s20] =	ssyncset.done $0x0  }
0x274: {  	[sflag:s20] =	ssyncadd.s32 $0xFFFFC000  }
0x275: {  	[tilespmem:s14], [sflag:$0x2] =	stream.indirect.gather [hbm4b:s8+s9], $0x80, s23, s9, $0xb8;
	[tilespmem:$0x1E000] =	vst v63  }
0x276: {  	_ =	swait.ge [sflag:s15], $0x4000  }
0x277: {  	[sflag:s15] =	ssyncset.done $0x0  }
0x278: {  	[sflag:s15] =	ssyncadd.s32 $0xFFFFC000  }
0x279: {  	[spmem:s2] =	stream.indirect.scatter.add.f32 [tilespmem:s14], [sflag:$0x4], $0x80, s24, s9, $0xb8;
	[tilespmem:$0x1E000] =	vst v63  }
0x27a: {  	_ =	swait.ge [sflag:s17], $0x4000  }
0x27b: {  	[sflag:s17] =	ssyncset.done $0x0  }
0x27c: {  	[sflag:s17] =	ssyncadd.s32 $0xFFFFC000  }
0x27d: {  	[tilespmem:s10], [sflag:$0x1] =	stream.indirect.gather [hbm4b:s8+s9], $0x80, s25, s9, $0xb8;
	[tilespmem:$0x1E000] =	vst v63  }
0x27e: {  	_ =	swait.ge [sflag:s13], $0x4000  }
0x27f: {  	[sflag:s13] =	ssyncset.done $0x0  }
0x280: {  	[sflag:s13] =	ssyncadd.s32 $0xFFFFC000  }
0x281: {  	[spmem:s2] =	stream.indirect.scatter.add.f32 [tilespmem:s10], [sflag:$0x3], $0x80, s26, s9, $0xb8;
	[tilespmem:$0x1E000] =	vst v63  }
0x282: {  	_ =	swait.ge [sflag:s20], $0x4000  }
0x283: {  	[sflag:s20] =	ssyncset.done $0x0  }
0x284: {  	[sflag:s20] =	ssyncadd.s32 $0xFFFFC000  }
0x285: {  	[tilespmem:s14], [sflag:$0x2] =	stream.indirect.gather [hbm4b:s8+s9], $0x80, s28, s9, $0xb8;
	[tilespmem:$0x1E000] =	vst v63  }
0x286: {  	_ =	swait.ge [sflag:s15], $0x4000  }
0x287: {  	[sflag:s15] =	ssyncset.done $0x0  }
0x288: {  	[sflag:s15] =	ssyncadd.s32 $0xFFFFC000  }
0x289: {  	[spmem:s2] =	stream.indirect.scatter.add.f32 [tilespmem:s14], [sflag:$0x4], $0x80, s29, s9, $0xb8;
	[tilespmem:$0x1E000] =	vst v63  }
0x28a: {  	_ =	swait.ge [sflag:s17], $0x4000  }
0x28b: {  	[sflag:s17] =	ssyncset.done $0x0  }
0x28c: {  	[sflag:s17] =	ssyncadd.s32 $0xFFFFC000  }
0x28d: {  	[tilespmem:s10], [sflag:$0x1] =	stream.indirect.gather [hbm4b:s8+s9], $0x80, s30, s9, $0xb8;
	[tilespmem:$0x1E000] =	vst v63  }
0x28e: {  	_ =	swait.ge [sflag:s13], $0x4000  }
0x28f: {  	[sflag:s13] =	ssyncset.done $0x0  }
0x290: {  	[sflag:s13] =	ssyncadd.s32 $0xFFFFC000  }
0x291: {  	[spmem:s2] =	stream.indirect.scatter.add.f32 [tilespmem:s10], [sflag:$0x3], $0x80, s31, s9, $0xb8;
	[tilespmem:$0x1E000] =	vst v63  }
0x292: {  	_ =	swait.ge [sflag:s20], $0x4000  }
0x293: {  	[sflag:s20] =	ssyncset.done $0x0  }
0x294: {  	s30 =	simm.s32 $0x480;
	[sflag:s20] =	ssyncadd.s32 $0xFFFFC000  }
0x295: {  	[tilespmem:s14], [sflag:$0x2] =	stream.indirect.gather [hbm4b:s8+s9], $0x80, s30, s9, $0xb8;
	[tilespmem:$0x1E000] =	vst v63  }
0x296: {  	_ =	swait.ge [sflag:s15], $0x4000  }
0x297: {  	[sflag:s15] =	ssyncset.done $0x0  }
0x298: {  	s31 =	simm.s32 $0x1480;
	[sflag:s15] =	ssyncadd.s32 $0xFFFFC000  }
0x299: {  	[spmem:s2] =	stream.indirect.scatter.add.f32 [tilespmem:s14], [sflag:$0x4], $0x80, s31, s9, $0xb8;
	[tilespmem:$0x1E000] =	vst v63  }
0x29a: {  	_ =	swait.ge [sflag:s17], $0x4000  }
0x29b: {  	[sflag:s17] =	ssyncset.done $0x0  }
0x29c: {  	s4 =	simm.s32 $0x500;
	[sflag:s17] =	ssyncadd.s32 $0xFFFFC000  }
0x29d: {  	[tilespmem:s10], [sflag:$0x1] =	stream.indirect.gather [hbm4b:s8+s9], $0x80, s4, s9, $0xb8;
	[tilespmem:$0x1E000] =	vst v63  }
0x29e: {  	_ =	swait.ge [sflag:s13], $0x4000  }
0x29f: {  	[sflag:s13] =	ssyncset.done $0x0  }
0x2a0: {  	s6 =	simm.s32 $0x1500;
	[sflag:s13] =	ssyncadd.s32 $0xFFFFC000  }
0x2a1: {  	[spmem:s2] =	stream.indirect.scatter.add.f32 [tilespmem:s10], [sflag:$0x3], $0x80, s6, s9, $0xb8;
	[tilespmem:$0x1E000] =	vst v63  }
0x2a2: {  	_ =	swait.ge [sflag:s20], $0x4000  }
0x2a3: {  	[sflag:s20] =	ssyncset.done $0x0  }
0x2a4: {  	s7 =	simm.s32 $0x580;
	[sflag:s20] =	ssyncadd.s32 $0xFFFFC000  }
0x2a5: {  	[tilespmem:s14], [sflag:$0x2] =	stream.indirect.gather [hbm4b:s8+s9], $0x80, s7, s9, $0xb8;
	[tilespmem:$0x1E000] =	vst v63  }
0x2a6: {  	_ =	swait.ge [sflag:s15], $0x4000  }
0x2a7: {  	[sflag:s15] =	ssyncset.done $0x0  }
0x2a8: {  	s12 =	simm.s32 $0x1580;
	[sflag:s15] =	ssyncadd.s32 $0xFFFFC000  }
0x2a9: {  	[spmem:s2] =	stream.indirect.scatter.add.f32 [tilespmem:s14], [sflag:$0x4], $0x80, s12, s9, $0xb8;
	[tilespmem:$0x1E000] =	vst v63  }
0x2aa: {  	_ =	swait.ge [sflag:s17], $0x4000  }
0x2ab: {  	[sflag:s17] =	ssyncset.done $0x0  }
0x2ac: {  	s18 =	simm.s32 $0x600;
	[sflag:s17] =	ssyncadd.s32 $0xFFFFC000  }
0x2ad: {  	[tilespmem:s10], [sflag:$0x1] =	stream.indirect.gather [hbm4b:s8+s9], $0x80, s18, s9, $0xb8;
	[tilespmem:$0x1E000] =	vst v63  }
0x2ae: {  	_ =	swait.ge [sflag:s13], $0x4000  }
0x2af: {  	[sflag:s13] =	ssyncset.done $0x0  }
0x2b0: {  	s19 =	simm.s32 $0x1600;
	[sflag:s13] =	ssyncadd.s32 $0xFFFFC000  }
0x2b1: {  	[spmem:s2] =	stream.indirect.scatter.add.f32 [tilespmem:s10], [sflag:$0x3], $0x80, s19, s9, $0xb8;
	[tilespmem:$0x1E000] =	vst v63  }
0x2b2: {  	_ =	swait.ge [sflag:s20], $0x4000  }
0x2b3: {  	[sflag:s20] =	ssyncset.done $0x0  }
0x2b4: {  	s21 =	simm.s32 $0x680;
	[sflag:s20] =	ssyncadd.s32 $0xFFFFC000  }
0x2b5: {  	[tilespmem:s14], [sflag:$0x2] =	stream.indirect.gather [hbm4b:s8+s9], $0x80, s21, s9, $0xb8;
	[tilespmem:$0x1E000] =	vst v63  }
0x2b6: {  	_ =	swait.ge [sflag:s15], $0x4000  }
0x2b7: {  	[sflag:s15] =	ssyncset.done $0x0  }
0x2b8: {  	s22 =	simm.s32 $0x1680;
	[sflag:s15] =	ssyncadd.s32 $0xFFFFC000  }
0x2b9: {  	[spmem:s2] =	stream.indirect.scatter.add.f32 [tilespmem:s14], [sflag:$0x4], $0x80, s22, s9, $0xb8;
	[tilespmem:$0x1E000] =	vst v63  }
0x2ba: {  	_ =	swait.ge [sflag:s17], $0x4000  }
0x2bb: {  	[sflag:s17] =	ssyncset.done $0x0  }
0x2bc: {  	s23 =	simm.s32 $0x700;
	[sflag:s17] =	ssyncadd.s32 $0xFFFFC000  }
0x2bd: {  	[tilespmem:s10], [sflag:$0x1] =	stream.indirect.gather [hbm4b:s8+s9], $0x80, s23, s9, $0xb8;
	[tilespmem:$0x1E000] =	vst v63  }
0x2be: {  	_ =	swait.ge [sflag:s13], $0x4000  }
0x2bf: {  	[sflag:s13] =	ssyncset.done $0x0  }
0x2c0: {  	s24 =	simm.s32 $0x1700;
	[sflag:s13] =	ssyncadd.s32 $0xFFFFC000  }
0x2c1: {  	[spmem:s2] =	stream.indirect.scatter.add.f32 [tilespmem:s10], [sflag:$0x3], $0x80, s24, s9, $0xb8;
	[tilespmem:$0x1E000] =	vst v63  }
0x2c2: {  	_ =	swait.ge [sflag:s20], $0x4000  }
0x2c3: {  	[sflag:s20] =	ssyncset.done $0x0  }
0x2c4: {  	s25 =	simm.s32 $0x780;
	[sflag:s20] =	ssyncadd.s32 $0xFFFFC000  }
0x2c5: {  	[tilespmem:s14], [sflag:$0x2] =	stream.indirect.gather [hbm4b:s8+s9], $0x80, s25, s9, $0xb8;
	[tilespmem:$0x1E000] =	vst v63  }
0x2c6: {  	_ =	swait.ge [sflag:s15], $0x4000  }
0x2c7: {  	[sflag:s15] =	ssyncset.done $0x0  }
0x2c8: {  	s26 =	simm.s32 $0x1780;
	[sflag:s15] =	ssyncadd.s32 $0xFFFFC000  }
0x2c9: {  	[spmem:s2] =	stream.indirect.scatter.add.f32 [tilespmem:s14], [sflag:$0x4], $0x80, s26, s9, $0xb8;
	[tilespmem:$0x1E000] =	vst v63  }
0x2ca: {  	_ =	swait.ge [sflag:s17], $0x4000  }
0x2cb: {  	[sflag:s17] =	ssyncset.done $0x0  }
0x2cc: {  	[sflag:s17] =	ssyncadd.s32 $0xFFFFC000  }
0x2cd: {  	_ =	swait.ge [sflag:s20], $0x4000  }
0x2ce: {  	[sflag:s20] =	ssyncset.done $0x0  }
0x2cf: {  	[sflag:s20] =	ssyncadd.s32 $0xFFFFC000  }
0x2d0: {  	[bflag:$0x0] =	sbarrier.arrive $0xFFFF  }
0x2d1: {  	s28 =	rddreg [dreg:$0x12]  }
0x2d2: {  	s0 =	ssub.s32 $0x2, s28  }
0x2d3: {  	s30 =	sshrl.u32 s0, $0x1  }
0x2d4: {  	s18 =	ssub.s32 s0, s30  }
0x2d5: {  	s18 =	smax.u32 s18, $0x1  }
0x2d6: {  	p0 =	sne.s32 s18, $0x1  }
.Ltmp0:
0x2d7: {  	s29 =	rddreg [dreg:$0xf];
	(pc) =	sbr.rel @!p0 .LBB2_3-.Ltmp0, $4  }
0x2d8: {  	s31 =	rddreg [dreg:$0x10]  }
0x2d9: {  	[dreg:$0x11] =	wrdreg s11  }
0x2da: {  	[hbm:s29], [sflag:s31] =	dma.local [spmem:s11], $0x2800  }
0x2db: {  	_ =	swait.ge [sflag:s5], $0x2800;
	s18 =	sadd.s32 $0xFFFFFFFF, s18  }
0x2dc: {  	s12 =	simm.s32 $0x800;
	s11 =	simm.s32 $0x900  }
0x2dd: {  	s22 =	simm.s32 $0x1900;
	s23 =	simm.s32 $0x980;
	s24 =	simm.s32 $0x1980  }
0x2de: {  	s25 =	simm.s32 $0xA00;
	s26 =	simm.s32 $0x1A00;
	s28 =	simm.s32 $0xA80  }
0x2df: {  	s29 =	simm.s32 $0x1A80;
	s30 =	simm.s32 $0xB00;
	s31 =	simm.s32 $0x1B00  }
.LBB2_2:
0x2e0: {  	s19 =	rddreg [dreg:$0x4]  }
0x2e1: {  	[sflag:s5] =	ssyncset.done $0x0;
	s0 =	rddreg [dreg:$0x10]  }
0x2e2: {  	s4 =	rddreg [dreg:$0x11];
	[sflag:s5] =	ssyncadd.s32 $0xFFFFD800  }
0x2e3: {  	[spmem:s4], [sflag:s0] =	dma.local [hbm:s19], $0x2800  }
0x2e4: {  	_ =	swait.ge [sflag:s5], $0x2800  }
0x2e5: {  	[sflag:s5] =	ssyncset.done $0x0  }
0x2e6: {  	s4 =	rddreg [dreg:$0x5];
	[sflag:s5] =	ssyncadd.s32 $0xFFFFD800  }
0x2e7: {  	[tilespmem:s3], [sflag:$0x7] =	stream.linear.gather [hbm4b:s4+s3], $0x800, $0x38;
	[tilespmem:$0x1E000] =	vst v63  }
0x2e8: {  	_ =	swait.ge [sflag:s5], $0x800  }
0x2e9: {  	[sflag:s5] =	ssyncset.done $0x0  }
0x2ea: {  	s0 =	simm.s32 $0x1000;
	s6 =	rddreg [dreg:$0x6];
	[sflag:s5] =	ssyncadd.s32 $0xFFFFF800  }
0x2eb: {  	[tilespmem:s0], [sflag:$0x7] =	stream.linear.gather [hbm4b:s6+s3], $0x800, $0x38;
	[tilespmem:$0x1E000] =	vst v63  }
0x2ec: {  	_ =	swait.ge [sflag:s5], $0x800  }
0x2ed: {  	[sflag:s5] =	ssyncset.done $0x0  }
0x2ee: {  	[sflag:s5] =	ssyncadd.s32 $0xFFFFF800  }
0x2ef: {  	[bflag:$0x0] =	sbarrier.arrive $0xFFFF  }
0x2f0: {  	[tilespmem:s10], [sflag:$0x1] =	stream.indirect.gather [hbm4b:s8+s9], $0x80, s3, s9, $0xb8;
	[tilespmem:$0x1E000] =	vst v63  }
0x2f1: {  	s7 =	rddreg [dreg:$0x7]  }
0x2f2: {  	[tilespmem:s12], [sflag:$0x5] =	stream.linear.gather [hbm4b:s7+s3], $0x800, $0x38;
	[tilespmem:$0x1E000] =	vst v63  }
0x2f3: {  	s21 =	rddreg [dreg:$0x8];
	s7 =	simm.s32 $0x1800  }
0x2f4: {  	[tilespmem:s7], [sflag:$0x6] =	stream.linear.gather [hbm4b:s21+s3], $0x800, $0x38;
	[tilespmem:$0x1E000] =	vst v63  }
0x2f5: {  	_ =	swait.ge [sflag:s13], $0x4000  }
0x2f6: {  	[sflag:s13] =	ssyncset.done $0x0  }
0x2f7: {  	[sflag:s13] =	ssyncadd.s32 $0xFFFFC000  }
0x2f8: {  	[spmem:s2] =	stream.indirect.scatter.add.f32 [tilespmem:s10], [sflag:$0x3], $0x80, s0, s9, $0xb8;
	[tilespmem:$0x1E000] =	vst v63  }
0x2f9: {  	_ = 	snop  }
0x2fa: {  	[tilespmem:s14], [sflag:$0x2] =	stream.indirect.gather [hbm4b:s8+s9], $0x80, s9, s9, $0xb8;
	[tilespmem:$0x1E000] =	vst v63  }
0x2fb: {  	_ =	swait.ge [sflag:s15], $0x4000  }
0x2fc: {  	[sflag:s15] =	ssyncset.done $0x0  }
0x2fd: {  	s19 =	simm.s32 $0x1080;
	[sflag:s15] =	ssyncadd.s32 $0xFFFFC000  }
0x2fe: {  	[spmem:s2] =	stream.indirect.scatter.add.f32 [tilespmem:s14], [sflag:$0x4], $0x80, s19, s9, $0xb8;
	[tilespmem:$0x1E000] =	vst v63  }
0x2ff: {  	_ =	swait.ge [sflag:s17], $0x4000  }
0x300: {  	[sflag:s17] =	ssyncset.done $0x0  }
0x301: {  	s21 =	simm.s32 $0x100;
	[sflag:s17] =	ssyncadd.s32 $0xFFFFC000  }
0x302: {  	[tilespmem:s10], [sflag:$0x1] =	stream.indirect.gather [hbm4b:s8+s9], $0x80, s21, s9, $0xb8;
	[tilespmem:$0x1E000] =	vst v63  }
0x303: {  	_ =	swait.ge [sflag:s13], $0x4000  }
0x304: {  	[sflag:s13] =	ssyncset.done $0x0  }
0x305: {  	s6 =	simm.s32 $0x1100;
	[sflag:s13] =	ssyncadd.s32 $0xFFFFC000  }
0x306: {  	[spmem:s2] =	stream.indirect.scatter.add.f32 [tilespmem:s10], [sflag:$0x3], $0x80, s6, s9, $0xb8;
	[tilespmem:$0x1E000] =	vst v63  }
0x307: {  	_ =	swait.ge [sflag:s20], $0x4000  }
0x308: {  	[sflag:s20] =	ssyncset.done $0x0  }
0x309: {  	s19 =	simm.s32 $0x180;
	[sflag:s20] =	ssyncadd.s32 $0xFFFFC000  }
0x30a: {  	[tilespmem:s14], [sflag:$0x2] =	stream.indirect.gather [hbm4b:s8+s9], $0x80, s19, s9, $0xb8;
	[tilespmem:$0x1E000] =	vst v63  }
0x30b: {  	_ =	swait.ge [sflag:s15], $0x4000  }
0x30c: {  	[sflag:s15] =	ssyncset.done $0x0  }
0x30d: {  	s21 =	simm.s32 $0x1180;
	[sflag:s15] =	ssyncadd.s32 $0xFFFFC000  }
0x30e: {  	[spmem:s2] =	stream.indirect.scatter.add.f32 [tilespmem:s14], [sflag:$0x4], $0x80, s21, s9, $0xb8;
	[tilespmem:$0x1E000] =	vst v63  }
0x30f: {  	_ =	swait.ge [sflag:s17], $0x4000  }
0x310: {  	[sflag:s17] =	ssyncset.done $0x0  }
0x311: {  	s6 =	simm.s32 $0x200;
	[sflag:s17] =	ssyncadd.s32 $0xFFFFC000  }
0x312: {  	[tilespmem:s10], [sflag:$0x1] =	stream.indirect.gather [hbm4b:s8+s9], $0x80, s6, s9, $0xb8;
	[tilespmem:$0x1E000] =	vst v63  }
0x313: {  	_ =	swait.ge [sflag:s13], $0x4000  }
0x314: {  	[sflag:s13] =	ssyncset.done $0x0  }
0x315: {  	s19 =	simm.s32 $0x1200;
	[sflag:s13] =	ssyncadd.s32 $0xFFFFC000  }
0x316: {  	[spmem:s2] =	stream.indirect.scatter.add.f32 [tilespmem:s10], [sflag:$0x3], $0x80, s19, s9, $0xb8;
	[tilespmem:$0x1E000] =	vst v63  }
0x317: {  	_ =	swait.ge [sflag:s20], $0x4000  }
0x318: {  	[sflag:s20] =	ssyncset.done $0x0  }
0x319: {  	s21 =	simm.s32 $0x280;
	[sflag:s20] =	ssyncadd.s32 $0xFFFFC000  }
0x31a: {  	[tilespmem:s14], [sflag:$0x2] =	stream.indirect.gather [hbm4b:s8+s9], $0x80, s21, s9, $0xb8;
	[tilespmem:$0x1E000] =	vst v63  }
0x31b: {  	_ =	swait.ge [sflag:s15], $0x4000  }
0x31c: {  	[sflag:s15] =	ssyncset.done $0x0  }
0x31d: {  	s6 =	simm.s32 $0x1280;
	[sflag:s15] =	ssyncadd.s32 $0xFFFFC000  }
0x31e: {  	[spmem:s2] =	stream.indirect.scatter.add.f32 [tilespmem:s14], [sflag:$0x4], $0x80, s6, s9, $0xb8;
	[tilespmem:$0x1E000] =	vst v63  }
0x31f: {  	_ =	swait.ge [sflag:s17], $0x4000  }
0x320: {  	[sflag:s17] =	ssyncset.done $0x0  }
0x321: {  	s19 =	simm.s32 $0x300;
	[sflag:s17] =	ssyncadd.s32 $0xFFFFC000  }
0x322: {  	[tilespmem:s10], [sflag:$0x1] =	stream.indirect.gather [hbm4b:s8+s9], $0x80, s19, s9, $0xb8;
	[tilespmem:$0x1E000] =	vst v63  }
0x323: {  	_ =	swait.ge [sflag:s13], $0x4000  }
0x324: {  	[sflag:s13] =	ssyncset.done $0x0  }
0x325: {  	s21 =	simm.s32 $0x1300;
	[sflag:s13] =	ssyncadd.s32 $0xFFFFC000  }
0x326: {  	[spmem:s2] =	stream.indirect.scatter.add.f32 [tilespmem:s10], [sflag:$0x3], $0x80, s21, s9, $0xb8;
	[tilespmem:$0x1E000] =	vst v63  }
0x327: {  	_ =	swait.ge [sflag:s20], $0x4000  }
0x328: {  	[sflag:s20] =	ssyncset.done $0x0  }
0x329: {  	s6 =	simm.s32 $0x380;
	[sflag:s20] =	ssyncadd.s32 $0xFFFFC000  }
0x32a: {  	[tilespmem:s14], [sflag:$0x2] =	stream.indirect.gather [hbm4b:s8+s9], $0x80, s6, s9, $0xb8;
	[tilespmem:$0x1E000] =	vst v63  }
0x32b: {  	_ =	swait.ge [sflag:s15], $0x4000  }
0x32c: {  	[sflag:s15] =	ssyncset.done $0x0  }
0x32d: {  	s19 =	simm.s32 $0x1380;
	[sflag:s15] =	ssyncadd.s32 $0xFFFFC000  }
0x32e: {  	[spmem:s2] =	stream.indirect.scatter.add.f32 [tilespmem:s14], [sflag:$0x4], $0x80, s19, s9, $0xb8;
	[tilespmem:$0x1E000] =	vst v63  }
0x32f: {  	_ =	swait.ge [sflag:s17], $0x4000  }
0x330: {  	[sflag:s17] =	ssyncset.done $0x0  }
0x331: {  	s21 =	simm.s32 $0x400;
	[sflag:s17] =	ssyncadd.s32 $0xFFFFC000  }
0x332: {  	[tilespmem:s10], [sflag:$0x1] =	stream.indirect.gather [hbm4b:s8+s9], $0x80, s21, s9, $0xb8;
	[tilespmem:$0x1E000] =	vst v63  }
0x333: {  	_ =	swait.ge [sflag:s13], $0x4000  }
0x334: {  	[sflag:s13] =	ssyncset.done $0x0  }
0x335: {  	s6 =	simm.s32 $0x1400;
	[sflag:s13] =	ssyncadd.s32 $0xFFFFC000  }
0x336: {  	[spmem:s2] =	stream.indirect.scatter.add.f32 [tilespmem:s10], [sflag:$0x3], $0x80, s6, s9, $0xb8;
	[tilespmem:$0x1E000] =	vst v63  }
0x337: {  	_ =	swait.ge [sflag:s20], $0x4000  }
0x338: {  	[sflag:s20] =	ssyncset.done $0x0  }
0x339: {  	s19 =	simm.s32 $0x480;
	[sflag:s20] =	ssyncadd.s32 $0xFFFFC000  }
0x33a: {  	[tilespmem:s14], [sflag:$0x2] =	stream.indirect.gather [hbm4b:s8+s9], $0x80, s19, s9, $0xb8;
	[tilespmem:$0x1E000] =	vst v63  }
0x33b: {  	_ =	swait.ge [sflag:s15], $0x4000  }
0x33c: {  	[sflag:s15] =	ssyncset.done $0x0  }
0x33d: {  	s21 =	simm.s32 $0x1480;
	[sflag:s15] =	ssyncadd.s32 $0xFFFFC000  }
0x33e: {  	[spmem:s2] =	stream.indirect.scatter.add.f32 [tilespmem:s14], [sflag:$0x4], $0x80, s21, s9, $0xb8;
	[tilespmem:$0x1E000] =	vst v63  }
0x33f: {  	_ =	swait.ge [sflag:s17], $0x4000  }
0x340: {  	[sflag:s17] =	ssyncset.done $0x0  }
0x341: {  	s6 =	simm.s32 $0x500;
	[sflag:s17] =	ssyncadd.s32 $0xFFFFC000  }
0x342: {  	[tilespmem:s10], [sflag:$0x1] =	stream.indirect.gather [hbm4b:s8+s9], $0x80, s6, s9, $0xb8;
	[tilespmem:$0x1E000] =	vst v63  }
0x343: {  	_ =	swait.ge [sflag:s13], $0x4000  }
0x344: {  	[sflag:s13] =	ssyncset.done $0x0  }
0x345: {  	s19 =	simm.s32 $0x1500;
	[sflag:s13] =	ssyncadd.s32 $0xFFFFC000  }
0x346: {  	[spmem:s2] =	stream.indirect.scatter.add.f32 [tilespmem:s10], [sflag:$0x3], $0x80, s19, s9, $0xb8;
	[tilespmem:$0x1E000] =	vst v63  }
0x347: {  	_ =	swait.ge [sflag:s20], $0x4000  }
0x348: {  	[sflag:s20] =	ssyncset.done $0x0  }
0x349: {  	s21 =	simm.s32 $0x580;
	[sflag:s20] =	ssyncadd.s32 $0xFFFFC000  }
0x34a: {  	[tilespmem:s14], [sflag:$0x2] =	stream.indirect.gather [hbm4b:s8+s9], $0x80, s21, s9, $0xb8;
	[tilespmem:$0x1E000] =	vst v63  }
0x34b: {  	_ =	swait.ge [sflag:s15], $0x4000  }
0x34c: {  	[sflag:s15] =	ssyncset.done $0x0  }
0x34d: {  	s6 =	simm.s32 $0x1580;
	[sflag:s15] =	ssyncadd.s32 $0xFFFFC000  }
0x34e: {  	[spmem:s2] =	stream.indirect.scatter.add.f32 [tilespmem:s14], [sflag:$0x4], $0x80, s6, s9, $0xb8;
	[tilespmem:$0x1E000] =	vst v63  }
0x34f: {  	_ =	swait.ge [sflag:s17], $0x4000  }
0x350: {  	[sflag:s17] =	ssyncset.done $0x0  }
0x351: {  	s19 =	simm.s32 $0x600;
	[sflag:s17] =	ssyncadd.s32 $0xFFFFC000  }
0x352: {  	[tilespmem:s10], [sflag:$0x1] =	stream.indirect.gather [hbm4b:s8+s9], $0x80, s19, s9, $0xb8;
	[tilespmem:$0x1E000] =	vst v63  }
0x353: {  	_ =	swait.ge [sflag:s13], $0x4000  }
0x354: {  	[sflag:s13] =	ssyncset.done $0x0  }
0x355: {  	s21 =	simm.s32 $0x1600;
	[sflag:s13] =	ssyncadd.s32 $0xFFFFC000  }
0x356: {  	[spmem:s2] =	stream.indirect.scatter.add.f32 [tilespmem:s10], [sflag:$0x3], $0x80, s21, s9, $0xb8;
	[tilespmem:$0x1E000] =	vst v63  }
0x357: {  	_ =	swait.ge [sflag:s20], $0x4000  }
0x358: {  	[sflag:s20] =	ssyncset.done $0x0  }
0x359: {  	s6 =	simm.s32 $0x680;
	[sflag:s20] =	ssyncadd.s32 $0xFFFFC000  }
0x35a: {  	[tilespmem:s14], [sflag:$0x2] =	stream.indirect.gather [hbm4b:s8+s9], $0x80, s6, s9, $0xb8;
	[tilespmem:$0x1E000] =	vst v63  }
0x35b: {  	_ =	swait.ge [sflag:s15], $0x4000  }
0x35c: {  	[sflag:s15] =	ssyncset.done $0x0  }
0x35d: {  	s19 =	simm.s32 $0x1680;
	[sflag:s15] =	ssyncadd.s32 $0xFFFFC000  }
0x35e: {  	[spmem:s2] =	stream.indirect.scatter.add.f32 [tilespmem:s14], [sflag:$0x4], $0x80, s19, s9, $0xb8;
	[tilespmem:$0x1E000] =	vst v63  }
0x35f: {  	_ =	swait.ge [sflag:s17], $0x4000  }
0x360: {  	[sflag:s17] =	ssyncset.done $0x0  }
0x361: {  	s21 =	simm.s32 $0x700;
	[sflag:s17] =	ssyncadd.s32 $0xFFFFC000  }
0x362: {  	[tilespmem:s10], [sflag:$0x1] =	stream.indirect.gather [hbm4b:s8+s9], $0x80, s21, s9, $0xb8;
	[tilespmem:$0x1E000] =	vst v63  }
0x363: {  	_ =	swait.ge [sflag:s13], $0x4000  }
0x364: {  	[sflag:s13] =	ssyncset.done $0x0  }
0x365: {  	s6 =	simm.s32 $0x1700;
	[sflag:s13] =	ssyncadd.s32 $0xFFFFC000  }
0x366: {  	[spmem:s2] =	stream.indirect.scatter.add.f32 [tilespmem:s10], [sflag:$0x3], $0x80, s6, s9, $0xb8;
	[tilespmem:$0x1E000] =	vst v63  }
0x367: {  	_ =	swait.ge [sflag:s20], $0x4000  }
0x368: {  	[sflag:s20] =	ssyncset.done $0x0  }
0x369: {  	s19 =	simm.s32 $0x780;
	[sflag:s20] =	ssyncadd.s32 $0xFFFFC000  }
0x36a: {  	[tilespmem:s14], [sflag:$0x2] =	stream.indirect.gather [hbm4b:s8+s9], $0x80, s19, s9, $0xb8;
	[tilespmem:$0x1E000] =	vst v63  }
0x36b: {  	_ =	swait.ge [sflag:s15], $0x4000  }
0x36c: {  	[sflag:s15] =	ssyncset.done $0x0  }
0x36d: {  	s21 =	simm.s32 $0x1780;
	[sflag:s15] =	ssyncadd.s32 $0xFFFFC000  }
0x36e: {  	[spmem:s2] =	stream.indirect.scatter.add.f32 [tilespmem:s14], [sflag:$0x4], $0x80, s21, s9, $0xb8;
	[tilespmem:$0x1E000] =	vst v63  }
0x36f: {  	_ =	swait.ge [sflag:s17], $0x4000  }
0x370: {  	[sflag:s17] =	ssyncset.done $0x0  }
0x371: {  	[sflag:s17] =	ssyncadd.s32 $0xFFFFC000  }
0x372: {  	_ =	swait.ge [sflag:s20], $0x4000  }
0x373: {  	[sflag:s20] =	ssyncset.done $0x0  }
0x374: {  	[sflag:s20] =	ssyncadd.s32 $0xFFFFC000  }
0x375: {  	_ =	swait.ge [sflag:s1], $0x800  }
0x376: {  	[sflag:s1] =	ssyncset.done $0x0  }
0x377: {  	[sflag:s1] =	ssyncadd.s32 $0xFFFFF800  }
0x378: {  	_ =	swait.ge [sflag:s16], $0x800  }
0x379: {  	[sflag:s16] =	ssyncset.done $0x0  }
0x37a: {  	[sflag:s16] =	ssyncadd.s32 $0xFFFFF800  }
0x37b: {  	[tilespmem:s10], [sflag:$0x1] =	stream.indirect.gather [hbm4b:s8+s9], $0x80, s12, s9, $0xb8;
	[tilespmem:$0x1E000] =	vst v63  }
0x37c: {  	s4 =	rddreg [dreg:$0x9]  }
0x37d: {  	[tilespmem:s3], [sflag:$0x5] =	stream.linear.gather [hbm4b:s4+s3], $0x800, $0x38;
	[tilespmem:$0x1E000] =	vst v63  }
0x37e: {  	s6 =	rddreg [dreg:$0xa]  }
0x37f: {  	[tilespmem:s0], [sflag:$0x6] =	stream.linear.gather [hbm4b:s6+s3], $0x800, $0x38;
	[tilespmem:$0x1E000] =	vst v63  }
0x380: {  	_ =	swait.ge [sflag:s13], $0x4000  }
0x381: {  	[sflag:s13] =	ssyncset.done $0x0  }
0x382: {  	[sflag:s13] =	ssyncadd.s32 $0xFFFFC000  }
0x383: {  	[spmem:s2] =	stream.indirect.scatter.add.f32 [tilespmem:s10], [sflag:$0x3], $0x80, s7, s9, $0xb8;
	[tilespmem:$0x1E000] =	vst v63  }
0x384: {  	s19 =	simm.s32 $0x880  }
0x385: {  	[tilespmem:s14], [sflag:$0x2] =	stream.indirect.gather [hbm4b:s8+s9], $0x80, s19, s9, $0xb8;
	[tilespmem:$0x1E000] =	vst v63  }
0x386: {  	_ =	swait.ge [sflag:s15], $0x4000  }
0x387: {  	[sflag:s15] =	ssyncset.done $0x0  }
0x388: {  	s6 =	simm.s32 $0x1880;
	[sflag:s15] =	ssyncadd.s32 $0xFFFFC000  }
0x389: {  	[spmem:s2] =	stream.indirect.scatter.add.f32 [tilespmem:s14], [sflag:$0x4], $0x80, s6, s9, $0xb8;
	[tilespmem:$0x1E000] =	vst v63  }
0x38a: {  	_ =	swait.ge [sflag:s17], $0x4000  }
0x38b: {  	[sflag:s17] =	ssyncset.done $0x0  }
0x38c: {  	[sflag:s17] =	ssyncadd.s32 $0xFFFFC000  }
0x38d: {  	[tilespmem:s10], [sflag:$0x1] =	stream.indirect.gather [hbm4b:s8+s9], $0x80, s11, s9, $0xb8;
	[tilespmem:$0x1E000] =	vst v63  }
0x38e: {  	_ =	swait.ge [sflag:s13], $0x4000  }
0x38f: {  	[sflag:s13] =	ssyncset.done $0x0  }
0x390: {  	[sflag:s13] =	ssyncadd.s32 $0xFFFFC000  }
0x391: {  	[spmem:s2] =	stream.indirect.scatter.add.f32 [tilespmem:s10], [sflag:$0x3], $0x80, s22, s9, $0xb8;
	[tilespmem:$0x1E000] =	vst v63  }
0x392: {  	_ =	swait.ge [sflag:s20], $0x4000  }
0x393: {  	[sflag:s20] =	ssyncset.done $0x0  }
0x394: {  	[sflag:s20] =	ssyncadd.s32 $0xFFFFC000  }
0x395: {  	[tilespmem:s14], [sflag:$0x2] =	stream.indirect.gather [hbm4b:s8+s9], $0x80, s23, s9, $0xb8;
	[tilespmem:$0x1E000] =	vst v63  }
0x396: {  	_ =	swait.ge [sflag:s15], $0x4000  }
0x397: {  	[sflag:s15] =	ssyncset.done $0x0  }
0x398: {  	[sflag:s15] =	ssyncadd.s32 $0xFFFFC000  }
0x399: {  	[spmem:s2] =	stream.indirect.scatter.add.f32 [tilespmem:s14], [sflag:$0x4], $0x80, s24, s9, $0xb8;
	[tilespmem:$0x1E000] =	vst v63  }
0x39a: {  	_ =	swait.ge [sflag:s17], $0x4000  }
0x39b: {  	[sflag:s17] =	ssyncset.done $0x0  }
0x39c: {  	[sflag:s17] =	ssyncadd.s32 $0xFFFFC000  }
0x39d: {  	[tilespmem:s10], [sflag:$0x1] =	stream.indirect.gather [hbm4b:s8+s9], $0x80, s25, s9, $0xb8;
	[tilespmem:$0x1E000] =	vst v63  }
0x39e: {  	_ =	swait.ge [sflag:s13], $0x4000  }
0x39f: {  	[sflag:s13] =	ssyncset.done $0x0  }
0x3a0: {  	[sflag:s13] =	ssyncadd.s32 $0xFFFFC000  }
0x3a1: {  	[spmem:s2] =	stream.indirect.scatter.add.f32 [tilespmem:s10], [sflag:$0x3], $0x80, s26, s9, $0xb8;
	[tilespmem:$0x1E000] =	vst v63  }
0x3a2: {  	_ =	swait.ge [sflag:s20], $0x4000  }
0x3a3: {  	[sflag:s20] =	ssyncset.done $0x0  }
0x3a4: {  	[sflag:s20] =	ssyncadd.s32 $0xFFFFC000  }
0x3a5: {  	[tilespmem:s14], [sflag:$0x2] =	stream.indirect.gather [hbm4b:s8+s9], $0x80, s28, s9, $0xb8;
	[tilespmem:$0x1E000] =	vst v63  }
0x3a6: {  	_ =	swait.ge [sflag:s15], $0x4000  }
0x3a7: {  	[sflag:s15] =	ssyncset.done $0x0  }
0x3a8: {  	[sflag:s15] =	ssyncadd.s32 $0xFFFFC000  }
0x3a9: {  	[spmem:s2] =	stream.indirect.scatter.add.f32 [tilespmem:s14], [sflag:$0x4], $0x80, s29, s9, $0xb8;
	[tilespmem:$0x1E000] =	vst v63  }
0x3aa: {  	_ =	swait.ge [sflag:s17], $0x4000  }
0x3ab: {  	[sflag:s17] =	ssyncset.done $0x0  }
0x3ac: {  	[sflag:s17] =	ssyncadd.s32 $0xFFFFC000  }
0x3ad: {  	[tilespmem:s10], [sflag:$0x1] =	stream.indirect.gather [hbm4b:s8+s9], $0x80, s30, s9, $0xb8;
	[tilespmem:$0x1E000] =	vst v63  }
0x3ae: {  	_ =	swait.ge [sflag:s13], $0x4000  }
0x3af: {  	[sflag:s13] =	ssyncset.done $0x0  }
0x3b0: {  	[sflag:s13] =	ssyncadd.s32 $0xFFFFC000  }
0x3b1: {  	[spmem:s2] =	stream.indirect.scatter.add.f32 [tilespmem:s10], [sflag:$0x3], $0x80, s31, s9, $0xb8;
	[tilespmem:$0x1E000] =	vst v63  }
0x3b2: {  	_ =	swait.ge [sflag:s20], $0x4000  }
0x3b3: {  	[sflag:s20] =	ssyncset.done $0x0  }
0x3b4: {  	s21 =	simm.s32 $0xB80;
	[sflag:s20] =	ssyncadd.s32 $0xFFFFC000  }
0x3b5: {  	[tilespmem:s14], [sflag:$0x2] =	stream.indirect.gather [hbm4b:s8+s9], $0x80, s21, s9, $0xb8;
	[tilespmem:$0x1E000] =	vst v63  }
0x3b6: {  	_ =	swait.ge [sflag:s15], $0x4000  }
0x3b7: {  	[sflag:s15] =	ssyncset.done $0x0  }
0x3b8: {  	s19 =	simm.s32 $0x1B80;
	[sflag:s15] =	ssyncadd.s32 $0xFFFFC000  }
0x3b9: {  	[spmem:s2] =	stream.indirect.scatter.add.f32 [tilespmem:s14], [sflag:$0x4], $0x80, s19, s9, $0xb8;
	[tilespmem:$0x1E000] =	vst v63  }
0x3ba: {  	_ =	swait.ge [sflag:s17], $0x4000  }
0x3bb: {  	[sflag:s17] =	ssyncset.done $0x0  }
0x3bc: {  	s21 =	simm.s32 $0xC00;
	[sflag:s17] =	ssyncadd.s32 $0xFFFFC000  }
0x3bd: {  	[tilespmem:s10], [sflag:$0x1] =	stream.indirect.gather [hbm4b:s8+s9], $0x80, s21, s9, $0xb8;
	[tilespmem:$0x1E000] =	vst v63  }
0x3be: {  	_ =	swait.ge [sflag:s13], $0x4000  }
0x3bf: {  	[sflag:s13] =	ssyncset.done $0x0  }
0x3c0: {  	s19 =	simm.s32 $0x1C00;
	[sflag:s13] =	ssyncadd.s32 $0xFFFFC000  }
0x3c1: {  	[spmem:s2] =	stream.indirect.scatter.add.f32 [tilespmem:s10], [sflag:$0x3], $0x80, s19, s9, $0xb8;
	[tilespmem:$0x1E000] =	vst v63  }
0x3c2: {  	_ =	swait.ge [sflag:s20], $0x4000  }
0x3c3: {  	[sflag:s20] =	ssyncset.done $0x0  }
0x3c4: {  	s21 =	simm.s32 $0xC80;
	[sflag:s20] =	ssyncadd.s32 $0xFFFFC000  }
0x3c5: {  	[tilespmem:s14], [sflag:$0x2] =	stream.indirect.gather [hbm4b:s8+s9], $0x80, s21, s9, $0xb8;
	[tilespmem:$0x1E000] =	vst v63  }
0x3c6: {  	_ =	swait.ge [sflag:s15], $0x4000  }
0x3c7: {  	[sflag:s15] =	ssyncset.done $0x0  }
0x3c8: {  	s19 =	simm.s32 $0x1C80;
	[sflag:s15] =	ssyncadd.s32 $0xFFFFC000  }
0x3c9: {  	[spmem:s2] =	stream.indirect.scatter.add.f32 [tilespmem:s14], [sflag:$0x4], $0x80, s19, s9, $0xb8;
	[tilespmem:$0x1E000] =	vst v63  }
0x3ca: {  	_ =	swait.ge [sflag:s17], $0x4000  }
0x3cb: {  	[sflag:s17] =	ssyncset.done $0x0  }
0x3cc: {  	s21 =	simm.s32 $0xD00;
	[sflag:s17] =	ssyncadd.s32 $0xFFFFC000  }
0x3cd: {  	[tilespmem:s10], [sflag:$0x1] =	stream.indirect.gather [hbm4b:s8+s9], $0x80, s21, s9, $0xb8;
	[tilespmem:$0x1E000] =	vst v63  }
0x3ce: {  	_ =	swait.ge [sflag:s13], $0x4000  }
0x3cf: {  	[sflag:s13] =	ssyncset.done $0x0  }
0x3d0: {  	s19 =	simm.s32 $0x1D00;
	[sflag:s13] =	ssyncadd.s32 $0xFFFFC000  }
0x3d1: {  	[spmem:s2] =	stream.indirect.scatter.add.f32 [tilespmem:s10], [sflag:$0x3], $0x80, s19, s9, $0xb8;
	[tilespmem:$0x1E000] =	vst v63  }
0x3d2: {  	_ =	swait.ge [sflag:s20], $0x4000  }
0x3d3: {  	[sflag:s20] =	ssyncset.done $0x0  }
0x3d4: {  	s21 =	simm.s32 $0xD80;
	[sflag:s20] =	ssyncadd.s32 $0xFFFFC000  }
0x3d5: {  	[tilespmem:s14], [sflag:$0x2] =	stream.indirect.gather [hbm4b:s8+s9], $0x80, s21, s9, $0xb8;
	[tilespmem:$0x1E000] =	vst v63  }
0x3d6: {  	_ =	swait.ge [sflag:s15], $0x4000  }
0x3d7: {  	[sflag:s15] =	ssyncset.done $0x0  }
0x3d8: {  	s19 =	simm.s32 $0x1D80;
	[sflag:s15] =	ssyncadd.s32 $0xFFFFC000  }
0x3d9: {  	[spmem:s2] =	stream.indirect.scatter.add.f32 [tilespmem:s14], [sflag:$0x4], $0x80, s19, s9, $0xb8;
	[tilespmem:$0x1E000] =	vst v63  }
0x3da: {  	_ =	swait.ge [sflag:s17], $0x4000  }
0x3db: {  	[sflag:s17] =	ssyncset.done $0x0  }
0x3dc: {  	s21 =	simm.s32 $0xE00;
	[sflag:s17] =	ssyncadd.s32 $0xFFFFC000  }
0x3dd: {  	[tilespmem:s10], [sflag:$0x1] =	stream.indirect.gather [hbm4b:s8+s9], $0x80, s21, s9, $0xb8;
	[tilespmem:$0x1E000] =	vst v63  }
0x3de: {  	_ =	swait.ge [sflag:s13], $0x4000  }
0x3df: {  	[sflag:s13] =	ssyncset.done $0x0  }
0x3e0: {  	s19 =	simm.s32 $0x1E00;
	[sflag:s13] =	ssyncadd.s32 $0xFFFFC000  }
0x3e1: {  	[spmem:s2] =	stream.indirect.scatter.add.f32 [tilespmem:s10], [sflag:$0x3], $0x80, s19, s9, $0xb8;
	[tilespmem:$0x1E000] =	vst v63  }
0x3e2: {  	_ =	swait.ge [sflag:s20], $0x4000  }
0x3e3: {  	[sflag:s20] =	ssyncset.done $0x0  }
0x3e4: {  	s21 =	simm.s32 $0xE80;
	[sflag:s20] =	ssyncadd.s32 $0xFFFFC000  }
0x3e5: {  	[tilespmem:s14], [sflag:$0x2] =	stream.indirect.gather [hbm4b:s8+s9], $0x80, s21, s9, $0xb8;
	[tilespmem:$0x1E000] =	vst v63  }
0x3e6: {  	_ =	swait.ge [sflag:s15], $0x4000  }
0x3e7: {  	[sflag:s15] =	ssyncset.done $0x0  }
0x3e8: {  	s19 =	simm.s32 $0x1E80;
	[sflag:s15] =	ssyncadd.s32 $0xFFFFC000  }
0x3e9: {  	[spmem:s2] =	stream.indirect.scatter.add.f32 [tilespmem:s14], [sflag:$0x4], $0x80, s19, s9, $0xb8;
	[tilespmem:$0x1E000] =	vst v63  }
0x3ea: {  	_ =	swait.ge [sflag:s17], $0x4000  }
0x3eb: {  	[sflag:s17] =	ssyncset.done $0x0  }
0x3ec: {  	s21 =	simm.s32 $0xF00;
	[sflag:s17] =	ssyncadd.s32 $0xFFFFC000  }
0x3ed: {  	[tilespmem:s10], [sflag:$0x1] =	stream.indirect.gather [hbm4b:s8+s9], $0x80, s21, s9, $0xb8;
	[tilespmem:$0x1E000] =	vst v63  }
0x3ee: {  	_ =	swait.ge [sflag:s13], $0x4000  }
0x3ef: {  	[sflag:s13] =	ssyncset.done $0x0  }
0x3f0: {  	s19 =	simm.s32 $0x1F00;
	[sflag:s13] =	ssyncadd.s32 $0xFFFFC000  }
0x3f1: {  	[spmem:s2] =	stream.indirect.scatter.add.f32 [tilespmem:s10], [sflag:$0x3], $0x80, s19, s9, $0xb8;
	[tilespmem:$0x1E000] =	vst v63  }
0x3f2: {  	_ =	swait.ge [sflag:s20], $0x4000  }
0x3f3: {  	[sflag:s20] =	ssyncset.done $0x0  }
0x3f4: {  	s21 =	simm.s32 $0xF80;
	[sflag:s20] =	ssyncadd.s32 $0xFFFFC000  }
0x3f5: {  	[tilespmem:s14], [sflag:$0x2] =	stream.indirect.gather [hbm4b:s8+s9], $0x80, s21, s9, $0xb8;
	[tilespmem:$0x1E000] =	vst v63  }
0x3f6: {  	_ =	swait.ge [sflag:s15], $0x4000  }
0x3f7: {  	[sflag:s15] =	ssyncset.done $0x0  }
0x3f8: {  	s19 =	simm.s32 $0x1F80;
	[sflag:s15] =	ssyncadd.s32 $0xFFFFC000  }
0x3f9: {  	[spmem:s2] =	stream.indirect.scatter.add.f32 [tilespmem:s14], [sflag:$0x4], $0x80, s19, s9, $0xb8;
	[tilespmem:$0x1E000] =	vst v63  }
0x3fa: {  	_ =	swait.ge [sflag:s17], $0x4000  }
0x3fb: {  	[sflag:s17] =	ssyncset.done $0x0  }
0x3fc: {  	[sflag:s17] =	ssyncadd.s32 $0xFFFFC000  }
0x3fd: {  	_ =	swait.ge [sflag:s20], $0x4000  }
0x3fe: {  	[sflag:s20] =	ssyncset.done $0x0  }
0x3ff: {  	[sflag:s20] =	ssyncadd.s32 $0xFFFFC000  }
0x400: {  	_ =	swait.ge [sflag:s1], $0x800  }
0x401: {  	[sflag:s1] =	ssyncset.done $0x0  }
0x402: {  	[sflag:s1] =	ssyncadd.s32 $0xFFFFF800  }
0x403: {  	_ =	swait.ge [sflag:s16], $0x800  }
0x404: {  	[sflag:s16] =	ssyncset.done $0x0  }
0x405: {  	[sflag:s16] =	ssyncadd.s32 $0xFFFFF800  }
0x406: {  	[tilespmem:s10], [sflag:$0x1] =	stream.indirect.gather [hbm4b:s8+s9], $0x80, s3, s9, $0xb8;
	[tilespmem:$0x1E000] =	vst v63  }
0x407: {  	s21 =	rddreg [dreg:$0xb]  }
0x408: {  	[tilespmem:s12], [sflag:$0x5] =	stream.linear.gather [hbm4b:s21+s3], $0x800, $0x38;
	[tilespmem:$0x1E000] =	vst v63  }
0x409: {  	s4 =	rddreg [dreg:$0xc]  }
0x40a: {  	[tilespmem:s7], [sflag:$0x6] =	stream.linear.gather [hbm4b:s4+s3], $0x800, $0x38;
	[tilespmem:$0x1E000] =	vst v63  }
0x40b: {  	_ =	swait.ge [sflag:s13], $0x4000  }
0x40c: {  	[sflag:s13] =	ssyncset.done $0x0  }
0x40d: {  	[sflag:s13] =	ssyncadd.s32 $0xFFFFC000  }
0x40e: {  	[spmem:s2] =	stream.indirect.scatter.add.f32 [tilespmem:s10], [sflag:$0x3], $0x80, s0, s9, $0xb8;
	[tilespmem:$0x1E000] =	vst v63  }
0x40f: {  	_ = 	snop  }
0x410: {  	[tilespmem:s14], [sflag:$0x2] =	stream.indirect.gather [hbm4b:s8+s9], $0x80, s9, s9, $0xb8;
	[tilespmem:$0x1E000] =	vst v63  }
0x411: {  	_ =	swait.ge [sflag:s15], $0x4000  }
0x412: {  	[sflag:s15] =	ssyncset.done $0x0  }
0x413: {  	s4 =	simm.s32 $0x1080;
	[sflag:s15] =	ssyncadd.s32 $0xFFFFC000  }
0x414: {  	[spmem:s2] =	stream.indirect.scatter.add.f32 [tilespmem:s14], [sflag:$0x4], $0x80, s4, s9, $0xb8;
	[tilespmem:$0x1E000] =	vst v63  }
0x415: {  	_ =	swait.ge [sflag:s17], $0x4000  }
0x416: {  	[sflag:s17] =	ssyncset.done $0x0  }
0x417: {  	s21 =	simm.s32 $0x100;
	[sflag:s17] =	ssyncadd.s32 $0xFFFFC000  }
0x418: {  	[tilespmem:s10], [sflag:$0x1] =	stream.indirect.gather [hbm4b:s8+s9], $0x80, s21, s9, $0xb8;
	[tilespmem:$0x1E000] =	vst v63  }
0x419: {  	_ =	swait.ge [sflag:s13], $0x4000  }
0x41a: {  	[sflag:s13] =	ssyncset.done $0x0  }
0x41b: {  	s21 =	simm.s32 $0x1100;
	[sflag:s13] =	ssyncadd.s32 $0xFFFFC000  }
0x41c: {  	[spmem:s2] =	stream.indirect.scatter.add.f32 [tilespmem:s10], [sflag:$0x3], $0x80, s21, s9, $0xb8;
	[tilespmem:$0x1E000] =	vst v63  }
0x41d: {  	_ =	swait.ge [sflag:s20], $0x4000  }
0x41e: {  	[sflag:s20] =	ssyncset.done $0x0  }
0x41f: {  	s21 =	simm.s32 $0x180;
	[sflag:s20] =	ssyncadd.s32 $0xFFFFC000  }
0x420: {  	[tilespmem:s14], [sflag:$0x2] =	stream.indirect.gather [hbm4b:s8+s9], $0x80, s21, s9, $0xb8;
	[tilespmem:$0x1E000] =	vst v63  }
0x421: {  	_ =	swait.ge [sflag:s15], $0x4000  }
0x422: {  	[sflag:s15] =	ssyncset.done $0x0  }
0x423: {  	s21 =	simm.s32 $0x1180;
	[sflag:s15] =	ssyncadd.s32 $0xFFFFC000  }
0x424: {  	[spmem:s2] =	stream.indirect.scatter.add.f32 [tilespmem:s14], [sflag:$0x4], $0x80, s21, s9, $0xb8;
	[tilespmem:$0x1E000] =	vst v63  }
0x425: {  	_ =	swait.ge [sflag:s17], $0x4000  }
0x426: {  	[sflag:s17] =	ssyncset.done $0x0  }
0x427: {  	s21 =	simm.s32 $0x200;
	[sflag:s17] =	ssyncadd.s32 $0xFFFFC000  }
0x428: {  	[tilespmem:s10], [sflag:$0x1] =	stream.indirect.gather [hbm4b:s8+s9], $0x80, s21, s9, $0xb8;
	[tilespmem:$0x1E000] =	vst v63  }
0x429: {  	_ =	swait.ge [sflag:s13], $0x4000  }
0x42a: {  	[sflag:s13] =	ssyncset.done $0x0  }
0x42b: {  	s21 =	simm.s32 $0x1200;
	[sflag:s13] =	ssyncadd.s32 $0xFFFFC000  }
0x42c: {  	[spmem:s2] =	stream.indirect.scatter.add.f32 [tilespmem:s10], [sflag:$0x3], $0x80, s21, s9, $0xb8;
	[tilespmem:$0x1E000] =	vst v63  }
0x42d: {  	_ =	swait.ge [sflag:s20], $0x4000  }
0x42e: {  	[sflag:s20] =	ssyncset.done $0x0  }
0x42f: {  	s21 =	simm.s32 $0x280;
	[sflag:s20] =	ssyncadd.s32 $0xFFFFC000  }
0x430: {  	[tilespmem:s14], [sflag:$0x2] =	stream.indirect.gather [hbm4b:s8+s9], $0x80, s21, s9, $0xb8;
	[tilespmem:$0x1E000] =	vst v63  }
0x431: {  	_ =	swait.ge [sflag:s15], $0x4000  }
0x432: {  	[sflag:s15] =	ssyncset.done $0x0  }
0x433: {  	s21 =	simm.s32 $0x1280;
	[sflag:s15] =	ssyncadd.s32 $0xFFFFC000  }
0x434: {  	[spmem:s2] =	stream.indirect.scatter.add.f32 [tilespmem:s14], [sflag:$0x4], $0x80, s21, s9, $0xb8;
	[tilespmem:$0x1E000] =	vst v63  }
0x435: {  	_ =	swait.ge [sflag:s17], $0x4000  }
0x436: {  	[sflag:s17] =	ssyncset.done $0x0  }
0x437: {  	s21 =	simm.s32 $0x300;
	[sflag:s17] =	ssyncadd.s32 $0xFFFFC000  }
0x438: {  	[tilespmem:s10], [sflag:$0x1] =	stream.indirect.gather [hbm4b:s8+s9], $0x80, s21, s9, $0xb8;
	[tilespmem:$0x1E000] =	vst v63  }
0x439: {  	_ =	swait.ge [sflag:s13], $0x4000  }
0x43a: {  	[sflag:s13] =	ssyncset.done $0x0  }
0x43b: {  	s21 =	simm.s32 $0x1300;
	[sflag:s13] =	ssyncadd.s32 $0xFFFFC000  }
0x43c: {  	[spmem:s2] =	stream.indirect.scatter.add.f32 [tilespmem:s10], [sflag:$0x3], $0x80, s21, s9, $0xb8;
	[tilespmem:$0x1E000] =	vst v63  }
0x43d: {  	_ =	swait.ge [sflag:s20], $0x4000  }
0x43e: {  	[sflag:s20] =	ssyncset.done $0x0  }
0x43f: {  	s21 =	simm.s32 $0x380;
	[sflag:s20] =	ssyncadd.s32 $0xFFFFC000  }
0x440: {  	[tilespmem:s14], [sflag:$0x2] =	stream.indirect.gather [hbm4b:s8+s9], $0x80, s21, s9, $0xb8;
	[tilespmem:$0x1E000] =	vst v63  }
0x441: {  	_ =	swait.ge [sflag:s15], $0x4000  }
0x442: {  	[sflag:s15] =	ssyncset.done $0x0  }
0x443: {  	s21 =	simm.s32 $0x1380;
	[sflag:s15] =	ssyncadd.s32 $0xFFFFC000  }
0x444: {  	[spmem:s2] =	stream.indirect.scatter.add.f32 [tilespmem:s14], [sflag:$0x4], $0x80, s21, s9, $0xb8;
	[tilespmem:$0x1E000] =	vst v63  }
0x445: {  	_ =	swait.ge [sflag:s17], $0x4000  }
0x446: {  	[sflag:s17] =	ssyncset.done $0x0  }
0x447: {  	s21 =	simm.s32 $0x400;
	[sflag:s17] =	ssyncadd.s32 $0xFFFFC000  }
0x448: {  	[tilespmem:s10], [sflag:$0x1] =	stream.indirect.gather [hbm4b:s8+s9], $0x80, s21, s9, $0xb8;
	[tilespmem:$0x1E000] =	vst v63  }
0x449: {  	_ =	swait.ge [sflag:s13], $0x4000  }
0x44a: {  	[sflag:s13] =	ssyncset.done $0x0  }
0x44b: {  	s21 =	simm.s32 $0x1400;
	[sflag:s13] =	ssyncadd.s32 $0xFFFFC000  }
0x44c: {  	[spmem:s2] =	stream.indirect.scatter.add.f32 [tilespmem:s10], [sflag:$0x3], $0x80, s21, s9, $0xb8;
	[tilespmem:$0x1E000] =	vst v63  }
0x44d: {  	_ =	swait.ge [sflag:s20], $0x4000  }
0x44e: {  	[sflag:s20] =	ssyncset.done $0x0  }
0x44f: {  	s21 =	simm.s32 $0x480;
	[sflag:s20] =	ssyncadd.s32 $0xFFFFC000  }
0x450: {  	[tilespmem:s14], [sflag:$0x2] =	stream.indirect.gather [hbm4b:s8+s9], $0x80, s21, s9, $0xb8;
	[tilespmem:$0x1E000] =	vst v63  }
0x451: {  	_ =	swait.ge [sflag:s15], $0x4000  }
0x452: {  	[sflag:s15] =	ssyncset.done $0x0  }
0x453: {  	s21 =	simm.s32 $0x1480;
	[sflag:s15] =	ssyncadd.s32 $0xFFFFC000  }
0x454: {  	[spmem:s2] =	stream.indirect.scatter.add.f32 [tilespmem:s14], [sflag:$0x4], $0x80, s21, s9, $0xb8;
	[tilespmem:$0x1E000] =	vst v63  }
0x455: {  	_ =	swait.ge [sflag:s17], $0x4000  }
0x456: {  	[sflag:s17] =	ssyncset.done $0x0  }
0x457: {  	s21 =	simm.s32 $0x500;
	[sflag:s17] =	ssyncadd.s32 $0xFFFFC000  }
0x458: {  	[tilespmem:s10], [sflag:$0x1] =	stream.indirect.gather [hbm4b:s8+s9], $0x80, s21, s9, $0xb8;
	[tilespmem:$0x1E000] =	vst v63  }
0x459: {  	_ =	swait.ge [sflag:s13], $0x4000  }
0x45a: {  	[sflag:s13] =	ssyncset.done $0x0  }
0x45b: {  	s21 =	simm.s32 $0x1500;
	[sflag:s13] =	ssyncadd.s32 $0xFFFFC000  }
0x45c: {  	[spmem:s2] =	stream.indirect.scatter.add.f32 [tilespmem:s10], [sflag:$0x3], $0x80, s21, s9, $0xb8;
	[tilespmem:$0x1E000] =	vst v63  }
0x45d: {  	_ =	swait.ge [sflag:s20], $0x4000  }
0x45e: {  	[sflag:s20] =	ssyncset.done $0x0  }
0x45f: {  	s21 =	simm.s32 $0x580;
	[sflag:s20] =	ssyncadd.s32 $0xFFFFC000  }
0x460: {  	[tilespmem:s14], [sflag:$0x2] =	stream.indirect.gather [hbm4b:s8+s9], $0x80, s21, s9, $0xb8;
	[tilespmem:$0x1E000] =	vst v63  }
0x461: {  	_ =	swait.ge [sflag:s15], $0x4000  }
0x462: {  	[sflag:s15] =	ssyncset.done $0x0  }
0x463: {  	s21 =	simm.s32 $0x1580;
	[sflag:s15] =	ssyncadd.s32 $0xFFFFC000  }
0x464: {  	[spmem:s2] =	stream.indirect.scatter.add.f32 [tilespmem:s14], [sflag:$0x4], $0x80, s21, s9, $0xb8;
	[tilespmem:$0x1E000] =	vst v63  }
0x465: {  	_ =	swait.ge [sflag:s17], $0x4000  }
0x466: {  	[sflag:s17] =	ssyncset.done $0x0  }
0x467: {  	s21 =	simm.s32 $0x600;
	[sflag:s17] =	ssyncadd.s32 $0xFFFFC000  }
0x468: {  	[tilespmem:s10], [sflag:$0x1] =	stream.indirect.gather [hbm4b:s8+s9], $0x80, s21, s9, $0xb8;
	[tilespmem:$0x1E000] =	vst v63  }
0x469: {  	_ =	swait.ge [sflag:s13], $0x4000  }
0x46a: {  	[sflag:s13] =	ssyncset.done $0x0  }
0x46b: {  	s21 =	simm.s32 $0x1600;
	[sflag:s13] =	ssyncadd.s32 $0xFFFFC000  }
0x46c: {  	[spmem:s2] =	stream.indirect.scatter.add.f32 [tilespmem:s10], [sflag:$0x3], $0x80, s21, s9, $0xb8;
	[tilespmem:$0x1E000] =	vst v63  }
0x46d: {  	_ =	swait.ge [sflag:s20], $0x4000  }
0x46e: {  	[sflag:s20] =	ssyncset.done $0x0  }
0x46f: {  	s21 =	simm.s32 $0x680;
	[sflag:s20] =	ssyncadd.s32 $0xFFFFC000  }
0x470: {  	[tilespmem:s14], [sflag:$0x2] =	stream.indirect.gather [hbm4b:s8+s9], $0x80, s21, s9, $0xb8;
	[tilespmem:$0x1E000] =	vst v63  }
0x471: {  	_ =	swait.ge [sflag:s15], $0x4000  }
0x472: {  	[sflag:s15] =	ssyncset.done $0x0  }
0x473: {  	s21 =	simm.s32 $0x1680;
	[sflag:s15] =	ssyncadd.s32 $0xFFFFC000  }
0x474: {  	[spmem:s2] =	stream.indirect.scatter.add.f32 [tilespmem:s14], [sflag:$0x4], $0x80, s21, s9, $0xb8;
	[tilespmem:$0x1E000] =	vst v63  }
0x475: {  	_ =	swait.ge [sflag:s17], $0x4000  }
0x476: {  	[sflag:s17] =	ssyncset.done $0x0  }
0x477: {  	s21 =	simm.s32 $0x700;
	[sflag:s17] =	ssyncadd.s32 $0xFFFFC000  }
0x478: {  	[tilespmem:s10], [sflag:$0x1] =	stream.indirect.gather [hbm4b:s8+s9], $0x80, s21, s9, $0xb8;
	[tilespmem:$0x1E000] =	vst v63  }
0x479: {  	_ =	swait.ge [sflag:s13], $0x4000  }
0x47a: {  	[sflag:s13] =	ssyncset.done $0x0  }
0x47b: {  	s21 =	simm.s32 $0x1700;
	[sflag:s13] =	ssyncadd.s32 $0xFFFFC000  }
0x47c: {  	[spmem:s2] =	stream.indirect.scatter.add.f32 [tilespmem:s10], [sflag:$0x3], $0x80, s21, s9, $0xb8;
	[tilespmem:$0x1E000] =	vst v63  }
0x47d: {  	_ =	swait.ge [sflag:s20], $0x4000  }
0x47e: {  	[sflag:s20] =	ssyncset.done $0x0  }
0x47f: {  	s21 =	simm.s32 $0x780;
	[sflag:s20] =	ssyncadd.s32 $0xFFFFC000  }
0x480: {  	[tilespmem:s14], [sflag:$0x2] =	stream.indirect.gather [hbm4b:s8+s9], $0x80, s21, s9, $0xb8;
	[tilespmem:$0x1E000] =	vst v63  }
0x481: {  	_ =	swait.ge [sflag:s15], $0x4000  }
0x482: {  	[sflag:s15] =	ssyncset.done $0x0  }
0x483: {  	s21 =	simm.s32 $0x1780;
	[sflag:s15] =	ssyncadd.s32 $0xFFFFC000  }
0x484: {  	[spmem:s2] =	stream.indirect.scatter.add.f32 [tilespmem:s14], [sflag:$0x4], $0x80, s21, s9, $0xb8;
	[tilespmem:$0x1E000] =	vst v63  }
0x485: {  	_ =	swait.ge [sflag:s17], $0x4000  }
0x486: {  	[sflag:s17] =	ssyncset.done $0x0  }
0x487: {  	[sflag:s17] =	ssyncadd.s32 $0xFFFFC000  }
0x488: {  	_ =	swait.ge [sflag:s20], $0x4000  }
0x489: {  	[sflag:s20] =	ssyncset.done $0x0  }
0x48a: {  	[sflag:s20] =	ssyncadd.s32 $0xFFFFC000  }
0x48b: {  	_ =	swait.ge [sflag:s1], $0x800  }
0x48c: {  	[sflag:s1] =	ssyncset.done $0x0  }
0x48d: {  	[sflag:s1] =	ssyncadd.s32 $0xFFFFF800  }
0x48e: {  	_ =	swait.ge [sflag:s16], $0x800  }
0x48f: {  	[sflag:s16] =	ssyncset.done $0x0  }
0x490: {  	[sflag:s16] =	ssyncadd.s32 $0xFFFFF800  }
0x491: {  	[tilespmem:s10], [sflag:$0x1] =	stream.indirect.gather [hbm4b:s8+s9], $0x80, s12, s9, $0xb8;
	[tilespmem:$0x1E000] =	vst v63  }
0x492: {  	s19 =	rddreg [dreg:$0xd]  }
0x493: {  	[tilespmem:s3], [sflag:$0x5] =	stream.linear.gather [hbm4b:s19+s3], $0x800, $0x38;
	[tilespmem:$0x1E000] =	vst v63  }
0x494: {  	s21 =	rddreg [dreg:$0xe]  }
0x495: {  	[tilespmem:s0], [sflag:$0x6] =	stream.linear.gather [hbm4b:s21+s3], $0x800, $0x38;
	[tilespmem:$0x1E000] =	vst v63  }
0x496: {  	_ =	swait.ge [sflag:s13], $0x4000  }
0x497: {  	[sflag:s13] =	ssyncset.done $0x0  }
0x498: {  	[sflag:s13] =	ssyncadd.s32 $0xFFFFC000  }
0x499: {  	[spmem:s2] =	stream.indirect.scatter.add.f32 [tilespmem:s10], [sflag:$0x3], $0x80, s7, s9, $0xb8;
	[tilespmem:$0x1E000] =	vst v63  }
0x49a: {  	s21 =	simm.s32 $0x880  }
0x49b: {  	[tilespmem:s14], [sflag:$0x2] =	stream.indirect.gather [hbm4b:s8+s9], $0x80, s21, s9, $0xb8;
	[tilespmem:$0x1E000] =	vst v63  }
0x49c: {  	_ =	swait.ge [sflag:s15], $0x4000  }
0x49d: {  	[sflag:s15] =	ssyncset.done $0x0  }
0x49e: {  	[sflag:s15] =	ssyncadd.s32 $0xFFFFC000  }
0x49f: {  	[spmem:s2] =	stream.indirect.scatter.add.f32 [tilespmem:s14], [sflag:$0x4], $0x80, s6, s9, $0xb8;
	[tilespmem:$0x1E000] =	vst v63  }
0x4a0: {  	_ =	swait.ge [sflag:s17], $0x4000  }
0x4a1: {  	[sflag:s17] =	ssyncset.done $0x0  }
0x4a2: {  	[sflag:s17] =	ssyncadd.s32 $0xFFFFC000  }
0x4a3: {  	[tilespmem:s10], [sflag:$0x1] =	stream.indirect.gather [hbm4b:s8+s9], $0x80, s11, s9, $0xb8;
	[tilespmem:$0x1E000] =	vst v63  }
0x4a4: {  	_ =	swait.ge [sflag:s13], $0x4000  }
0x4a5: {  	[sflag:s13] =	ssyncset.done $0x0  }
0x4a6: {  	[sflag:s13] =	ssyncadd.s32 $0xFFFFC000  }
0x4a7: {  	[spmem:s2] =	stream.indirect.scatter.add.f32 [tilespmem:s10], [sflag:$0x3], $0x80, s22, s9, $0xb8;
	[tilespmem:$0x1E000] =	vst v63  }
0x4a8: {  	_ =	swait.ge [sflag:s20], $0x4000  }
0x4a9: {  	[sflag:s20] =	ssyncset.done $0x0  }
0x4aa: {  	[sflag:s20] =	ssyncadd.s32 $0xFFFFC000  }
0x4ab: {  	[tilespmem:s14], [sflag:$0x2] =	stream.indirect.gather [hbm4b:s8+s9], $0x80, s23, s9, $0xb8;
	[tilespmem:$0x1E000] =	vst v63  }
0x4ac: {  	_ =	swait.ge [sflag:s15], $0x4000  }
0x4ad: {  	[sflag:s15] =	ssyncset.done $0x0  }
0x4ae: {  	[sflag:s15] =	ssyncadd.s32 $0xFFFFC000  }
0x4af: {  	[spmem:s2] =	stream.indirect.scatter.add.f32 [tilespmem:s14], [sflag:$0x4], $0x80, s24, s9, $0xb8;
	[tilespmem:$0x1E000] =	vst v63  }
0x4b0: {  	_ =	swait.ge [sflag:s17], $0x4000  }
0x4b1: {  	[sflag:s17] =	ssyncset.done $0x0  }
0x4b2: {  	[sflag:s17] =	ssyncadd.s32 $0xFFFFC000  }
0x4b3: {  	[tilespmem:s10], [sflag:$0x1] =	stream.indirect.gather [hbm4b:s8+s9], $0x80, s25, s9, $0xb8;
	[tilespmem:$0x1E000] =	vst v63  }
0x4b4: {  	_ =	swait.ge [sflag:s13], $0x4000  }
0x4b5: {  	[sflag:s13] =	ssyncset.done $0x0  }
0x4b6: {  	[sflag:s13] =	ssyncadd.s32 $0xFFFFC000  }
0x4b7: {  	[spmem:s2] =	stream.indirect.scatter.add.f32 [tilespmem:s10], [sflag:$0x3], $0x80, s26, s9, $0xb8;
	[tilespmem:$0x1E000] =	vst v63  }
0x4b8: {  	_ =	swait.ge [sflag:s20], $0x4000  }
0x4b9: {  	[sflag:s20] =	ssyncset.done $0x0  }
0x4ba: {  	[sflag:s20] =	ssyncadd.s32 $0xFFFFC000  }
0x4bb: {  	[tilespmem:s14], [sflag:$0x2] =	stream.indirect.gather [hbm4b:s8+s9], $0x80, s28, s9, $0xb8;
	[tilespmem:$0x1E000] =	vst v63  }
0x4bc: {  	_ =	swait.ge [sflag:s15], $0x4000  }
0x4bd: {  	[sflag:s15] =	ssyncset.done $0x0  }
0x4be: {  	[sflag:s15] =	ssyncadd.s32 $0xFFFFC000  }
0x4bf: {  	[spmem:s2] =	stream.indirect.scatter.add.f32 [tilespmem:s14], [sflag:$0x4], $0x80, s29, s9, $0xb8;
	[tilespmem:$0x1E000] =	vst v63  }
0x4c0: {  	_ =	swait.ge [sflag:s17], $0x4000  }
0x4c1: {  	[sflag:s17] =	ssyncset.done $0x0  }
0x4c2: {  	[sflag:s17] =	ssyncadd.s32 $0xFFFFC000  }
0x4c3: {  	[tilespmem:s10], [sflag:$0x1] =	stream.indirect.gather [hbm4b:s8+s9], $0x80, s30, s9, $0xb8;
	[tilespmem:$0x1E000] =	vst v63  }
0x4c4: {  	_ =	swait.ge [sflag:s13], $0x4000  }
0x4c5: {  	[sflag:s13] =	ssyncset.done $0x0  }
0x4c6: {  	[sflag:s13] =	ssyncadd.s32 $0xFFFFC000  }
0x4c7: {  	[spmem:s2] =	stream.indirect.scatter.add.f32 [tilespmem:s10], [sflag:$0x3], $0x80, s31, s9, $0xb8;
	[tilespmem:$0x1E000] =	vst v63  }
0x4c8: {  	_ =	swait.ge [sflag:s20], $0x4000  }
0x4c9: {  	[sflag:s20] =	ssyncset.done $0x0  }
0x4ca: {  	s19 =	simm.s32 $0xB80;
	[sflag:s20] =	ssyncadd.s32 $0xFFFFC000  }
0x4cb: {  	[tilespmem:s14], [sflag:$0x2] =	stream.indirect.gather [hbm4b:s8+s9], $0x80, s19, s9, $0xb8;
	[tilespmem:$0x1E000] =	vst v63  }
0x4cc: {  	_ =	swait.ge [sflag:s15], $0x4000  }
0x4cd: {  	[sflag:s15] =	ssyncset.done $0x0  }
0x4ce: {  	s21 =	simm.s32 $0x1B80;
	[sflag:s15] =	ssyncadd.s32 $0xFFFFC000  }
0x4cf: {  	[spmem:s2] =	stream.indirect.scatter.add.f32 [tilespmem:s14], [sflag:$0x4], $0x80, s21, s9, $0xb8;
	[tilespmem:$0x1E000] =	vst v63  }
0x4d0: {  	_ =	swait.ge [sflag:s17], $0x4000  }
0x4d1: {  	[sflag:s17] =	ssyncset.done $0x0  }
0x4d2: {  	s7 =	simm.s32 $0xC00;
	[sflag:s17] =	ssyncadd.s32 $0xFFFFC000  }
0x4d3: {  	[tilespmem:s10], [sflag:$0x1] =	stream.indirect.gather [hbm4b:s8+s9], $0x80, s7, s9, $0xb8;
	[tilespmem:$0x1E000] =	vst v63  }
0x4d4: {  	_ =	swait.ge [sflag:s13], $0x4000  }
0x4d5: {  	[sflag:s13] =	ssyncset.done $0x0  }
0x4d6: {  	s19 =	simm.s32 $0x1C00;
	[sflag:s13] =	ssyncadd.s32 $0xFFFFC000  }
0x4d7: {  	[spmem:s2] =	stream.indirect.scatter.add.f32 [tilespmem:s10], [sflag:$0x3], $0x80, s19, s9, $0xb8;
	[tilespmem:$0x1E000] =	vst v63  }
0x4d8: {  	_ =	swait.ge [sflag:s20], $0x4000  }
0x4d9: {  	[sflag:s20] =	ssyncset.done $0x0  }
0x4da: {  	s21 =	simm.s32 $0xC80;
	[sflag:s20] =	ssyncadd.s32 $0xFFFFC000  }
0x4db: {  	[tilespmem:s14], [sflag:$0x2] =	stream.indirect.gather [hbm4b:s8+s9], $0x80, s21, s9, $0xb8;
	[tilespmem:$0x1E000] =	vst v63  }
0x4dc: {  	_ =	swait.ge [sflag:s15], $0x4000  }
0x4dd: {  	[sflag:s15] =	ssyncset.done $0x0  }
0x4de: {  	s7 =	simm.s32 $0x1C80;
	[sflag:s15] =	ssyncadd.s32 $0xFFFFC000  }
0x4df: {  	[spmem:s2] =	stream.indirect.scatter.add.f32 [tilespmem:s14], [sflag:$0x4], $0x80, s7, s9, $0xb8;
	[tilespmem:$0x1E000] =	vst v63  }
0x4e0: {  	_ =	swait.ge [sflag:s17], $0x4000  }
0x4e1: {  	[sflag:s17] =	ssyncset.done $0x0  }
0x4e2: {  	s19 =	simm.s32 $0xD00;
	[sflag:s17] =	ssyncadd.s32 $0xFFFFC000  }
0x4e3: {  	[tilespmem:s10], [sflag:$0x1] =	stream.indirect.gather [hbm4b:s8+s9], $0x80, s19, s9, $0xb8;
	[tilespmem:$0x1E000] =	vst v63  }
0x4e4: {  	_ =	swait.ge [sflag:s13], $0x4000  }
0x4e5: {  	[sflag:s13] =	ssyncset.done $0x0  }
0x4e6: {  	s21 =	simm.s32 $0x1D00;
	[sflag:s13] =	ssyncadd.s32 $0xFFFFC000  }
0x4e7: {  	[spmem:s2] =	stream.indirect.scatter.add.f32 [tilespmem:s10], [sflag:$0x3], $0x80, s21, s9, $0xb8;
	[tilespmem:$0x1E000] =	vst v63  }
0x4e8: {  	_ =	swait.ge [sflag:s20], $0x4000  }
0x4e9: {  	[sflag:s20] =	ssyncset.done $0x0  }
0x4ea: {  	s7 =	simm.s32 $0xD80;
	[sflag:s20] =	ssyncadd.s32 $0xFFFFC000  }
0x4eb: {  	[tilespmem:s14], [sflag:$0x2] =	stream.indirect.gather [hbm4b:s8+s9], $0x80, s7, s9, $0xb8;
	[tilespmem:$0x1E000] =	vst v63  }
0x4ec: {  	_ =	swait.ge [sflag:s15], $0x4000  }
0x4ed: {  	[sflag:s15] =	ssyncset.done $0x0  }
0x4ee: {  	s19 =	simm.s32 $0x1D80;
	[sflag:s15] =	ssyncadd.s32 $0xFFFFC000  }
0x4ef: {  	[spmem:s2] =	stream.indirect.scatter.add.f32 [tilespmem:s14], [sflag:$0x4], $0x80, s19, s9, $0xb8;
	[tilespmem:$0x1E000] =	vst v63  }
0x4f0: {  	_ =	swait.ge [sflag:s17], $0x4000  }
0x4f1: {  	[sflag:s17] =	ssyncset.done $0x0  }
0x4f2: {  	s21 =	simm.s32 $0xE00;
	[sflag:s17] =	ssyncadd.s32 $0xFFFFC000  }
0x4f3: {  	[tilespmem:s10], [sflag:$0x1] =	stream.indirect.gather [hbm4b:s8+s9], $0x80, s21, s9, $0xb8;
	[tilespmem:$0x1E000] =	vst v63  }
0x4f4: {  	_ =	swait.ge [sflag:s13], $0x4000  }
0x4f5: {  	[sflag:s13] =	ssyncset.done $0x0  }
0x4f6: {  	s7 =	simm.s32 $0x1E00;
	[sflag:s13] =	ssyncadd.s32 $0xFFFFC000  }
0x4f7: {  	[spmem:s2] =	stream.indirect.scatter.add.f32 [tilespmem:s10], [sflag:$0x3], $0x80, s7, s9, $0xb8;
	[tilespmem:$0x1E000] =	vst v63  }
0x4f8: {  	_ =	swait.ge [sflag:s20], $0x4000  }
0x4f9: {  	[sflag:s20] =	ssyncset.done $0x0  }
0x4fa: {  	s19 =	simm.s32 $0xE80;
	[sflag:s20] =	ssyncadd.s32 $0xFFFFC000  }
0x4fb: {  	[tilespmem:s14], [sflag:$0x2] =	stream.indirect.gather [hbm4b:s8+s9], $0x80, s19, s9, $0xb8;
	[tilespmem:$0x1E000] =	vst v63  }
0x4fc: {  	_ =	swait.ge [sflag:s15], $0x4000  }
0x4fd: {  	[sflag:s15] =	ssyncset.done $0x0  }
0x4fe: {  	s21 =	simm.s32 $0x1E80;
	[sflag:s15] =	ssyncadd.s32 $0xFFFFC000  }
0x4ff: {  	[spmem:s2] =	stream.indirect.scatter.add.f32 [tilespmem:s14], [sflag:$0x4], $0x80, s21, s9, $0xb8;
	[tilespmem:$0x1E000] =	vst v63  }
0x500: {  	_ =	swait.ge [sflag:s17], $0x4000  }
0x501: {  	[sflag:s17] =	ssyncset.done $0x0  }
0x502: {  	s7 =	simm.s32 $0xF00;
	[sflag:s17] =	ssyncadd.s32 $0xFFFFC000  }
0x503: {  	[tilespmem:s10], [sflag:$0x1] =	stream.indirect.gather [hbm4b:s8+s9], $0x80, s7, s9, $0xb8;
	[tilespmem:$0x1E000] =	vst v63  }
0x504: {  	_ =	swait.ge [sflag:s13], $0x4000  }
0x505: {  	[sflag:s13] =	ssyncset.done $0x0  }
0x506: {  	s19 =	simm.s32 $0x1F00;
	[sflag:s13] =	ssyncadd.s32 $0xFFFFC000  }
0x507: {  	[spmem:s2] =	stream.indirect.scatter.add.f32 [tilespmem:s10], [sflag:$0x3], $0x80, s19, s9, $0xb8;
	[tilespmem:$0x1E000] =	vst v63  }
0x508: {  	_ =	swait.ge [sflag:s20], $0x4000  }
0x509: {  	[sflag:s20] =	ssyncset.done $0x0  }
0x50a: {  	s21 =	simm.s32 $0xF80;
	[sflag:s20] =	ssyncadd.s32 $0xFFFFC000  }
0x50b: {  	[tilespmem:s14], [sflag:$0x2] =	stream.indirect.gather [hbm4b:s8+s9], $0x80, s21, s9, $0xb8;
	[tilespmem:$0x1E000] =	vst v63  }
0x50c: {  	_ =	swait.ge [sflag:s15], $0x4000  }
0x50d: {  	[sflag:s15] =	ssyncset.done $0x0  }
0x50e: {  	s7 =	simm.s32 $0x1F80;
	[sflag:s15] =	ssyncadd.s32 $0xFFFFC000  }
0x50f: {  	[spmem:s2] =	stream.indirect.scatter.add.f32 [tilespmem:s14], [sflag:$0x4], $0x80, s7, s9, $0xb8;
	[tilespmem:$0x1E000] =	vst v63  }
0x510: {  	_ =	swait.ge [sflag:s17], $0x4000  }
0x511: {  	[sflag:s17] =	ssyncset.done $0x0  }
0x512: {  	[sflag:s17] =	ssyncadd.s32 $0xFFFFC000  }
0x513: {  	_ =	swait.ge [sflag:s20], $0x4000  }
0x514: {  	[sflag:s20] =	ssyncset.done $0x0  }
0x515: {  	[sflag:s20] =	ssyncadd.s32 $0xFFFFC000  }
0x516: {  	_ =	swait.ge [sflag:s1], $0x800  }
0x517: {  	[sflag:s1] =	ssyncset.done $0x0  }
0x518: {  	[sflag:s1] =	ssyncadd.s32 $0xFFFFF800  }
0x519: {  	_ =	swait.ge [sflag:s16], $0x800  }
0x51a: {  	[sflag:s16] =	ssyncset.done $0x0  }
0x51b: {  	[sflag:s16] =	ssyncadd.s32 $0xFFFFF800  }
0x51c: {  	[tilespmem:s10], [sflag:$0x1] =	stream.indirect.gather [hbm4b:s8+s9], $0x80, s3, s9, $0xb8;
	[tilespmem:$0x1E000] =	vst v63  }
0x51d: {  	_ =	swait.ge [sflag:s13], $0x4000  }
0x51e: {  	[sflag:s13] =	ssyncset.done $0x0  }
0x51f: {  	[sflag:s13] =	ssyncadd.s32 $0xFFFFC000  }
0x520: {  	[spmem:s2] =	stream.indirect.scatter.add.f32 [tilespmem:s10], [sflag:$0x3], $0x80, s0, s9, $0xb8;
	[tilespmem:$0x1E000] =	vst v63  }
0x521: {  	_ = 	snop  }
0x522: {  	[tilespmem:s14], [sflag:$0x2] =	stream.indirect.gather [hbm4b:s8+s9], $0x80, s9, s9, $0xb8;
	[tilespmem:$0x1E000] =	vst v63  }
0x523: {  	_ =	swait.ge [sflag:s15], $0x4000  }
0x524: {  	[sflag:s15] =	ssyncset.done $0x0  }
0x525: {  	[sflag:s15] =	ssyncadd.s32 $0xFFFFC000  }
0x526: {  	[spmem:s2] =	stream.indirect.scatter.add.f32 [tilespmem:s14], [sflag:$0x4], $0x80, s4, s9, $0xb8;
	[tilespmem:$0x1E000] =	vst v63  }
0x527: {  	_ =	swait.ge [sflag:s17], $0x4000  }
0x528: {  	[sflag:s17] =	ssyncset.done $0x0  }
0x529: {  	s19 =	simm.s32 $0x100;
	[sflag:s17] =	ssyncadd.s32 $0xFFFFC000  }
0x52a: {  	[tilespmem:s10], [sflag:$0x1] =	stream.indirect.gather [hbm4b:s8+s9], $0x80, s19, s9, $0xb8;
	[tilespmem:$0x1E000] =	vst v63  }
0x52b: {  	_ =	swait.ge [sflag:s13], $0x4000  }
0x52c: {  	[sflag:s13] =	ssyncset.done $0x0  }
0x52d: {  	s21 =	simm.s32 $0x1100;
	[sflag:s13] =	ssyncadd.s32 $0xFFFFC000  }
0x52e: {  	[spmem:s2] =	stream.indirect.scatter.add.f32 [tilespmem:s10], [sflag:$0x3], $0x80, s21, s9, $0xb8;
	[tilespmem:$0x1E000] =	vst v63  }
0x52f: {  	_ =	swait.ge [sflag:s20], $0x4000  }
0x530: {  	[sflag:s20] =	ssyncset.done $0x0  }
0x531: {  	s4 =	simm.s32 $0x180;
	[sflag:s20] =	ssyncadd.s32 $0xFFFFC000  }
0x532: {  	[tilespmem:s14], [sflag:$0x2] =	stream.indirect.gather [hbm4b:s8+s9], $0x80, s4, s9, $0xb8;
	[tilespmem:$0x1E000] =	vst v63  }
0x533: {  	_ =	swait.ge [sflag:s15], $0x4000  }
0x534: {  	[sflag:s15] =	ssyncset.done $0x0  }
0x535: {  	s6 =	simm.s32 $0x1180;
	[sflag:s15] =	ssyncadd.s32 $0xFFFFC000  }
0x536: {  	[spmem:s2] =	stream.indirect.scatter.add.f32 [tilespmem:s14], [sflag:$0x4], $0x80, s6, s9, $0xb8;
	[tilespmem:$0x1E000] =	vst v63  }
0x537: {  	_ =	swait.ge [sflag:s17], $0x4000  }
0x538: {  	[sflag:s17] =	ssyncset.done $0x0  }
0x539: {  	s7 =	simm.s32 $0x200;
	[sflag:s17] =	ssyncadd.s32 $0xFFFFC000  }
0x53a: {  	[tilespmem:s10], [sflag:$0x1] =	stream.indirect.gather [hbm4b:s8+s9], $0x80, s7, s9, $0xb8;
	[tilespmem:$0x1E000] =	vst v63  }
0x53b: {  	_ =	swait.ge [sflag:s13], $0x4000  }
0x53c: {  	[sflag:s13] =	ssyncset.done $0x0  }
0x53d: {  	s19 =	simm.s32 $0x1200;
	[sflag:s13] =	ssyncadd.s32 $0xFFFFC000  }
0x53e: {  	[spmem:s2] =	stream.indirect.scatter.add.f32 [tilespmem:s10], [sflag:$0x3], $0x80, s19, s9, $0xb8;
	[tilespmem:$0x1E000] =	vst v63  }
0x53f: {  	_ =	swait.ge [sflag:s20], $0x4000  }
0x540: {  	[sflag:s20] =	ssyncset.done $0x0  }
0x541: {  	s21 =	simm.s32 $0x280;
	[sflag:s20] =	ssyncadd.s32 $0xFFFFC000  }
0x542: {  	[tilespmem:s14], [sflag:$0x2] =	stream.indirect.gather [hbm4b:s8+s9], $0x80, s21, s9, $0xb8;
	[tilespmem:$0x1E000] =	vst v63  }
0x543: {  	_ =	swait.ge [sflag:s15], $0x4000  }
0x544: {  	[sflag:s15] =	ssyncset.done $0x0  }
0x545: {  	s4 =	simm.s32 $0x1280;
	[sflag:s15] =	ssyncadd.s32 $0xFFFFC000  }
0x546: {  	[spmem:s2] =	stream.indirect.scatter.add.f32 [tilespmem:s14], [sflag:$0x4], $0x80, s4, s9, $0xb8;
	[tilespmem:$0x1E000] =	vst v63  }
0x547: {  	_ =	swait.ge [sflag:s17], $0x4000  }
0x548: {  	[sflag:s17] =	ssyncset.done $0x0  }
0x549: {  	s6 =	simm.s32 $0x300;
	[sflag:s17] =	ssyncadd.s32 $0xFFFFC000  }
0x54a: {  	[tilespmem:s10], [sflag:$0x1] =	stream.indirect.gather [hbm4b:s8+s9], $0x80, s6, s9, $0xb8;
	[tilespmem:$0x1E000] =	vst v63  }
0x54b: {  	_ =	swait.ge [sflag:s13], $0x4000  }
0x54c: {  	[sflag:s13] =	ssyncset.done $0x0  }
0x54d: {  	s7 =	simm.s32 $0x1300;
	[sflag:s13] =	ssyncadd.s32 $0xFFFFC000  }
0x54e: {  	[spmem:s2] =	stream.indirect.scatter.add.f32 [tilespmem:s10], [sflag:$0x3], $0x80, s7, s9, $0xb8;
	[tilespmem:$0x1E000] =	vst v63  }
0x54f: {  	_ =	swait.ge [sflag:s20], $0x4000  }
0x550: {  	[sflag:s20] =	ssyncset.done $0x0  }
0x551: {  	s19 =	simm.s32 $0x380;
	[sflag:s20] =	ssyncadd.s32 $0xFFFFC000  }
0x552: {  	[tilespmem:s14], [sflag:$0x2] =	stream.indirect.gather [hbm4b:s8+s9], $0x80, s19, s9, $0xb8;
	[tilespmem:$0x1E000] =	vst v63  }
0x553: {  	_ =	swait.ge [sflag:s15], $0x4000  }
0x554: {  	[sflag:s15] =	ssyncset.done $0x0  }
0x555: {  	s21 =	simm.s32 $0x1380;
	[sflag:s15] =	ssyncadd.s32 $0xFFFFC000  }
0x556: {  	[spmem:s2] =	stream.indirect.scatter.add.f32 [tilespmem:s14], [sflag:$0x4], $0x80, s21, s9, $0xb8;
	[tilespmem:$0x1E000] =	vst v63  }
0x557: {  	_ =	swait.ge [sflag:s17], $0x4000  }
0x558: {  	[sflag:s17] =	ssyncset.done $0x0  }
0x559: {  	s4 =	simm.s32 $0x400;
	[sflag:s17] =	ssyncadd.s32 $0xFFFFC000  }
0x55a: {  	[tilespmem:s10], [sflag:$0x1] =	stream.indirect.gather [hbm4b:s8+s9], $0x80, s4, s9, $0xb8;
	[tilespmem:$0x1E000] =	vst v63  }
0x55b: {  	_ =	swait.ge [sflag:s13], $0x4000  }
0x55c: {  	[sflag:s13] =	ssyncset.done $0x0  }
0x55d: {  	s6 =	simm.s32 $0x1400;
	[sflag:s13] =	ssyncadd.s32 $0xFFFFC000  }
0x55e: {  	[spmem:s2] =	stream.indirect.scatter.add.f32 [tilespmem:s10], [sflag:$0x3], $0x80, s6, s9, $0xb8;
	[tilespmem:$0x1E000] =	vst v63  }
0x55f: {  	_ =	swait.ge [sflag:s20], $0x4000  }
0x560: {  	[sflag:s20] =	ssyncset.done $0x0  }
0x561: {  	s7 =	simm.s32 $0x480;
	[sflag:s20] =	ssyncadd.s32 $0xFFFFC000  }
0x562: {  	[tilespmem:s14], [sflag:$0x2] =	stream.indirect.gather [hbm4b:s8+s9], $0x80, s7, s9, $0xb8;
	[tilespmem:$0x1E000] =	vst v63  }
0x563: {  	_ =	swait.ge [sflag:s15], $0x4000  }
0x564: {  	[sflag:s15] =	ssyncset.done $0x0  }
0x565: {  	s19 =	simm.s32 $0x1480;
	[sflag:s15] =	ssyncadd.s32 $0xFFFFC000  }
0x566: {  	[spmem:s2] =	stream.indirect.scatter.add.f32 [tilespmem:s14], [sflag:$0x4], $0x80, s19, s9, $0xb8;
	[tilespmem:$0x1E000] =	vst v63  }
0x567: {  	_ =	swait.ge [sflag:s17], $0x4000  }
0x568: {  	[sflag:s17] =	ssyncset.done $0x0  }
0x569: {  	s21 =	simm.s32 $0x500;
	[sflag:s17] =	ssyncadd.s32 $0xFFFFC000  }
0x56a: {  	[tilespmem:s10], [sflag:$0x1] =	stream.indirect.gather [hbm4b:s8+s9], $0x80, s21, s9, $0xb8;
	[tilespmem:$0x1E000] =	vst v63  }
0x56b: {  	_ =	swait.ge [sflag:s13], $0x4000  }
0x56c: {  	[sflag:s13] =	ssyncset.done $0x0  }
0x56d: {  	s4 =	simm.s32 $0x1500;
	[sflag:s13] =	ssyncadd.s32 $0xFFFFC000  }
0x56e: {  	[spmem:s2] =	stream.indirect.scatter.add.f32 [tilespmem:s10], [sflag:$0x3], $0x80, s4, s9, $0xb8;
	[tilespmem:$0x1E000] =	vst v63  }
0x56f: {  	_ =	swait.ge [sflag:s20], $0x4000  }
0x570: {  	[sflag:s20] =	ssyncset.done $0x0  }
0x571: {  	s6 =	simm.s32 $0x580;
	[sflag:s20] =	ssyncadd.s32 $0xFFFFC000  }
0x572: {  	[tilespmem:s14], [sflag:$0x2] =	stream.indirect.gather [hbm4b:s8+s9], $0x80, s6, s9, $0xb8;
	[tilespmem:$0x1E000] =	vst v63  }
0x573: {  	_ =	swait.ge [sflag:s15], $0x4000  }
0x574: {  	[sflag:s15] =	ssyncset.done $0x0  }
0x575: {  	s7 =	simm.s32 $0x1580;
	[sflag:s15] =	ssyncadd.s32 $0xFFFFC000  }
0x576: {  	[spmem:s2] =	stream.indirect.scatter.add.f32 [tilespmem:s14], [sflag:$0x4], $0x80, s7, s9, $0xb8;
	[tilespmem:$0x1E000] =	vst v63  }
0x577: {  	_ =	swait.ge [sflag:s17], $0x4000  }
0x578: {  	[sflag:s17] =	ssyncset.done $0x0  }
0x579: {  	s19 =	simm.s32 $0x600;
	[sflag:s17] =	ssyncadd.s32 $0xFFFFC000  }
0x57a: {  	[tilespmem:s10], [sflag:$0x1] =	stream.indirect.gather [hbm4b:s8+s9], $0x80, s19, s9, $0xb8;
	[tilespmem:$0x1E000] =	vst v63  }
0x57b: {  	_ =	swait.ge [sflag:s13], $0x4000  }
0x57c: {  	[sflag:s13] =	ssyncset.done $0x0  }
0x57d: {  	s21 =	simm.s32 $0x1600;
	[sflag:s13] =	ssyncadd.s32 $0xFFFFC000  }
0x57e: {  	[spmem:s2] =	stream.indirect.scatter.add.f32 [tilespmem:s10], [sflag:$0x3], $0x80, s21, s9, $0xb8;
	[tilespmem:$0x1E000] =	vst v63  }
0x57f: {  	_ =	swait.ge [sflag:s20], $0x4000  }
0x580: {  	[sflag:s20] =	ssyncset.done $0x0  }
0x581: {  	s4 =	simm.s32 $0x680;
	[sflag:s20] =	ssyncadd.s32 $0xFFFFC000  }
0x582: {  	[tilespmem:s14], [sflag:$0x2] =	stream.indirect.gather [hbm4b:s8+s9], $0x80, s4, s9, $0xb8;
	[tilespmem:$0x1E000] =	vst v63  }
0x583: {  	_ =	swait.ge [sflag:s15], $0x4000  }
0x584: {  	[sflag:s15] =	ssyncset.done $0x0  }
0x585: {  	s6 =	simm.s32 $0x1680;
	[sflag:s15] =	ssyncadd.s32 $0xFFFFC000  }
0x586: {  	[spmem:s2] =	stream.indirect.scatter.add.f32 [tilespmem:s14], [sflag:$0x4], $0x80, s6, s9, $0xb8;
	[tilespmem:$0x1E000] =	vst v63  }
0x587: {  	_ =	swait.ge [sflag:s17], $0x4000  }
0x588: {  	[sflag:s17] =	ssyncset.done $0x0  }
0x589: {  	s7 =	simm.s32 $0x700;
	[sflag:s17] =	ssyncadd.s32 $0xFFFFC000  }
0x58a: {  	[tilespmem:s10], [sflag:$0x1] =	stream.indirect.gather [hbm4b:s8+s9], $0x80, s7, s9, $0xb8;
	[tilespmem:$0x1E000] =	vst v63  }
0x58b: {  	_ =	swait.ge [sflag:s13], $0x4000  }
0x58c: {  	[sflag:s13] =	ssyncset.done $0x0  }
0x58d: {  	s19 =	simm.s32 $0x1700;
	[sflag:s13] =	ssyncadd.s32 $0xFFFFC000  }
0x58e: {  	[spmem:s2] =	stream.indirect.scatter.add.f32 [tilespmem:s10], [sflag:$0x3], $0x80, s19, s9, $0xb8;
	[tilespmem:$0x1E000] =	vst v63  }
0x58f: {  	_ =	swait.ge [sflag:s20], $0x4000  }
0x590: {  	[sflag:s20] =	ssyncset.done $0x0  }
0x591: {  	s21 =	simm.s32 $0x780;
	[sflag:s20] =	ssyncadd.s32 $0xFFFFC000  }
0x592: {  	[tilespmem:s14], [sflag:$0x2] =	stream.indirect.gather [hbm4b:s8+s9], $0x80, s21, s9, $0xb8;
	[tilespmem:$0x1E000] =	vst v63  }
0x593: {  	_ =	swait.ge [sflag:s15], $0x4000  }
0x594: {  	[sflag:s15] =	ssyncset.done $0x0  }
0x595: {  	s4 =	simm.s32 $0x1780;
	[sflag:s15] =	ssyncadd.s32 $0xFFFFC000  }
0x596: {  	[spmem:s2] =	stream.indirect.scatter.add.f32 [tilespmem:s14], [sflag:$0x4], $0x80, s4, s9, $0xb8;
	[tilespmem:$0x1E000] =	vst v63  }
0x597: {  	_ =	swait.ge [sflag:s17], $0x4000  }
0x598: {  	[sflag:s17] =	ssyncset.done $0x0  }
0x599: {  	[sflag:s17] =	ssyncadd.s32 $0xFFFFC000  }
0x59a: {  	_ =	swait.ge [sflag:s20], $0x4000  }
0x59b: {  	[sflag:s20] =	ssyncset.done $0x0  }
0x59c: {  	[sflag:s20] =	ssyncadd.s32 $0xFFFFC000  }
0x59d: {  	p0 =	sne.s32 s18, $0x1;
	[bflag:$0x0] =	sbarrier.arrive $0xFFFF  }
.Ltmp1:
0x59e: {  	s6 =	rddreg [dreg:$0xf];
	(pc) =	sbr.rel @p0 .LBB2_2-.Ltmp1, $4  }
0x59f: {  	s7 =	rddreg [dreg:$0x11]  }
0x5a0: {  	s21 =	rddreg [dreg:$0x10]  }
0x5a1: {  	[hbm:s6], [sflag:s21] =	dma.local [spmem:s7], $0x2800  }
0x5a2: {  	s18 =	sadd.s32 $0xFFFFFFFF, s18;
	_ =	swait.ge [sflag:s5], $0x2800  }
.LBB2_3:
0x5a3: {  	[sflag:s5] =	ssyncset.done $0x0  }
0x5a4: {  	[sflag:s5] =	ssyncadd.s32 $0xFFFFD800  }
0x5a5: {  	_ =	sfence.sel $0x180000  }
0x5a6: {  	[bflag:$0x0] =	sbarrier.arrive $0xFFFF  }
0x5a7: {  	_ =	strace $0x9000004D  }
0x5a8: {  	s0 =	stileid.u32;
	[bflag:$0x2] =	sbarrier.arrive $0xFFFF  }
0x5a9: {  	p0 =	sne.s32 s0, $0x0;
	s0 =	rddreg [dreg:$0x3]  }
0x5aa: {  	s0 =	sadd.s32 @!p0 $0x100000, s0  }
0x5ab: {  	[sflag:s0] =	ssyncadd.tile.s32 @!p0 $0x1;
	_ =	shalt  }
.Lfunc_end2:
_tile_overlayer_lowered:
.L_overlay_start_2:
0x5ac: {  	(tag) =	ssettag $0x2  }
0x5ad: {  	s0 =	rddreg [dreg:$0x0];
	s2 =	stileid.u32  }
0x5ae: {  	s1 =	rddreg [dreg:$0x1];
	p0 =	sne.s32 s2, $0x0  }
0x5af: {  	s3 =	rddreg [dreg:$0x2];
	[bflag:$0x3] =	sbarrier.arrive $0xFFFF;
	s2 =	simm.s32 @!p0 $0x1C07  }
0x5b0: {  	[timem:s3], [sflag:s2] =	dma.local @!p0 [hbm:s0], s1  }
0x5b1: {  	s0 =	simm.s32 @!p0 $0x7  }
0x5b2: {  	_ =	swait.ge @!p0 [sflag:s0], s1  }
0x5b3: {  	s1 =	ssub.s32 @!p0 $0x0, s1;
	[sflag:s0] =	ssyncset.done @!p0 $0x0  }
0x5b4: {  	[sflag:s0] =	ssyncadd.s32 @!p0 s1  }
0x5b5: {  	[bflag:$0x3] =	sbarrier.arrive $0xFFFF  }
0x5b6: {  	_ =	shalt  }

// kernel: kernel.8.cloned.1.call-start
scs
__scs_entry_jumppad:
0x0: {  	(pc) =	sbr.rel $0x88, $3  }
0x1: {  	(tag) =	ssettag $0x0;
	lr =	simm.s32 $0x1  }
0x2: {  	[smem:$0x3F9C] =	sst lr;
	_ =	strace $0xD0000000  }
0x3: {  	_ = 	snop  }
0x4: {  	_ = 	snop  }
0x5: {  	_ = 	snop  }
0x6: {  	_ = 	snop  }
0x7: {  	_ = 	snop  }
__scs_overlays_trampoline_lowered:
0x8: {  	[smem:$0x3FAB] =	sst s0  }
0x9: {  	[smem:$0x3FAC] =	sst s1  }
0xa: {  	[smem:$0x3FAD] =	sst s2  }
0xb: {  	[smem:$0x3FAE] =	sst s3  }
0xc: {  	[smem:$0x3FAF] =	sst s4  }
0xd: {  	[smem:$0x3FB0] =	sst s5  }
0xe: {  	[smem:$0x3FB1] =	sst s6  }
0xf: {  	[smem:$0x3FB2] =	sst s7  }
0x10: {  	[smem:$0x3FB3] =	sst s8  }
0x11: {  	[smem:$0x3FB4] =	sst s9;
	s0 =	simm.s32 @!p0 $0x0  }
0x12: {  	s1 =	sld [smem:$0x3F9A];
	s0 =	simm.s32 @p0 $0x1  }
0x13: {  	[smem:$0x3FB5] =	sst s0;
	s0 =	simm.s32 @!p1 $0x0  }
0x14: {  	s2 =	sld [smem:$0x3F99];
	s0 =	simm.s32 @p1 $0x1  }
0x15: {  	[smem:$0x3FB6] =	sst s0;
	s0 =	simm.s32 @!p2 $0x0  }
0x16: {  	s3 =	sld [smem:$0x3FDB];
	s0 =	simm.s32 @p2 $0x1  }
0x17: {  	s4 =	simm.s32 $0x1BF5;
	[smem:$0x3FB8] =	sst s0  }
0x18: {  	s0 =	sld [smem:$0x3F9B];
	_ =	swait.ge [sflag:s4], $0x0  }
0x19: {  	s7 =	sld [smem:$0x3F9C]  }
0x1a: {  	s8 =	sadd.s32 $0xFFFFE003, lr  }
0x1b: {  	s9 =	sadd.s32 $0xFFFFFEF7, lr;
	s5 =	simm.s32 $0xFFFFFFFF;
	p2 =	slt.u32 s8, $0xFFFFF086  }
0x1c: {  	p1 =	slt.u32 s9, $0xF7A;
	s5 =	simm.s32 @!p2 $0x0  }
0x1d: {  	s5 =	simm.s32 @p1 $0x1;
	p0 =	seq.s32 s7, s2  }
0x1e: {  	s7 =	smul.u32 @!p0 $0xF7A, s2;
	p2 =	seq.s32 @!p0 s5, $0x0  }
0x1f: {  	s9 =	smul.u32 $0xF7A, s1;
	s8 =	simm.s32 @!p0 $0x1BF5;
	p2 =	por !p2, p0  }
0x20: {  	[sflag:s8] =	ssyncset.s32 @!p0 $0xFFFFF086;
	s6 =	sadd.s32 @!p0 s3, s7;
	s7 =	simm.s32 @!p0 $0x108  }
0x21: {  	s3 =	sadd.s32 s3, s9;
	s6 =	sadd.s32 @!p0 $0x88, s6;
	s7 =	simm.s32 @p2 $0x1082  }
0x22: {  	[simem:s7], [sflag:s8] =	dma.local @!p0 [hbm:s6], $0xF7A  }
0x23: {  	s9 =	sor.u32 $0xD0000000, s2;
	s6 =	simm.s32 $0x108;
	_ =	swait.ge @!p0 [sflag:s8], $0x0  }
0x24: {  	s3 =	sadd.s32 $0x88, s3;
	s6 =	simm.s32 @!p1 $0x1082;
	[sflag:s4] =	ssyncset.s32 $0xFFFFF086  }
0x25: {  	[simem:s6], [sflag:s4] =	dma.local [hbm:s3], $0xF7A  }
0x26: {  	[smem:$0x3F9C] =	sst s1;
	(tag) =	ssettag s2;
	_ =	strace s9  }
0x27: {  	s1 =	sld [smem:$0x3FAC]  }
0x28: {  	s2 =	sld [smem:$0x3FAD]  }
0x29: {  	s4 =	sld [smem:$0x3FAF]  }
0x2a: {  	p0 =	seq.s32 s5, $0x0;
	s5 =	sld [smem:$0x3FB0]  }
0x2b: {  	s6 =	sld [smem:$0x3FB1]  }
0x2c: {  	s7 =	sld [smem:$0x3FB2]  }
0x2d: {  	s3 =	simm.s32 $0x108;
	s8 =	sld [smem:$0x3FB3]  }
0x2e: {  	s3 =	simm.s32 @!p0 $0x1082;
	s9 =	sld [smem:$0x3FB4]  }
0x2f: {  	lr =	sadd.s32 s0, s3;
	s0 =	sld [smem:$0x3FAB]  }
0x30: {  	s3 =	sld [smem:$0x3FAE]  }
0x31: {  	[smem:$0x3FB7] =	sst s10  }
0x32: {  	s10 =	sld [smem:$0x3FB5];
	_ =	sdelay $0x3  }
0x33: {  	p0 =	seq.s32 s10, $0x1;
	s10 =	sld [smem:$0x3FB7];
	_ =	sdelay $0x3  }
0x34: {  	[smem:$0x3FB7] =	sst s10  }
0x35: {  	s10 =	sld [smem:$0x3FB6];
	_ =	sdelay $0x3  }
0x36: {  	p1 =	seq.s32 s10, $0x1;
	s10 =	sld [smem:$0x3FB7];
	_ =	sdelay $0x3  }
0x37: {  	[smem:$0x3FB7] =	sst s10  }
0x38: {  	s10 =	sld [smem:$0x3FB8]  }
0x39: {  	_ = 	snop;
	(pc) =	sbr.ind lr, $3  }
0x3a: {  	_ = 	snop  }
0x3b: {  	_ = 	snop  }
0x3c: {  	p2 =	seq.s32 s10, $0x1;
	s10 =	sld [smem:$0x3FB7]  }
0x3d: {  	_ =	shalt  }
0x3e: {  	_ =	shalt  }
0x3f: {  	_ =	shalt  }
0x40: {  	_ =	shalt  }
0x41: {  	_ =	shalt  }
0x42: {  	_ =	shalt  }
0x43: {  	_ =	shalt  }
0x44: {  	_ =	shalt  }
0x45: {  	_ =	shalt  }
0x46: {  	_ =	shalt  }
0x47: {  	_ =	shalt  }
0x48: {  	_ =	shalt  }
0x49: {  	_ =	shalt  }
0x4a: {  	_ =	shalt  }
0x4b: {  	_ =	shalt  }
0x4c: {  	_ =	shalt  }
0x4d: {  	_ =	shalt  }
0x4e: {  	_ =	shalt  }
0x4f: {  	_ =	shalt  }
0x50: {  	_ =	shalt  }
0x51: {  	_ =	shalt  }
0x52: {  	_ =	shalt  }
0x53: {  	_ =	shalt  }
0x54: {  	_ =	shalt  }
0x55: {  	_ =	shalt  }
0x56: {  	_ =	shalt  }
0x57: {  	_ =	shalt  }
0x58: {  	_ =	shalt  }
0x59: {  	_ =	shalt  }
0x5a: {  	_ =	shalt  }
0x5b: {  	_ =	shalt  }
0x5c: {  	_ =	shalt  }
0x5d: {  	_ =	shalt  }
0x5e: {  	_ =	shalt  }
0x5f: {  	_ =	shalt  }
0x60: {  	_ =	shalt  }
0x61: {  	_ =	shalt  }
0x62: {  	_ =	shalt  }
0x63: {  	_ =	shalt  }
0x64: {  	_ =	shalt  }
0x65: {  	_ =	shalt  }
0x66: {  	_ =	shalt  }
0x67: {  	_ =	shalt  }
0x68: {  	_ =	shalt  }
0x69: {  	_ =	shalt  }
0x6a: {  	_ =	shalt  }
0x6b: {  	_ =	shalt  }
0x6c: {  	_ =	shalt  }
0x6d: {  	_ =	shalt  }
0x6e: {  	_ =	shalt  }
0x6f: {  	_ =	shalt  }
0x70: {  	_ =	shalt  }
0x71: {  	_ =	shalt  }
0x72: {  	_ =	shalt  }
0x73: {  	_ =	shalt  }
0x74: {  	_ =	shalt  }
0x75: {  	_ =	shalt  }
0x76: {  	_ =	shalt  }
0x77: {  	_ =	shalt  }
0x78: {  	_ =	shalt  }
0x79: {  	_ =	shalt  }
0x7a: {  	_ =	shalt  }
0x7b: {  	_ =	shalt  }
0x7c: {  	_ =	shalt  }
0x7d: {  	_ =	shalt  }
0x7e: {  	_ =	shalt  }
0x7f: {  	_ =	shalt  }
0x80: {  	_ =	shalt  }
0x81: {  	_ =	shalt  }
0x82: {  	_ =	shalt  }
0x83: {  	_ =	shalt  }
0x84: {  	_ =	shalt  }
0x85: {  	_ =	shalt  }
0x86: {  	_ =	shalt  }
0x87: {  	_ =	shalt  }
.Lfunc_end0:
.L_simem_size_0:
called_computation_lowered:
.L_overlay_start_0:
0x88: {  	s2 =	sld [smem:$0x3FD9]  }
0x89: {  	s3 =	sld [smem:$0x3FFE];
	_ =	sdelay $0x1  }
0x8a: {  	s1 =	srdreg.scid  }
0x8b: {  	s0 =	sand.u32 $0x1, s1  }
0x8c: {  	s16 =	sshll.u32 s0, $0xA;
	s2 =	sadd.s32 s3, s2  }
0x8d: {  	s2 =	sadd.s32 s2, s16  }
0x8e: {  	[smem:$0x3FC3] =	sst s2  }
0x8f: {  	_ = 	snop  }
0x90: {  	(tm) =	ssettm $0x1  }
0x91: {  	s17 =	sld [smem:$0x3FFB];
	_ =	sdelay $0x3  }
0x92: {  	_ =	strace s17  }
0x93: {  	s2 =	sld [smem:$0x3FFC];
	_ =	sdelay $0x3  }
0x94: {  	_ =	strace s2  }
0x95: {  	s2 =	sld [smem:$0x3FFD];
	_ =	sdelay $0x3  }
0x96: {  	_ =	strace s2  }
0x97: {  	_ =	strace $0x8FFFFFFF  }
0x98: {  	s18 =	sld [smem:$0x3FDB];
	_ =	sdelay $0x1  }
0x99: {  	s19 =	simm.s32 $_scs_section_size  }
0x9a: {  	s4 =	simm.s32 $_size__tile_overlayer_lowered;
	s5 =	simm.s32 $_tile_overlayer_lowered  }
0x9b: {  	s22 =	simm.s32 $0x1BFF;
	s21 =	sshll.u32 s5, $0x1;
	s2 =	sadd.s32 s19, s18  }
0x9c: {  	s6 =	simm.s32 $0x0;
	s20 =	sshll.u32 s4, $0x1;
	s4 =	sadd.s32 s21, s2  }
0x9d: {  	[timem:s6], [sflag:s22] =	dma.local [hbm:s4], s20  }
0x9e: {  	_ =	swait.ge [sflag:s22], s20  }
0x9f: {  	s3 =	ssub.s32 $0x0, s20;
	[sflag:s22] =	ssyncset.done $0x0  }
0xa0: {  	[sflag:s22] =	ssyncadd.s32 s3;
	_ =	sdelay $0x1  }
0xa1: {  	s23 =	simm.s32 $0x1B8B  }
0xa2: {  	_ =	swait.ge [sflag:s23], $0x1  }
0xa3: {  	[sflag:s23] =	ssyncset.done $0x0  }
0xa4: {  	s25 =	simm.s32 $0x1B8E;
	s24 =	sld [smem:$0x3FFE];
	[sflag:s23] =	ssyncadd.s32 $0xFFFFFFFF  }
0xa5: {  	s26 =	simm.s32 $execute0_lowered;
	[smem:$0x3FD2] =	sst s25  }
0xa6: {  	s4 =	sshll.u32 s26, $0x1;
	_ =	strace $0x80000046;
	[dreg:$0x1] =	wrdreg $0xFFFFFFFF  }
0xa7: {  	s28 =	simm.s32 $_size_execute0_lowered;
	s2 =	sadd.s32 s2, s4;
	[dreg:$0x0] =	wrdreg $0x0  }
0xa8: {  	s4 =	sshll.u32 s28, $0x1;
	[dreg:$0x2] =	wrdreg s2  }
0xa9: {  	[dreg:$0x3] =	wrdreg s4  }
0xaa: {  	[dreg:$0x4] =	wrdreg $0xC0  }
0xab: {  	_ =	task [dreg:s6], $0x5FFFF  }
0xac: {  	[dreg:$0x1] =	wrdreg $0xFFFFFFFF  }
0xad: {  	[dreg:$0x0] =	wrdreg $0x60  }
0xae: {  	[dreg:$0x2] =	wrdreg s24  }
0xaf: {  	[dreg:$0x3] =	wrdreg $0x9  }
0xb0: {  	_ =	task.clear_ibuf [dreg:s6], $0x4FFFF;
	_ =	strace $0x90000046  }
0xb1: {  	s29 =	simm.s32 $0x9;
	_ =	strace $0x80000048  }
0xb2: {  	_ =	swait.ge [sflag:s29], $0x1  }
0xb3: {  	[sflag:s29] =	ssyncadd.s32 $0xFFFFFFFF  }
0xb4: {  	_ =	strace $0x90000048  }
0xb5: {  	_ =	sfence  }
0xb6: {  	s30 =	sld [smem:$0x0];
	_ =	sdelay $0x2  }
0xb7: {  	s31 =	sshll.u32 s1, $0xD;
	s1 =	sshrl.u32 s1, $0x2  }
0xb8: {  	s3 =	sand.u32 $0x4000, s31;
	s1 =	sadd.s32 s1, s30  }
0xb9: {  	s0 =	sor.u32 s3, s0;
	s1 =	sshll.u32 s1, $0x11  }
0xba: {  	s0 =	sor.u32 s1, s0  }
0xbb: {  	s0 =	sadd.s32 $0x8F2B, s0  }
0xbc: {  	[sflag:s0] =	ssyncadd.remote.s32 $0x1  }
0xbd: {  	_ =	sfence.sel $0xFFFF  }
0xbe: {  	[dreg:$0x0] =	wrdreg $0xFFFFFFFF;
	(pc) =	sbr.abs _section_cstart, $3  }
0xbf: {  	[dreg:$0x1] =	wrdreg $0xFFFFFFFF  }
0xc0: {  	_ =	task.clear_ibuf [dreg:s6], $0x2FFFF;
	_ =	strace $0x9FFFFFFF  }
0xc1: {  	(tm) =	ssettm $0x7FFFFFFF  }
tec
execute0_lowered:
.L_overlay_start_1:
0x0: {  	(tag) =	ssettag $0x1  }
0x1: {  	s0 =	srdreg.scid  }
0x2: {  	s4 =	rddreg [dreg:$0x0];
	s2 =	simm.s32 $0x0;
	s3 =	sand.u32 $0x1, s0  }
0x3: {  	s8 =	simm.s32 $0x1;
	s0 =	stileid.u32;
	s1 =	sshll.u32 s3, $0x4  }
0x4: {  	s9 =	simm.s32 $0x80;
	s10 =	simm.s32 $0x400;
	s5 =	sor.u32 s0, s1  }
0x5: {  	s11 =	simm.s32 $0x0;
	[smem:$0x7FF] =	sst s2;
	s6 =	sshrl.u32 s5, $0x3  }
0x6: {  	s7 =	sshll.u32 s0, $0x7;
	s30 =	ssub.s32 $0x2, s3;
	s6 =	smul.u32 $0x14000, s6  }
0x7: {  	s3 =	sadd.s32 $0xC000, s4;
	s7 =	sand.u32 $0x380, s7;
	s5 =	smul.u32 $0x500, s5  }
0x8: {  	s1 =	rddreg [dreg:$0x1];
	_ =	strace $0x80000047;
	s6 =	sor.u32 s7, s6  }
0x9: {  	s31 =	sshrl.u32 s30, $0x1;
	s5 =	sadd.s32 s5, s4;
	s6 =	sshrl.u32 s6, $0x3  }
0xa: {  	s7 =	ssub.s32 s30, s31;
	s6 =	sadd.s32 s6, s4;
	s4 =	sadd.s32 $0x2000, s5  }
0xb: {  	v0 =	vimm.f32 $1.000000000e+00;
	s5 =	sadd.s32 $0xC600, s6;
	s6 =	smax.u32 s7, $0x1;
	s7 =	simm.s32 $0x2800  }
.LBB2_1:
0xc: {  	[tilespmem:s7], [sflag:$0x1] =	stream.linear.gather [hbm4b:s3+s2], $0x2800, $0x38;
	[tilespmem:$0x5000] =	vst v63  }
0xd: {  	_ =	swait.ge [sflag:s8], $0x2800  }
0xe: {  	[sflag:s8] =	ssyncset.done $0x0  }
0xf: {  	[sflag:s8] =	ssyncadd.s32 $0xFFFFD800  }
0x10: {  	[tilespmem:s2], [sflag:$0x1] =	stream.linear.gather [hbm4b:s4+s2], $0x2800, $0x38;
	[tilespmem:$0x5000] =	vst v63  }
0x11: {  	_ =	swait.ge [sflag:s8], $0x2800  }
0x12: {  	[sflag:s8] =	ssyncset.done $0x0  }
0x13: {  	s12 =	simm.s32 $0x1C0;
	[sflag:s8] =	ssyncadd.s32 $0xFFFFD800  }
.LBB2_2:
0x14: {  	s13 =	sshra.s32 s12, $0x2  }
0x15: {  	v1 =	vld [tilespmem:s13+$0xFFFFFF90];
	_ =	sdelay $0x7  }
0x16: {  	[tilespmem:v1+s7+$0x0] =	vst.idx.add.f32.msk $0xffff, v0  }
0x17: {  	v1 =	vld [tilespmem:s13+$0xFFFFFFA0];
	_ =	sdelay $0x7  }
0x18: {  	[tilespmem:v1+s7+$0x0] =	vst.idx.add.f32.msk $0xffff, v0  }
0x19: {  	v1 =	vld [tilespmem:s13+$0xFFFFFFB0];
	_ =	sdelay $0x7  }
0x1a: {  	[tilespmem:v1+s7+$0x0] =	vst.idx.add.f32.msk $0xffff, v0  }
0x1b: {  	v1 =	vld [tilespmem:s13+$0xFFFFFFC0];
	_ =	sdelay $0x7  }
0x1c: {  	[tilespmem:v1+s7+$0x0] =	vst.idx.add.f32.msk $0xffff, v0  }
0x1d: {  	v1 =	vld [tilespmem:s13+$0xFFFFFFD0];
	_ =	sdelay $0x7  }
0x1e: {  	[tilespmem:v1+s7+$0x0] =	vst.idx.add.f32.msk $0xffff, v0  }
0x1f: {  	v1 =	vld [tilespmem:s13+$0xFFFFFFE0];
	_ =	sdelay $0x7  }
0x20: {  	[tilespmem:v1+s7+$0x0] =	vst.idx.add.f32.msk $0xffff, v0  }
0x21: {  	v1 =	vld [tilespmem:s13+$0xFFFFFFF0];
	_ =	sdelay $0x7  }
0x22: {  	[tilespmem:v1+s7+$0x0] =	vst.idx.add.f32.msk $0xffff, v0  }
0x23: {  	v1 =	vld [tilespmem:s13+$0x0];
	_ =	sdelay $0x2  }
0x24: {  	p0 =	sne.s32 s12, $0x9FC0  }
.Ltmp0:
0x25: {  	_ = 	snop;
	(pc) =	sbr.rel @p0 .LBB2_2-.Ltmp0, $2  }
0x26: {  	_ =	sdelay $0x2  }
0x27: {  	s12 =	sadd.s32 $0x200, s12;
	[tilespmem:v1+s7+$0x0] =	vst.idx.add.f32.msk $0xffff, v0  }
0x28: {  	s11 =	sadd.s32 $0x1, s11  }
0x29: {  	p0 =	sne.s32 s11, s6  }
.Ltmp1:
0x2a: {  	_ = 	snop;
	(pc) =	sbr.rel @p0 .LBB2_1-.Ltmp1, $4  }
0x2b: {  	[hbm4b:s5+s9] =	stream.strided.scatter [tilespmem:s7], [sflag:$0x1], $0x2800, s10, s9, $0x38;
	[tilespmem:$0x5000] =	vst v63  }
0x2c: {  	_ =	swait.ge [sflag:s8], $0x2800  }
0x2d: {  	[sflag:s8] =	ssyncset.done $0x0  }
0x2e: {  	[sflag:s8] =	ssyncadd.s32 $0xFFFFD800  }
0x2f: {  	_ =	sfence.sel $0x180000  }
0x30: {  	[bflag:$0x0] =	sbarrier.arrive $0xFFFF  }
0x31: {  	p0 =	sne.s32 s0, $0x0;
	_ =	strace $0x90000047  }
0x32: {  	s0 =	sadd.s32 @!p0 $0x100000, s1;
	[bflag:$0x2] =	sbarrier.arrive $0xFFFF  }
0x33: {  	[sflag:s0] =	ssyncadd.tile.s32 @!p0 $0x1;
	_ =	shalt  }
.Lfunc_end2:
_tile_overlayer_lowered:
.L_overlay_start_2:
0x34: {  	(tag) =	ssettag $0x2  }
0x35: {  	s0 =	rddreg [dreg:$0x0];
	s2 =	stileid.u32  }
0x36: {  	s1 =	rddreg [dreg:$0x1];
	p0 =	sne.s32 s2, $0x0  }
0x37: {  	s3 =	rddreg [dreg:$0x2];
	[bflag:$0x3] =	sbarrier.arrive $0xFFFF;
	s2 =	simm.s32 @!p0 $0x1C01  }
0x38: {  	[timem:s3], [sflag:s2] =	dma.local @!p0 [hbm:s0], s1  }
0x39: {  	s0 =	simm.s32 @!p0 $0x1  }
0x3a: {  	_ =	swait.ge @!p0 [sflag:s0], s1  }
0x3b: {  	s1 =	ssub.s32 @!p0 $0x0, s1;
	[sflag:s0] =	ssyncset.done @!p0 $0x0  }
0x3c: {  	[sflag:s0] =	ssyncadd.s32 @!p0 s1  }
0x3d: {  	[bflag:$0x3] =	sbarrier.arrive $0xFFFF  }
0x3e: {  	_ =	shalt  }

</sc_bundles>
